<compile_context>
chip_gen: v7x
topology: tpu7x:2x2x1
jax: 0.10.2.dev20260603
libtpu: 0.0.44.dev20260713+nightly
codegen_flags: <defaults>
</compile_context>

<pallas_src>
import functools

import jax
import jax.numpy as jnp
from jax import lax
from jax.experimental import pallas as pl
from jax.experimental.pallas import tpu as pltpu
from jax.experimental.pallas import tpu_sc as plsc

_N = 10000
_E = 320000
_D = 128
_H = 20
_DEC = 64

_NC = 2
_NS = 16
_NW = _NC * _NS
_EPW = _E // _NW

_CH = 10000
_CL = 2000
_EO = _E // 8
_EP = 327680

_mesh = lambda: plsc.VectorSubcoreMesh(core_axis_name="c", subcore_axis_name="s")
_sc_params = pltpu.CompilerParams(needs_layout_passes=False)


def _zero_vmem(ref, n):
    def zloop(i, carry):
        ref[pl.ds(i * 16, 16)] = jnp.zeros((16,), jnp.float32)
        return carry
    lax.fori_loop(0, n // 16, zloop, 0)


def _sc_deg(dst):
    @functools.partial(
        pl.kernel,
        out_type=jax.ShapeDtypeStruct((_NW, _N), jnp.float32),
        mesh=_mesh(),
        compiler_params=_sc_params,
        scratch_types=[pltpu.VMEM((_EPW,), jnp.int32),
                       pltpu.VMEM((_N,), jnp.float32)],
    )
    def body(dst_hbm, out_hbm, idxb, acc):
        c = lax.axis_index("c")
        s = lax.axis_index("s")
        wid = c * _NS + s
        _zero_vmem(acc, _N)
        pltpu.sync_copy(dst_hbm.at[pl.ds(wid * _EPW, _EPW)], idxb)
        ones = jnp.ones((16,), jnp.float32)

        @plsc.parallel_loop(0, _EPW // 16, unroll=4)
        def iloop(i):
            idx = idxb[pl.ds(i * 16, 16)]
            plsc.addupdate_scatter(acc, [idx], ones)
        pltpu.sync_copy(acc, out_hbm.at[wid])

    return body(dst)


def _sc_agg(src, dst, sxwT):
    _EOA = _E // 8

    @functools.partial(
        pl.kernel,
        out_type=jax.ShapeDtypeStruct((160, _N), jnp.float32),
        mesh=_mesh(),
        compiler_params=_sc_params,
        scratch_types=[pltpu.VMEM((_N,), jnp.float32),
                       pltpu.VMEM((_N,), jnp.float32),
                       pltpu.VMEM((_CH,), jnp.int32),
                       pltpu.VMEM((_CH,), jnp.int32)],
    )
    def body(src_hbm, dst_hbm, sxwT_hbm, out_hbm, colbuf, acc, sbuf, dbuf):
        c = lax.axis_index("c")
        s = lax.axis_index("s")
        wid = c * _NS + s
        for j in range(5):
            u = 5 * wid + j
            col = u // 8
            oct_ = u % 8
            pltpu.sync_copy(sxwT_hbm.at[col], colbuf)
            _zero_vmem(acc, _N)
            def chunk(k, carry):
                e0 = oct_ * _EOA + k * _CH
                pltpu.sync_copy(src_hbm.at[pl.ds(e0, _CH)], sbuf)
                pltpu.sync_copy(dst_hbm.at[pl.ds(e0, _CH)], dbuf)

                @plsc.parallel_loop(0, _CH // 16, unroll=8)
                def iloop(i):
                    si = sbuf[pl.ds(i * 16, 16)]
                    di = dbuf[pl.ds(i * 16, 16)]
                    v = plsc.load_gather(colbuf, [si])
                    plsc.addupdate_scatter(acc, [di], v)
                return carry
            lax.fori_loop(0, _EOA // _CH, chunk, 0)
            pltpu.sync_copy(acc, out_hbm.at[u])

    return body(src, dst, sxwT)


def _sc_edge(src, dst, TsT, TdT):
    @functools.partial(
        pl.kernel,
        out_type=(jax.ShapeDtypeStruct((_H * _EP,), jnp.float32),
                  jax.ShapeDtypeStruct((_H * _EP,), jnp.float32)),
        mesh=_mesh(),
        compiler_params=_sc_params,
        scratch_types=[pltpu.VMEM((5 * _N,), jnp.float32),
                       pltpu.VMEM((5 * _N,), jnp.float32),
                       pltpu.VMEM((_CL,), jnp.int32),
                       pltpu.VMEM((_CL,), jnp.int32),
                       pltpu.VMEM((5 * _CL,), jnp.float32)],
    )
    def body(src_hbm, dst_hbm, TsT_hbm, TdT_hbm, mu_hbm, lv_hbm, scol, dcol, sbuf,
             dbuf, outb):
        c = lax.axis_index("c")
        s = lax.axis_index("s")
        wid = c * _NS + s
        g = wid % 8
        ob = wid // 8
        for j in range(5):
            pltpu.sync_copy(TsT_hbm.at[pl.ds((5 * g + j) * _N, _N)],
                            scol.at[pl.ds(j * _N, _N)])
            pltpu.sync_copy(TdT_hbm.at[pl.ds((5 * g + j) * _N, _N)],
                            dcol.at[pl.ds(j * _N, _N)])
        for oct_i in range(2):
            o = ob + 4 * oct_i
            def chunk(k, carry):
                e0 = o * _EO + k * _CL
                pltpu.sync_copy(src_hbm.at[pl.ds(e0, _CL)], sbuf)
                pltpu.sync_copy(dst_hbm.at[pl.ds(e0, _CL)], dbuf)
                @plsc.parallel_loop(0, _CL // 16, unroll=4)
                def iloop(i):
                    si = sbuf[pl.ds(i * 16, 16)]
                    di = dbuf[pl.ds(i * 16, 16)]
                    for j in range(5):
                        v = (plsc.load_gather(scol, [si + j * _N]) +
                             plsc.load_gather(dcol, [di + j * _N]))
                        outb[pl.ds(j * _CL + i * 16, 16)] = v

                @pl.when(g < 4)
                def _():
                    for j in range(5):
                        pltpu.sync_copy(
                            outb.at[pl.ds(j * _CL, _CL)],
                            mu_hbm.at[pl.ds((5 * g + j) * _EP + e0, _CL)])

                @pl.when(g >= 4)
                def _():
                    for j in range(5):
                        pltpu.sync_copy(
                            outb.at[pl.ds(j * _CL, _CL)],
                            lv_hbm.at[pl.ds((5 * g + j - _H) * _EP + e0, _CL)])
                return carry
            lax.fori_loop(0, _EO // _CL, chunk, 0)

    return body(src, dst, TsT, TdT)


_BN = 2000
_BE = 16384


def _tc_prep(x, W_gcn, degpT):
    def body(degpT_b, x_b, W_b, sxw_b, dis_b):
        deg = 1.0 + jnp.sum(degpT_b[...], axis=1, keepdims=True)
        dis = lax.rsqrt(deg)
        xw = jnp.dot(x_b[...], W_b[...], preferred_element_type=jnp.float32)
        sxw_b[...] = xw * dis
        dis_b[...] = dis

    return pl.pallas_call(
        body,
        grid=(_N // _BN,),
        in_specs=[
            pl.BlockSpec((_BN, _NW), lambda i: (i, 0)),
            pl.BlockSpec((_BN, _D), lambda i: (i, 0)),
            pl.BlockSpec((_D, _H), lambda i: (0, 0)),
        ],
        out_specs=[
            pl.BlockSpec((_BN, _H), lambda i: (i, 0)),
            pl.BlockSpec((_BN, 1), lambda i: (i, 0)),
        ],
        out_shape=[
            jax.ShapeDtypeStruct((_N, _H), jnp.float32),
            jax.ShapeDtypeStruct((_N, 1), jnp.float32),
        ],
    )(degpT, x, W_gcn)


def _tc_tables(aggpT, R, sxw, dis, bg, Wms, Wvs, Wmd, Wvd):
    def body(aggpT_b, R_b, sxw_b, dis_b, bg_b, Wms_b, Wvs_b, Wmd_b, Wvd_b,
             Ts_b, Td_b, x1_b):
        dot = lambda a, b: jnp.dot(a, b, preferred_element_type=jnp.float32)
        agg = dot(aggpT_b[...], R_b[...])
        x1 = jnp.maximum(dis_b[...] * (agg + sxw_b[...]) + bg_b[...], 0.0)
        Ts_b[...] = jnp.concatenate([dot(x1, Wms_b[...]),
                                     dot(x1, Wvs_b[...])], axis=1)
        Td_b[...] = jnp.concatenate([dot(x1, Wmd_b[...]),
                                     dot(x1, Wvd_b[...])], axis=1)
        x1_b[...] = x1

    wspec = pl.BlockSpec((_H, _H), lambda i: (0, 0))
    return pl.pallas_call(
        body,
        grid=(_N // _BN,),
        in_specs=[
            pl.BlockSpec((_BN, 160), lambda i: (i, 0)),
            pl.BlockSpec((160, _H), lambda i: (0, 0)),
            pl.BlockSpec((_BN, _H), lambda i: (i, 0)),
            pl.BlockSpec((_BN, 1), lambda i: (i, 0)),
            pl.BlockSpec((1, _H), lambda i: (0, 0)),
            wspec, wspec, wspec, wspec,
        ],
        out_specs=[
            pl.BlockSpec((_BN, 2 * _H), lambda i: (i, 0)),
            pl.BlockSpec((_BN, 2 * _H), lambda i: (i, 0)),
            pl.BlockSpec((_BN, _H), lambda i: (i, 0)),
        ],
        out_shape=[
            jax.ShapeDtypeStruct((_N, 2 * _H), jnp.float32),
            jax.ShapeDtypeStruct((_N, 2 * _H), jnp.float32),
            jax.ShapeDtypeStruct((_N, _H), jnp.float32),
        ],
    )(aggpT, R, sxw, dis, bg, Wms, Wvs, Wmd, Wvd)


def _tc_edge(muf, lvf, noisef, gate, x1rowT, WmnT, WvnT, bmuT, bvarT,
             W1T, b1T, W2T, b2T):
    nb = _EP // _BE
    rb = _BE // 128

    def body(*refs):
        mus = refs[0:_H]
        lvs = refs[_H:2 * _H]
        noises = refs[2 * _H:3 * _H]
        (gate_b, x1rowT_b, WmnT_b, WvnT_b, bmuT_b, bvarT_b,
         W1T_b, b1T_b, W2T_b, b2T_b, out_b) = refs[3 * _H:]
        dot = lambda a, b: jnp.dot(a, b, preferred_element_type=jnp.float32)
        cmu = dot(WmnT_b[...], x1rowT_b[...]) + bmuT_b[...]
        cvar = dot(WvnT_b[...], x1rowT_b[...]) + bvarT_b[...]
        zs = []
        for r in range(_H):
            mu_r = mus[r][...] + cmu[r:r + 1, :]
            lv_r = lvs[r][...] + cvar[r:r + 1, :]
            z_r = mu_r + jnp.exp(lv_r) * noises[r][...]
            zs.append(z_r.reshape(1, _BE))
        z = jnp.concatenate(zs, axis=0)
        h = jnp.maximum(dot(W1T_b[...], z) + b1T_b[...], 0.0)
        o = jnp.maximum(dot(W2T_b[...], h) + b2T_b[...], 0.0)
        out_b[...] = jax.nn.sigmoid(gate_b[...] + o)

    row_specs = lambda: [
        pl.BlockSpec((rb, 128), (lambda i, r=r: (r * nb + i, 0)))
        for r in range(_H)]
    return pl.pallas_call(
        body,
        grid=(nb,),
        in_specs=row_specs() + row_specs() + row_specs() + [
            pl.BlockSpec((1, _BE), lambda i: (0, i)),
            pl.BlockSpec((_H, 1), lambda i: (0, 0)),
            pl.BlockSpec((_H, _H), lambda i: (0, 0)),
            pl.BlockSpec((_H, _H), lambda i: (0, 0)),
            pl.BlockSpec((_H, 1), lambda i: (0, 0)),
            pl.BlockSpec((_H, 1), lambda i: (0, 0)),
            pl.BlockSpec((_DEC, _H), lambda i: (0, 0)),
            pl.BlockSpec((_DEC, 1), lambda i: (0, 0)),
            pl.BlockSpec((1, _DEC), lambda i: (0, 0)),
            pl.BlockSpec((1, 1), lambda i: (0, 0)),
        ],
        out_specs=pl.BlockSpec((1, _BE), lambda i: (0, i)),
        out_shape=jax.ShapeDtypeStruct((1, _EP), jnp.float32),
    )(*([muf] * _H), *([lvf] * _H), *([noisef] * _H), gate, x1rowT, WmnT,
      WvnT, bmuT, bvarT, W1T, b1T, W2T, b2T)


def kernel(x, edge_index, node_id, W_gcn, b_gcn, W_mu, b_mu, W_var, b_var,
           W1, b1, W2, b2):
    src = edge_index[0]
    dst = edge_index[1]

    degp = _sc_deg(dst)
    sxw, dis = _tc_prep(x, W_gcn, degp.T)
    aggp = _sc_agg(src, dst, sxw.T)
    R = (jnp.arange(160)[:, None] // 8 ==
         jnp.arange(_H)[None, :]).astype(jnp.float32)
    Ts, Td, x1 = _tc_tables(
        aggp.T, R, sxw, dis, b_gcn.reshape(1, _H),
        W_mu[:_H], W_var[:_H], W_mu[_H:2 * _H], W_var[_H:2 * _H])
    x1row = lax.dynamic_slice(x1, (node_id, 0), (1, _H))
    muf, lvf = _sc_edge(src, dst, Ts.T.reshape(-1), Td.T.reshape(-1))
    mu2 = muf.reshape(_H * _EP // 128, 128)
    lv2 = lvf.reshape(_H * _EP // 128, 128)

    noiseT = jax.random.normal(
        jax.random.key(42), (_E * _H,), jnp.float32).reshape(_E, _H).T
    noise2 = jnp.pad(noiseT, ((0, 0), (0, _EP - _E))).reshape(
        _H * _EP // 128, 128)
    u = jax.random.uniform(jax.random.key(7), (1, _E), jnp.float32)
    bias = 0.0 + 0.0001
    eps = (bias - (1.0 - bias)) * u + (1.0 - bias)
    gate = jnp.pad(jnp.log(eps) - jnp.log(1.0 - eps),
                   ((0, 0), (0, _EP - _E)))

    graphT = _tc_edge(mu2, lv2, noise2, gate, x1row.reshape(_H, 1),
                      W_mu[2 * _H:].T, W_var[2 * _H:].T,
                      b_mu.reshape(_H, 1), b_var.reshape(_H, 1),
                      W1.T, b1.reshape(_DEC, 1), W2.T, b2.reshape(1, 1))
    return graphT[:, :_E].reshape(_E, 1)

# --- scband reference (transcript-rebuilt; emitter-appended) ---
"""Pipeline reference for scband-gaalvexpl-module-11089605558297 (READ-ONLY COPY).

The authoritative reference and input builder live on the scoring server;
editing this copy changes nothing except your own understanding.
"""

import jax, jax.numpy as jnp
import numpy as np

N = 10000
E = 320000
D = 128
H = 20
DEC = 64


def setup_inputs(seed: int = 0) -> dict:
    key = jax.random.key(seed)
    ks = jax.random.split(key, 16)
    x = jax.random.normal(ks[0], (N, D), dtype=jnp.float32)
    edge_index = jax.random.randint(ks[1], (2, E), 0, N, dtype=jnp.int32)
    node_id = 123
    # learned parameters
    W_gcn = jax.random.normal(ks[2], (D, H), dtype=jnp.float32) * (1.0 / np.sqrt(D))
    b_gcn = jnp.zeros((H,), dtype=jnp.float32)
    W_mu = jax.random.normal(ks[3], (3 * H, H), dtype=jnp.float32) * (1.0 / np.sqrt(3 * H))
    b_mu = jnp.zeros((H,), dtype=jnp.float32)
    W_var = jax.random.normal(ks[4], (3 * H, H), dtype=jnp.float32) * (1.0 / np.sqrt(3 * H))
    b_var = jnp.zeros((H,), dtype=jnp.float32)
    W1 = jax.random.normal(ks[5], (H, DEC), dtype=jnp.float32) * (1.0 / np.sqrt(H))
    b1 = jnp.zeros((DEC,), dtype=jnp.float32)
    W2 = jax.random.normal(ks[6], (DEC, 1), dtype=jnp.float32) * (1.0 / np.sqrt(DEC))
    b2 = jnp.zeros((1,), dtype=jnp.float32)
    return {"x": x, "edge_index": edge_index, "node_id": node_id,
            "W_gcn": W_gcn, "b_gcn": b_gcn, "W_mu": W_mu, "b_mu": b_mu,
            "W_var": W_var, "b_var": b_var, "W1": W1, "b1": b1, "W2": W2, "b2": b2}


def _gcn_conv(x, edge_index, W, b):
    n = x.shape[0]
    src, dst = edge_index[0], edge_index[1]
    loop = jnp.arange(n, dtype=src.dtype)
    src2 = jnp.concatenate([src, loop])
    dst2 = jnp.concatenate([dst, loop])
    xw = x @ W
    deg = jnp.zeros((n,), dtype=x.dtype).at[dst2].add(1.0)
    dis = jnp.where(deg > 0, deg ** -0.5, 0.0)
    norm = dis[src2] * dis[dst2]
    msgs = xw[src2] * norm[:, None]
    out = jnp.zeros((n, W.shape[1]), dtype=x.dtype).at[dst2].add(msgs)
    return out + b


def reference(x, edge_index, node_id, W_gcn, b_gcn, W_mu, b_mu, W_var, b_var, W1, b1, W2, b2):
    # encoder GCN layer + ReLU
    x1 = jax.nn.relu(_gcn_conv(x, edge_index, W_gcn, b_gcn))
    # edge representation: concat src embed, dst embed, node_id embed
    rows = edge_index[0]
    cols = edge_index[1]
    node_embed = jnp.broadcast_to(x1[node_id], (rows.shape[0], x1.shape[1]))
    x2 = jnp.concatenate([x1[rows], x1[cols], node_embed], axis=1)
    # VAE head
    mu = x2 @ W_mu + b_mu
    sigma = jnp.exp(x2 @ W_var + b_var)
    noise = jax.random.normal(jax.random.key(42), mu.shape, dtype=mu.dtype)
    z = mu + sigma * noise
    # decoder MLP
    h = jax.nn.relu(z @ W1 + b1)
    out_dec = jax.nn.relu(h @ W2 + b2)
    # reparameterized graph sampling (training=True, bias=0.0)
    bias = 0.0 + 0.0001
    u = jax.random.uniform(jax.random.key(7), out_dec.shape, dtype=out_dec.dtype)
    eps = (bias - (1.0 - bias)) * u + (1.0 - bias)
    gate = jnp.log(eps) - jnp.log(1.0 - eps)
    temperature = 1.0
    graph = jax.nn.sigmoid((gate + out_dec) / temperature)
    return graph

if __name__ == "__main__":
    import jax
    _d = setup_inputs()
    print(jax.jit(kernel)(*tuple(_d.values())))

</pallas_src>

<mosaic_0001>
#map = affine_map<(d0, d1) -> (0)>
#map1 = affine_map<(d0, d1) -> (0, 0)>
module attributes {stable_mosaic.version = 14 : i64} {
  func.func @body(%arg0: i32, %arg1: i32, %arg2: memref<320000xi32, #tpu.memory_space<hbm>>, %arg3: memref<320000xi32, #tpu.memory_space<hbm>>, %arg4: memref<20x10000xf32, #tpu.memory_space<hbm>>, %arg5: memref<160x10000xf32, #tpu.memory_space<hbm>>, %arg6: memref<10000xf32, #tpu.memory_space<vmem>>, %arg7: memref<10000xf32, #tpu.memory_space<vmem>>, %arg8: memref<10000xi32, #tpu.memory_space<vmem>>, %arg9: memref<10000xi32, #tpu.memory_space<vmem>>) attributes {dimension_semantics = [#tpu.dimension_semantics<core_parallel>, #tpu.dimension_semantics<subcore_parallel>], iteration_bounds = array<i64: 2, 16>, scalar_prefetch = 0 : i64, scratch_operands = 4 : i64, tpu.core_type = #tpu.core_type<sc_vector_subcore>, window_params = [{transform_indices = #map}, {transform_indices = #map}, {transform_indices = #map1}, {transform_indices = #map1}]} {
    %mul3A = arith.constant 16 : i32
    %mul3A_0 = arith.muli %arg0, %mul3A : i32
    %add3A = arith.addi %mul3A_0, %arg1 : i32
    %mul3A_1 = arith.constant 5 : i32
    %mul3A_2 = arith.muli %mul3A_1, %add3A : i32
    %add3A_3 = arith.constant 0 : i32
    %add3A_4 = arith.addi %mul3A_2, %add3A_3 : i32
    %jit3A = arith.constant 8 : i32
    %div3A = arith.divsi %add3A_4, %jit3A : i32
    %sign3A = arith.constant 0 : i32
    %sign3A_5 = arith.cmpi sgt, %add3A_4, %sign3A : i32
    %sign3A_6 = arith.extui %sign3A_5 : i1 to i32
    %sign3A_7 = arith.constant 0 : i32
    %sign3A_8 = arith.cmpi slt, %add3A_4, %sign3A_7 : i32
    %sign3A_9 = arith.extui %sign3A_8 : i1 to i32
    %sign3A_10 = arith.subi %sign3A_6, %sign3A_9 : i32
    %sign3A_11 = arith.constant 0 : i32
    %sign3A_12 = arith.cmpi sgt, %jit3A, %sign3A_11 : i32
    %sign3A_13 = arith.extui %sign3A_12 : i1 to i32
    %sign3A_14 = arith.constant 0 : i32
    %sign3A_15 = arith.cmpi slt, %jit3A, %sign3A_14 : i32
    %sign3A_16 = arith.extui %sign3A_15 : i1 to i32
    %sign3A_17 = arith.subi %sign3A_13, %sign3A_16 : i32
    %ne3A = arith.cmpi ne, %sign3A_10, %sign3A_17 : i32
    %rem3A = arith.remsi %add3A_4, %jit3A : i32
    %ne3A_18 = arith.constant 0 : i32
    %ne3A_19 = arith.cmpi ne, %rem3A, %ne3A_18 : i32
    %and3A = arith.andi %ne3A, %ne3A_19 : i1
    %sub3A = arith.constant 1 : i32
    %sub3A_20 = arith.subi %div3A, %sub3A : i32
    %select_n3A = arith.select %and3A, %sub3A_20, %div3A : i32
    %jit3A_21 = arith.constant 8 : i32
    %eq3A = arith.constant 0 : i32
    %eq3A_22 = arith.cmpi eq, %jit3A_21, %eq3A : i32
    %jit3A_23 = arith.constant 1 : i32
    %select_n3A_24 = arith.select %eq3A_22, %jit3A_23, %jit3A_21 : i32
    %rem3A_25 = arith.remsi %add3A_4, %select_n3A_24 : i32
    %ne3A_26 = arith.constant 0 : i32
    %ne3A_27 = arith.cmpi ne, %rem3A_25, %ne3A_26 : i32
    %lt3A = arith.constant 0 : i32
    %lt3A_28 = arith.cmpi slt, %rem3A_25, %lt3A : i32
    %lt3A_29 = arith.constant 0 : i32
    %lt3A_30 = arith.cmpi slt, %select_n3A_24, %lt3A_29 : i32
    %ne3A_31 = arith.xori %lt3A_28, %lt3A_30 : i1
    %and3A_32 = arith.andi %ne3A_31, %ne3A_27 : i1
    %add3A_33 = arith.addi %rem3A_25, %select_n3A_24 : i32
    %select_n3A_34 = arith.select %and3A_32, %add3A_33, %rem3A_25 : i32
    "tpu.region"() ({
      %run_scoped3A = tpu.sem_alloc : memref<!tpu.dma_semaphore, #tpu.memory_space<semaphore_mem>>
      %dma_start3A = arith.constant 0 : i32
      %dma_start3A_270 = tpu.memref_slice %arg4[%select_n3A, %dma_start3A] : memref<20x10000xf32, #tpu.memory_space<hbm>> -> memref<1x10000xf32, #tpu.memory_space<hbm>>
      %dma_start3A_271 = tpu.memref_squeeze %dma_start3A_270 : memref<1x10000xf32, #tpu.memory_space<hbm>> -> memref<10000xf32, #tpu.memory_space<hbm>>
      %dma_start3A_272 = arith.constant 0 : i32
      %dma_start3A_273 = tpu.memref_slice %arg4[%select_n3A, %dma_start3A_272] : memref<20x10000xf32, #tpu.memory_space<hbm>> -> memref<1x10000xf32, #tpu.memory_space<hbm>>
      %dma_start3A_274 = tpu.memref_squeeze %dma_start3A_273 : memref<1x10000xf32, #tpu.memory_space<hbm>> -> memref<10000xf32, #tpu.memory_space<hbm>>
      tpu.enqueue_dma source(%dma_start3A_274 : memref<10000xf32, #tpu.memory_space<hbm>>) target(%arg6 : memref<10000xf32, #tpu.memory_space<vmem>>) target_semaphore(%run_scoped3A : memref<!tpu.dma_semaphore, #tpu.memory_space<semaphore_mem>>)
      %dma_wait3A = arith.constant 0 : i32
      %dma_wait3A_275 = tpu.memref_slice %arg4[%select_n3A, %dma_wait3A] : memref<20x10000xf32, #tpu.memory_space<hbm>> -> memref<1x10000xf32, #tpu.memory_space<hbm>>
      %dma_wait3A_276 = tpu.memref_squeeze %dma_wait3A_275 : memref<1x10000xf32, #tpu.memory_space<hbm>> -> memref<10000xf32, #tpu.memory_space<hbm>>
      %dma_wait3A_277 = arith.constant 0 : i32
      %dma_wait3A_278 = tpu.memref_slice %arg4[%select_n3A, %dma_wait3A_277] : memref<20x10000xf32, #tpu.memory_space<hbm>> -> memref<1x10000xf32, #tpu.memory_space<hbm>>
      %dma_wait3A_279 = tpu.memref_squeeze %dma_wait3A_278 : memref<1x10000xf32, #tpu.memory_space<hbm>> -> memref<10000xf32, #tpu.memory_space<hbm>>
      tpu.wait_dma2 semaphore(%run_scoped3A : memref<!tpu.dma_semaphore, #tpu.memory_space<semaphore_mem>>) src(%dma_wait3A_279 : memref<10000xf32, #tpu.memory_space<hbm>>) dst(%arg6 : memref<10000xf32, #tpu.memory_space<vmem>>)
      tpu.yield
    }) : () -> ()
    %scan3A = arith.constant 0 : i32
    %scan3A_35 = arith.constant 0 : i32
    %scan3A_36 = arith.constant 625 : i32
    %scan3A_37 = arith.addi %scan3A_35, %scan3A_36 : i32
    %scan3A_38 = arith.constant 1 : i32
    scf.for %scan3A_270 = %scan3A_35 to %scan3A_37 step %scan3A_38  : i32 {
      %broadcast_in_dim3A = arith.constant 0.000000e+00 : f32
      %broadcast_in_dim3A_271 = vector.broadcast %broadcast_in_dim3A : f32 to vector<16xf32>
      %mul3A_272 = arith.constant 16 : i32
      %mul3A_273 = arith.muli %scan3A_270, %mul3A_272 : i32
      %swap3A = arith.index_cast %mul3A_273 : i32 to index
      %swap3A_274 = tpu.vector_load %arg7[%swap3A] {strides = array<i32>} : memref<10000xf32, #tpu.memory_space<vmem>>, vector<16xf32>,
      tpu.vector_store %arg7[%swap3A], %broadcast_in_dim3A_271 {strides = array<i32>} : memref<10000xf32, #tpu.memory_space<vmem>>, vector<16xf32>,
    }
    %scan3A_39 = arith.constant 625 : i32
    %scan3A_40 = arith.constant 0 : i32
    %scan3A_41 = arith.constant 0 : i32
    %scan3A_42 = arith.constant 4 : i32
    %scan3A_43 = arith.addi %scan3A_41, %scan3A_42 : i32
    %scan3A_44 = arith.constant 1 : i32
    scf.for %scan3A_270 = %scan3A_41 to %scan3A_43 step %scan3A_44  : i32 {
      %mul3A_271 = arith.constant 40000 : i32
      %mul3A_272 = arith.muli %select_n3A_34, %mul3A_271 : i32
      %mul3A_273 = arith.constant 10000 : i32
      %mul3A_274 = arith.muli %scan3A_270, %mul3A_273 : i32
      %add3A_275 = arith.addi %mul3A_272, %mul3A_274 : i32
      "tpu.region"() ({
        %run_scoped3A = tpu.sem_alloc : memref<!tpu.dma_semaphore, #tpu.memory_space<semaphore_mem>>
        %dma_start3A = tpu.memref_slice %arg2[%add3A_275] : memref<320000xi32, #tpu.memory_space<hbm>> -> memref<10000xi32, #tpu.memory_space<hbm>>
        %dma_start3A_278 = tpu.memref_slice %arg2[%add3A_275] : memref<320000xi32, #tpu.memory_space<hbm>> -> memref<10000xi32, #tpu.memory_space<hbm>>
        tpu.enqueue_dma source(%dma_start3A_278 : memref<10000xi32, #tpu.memory_space<hbm>>) target(%arg8 : memref<10000xi32, #tpu.memory_space<vmem>>) target_semaphore(%run_scoped3A : memref<!tpu.dma_semaphore, #tpu.memory_space<semaphore_mem>>)
        %dma_wait3A = tpu.memref_slice %arg2[%add3A_275] : memref<320000xi32, #tpu.memory_space<hbm>> -> memref<10000xi32, #tpu.memory_space<hbm>>
        %dma_wait3A_279 = tpu.memref_slice %arg2[%add3A_275] : memref<320000xi32, #tpu.memory_space<hbm>> -> memref<10000xi32, #tpu.memory_space<hbm>>
        tpu.wait_dma2 semaphore(%run_scoped3A : memref<!tpu.dma_semaphore, #tpu.memory_space<semaphore_mem>>) src(%dma_wait3A_279 : memref<10000xi32, #tpu.memory_space<hbm>>) dst(%arg8 : memref<10000xi32, #tpu.memory_space<vmem>>)
        tpu.yield
      }) : () -> ()
      "tpu.region"() ({
        %run_scoped3A = tpu.sem_alloc : memref<!tpu.dma_semaphore, #tpu.memory_space<semaphore_mem>>
        %dma_start3A = tpu.memref_slice %arg3[%add3A_275] : memref<320000xi32, #tpu.memory_space<hbm>> -> memref<10000xi32, #tpu.memory_space<hbm>>
        %dma_start3A_278 = tpu.memref_slice %arg3[%add3A_275] : memref<320000xi32, #tpu.memory_space<hbm>> -> memref<10000xi32, #tpu.memory_space<hbm>>
        tpu.enqueue_dma source(%dma_start3A_278 : memref<10000xi32, #tpu.memory_space<hbm>>) target(%arg9 : memref<10000xi32, #tpu.memory_space<vmem>>) target_semaphore(%run_scoped3A : memref<!tpu.dma_semaphore, #tpu.memory_space<semaphore_mem>>)
        %dma_wait3A = tpu.memref_slice %arg3[%add3A_275] : memref<320000xi32, #tpu.memory_space<hbm>> -> memref<10000xi32, #tpu.memory_space<hbm>>
        %dma_wait3A_279 = tpu.memref_slice %arg3[%add3A_275] : memref<320000xi32, #tpu.memory_space<hbm>> -> memref<10000xi32, #tpu.memory_space<hbm>>
        tpu.wait_dma2 semaphore(%run_scoped3A : memref<!tpu.dma_semaphore, #tpu.memory_space<semaphore_mem>>) src(%dma_wait3A_279 : memref<10000xi32, #tpu.memory_space<hbm>>) dst(%arg9 : memref<10000xi32, #tpu.memory_space<vmem>>)
        tpu.yield
      }) : () -> ()
      %parallel_loop3A = arith.constant 0 : i32
      %parallel_loop3A_276 = arith.constant 625 : i32
      %parallel_loop3A_277 = arith.constant 1 : i32
      scf.for %parallel_loop3A_278 = %parallel_loop3A to %parallel_loop3A_276 step %parallel_loop3A_277  : i32 {
        %parallel_loop3A_279 = arith.constant 16 : i32
        %parallel_loop3A_280 = arith.muli %parallel_loop3A_278, %parallel_loop3A_279 : i32
        %parallel_loop3A_281 = arith.index_cast %parallel_loop3A_280 : i32 to index
        %parallel_loop3A_282 = tpu.vector_load %arg8[%parallel_loop3A_281] {strides = array<i32>} : memref<10000xi32, #tpu.memory_space<vmem>>, vector<16xi32>,
        %parallel_loop3A_283 = arith.constant 16 : i32
        %parallel_loop3A_284 = arith.muli %parallel_loop3A_278, %parallel_loop3A_283 : i32
        %parallel_loop3A_285 = arith.index_cast %parallel_loop3A_284 : i32 to index
        %parallel_loop3A_286 = tpu.vector_load %arg9[%parallel_loop3A_285] {strides = array<i32>} : memref<10000xi32, #tpu.memory_space<vmem>>, vector<16xi32>,
        %parallel_loop3A_287 = tpu.vector_load_idx %arg6[%parallel_loop3A_282] : memref<10000xf32, #tpu.memory_space<vmem>>[vector<16xi32>], vector<16xf32>,
        tpu.vector_store_idx %arg7[%parallel_loop3A_286], %parallel_loop3A_287 {add = true} : memref<10000xf32, #tpu.memory_space<vmem>>[vector<16xi32>], vector<16xf32>,
      } {sc.loop_unroll_factor = 8 : i64, sc.parallel_access}
    }
    %scan3A_45 = arith.constant 4 : i32
    "tpu.region"() ({
      %run_scoped3A = tpu.sem_alloc : memref<!tpu.dma_semaphore, #tpu.memory_space<semaphore_mem>>
      %dma_start3A = arith.constant 0 : i32
      %dma_start3A_270 = tpu.memref_slice %arg5[%add3A_4, %dma_start3A] : memref<160x10000xf32, #tpu.memory_space<hbm>> -> memref<1x10000xf32, #tpu.memory_space<hbm>>
      %dma_start3A_271 = tpu.memref_squeeze %dma_start3A_270 : memref<1x10000xf32, #tpu.memory_space<hbm>> -> memref<10000xf32, #tpu.memory_space<hbm>>
      %dma_start3A_272 = arith.constant 0 : i32
      %dma_start3A_273 = tpu.memref_slice %arg5[%add3A_4, %dma_start3A_272] : memref<160x10000xf32, #tpu.memory_space<hbm>> -> memref<1x10000xf32, #tpu.memory_space<hbm>>
      %dma_start3A_274 = tpu.memref_squeeze %dma_start3A_273 : memref<1x10000xf32, #tpu.memory_space<hbm>> -> memref<10000xf32, #tpu.memory_space<hbm>>
      tpu.enqueue_dma source(%arg7 : memref<10000xf32, #tpu.memory_space<vmem>>) target(%dma_start3A_274 : memref<10000xf32, #tpu.memory_space<hbm>>) target_semaphore(%run_scoped3A : memref<!tpu.dma_semaphore, #tpu.memory_space<semaphore_mem>>)
      %dma_wait3A = arith.constant 0 : i32
      %dma_wait3A_275 = tpu.memref_slice %arg5[%add3A_4, %dma_wait3A] : memref<160x10000xf32, #tpu.memory_space<hbm>> -> memref<1x10000xf32, #tpu.memory_space<hbm>>
      %dma_wait3A_276 = tpu.memref_squeeze %dma_wait3A_275 : memref<1x10000xf32, #tpu.memory_space<hbm>> -> memref<10000xf32, #tpu.memory_space<hbm>>
      %dma_wait3A_277 = arith.constant 0 : i32
      %dma_wait3A_278 = tpu.memref_slice %arg5[%add3A_4, %dma_wait3A_277] : memref<160x10000xf32, #tpu.memory_space<hbm>> -> memref<1x10000xf32, #tpu.memory_space<hbm>>
      %dma_wait3A_279 = tpu.memref_squeeze %dma_wait3A_278 : memref<1x10000xf32, #tpu.memory_space<hbm>> -> memref<10000xf32, #tpu.memory_space<hbm>>
      tpu.wait_dma2 semaphore(%run_scoped3A : memref<!tpu.dma_semaphore, #tpu.memory_space<semaphore_mem>>) src(%arg7 : memref<10000xf32, #tpu.memory_space<vmem>>) dst(%dma_wait3A_279 : memref<10000xf32, #tpu.memory_space<hbm>>)
      tpu.yield
    }) : () -> ()
    %mul3A_46 = arith.constant 5 : i32
    %mul3A_47 = arith.muli %mul3A_46, %add3A : i32
    %add3A_48 = arith.constant 1 : i32
    %add3A_49 = arith.addi %mul3A_47, %add3A_48 : i32
    %jit3A_50 = arith.constant 8 : i32
    %div3A_51 = arith.divsi %add3A_49, %jit3A_50 : i32
    %sign3A_52 = arith.constant 0 : i32
    %sign3A_53 = arith.cmpi sgt, %add3A_49, %sign3A_52 : i32
    %sign3A_54 = arith.extui %sign3A_53 : i1 to i32
    %sign3A_55 = arith.constant 0 : i32
    %sign3A_56 = arith.cmpi slt, %add3A_49, %sign3A_55 : i32
    %sign3A_57 = arith.extui %sign3A_56 : i1 to i32
    %sign3A_58 = arith.subi %sign3A_54, %sign3A_57 : i32
    %sign3A_59 = arith.constant 0 : i32
    %sign3A_60 = arith.cmpi sgt, %jit3A_50, %sign3A_59 : i32
    %sign3A_61 = arith.extui %sign3A_60 : i1 to i32
    %sign3A_62 = arith.constant 0 : i32
    %sign3A_63 = arith.cmpi slt, %jit3A_50, %sign3A_62 : i32
    %sign3A_64 = arith.extui %sign3A_63 : i1 to i32
    %sign3A_65 = arith.subi %sign3A_61, %sign3A_64 : i32
    %ne3A_66 = arith.cmpi ne, %sign3A_58, %sign3A_65 : i32
    %rem3A_67 = arith.remsi %add3A_49, %jit3A_50 : i32
    %ne3A_68 = arith.constant 0 : i32
    %ne3A_69 = arith.cmpi ne, %rem3A_67, %ne3A_68 : i32
    %and3A_70 = arith.andi %ne3A_66, %ne3A_69 : i1
    %sub3A_71 = arith.constant 1 : i32
    %sub3A_72 = arith.subi %div3A_51, %sub3A_71 : i32
    %select_n3A_73 = arith.select %and3A_70, %sub3A_72, %div3A_51 : i32
    %jit3A_74 = arith.constant 8 : i32
    %eq3A_75 = arith.constant 0 : i32
    %eq3A_76 = arith.cmpi eq, %jit3A_74, %eq3A_75 : i32
    %jit3A_77 = arith.constant 1 : i32
    %select_n3A_78 = arith.select %eq3A_76, %jit3A_77, %jit3A_74 : i32
    %rem3A_79 = arith.remsi %add3A_49, %select_n3A_78 : i32
    %ne3A_80 = arith.constant 0 : i32
    %ne3A_81 = arith.cmpi ne, %rem3A_79, %ne3A_80 : i32
    %lt3A_82 = arith.constant 0 : i32
    %lt3A_83 = arith.cmpi slt, %rem3A_79, %lt3A_82 : i32
    %lt3A_84 = arith.constant 0 : i32
    %lt3A_85 = arith.cmpi slt, %select_n3A_78, %lt3A_84 : i32
    %ne3A_86 = arith.xori %lt3A_83, %lt3A_85 : i1
    %and3A_87 = arith.andi %ne3A_86, %ne3A_81 : i1
    %add3A_88 = arith.addi %rem3A_79, %select_n3A_78 : i32
    %select_n3A_89 = arith.select %and3A_87, %add3A_88, %rem3A_79 : i32
    "tpu.region"() ({
      %run_scoped3A = tpu.sem_alloc : memref<!tpu.dma_semaphore, #tpu.memory_space<semaphore_mem>>
      %dma_start3A = arith.constant 0 : i32
      %dma_start3A_270 = tpu.memref_slice %arg4[%select_n3A_73, %dma_start3A] : memref<20x10000xf32, #tpu.memory_space<hbm>> -> memref<1x10000xf32, #tpu.memory_space<hbm>>
      %dma_start3A_271 = tpu.memref_squeeze %dma_start3A_270 : memref<1x10000xf32, #tpu.memory_space<hbm>> -> memref<10000xf32, #tpu.memory_space<hbm>>
      %dma_start3A_272 = arith.constant 0 : i32
      %dma_start3A_273 = tpu.memref_slice %arg4[%select_n3A_73, %dma_start3A_272] : memref<20x10000xf32, #tpu.memory_space<hbm>> -> memref<1x10000xf32, #tpu.memory_space<hbm>>
      %dma_start3A_274 = tpu.memref_squeeze %dma_start3A_273 : memref<1x10000xf32, #tpu.memory_space<hbm>> -> memref<10000xf32, #tpu.memory_space<hbm>>
      tpu.enqueue_dma source(%dma_start3A_274 : memref<10000xf32, #tpu.memory_space<hbm>>) target(%arg6 : memref<10000xf32, #tpu.memory_space<vmem>>) target_semaphore(%run_scoped3A : memref<!tpu.dma_semaphore, #tpu.memory_space<semaphore_mem>>)
      %dma_wait3A = arith.constant 0 : i32
      %dma_wait3A_275 = tpu.memref_slice %arg4[%select_n3A_73, %dma_wait3A] : memref<20x10000xf32, #tpu.memory_space<hbm>> -> memref<1x10000xf32, #tpu.memory_space<hbm>>
      %dma_wait3A_276 = tpu.memref_squeeze %dma_wait3A_275 : memref<1x10000xf32, #tpu.memory_space<hbm>> -> memref<10000xf32, #tpu.memory_space<hbm>>
      %dma_wait3A_277 = arith.constant 0 : i32
      %dma_wait3A_278 = tpu.memref_slice %arg4[%select_n3A_73, %dma_wait3A_277] : memref<20x10000xf32, #tpu.memory_space<hbm>> -> memref<1x10000xf32, #tpu.memory_space<hbm>>
      %dma_wait3A_279 = tpu.memref_squeeze %dma_wait3A_278 : memref<1x10000xf32, #tpu.memory_space<hbm>> -> memref<10000xf32, #tpu.memory_space<hbm>>
      tpu.wait_dma2 semaphore(%run_scoped3A : memref<!tpu.dma_semaphore, #tpu.memory_space<semaphore_mem>>) src(%dma_wait3A_279 : memref<10000xf32, #tpu.memory_space<hbm>>) dst(%arg6 : memref<10000xf32, #tpu.memory_space<vmem>>)
      tpu.yield
    }) : () -> ()
    %scan3A_90 = arith.constant 0 : i32
    %scan3A_91 = arith.constant 0 : i32
    %scan3A_92 = arith.constant 625 : i32
    %scan3A_93 = arith.addi %scan3A_91, %scan3A_92 : i32
    %scan3A_94 = arith.constant 1 : i32
    scf.for %scan3A_270 = %scan3A_91 to %scan3A_93 step %scan3A_94  : i32 {
      %broadcast_in_dim3A = arith.constant 0.000000e+00 : f32
      %broadcast_in_dim3A_271 = vector.broadcast %broadcast_in_dim3A : f32 to vector<16xf32>
      %mul3A_272 = arith.constant 16 : i32
      %mul3A_273 = arith.muli %scan3A_270, %mul3A_272 : i32
      %swap3A = arith.index_cast %mul3A_273 : i32 to index
      %swap3A_274 = tpu.vector_load %arg7[%swap3A] {strides = array<i32>} : memref<10000xf32, #tpu.memory_space<vmem>>, vector<16xf32>,
      tpu.vector_store %arg7[%swap3A], %broadcast_in_dim3A_271 {strides = array<i32>} : memref<10000xf32, #tpu.memory_space<vmem>>, vector<16xf32>,
    }
    %scan3A_95 = arith.constant 625 : i32
    %scan3A_96 = arith.constant 0 : i32
    %scan3A_97 = arith.constant 0 : i32
    %scan3A_98 = arith.constant 4 : i32
    %scan3A_99 = arith.addi %scan3A_97, %scan3A_98 : i32
    %scan3A_100 = arith.constant 1 : i32
    scf.for %scan3A_270 = %scan3A_97 to %scan3A_99 step %scan3A_100  : i32 {
      %mul3A_271 = arith.constant 40000 : i32
      %mul3A_272 = arith.muli %select_n3A_89, %mul3A_271 : i32
      %mul3A_273 = arith.constant 10000 : i32
      %mul3A_274 = arith.muli %scan3A_270, %mul3A_273 : i32
      %add3A_275 = arith.addi %mul3A_272, %mul3A_274 : i32
      "tpu.region"() ({
        %run_scoped3A = tpu.sem_alloc : memref<!tpu.dma_semaphore, #tpu.memory_space<semaphore_mem>>
        %dma_start3A = tpu.memref_slice %arg2[%add3A_275] : memref<320000xi32, #tpu.memory_space<hbm>> -> memref<10000xi32, #tpu.memory_space<hbm>>
        %dma_start3A_278 = tpu.memref_slice %arg2[%add3A_275] : memref<320000xi32, #tpu.memory_space<hbm>> -> memref<10000xi32, #tpu.memory_space<hbm>>
        tpu.enqueue_dma source(%dma_start3A_278 : memref<10000xi32, #tpu.memory_space<hbm>>) target(%arg8 : memref<10000xi32, #tpu.memory_space<vmem>>) target_semaphore(%run_scoped3A : memref<!tpu.dma_semaphore, #tpu.memory_space<semaphore_mem>>)
        %dma_wait3A = tpu.memref_slice %arg2[%add3A_275] : memref<320000xi32, #tpu.memory_space<hbm>> -> memref<10000xi32, #tpu.memory_space<hbm>>
        %dma_wait3A_279 = tpu.memref_slice %arg2[%add3A_275] : memref<320000xi32, #tpu.memory_space<hbm>> -> memref<10000xi32, #tpu.memory_space<hbm>>
        tpu.wait_dma2 semaphore(%run_scoped3A : memref<!tpu.dma_semaphore, #tpu.memory_space<semaphore_mem>>) src(%dma_wait3A_279 : memref<10000xi32, #tpu.memory_space<hbm>>) dst(%arg8 : memref<10000xi32, #tpu.memory_space<vmem>>)
        tpu.yield
      }) : () -> ()
      "tpu.region"() ({
        %run_scoped3A = tpu.sem_alloc : memref<!tpu.dma_semaphore, #tpu.memory_space<semaphore_mem>>
        %dma_start3A = tpu.memref_slice %arg3[%add3A_275] : memref<320000xi32, #tpu.memory_space<hbm>> -> memref<10000xi32, #tpu.memory_space<hbm>>
        %dma_start3A_278 = tpu.memref_slice %arg3[%add3A_275] : memref<320000xi32, #tpu.memory_space<hbm>> -> memref<10000xi32, #tpu.memory_space<hbm>>
        tpu.enqueue_dma source(%dma_start3A_278 : memref<10000xi32, #tpu.memory_space<hbm>>) target(%arg9 : memref<10000xi32, #tpu.memory_space<vmem>>) target_semaphore(%run_scoped3A : memref<!tpu.dma_semaphore, #tpu.memory_space<semaphore_mem>>)
        %dma_wait3A = tpu.memref_slice %arg3[%add3A_275] : memref<320000xi32, #tpu.memory_space<hbm>> -> memref<10000xi32, #tpu.memory_space<hbm>>
        %dma_wait3A_279 = tpu.memref_slice %arg3[%add3A_275] : memref<320000xi32, #tpu.memory_space<hbm>> -> memref<10000xi32, #tpu.memory_space<hbm>>
        tpu.wait_dma2 semaphore(%run_scoped3A : memref<!tpu.dma_semaphore, #tpu.memory_space<semaphore_mem>>) src(%dma_wait3A_279 : memref<10000xi32, #tpu.memory_space<hbm>>) dst(%arg9 : memref<10000xi32, #tpu.memory_space<vmem>>)
        tpu.yield
      }) : () -> ()
      %parallel_loop3A = arith.constant 0 : i32
      %parallel_loop3A_276 = arith.constant 625 : i32
      %parallel_loop3A_277 = arith.constant 1 : i32
      scf.for %parallel_loop3A_278 = %parallel_loop3A to %parallel_loop3A_276 step %parallel_loop3A_277  : i32 {
        %parallel_loop3A_279 = arith.constant 16 : i32
        %parallel_loop3A_280 = arith.muli %parallel_loop3A_278, %parallel_loop3A_279 : i32
        %parallel_loop3A_281 = arith.index_cast %parallel_loop3A_280 : i32 to index
        %parallel_loop3A_282 = tpu.vector_load %arg8[%parallel_loop3A_281] {strides = array<i32>} : memref<10000xi32, #tpu.memory_space<vmem>>, vector<16xi32>,
        %parallel_loop3A_283 = arith.constant 16 : i32
        %parallel_loop3A_284 = arith.muli %parallel_loop3A_278, %parallel_loop3A_283 : i32
        %parallel_loop3A_285 = arith.index_cast %parallel_loop3A_284 : i32 to index
        %parallel_loop3A_286 = tpu.vector_load %arg9[%parallel_loop3A_285] {strides = array<i32>} : memref<10000xi32, #tpu.memory_space<vmem>>, vector<16xi32>,
        %parallel_loop3A_287 = tpu.vector_load_idx %arg6[%parallel_loop3A_282] : memref<10000xf32, #tpu.memory_space<vmem>>[vector<16xi32>], vector<16xf32>,
        tpu.vector_store_idx %arg7[%parallel_loop3A_286], %parallel_loop3A_287 {add = true} : memref<10000xf32, #tpu.memory_space<vmem>>[vector<16xi32>], vector<16xf32>,
      } {sc.loop_unroll_factor = 8 : i64, sc.parallel_access}
    }
    %scan3A_101 = arith.constant 4 : i32
    "tpu.region"() ({
      %run_scoped3A = tpu.sem_alloc : memref<!tpu.dma_semaphore, #tpu.memory_space<semaphore_mem>>
      %dma_start3A = arith.constant 0 : i32
      %dma_start3A_270 = tpu.memref_slice %arg5[%add3A_49, %dma_start3A] : memref<160x10000xf32, #tpu.memory_space<hbm>> -> memref<1x10000xf32, #tpu.memory_space<hbm>>
      %dma_start3A_271 = tpu.memref_squeeze %dma_start3A_270 : memref<1x10000xf32, #tpu.memory_space<hbm>> -> memref<10000xf32, #tpu.memory_space<hbm>>
      %dma_start3A_272 = arith.constant 0 : i32
      %dma_start3A_273 = tpu.memref_slice %arg5[%add3A_49, %dma_start3A_272] : memref<160x10000xf32, #tpu.memory_space<hbm>> -> memref<1x10000xf32, #tpu.memory_space<hbm>>
      %dma_start3A_274 = tpu.memref_squeeze %dma_start3A_273 : memref<1x10000xf32, #tpu.memory_space<hbm>> -> memref<10000xf32, #tpu.memory_space<hbm>>
      tpu.enqueue_dma source(%arg7 : memref<10000xf32, #tpu.memory_space<vmem>>) target(%dma_start3A_274 : memref<10000xf32, #tpu.memory_space<hbm>>) target_semaphore(%run_scoped3A : memref<!tpu.dma_semaphore, #tpu.memory_space<semaphore_mem>>)
      %dma_wait3A = arith.constant 0 : i32
      %dma_wait3A_275 = tpu.memref_slice %arg5[%add3A_49, %dma_wait3A] : memref<160x10000xf32, #tpu.memory_space<hbm>> -> memref<1x10000xf32, #tpu.memory_space<hbm>>
      %dma_wait3A_276 = tpu.memref_squeeze %dma_wait3A_275 : memref<1x10000xf32, #tpu.memory_space<hbm>> -> memref<10000xf32, #tpu.memory_space<hbm>>
      %dma_wait3A_277 = arith.constant 0 : i32
      %dma_wait3A_278 = tpu.memref_slice %arg5[%add3A_49, %dma_wait3A_277] : memref<160x10000xf32, #tpu.memory_space<hbm>> -> memref<1x10000xf32, #tpu.memory_space<hbm>>
      %dma_wait3A_279 = tpu.memref_squeeze %dma_wait3A_278 : memref<1x10000xf32, #tpu.memory_space<hbm>> -> memref<10000xf32, #tpu.memory_space<hbm>>
      tpu.wait_dma2 semaphore(%run_scoped3A : memref<!tpu.dma_semaphore, #tpu.memory_space<semaphore_mem>>) src(%arg7 : memref<10000xf32, #tpu.memory_space<vmem>>) dst(%dma_wait3A_279 : memref<10000xf32, #tpu.memory_space<hbm>>)
      tpu.yield
    }) : () -> ()
    %mul3A_102 = arith.constant 5 : i32
    %mul3A_103 = arith.muli %mul3A_102, %add3A : i32
    %add3A_104 = arith.constant 2 : i32
    %add3A_105 = arith.addi %mul3A_103, %add3A_104 : i32
    %jit3A_106 = arith.constant 8 : i32
    %div3A_107 = arith.divsi %add3A_105, %jit3A_106 : i32
    %sign3A_108 = arith.constant 0 : i32
    %sign3A_109 = arith.cmpi sgt, %add3A_105, %sign3A_108 : i32
    %sign3A_110 = arith.extui %sign3A_109 : i1 to i32
    %sign3A_111 = arith.constant 0 : i32
    %sign3A_112 = arith.cmpi slt, %add3A_105, %sign3A_111 : i32
    %sign3A_113 = arith.extui %sign3A_112 : i1 to i32
    %sign3A_114 = arith.subi %sign3A_110, %sign3A_113 : i32
    %sign3A_115 = arith.constant 0 : i32
    %sign3A_116 = arith.cmpi sgt, %jit3A_106, %sign3A_115 : i32
    %sign3A_117 = arith.extui %sign3A_116 : i1 to i32
    %sign3A_118 = arith.constant 0 : i32
    %sign3A_119 = arith.cmpi slt, %jit3A_106, %sign3A_118 : i32
    %sign3A_120 = arith.extui %sign3A_119 : i1 to i32
    %sign3A_121 = arith.subi %sign3A_117, %sign3A_120 : i32
    %ne3A_122 = arith.cmpi ne, %sign3A_114, %sign3A_121 : i32
    %rem3A_123 = arith.remsi %add3A_105, %jit3A_106 : i32
    %ne3A_124 = arith.constant 0 : i32
    %ne3A_125 = arith.cmpi ne, %rem3A_123, %ne3A_124 : i32
    %and3A_126 = arith.andi %ne3A_122, %ne3A_125 : i1
    %sub3A_127 = arith.constant 1 : i32
    %sub3A_128 = arith.subi %div3A_107, %sub3A_127 : i32
    %select_n3A_129 = arith.select %and3A_126, %sub3A_128, %div3A_107 : i32
    %jit3A_130 = arith.constant 8 : i32
    %eq3A_131 = arith.constant 0 : i32
    %eq3A_132 = arith.cmpi eq, %jit3A_130, %eq3A_131 : i32
    %jit3A_133 = arith.constant 1 : i32
    %select_n3A_134 = arith.select %eq3A_132, %jit3A_133, %jit3A_130 : i32
    %rem3A_135 = arith.remsi %add3A_105, %select_n3A_134 : i32
    %ne3A_136 = arith.constant 0 : i32
    %ne3A_137 = arith.cmpi ne, %rem3A_135, %ne3A_136 : i32
    %lt3A_138 = arith.constant 0 : i32
    %lt3A_139 = arith.cmpi slt, %rem3A_135, %lt3A_138 : i32
    %lt3A_140 = arith.constant 0 : i32
    %lt3A_141 = arith.cmpi slt, %select_n3A_134, %lt3A_140 : i32
    %ne3A_142 = arith.xori %lt3A_139, %lt3A_141 : i1
    %and3A_143 = arith.andi %ne3A_142, %ne3A_137 : i1
    %add3A_144 = arith.addi %rem3A_135, %select_n3A_134 : i32
    %select_n3A_145 = arith.select %and3A_143, %add3A_144, %rem3A_135 : i32
    "tpu.region"() ({
      %run_scoped3A = tpu.sem_alloc : memref<!tpu.dma_semaphore, #tpu.memory_space<semaphore_mem>>
      %dma_start3A = arith.constant 0 : i32
      %dma_start3A_270 = tpu.memref_slice %arg4[%select_n3A_129, %dma_start3A] : memref<20x10000xf32, #tpu.memory_space<hbm>> -> memref<1x10000xf32, #tpu.memory_space<hbm>>
      %dma_start3A_271 = tpu.memref_squeeze %dma_start3A_270 : memref<1x10000xf32, #tpu.memory_space<hbm>> -> memref<10000xf32, #tpu.memory_space<hbm>>
      %dma_start3A_272 = arith.constant 0 : i32
      %dma_start3A_273 = tpu.memref_slice %arg4[%select_n3A_129, %dma_start3A_272] : memref<20x10000xf32, #tpu.memory_space<hbm>> -> memref<1x10000xf32, #tpu.memory_space<hbm>>
      %dma_start3A_274 = tpu.memref_squeeze %dma_start3A_273 : memref<1x10000xf32, #tpu.memory_space<hbm>> -> memref<10000xf32, #tpu.memory_space<hbm>>
      tpu.enqueue_dma source(%dma_start3A_274 : memref<10000xf32, #tpu.memory_space<hbm>>) target(%arg6 : memref<10000xf32, #tpu.memory_space<vmem>>) target_semaphore(%run_scoped3A : memref<!tpu.dma_semaphore, #tpu.memory_space<semaphore_mem>>)
      %dma_wait3A = arith.constant 0 : i32
      %dma_wait3A_275 = tpu.memref_slice %arg4[%select_n3A_129, %dma_wait3A] : memref<20x10000xf32, #tpu.memory_space<hbm>> -> memref<1x10000xf32, #tpu.memory_space<hbm>>
      %dma_wait3A_276 = tpu.memref_squeeze %dma_wait3A_275 : memref<1x10000xf32, #tpu.memory_space<hbm>> -> memref<10000xf32, #tpu.memory_space<hbm>>
      %dma_wait3A_277 = arith.constant 0 : i32
      %dma_wait3A_278 = tpu.memref_slice %arg4[%select_n3A_129, %dma_wait3A_277] : memref<20x10000xf32, #tpu.memory_space<hbm>> -> memref<1x10000xf32, #tpu.memory_space<hbm>>
      %dma_wait3A_279 = tpu.memref_squeeze %dma_wait3A_278 : memref<1x10000xf32, #tpu.memory_space<hbm>> -> memref<10000xf32, #tpu.memory_space<hbm>>
      tpu.wait_dma2 semaphore(%run_scoped3A : memref<!tpu.dma_semaphore, #tpu.memory_space<semaphore_mem>>) src(%dma_wait3A_279 : memref<10000xf32, #tpu.memory_space<hbm>>) dst(%arg6 : memref<10000xf32, #tpu.memory_space<vmem>>)
      tpu.yield
    }) : () -> ()
    %scan3A_146 = arith.constant 0 : i32
    %scan3A_147 = arith.constant 0 : i32
    %scan3A_148 = arith.constant 625 : i32
    %scan3A_149 = arith.addi %scan3A_147, %scan3A_148 : i32
    %scan3A_150 = arith.constant 1 : i32
    scf.for %scan3A_270 = %scan3A_147 to %scan3A_149 step %scan3A_150  : i32 {
      %broadcast_in_dim3A = arith.constant 0.000000e+00 : f32
      %broadcast_in_dim3A_271 = vector.broadcast %broadcast_in_dim3A : f32 to vector<16xf32>
      %mul3A_272 = arith.constant 16 : i32
      %mul3A_273 = arith.muli %scan3A_270, %mul3A_272 : i32
      %swap3A = arith.index_cast %mul3A_273 : i32 to index
      %swap3A_274 = tpu.vector_load %arg7[%swap3A] {strides = array<i32>} : memref<10000xf32, #tpu.memory_space<vmem>>, vector<16xf32>,
      tpu.vector_store %arg7[%swap3A], %broadcast_in_dim3A_271 {strides = array<i32>} : memref<10000xf32, #tpu.memory_space<vmem>>, vector<16xf32>,
    }
    %scan3A_151 = arith.constant 625 : i32
    %scan3A_152 = arith.constant 0 : i32
    %scan3A_153 = arith.constant 0 : i32
    %scan3A_154 = arith.constant 4 : i32
    %scan3A_155 = arith.addi %scan3A_153, %scan3A_154 : i32
    %scan3A_156 = arith.constant 1 : i32
    scf.for %scan3A_270 = %scan3A_153 to %scan3A_155 step %scan3A_156  : i32 {
      %mul3A_271 = arith.constant 40000 : i32
      %mul3A_272 = arith.muli %select_n3A_145, %mul3A_271 : i32
      %mul3A_273 = arith.constant 10000 : i32
      %mul3A_274 = arith.muli %scan3A_270, %mul3A_273 : i32
      %add3A_275 = arith.addi %mul3A_272, %mul3A_274 : i32
      "tpu.region"() ({
        %run_scoped3A = tpu.sem_alloc : memref<!tpu.dma_semaphore, #tpu.memory_space<semaphore_mem>>
        %dma_start3A = tpu.memref_slice %arg2[%add3A_275] : memref<320000xi32, #tpu.memory_space<hbm>> -> memref<10000xi32, #tpu.memory_space<hbm>>
        %dma_start3A_278 = tpu.memref_slice %arg2[%add3A_275] : memref<320000xi32, #tpu.memory_space<hbm>> -> memref<10000xi32, #tpu.memory_space<hbm>>
        tpu.enqueue_dma source(%dma_start3A_278 : memref<10000xi32, #tpu.memory_space<hbm>>) target(%arg8 : memref<10000xi32, #tpu.memory_space<vmem>>) target_semaphore(%run_scoped3A : memref<!tpu.dma_semaphore, #tpu.memory_space<semaphore_mem>>)
        %dma_wait3A = tpu.memref_slice %arg2[%add3A_275] : memref<320000xi32, #tpu.memory_space<hbm>> -> memref<10000xi32, #tpu.memory_space<hbm>>
        %dma_wait3A_279 = tpu.memref_slice %arg2[%add3A_275] : memref<320000xi32, #tpu.memory_space<hbm>> -> memref<10000xi32, #tpu.memory_space<hbm>>
        tpu.wait_dma2 semaphore(%run_scoped3A : memref<!tpu.dma_semaphore, #tpu.memory_space<semaphore_mem>>) src(%dma_wait3A_279 : memref<10000xi32, #tpu.memory_space<hbm>>) dst(%arg8 : memref<10000xi32, #tpu.memory_space<vmem>>)
        tpu.yield
      }) : () -> ()
      "tpu.region"() ({
        %run_scoped3A = tpu.sem_alloc : memref<!tpu.dma_semaphore, #tpu.memory_space<semaphore_mem>>
        %dma_start3A = tpu.memref_slice %arg3[%add3A_275] : memref<320000xi32, #tpu.memory_space<hbm>> -> memref<10000xi32, #tpu.memory_space<hbm>>
        %dma_start3A_278 = tpu.memref_slice %arg3[%add3A_275] : memref<320000xi32, #tpu.memory_space<hbm>> -> memref<10000xi32, #tpu.memory_space<hbm>>
        tpu.enqueue_dma source(%dma_start3A_278 : memref<10000xi32, #tpu.memory_space<hbm>>) target(%arg9 : memref<10000xi32, #tpu.memory_space<vmem>>) target_semaphore(%run_scoped3A : memref<!tpu.dma_semaphore, #tpu.memory_space<semaphore_mem>>)
        %dma_wait3A = tpu.memref_slice %arg3[%add3A_275] : memref<320000xi32, #tpu.memory_space<hbm>> -> memref<10000xi32, #tpu.memory_space<hbm>>
        %dma_wait3A_279 = tpu.memref_slice %arg3[%add3A_275] : memref<320000xi32, #tpu.memory_space<hbm>> -> memref<10000xi32, #tpu.memory_space<hbm>>
        tpu.wait_dma2 semaphore(%run_scoped3A : memref<!tpu.dma_semaphore, #tpu.memory_space<semaphore_mem>>) src(%dma_wait3A_279 : memref<10000xi32, #tpu.memory_space<hbm>>) dst(%arg9 : memref<10000xi32, #tpu.memory_space<vmem>>)
        tpu.yield
      }) : () -> ()
      %parallel_loop3A = arith.constant 0 : i32
      %parallel_loop3A_276 = arith.constant 625 : i32
      %parallel_loop3A_277 = arith.constant 1 : i32
      scf.for %parallel_loop3A_278 = %parallel_loop3A to %parallel_loop3A_276 step %parallel_loop3A_277  : i32 {
        %parallel_loop3A_279 = arith.constant 16 : i32
        %parallel_loop3A_280 = arith.muli %parallel_loop3A_278, %parallel_loop3A_279 : i32
        %parallel_loop3A_281 = arith.index_cast %parallel_loop3A_280 : i32 to index
        %parallel_loop3A_282 = tpu.vector_load %arg8[%parallel_loop3A_281] {strides = array<i32>} : memref<10000xi32, #tpu.memory_space<vmem>>, vector<16xi32>,
        %parallel_loop3A_283 = arith.constant 16 : i32
        %parallel_loop3A_284 = arith.muli %parallel_loop3A_278, %parallel_loop3A_283 : i32
        %parallel_loop3A_285 = arith.index_cast %parallel_loop3A_284 : i32 to index
        %parallel_loop3A_286 = tpu.vector_load %arg9[%parallel_loop3A_285] {strides = array<i32>} : memref<10000xi32, #tpu.memory_space<vmem>>, vector<16xi32>,
        %parallel_loop3A_287 = tpu.vector_load_idx %arg6[%parallel_loop3A_282] : memref<10000xf32, #tpu.memory_space<vmem>>[vector<16xi32>], vector<16xf32>,
        tpu.vector_store_idx %arg7[%parallel_loop3A_286], %parallel_loop3A_287 {add = true} : memref<10000xf32, #tpu.memory_space<vmem>>[vector<16xi32>], vector<16xf32>,
      } {sc.loop_unroll_factor = 8 : i64, sc.parallel_access}
    }
    %scan3A_157 = arith.constant 4 : i32
    "tpu.region"() ({
      %run_scoped3A = tpu.sem_alloc : memref<!tpu.dma_semaphore, #tpu.memory_space<semaphore_mem>>
      %dma_start3A = arith.constant 0 : i32
      %dma_start3A_270 = tpu.memref_slice %arg5[%add3A_105, %dma_start3A] : memref<160x10000xf32, #tpu.memory_space<hbm>> -> memref<1x10000xf32, #tpu.memory_space<hbm>>
      %dma_start3A_271 = tpu.memref_squeeze %dma_start3A_270 : memref<1x10000xf32, #tpu.memory_space<hbm>> -> memref<10000xf32, #tpu.memory_space<hbm>>
      %dma_start3A_272 = arith.constant 0 : i32
      %dma_start3A_273 = tpu.memref_slice %arg5[%add3A_105, %dma_start3A_272] : memref<160x10000xf32, #tpu.memory_space<hbm>> -> memref<1x10000xf32, #tpu.memory_space<hbm>>
      %dma_start3A_274 = tpu.memref_squeeze %dma_start3A_273 : memref<1x10000xf32, #tpu.memory_space<hbm>> -> memref<10000xf32, #tpu.memory_space<hbm>>
      tpu.enqueue_dma source(%arg7 : memref<10000xf32, #tpu.memory_space<vmem>>) target(%dma_start3A_274 : memref<10000xf32, #tpu.memory_space<hbm>>) target_semaphore(%run_scoped3A : memref<!tpu.dma_semaphore, #tpu.memory_space<semaphore_mem>>)
      %dma_wait3A = arith.constant 0 : i32
      %dma_wait3A_275 = tpu.memref_slice %arg5[%add3A_105, %dma_wait3A] : memref<160x10000xf32, #tpu.memory_space<hbm>> -> memref<1x10000xf32, #tpu.memory_space<hbm>>
      %dma_wait3A_276 = tpu.memref_squeeze %dma_wait3A_275 : memref<1x10000xf32, #tpu.memory_space<hbm>> -> memref<10000xf32, #tpu.memory_space<hbm>>
      %dma_wait3A_277 = arith.constant 0 : i32
      %dma_wait3A_278 = tpu.memref_slice %arg5[%add3A_105, %dma_wait3A_277] : memref<160x10000xf32, #tpu.memory_space<hbm>> -> memref<1x10000xf32, #tpu.memory_space<hbm>>
      %dma_wait3A_279 = tpu.memref_squeeze %dma_wait3A_278 : memref<1x10000xf32, #tpu.memory_space<hbm>> -> memref<10000xf32, #tpu.memory_space<hbm>>
      tpu.wait_dma2 semaphore(%run_scoped3A : memref<!tpu.dma_semaphore, #tpu.memory_space<semaphore_mem>>) src(%arg7 : memref<10000xf32, #tpu.memory_space<vmem>>) dst(%dma_wait3A_279 : memref<10000xf32, #tpu.memory_space<hbm>>)
      tpu.yield
    }) : () -> ()
    %mul3A_158 = arith.constant 5 : i32
    %mul3A_159 = arith.muli %mul3A_158, %add3A : i32
    %add3A_160 = arith.constant 3 : i32
    %add3A_161 = arith.addi %mul3A_159, %add3A_160 : i32
    %jit3A_162 = arith.constant 8 : i32
    %div3A_163 = arith.divsi %add3A_161, %jit3A_162 : i32
    %sign3A_164 = arith.constant 0 : i32
    %sign3A_165 = arith.cmpi sgt, %add3A_161, %sign3A_164 : i32
    %sign3A_166 = arith.extui %sign3A_165 : i1 to i32
    %sign3A_167 = arith.constant 0 : i32
    %sign3A_168 = arith.cmpi slt, %add3A_161, %sign3A_167 : i32
    %sign3A_169 = arith.extui %sign3A_168 : i1 to i32
    %sign3A_170 = arith.subi %sign3A_166, %sign3A_169 : i32
    %sign3A_171 = arith.constant 0 : i32
    %sign3A_172 = arith.cmpi sgt, %jit3A_162, %sign3A_171 : i32
    %sign3A_173 = arith.extui %sign3A_172 : i1 to i32
    %sign3A_174 = arith.constant 0 : i32
    %sign3A_175 = arith.cmpi slt, %jit3A_162, %sign3A_174 : i32
    %sign3A_176 = arith.extui %sign3A_175 : i1 to i32
    %sign3A_177 = arith.subi %sign3A_173, %sign3A_176 : i32
    %ne3A_178 = arith.cmpi ne, %sign3A_170, %sign3A_177 : i32
    %rem3A_179 = arith.remsi %add3A_161, %jit3A_162 : i32
    %ne3A_180 = arith.constant 0 : i32
    %ne3A_181 = arith.cmpi ne, %rem3A_179, %ne3A_180 : i32
    %and3A_182 = arith.andi %ne3A_178, %ne3A_181 : i1
    %sub3A_183 = arith.constant 1 : i32
    %sub3A_184 = arith.subi %div3A_163, %sub3A_183 : i32
    %select_n3A_185 = arith.select %and3A_182, %sub3A_184, %div3A_163 : i32
    %jit3A_186 = arith.constant 8 : i32
    %eq3A_187 = arith.constant 0 : i32
    %eq3A_188 = arith.cmpi eq, %jit3A_186, %eq3A_187 : i32
    %jit3A_189 = arith.constant 1 : i32
    %select_n3A_190 = arith.select %eq3A_188, %jit3A_189, %jit3A_186 : i32
    %rem3A_191 = arith.remsi %add3A_161, %select_n3A_190 : i32
    %ne3A_192 = arith.constant 0 : i32
    %ne3A_193 = arith.cmpi ne, %rem3A_191, %ne3A_192 : i32
    %lt3A_194 = arith.constant 0 : i32
    %lt3A_195 = arith.cmpi slt, %rem3A_191, %lt3A_194 : i32
    %lt3A_196 = arith.constant 0 : i32
    %lt3A_197 = arith.cmpi slt, %select_n3A_190, %lt3A_196 : i32
    %ne3A_198 = arith.xori %lt3A_195, %lt3A_197 : i1
    %and3A_199 = arith.andi %ne3A_198, %ne3A_193 : i1
    %add3A_200 = arith.addi %rem3A_191, %select_n3A_190 : i32
    %select_n3A_201 = arith.select %and3A_199, %add3A_200, %rem3A_191 : i32
    "tpu.region"() ({
      %run_scoped3A = tpu.sem_alloc : memref<!tpu.dma_semaphore, #tpu.memory_space<semaphore_mem>>
      %dma_start3A = arith.constant 0 : i32
      %dma_start3A_270 = tpu.memref_slice %arg4[%select_n3A_185, %dma_start3A] : memref<20x10000xf32, #tpu.memory_space<hbm>> -> memref<1x10000xf32, #tpu.memory_space<hbm>>
      %dma_start3A_271 = tpu.memref_squeeze %dma_start3A_270 : memref<1x10000xf32, #tpu.memory_space<hbm>> -> memref<10000xf32, #tpu.memory_space<hbm>>
      %dma_start3A_272 = arith.constant 0 : i32
      %dma_start3A_273 = tpu.memref_slice %arg4[%select_n3A_185, %dma_start3A_272] : memref<20x10000xf32, #tpu.memory_space<hbm>> -> memref<1x10000xf32, #tpu.memory_space<hbm>>
      %dma_start3A_274 = tpu.memref_squeeze %dma_start3A_273 : memref<1x10000xf32, #tpu.memory_space<hbm>> -> memref<10000xf32, #tpu.memory_space<hbm>>
      tpu.enqueue_dma source(%dma_start3A_274 : memref<10000xf32, #tpu.memory_space<hbm>>) target(%arg6 : memref<10000xf32, #tpu.memory_space<vmem>>) target_semaphore(%run_scoped3A : memref<!tpu.dma_semaphore, #tpu.memory_space<semaphore_mem>>)
      %dma_wait3A = arith.constant 0 : i32
      %dma_wait3A_275 = tpu.memref_slice %arg4[%select_n3A_185, %dma_wait3A] : memref<20x10000xf32, #tpu.memory_space<hbm>> -> memref<1x10000xf32, #tpu.memory_space<hbm>>
      %dma_wait3A_276 = tpu.memref_squeeze %dma_wait3A_275 : memref<1x10000xf32, #tpu.memory_space<hbm>> -> memref<10000xf32, #tpu.memory_space<hbm>>
      %dma_wait3A_277 = arith.constant 0 : i32
      %dma_wait3A_278 = tpu.memref_slice %arg4[%select_n3A_185, %dma_wait3A_277] : memref<20x10000xf32, #tpu.memory_space<hbm>> -> memref<1x10000xf32, #tpu.memory_space<hbm>>
      %dma_wait3A_279 = tpu.memref_squeeze %dma_wait3A_278 : memref<1x10000xf32, #tpu.memory_space<hbm>> -> memref<10000xf32, #tpu.memory_space<hbm>>
      tpu.wait_dma2 semaphore(%run_scoped3A : memref<!tpu.dma_semaphore, #tpu.memory_space<semaphore_mem>>) src(%dma_wait3A_279 : memref<10000xf32, #tpu.memory_space<hbm>>) dst(%arg6 : memref<10000xf32, #tpu.memory_space<vmem>>)
      tpu.yield
    }) : () -> ()
    %scan3A_202 = arith.constant 0 : i32
    %scan3A_203 = arith.constant 0 : i32
    %scan3A_204 = arith.constant 625 : i32
    %scan3A_205 = arith.addi %scan3A_203, %scan3A_204 : i32
    %scan3A_206 = arith.constant 1 : i32
    scf.for %scan3A_270 = %scan3A_203 to %scan3A_205 step %scan3A_206  : i32 {
      %broadcast_in_dim3A = arith.constant 0.000000e+00 : f32
      %broadcast_in_dim3A_271 = vector.broadcast %broadcast_in_dim3A : f32 to vector<16xf32>
      %mul3A_272 = arith.constant 16 : i32
      %mul3A_273 = arith.muli %scan3A_270, %mul3A_272 : i32
      %swap3A = arith.index_cast %mul3A_273 : i32 to index
      %swap3A_274 = tpu.vector_load %arg7[%swap3A] {strides = array<i32>} : memref<10000xf32, #tpu.memory_space<vmem>>, vector<16xf32>,
      tpu.vector_store %arg7[%swap3A], %broadcast_in_dim3A_271 {strides = array<i32>} : memref<10000xf32, #tpu.memory_space<vmem>>, vector<16xf32>,
    }
    %scan3A_207 = arith.constant 625 : i32
    %scan3A_208 = arith.constant 0 : i32
    %scan3A_209 = arith.constant 0 : i32
    %scan3A_210 = arith.constant 4 : i32
    %scan3A_211 = arith.addi %scan3A_209, %scan3A_210 : i32
    %scan3A_212 = arith.constant 1 : i32
    scf.for %scan3A_270 = %scan3A_209 to %scan3A_211 step %scan3A_212  : i32 {
      %mul3A_271 = arith.constant 40000 : i32
      %mul3A_272 = arith.muli %select_n3A_201, %mul3A_271 : i32
      %mul3A_273 = arith.constant 10000 : i32
      %mul3A_274 = arith.muli %scan3A_270, %mul3A_273 : i32
      %add3A_275 = arith.addi %mul3A_272, %mul3A_274 : i32
      "tpu.region"() ({
        %run_scoped3A = tpu.sem_alloc : memref<!tpu.dma_semaphore, #tpu.memory_space<semaphore_mem>>
        %dma_start3A = tpu.memref_slice %arg2[%add3A_275] : memref<320000xi32, #tpu.memory_space<hbm>> -> memref<10000xi32, #tpu.memory_space<hbm>>
        %dma_start3A_278 = tpu.memref_slice %arg2[%add3A_275] : memref<320000xi32, #tpu.memory_space<hbm>> -> memref<10000xi32, #tpu.memory_space<hbm>>
        tpu.enqueue_dma source(%dma_start3A_278 : memref<10000xi32, #tpu.memory_space<hbm>>) target(%arg8 : memref<10000xi32, #tpu.memory_space<vmem>>) target_semaphore(%run_scoped3A : memref<!tpu.dma_semaphore, #tpu.memory_space<semaphore_mem>>)
        %dma_wait3A = tpu.memref_slice %arg2[%add3A_275] : memref<320000xi32, #tpu.memory_space<hbm>> -> memref<10000xi32, #tpu.memory_space<hbm>>
        %dma_wait3A_279 = tpu.memref_slice %arg2[%add3A_275] : memref<320000xi32, #tpu.memory_space<hbm>> -> memref<10000xi32, #tpu.memory_space<hbm>>
        tpu.wait_dma2 semaphore(%run_scoped3A : memref<!tpu.dma_semaphore, #tpu.memory_space<semaphore_mem>>) src(%dma_wait3A_279 : memref<10000xi32, #tpu.memory_space<hbm>>) dst(%arg8 : memref<10000xi32, #tpu.memory_space<vmem>>)
        tpu.yield
      }) : () -> ()
      "tpu.region"() ({
        %run_scoped3A = tpu.sem_alloc : memref<!tpu.dma_semaphore, #tpu.memory_space<semaphore_mem>>
        %dma_start3A = tpu.memref_slice %arg3[%add3A_275] : memref<320000xi32, #tpu.memory_space<hbm>> -> memref<10000xi32, #tpu.memory_space<hbm>>
        %dma_start3A_278 = tpu.memref_slice %arg3[%add3A_275] : memref<320000xi32, #tpu.memory_space<hbm>> -> memref<10000xi32, #tpu.memory_space<hbm>>
        tpu.enqueue_dma source(%dma_start3A_278 : memref<10000xi32, #tpu.memory_space<hbm>>) target(%arg9 : memref<10000xi32, #tpu.memory_space<vmem>>) target_semaphore(%run_scoped3A : memref<!tpu.dma_semaphore, #tpu.memory_space<semaphore_mem>>)
        %dma_wait3A = tpu.memref_slice %arg3[%add3A_275] : memref<320000xi32, #tpu.memory_space<hbm>> -> memref<10000xi32, #tpu.memory_space<hbm>>
        %dma_wait3A_279 = tpu.memref_slice %arg3[%add3A_275] : memref<320000xi32, #tpu.memory_space<hbm>> -> memref<10000xi32, #tpu.memory_space<hbm>>
        tpu.wait_dma2 semaphore(%run_scoped3A : memref<!tpu.dma_semaphore, #tpu.memory_space<semaphore_mem>>) src(%dma_wait3A_279 : memref<10000xi32, #tpu.memory_space<hbm>>) dst(%arg9 : memref<10000xi32, #tpu.memory_space<vmem>>)
        tpu.yield
      }) : () -> ()
      %parallel_loop3A = arith.constant 0 : i32
      %parallel_loop3A_276 = arith.constant 625 : i32
      %parallel_loop3A_277 = arith.constant 1 : i32
      scf.for %parallel_loop3A_278 = %parallel_loop3A to %parallel_loop3A_276 step %parallel_loop3A_277  : i32 {
        %parallel_loop3A_279 = arith.constant 16 : i32
        %parallel_loop3A_280 = arith.muli %parallel_loop3A_278, %parallel_loop3A_279 : i32
        %parallel_loop3A_281 = arith.index_cast %parallel_loop3A_280 : i32 to index
        %parallel_loop3A_282 = tpu.vector_load %arg8[%parallel_loop3A_281] {strides = array<i32>} : memref<10000xi32, #tpu.memory_space<vmem>>, vector<16xi32>,
        %parallel_loop3A_283 = arith.constant 16 : i32
        %parallel_loop3A_284 = arith.muli %parallel_loop3A_278, %parallel_loop3A_283 : i32
        %parallel_loop3A_285 = arith.index_cast %parallel_loop3A_284 : i32 to index
        %parallel_loop3A_286 = tpu.vector_load %arg9[%parallel_loop3A_285] {strides = array<i32>} : memref<10000xi32, #tpu.memory_space<vmem>>, vector<16xi32>,
        %parallel_loop3A_287 = tpu.vector_load_idx %arg6[%parallel_loop3A_282] : memref<10000xf32, #tpu.memory_space<vmem>>[vector<16xi32>], vector<16xf32>,
        tpu.vector_store_idx %arg7[%parallel_loop3A_286], %parallel_loop3A_287 {add = true} : memref<10000xf32, #tpu.memory_space<vmem>>[vector<16xi32>], vector<16xf32>,
      } {sc.loop_unroll_factor = 8 : i64, sc.parallel_access}
    }
    %scan3A_213 = arith.constant 4 : i32
    "tpu.region"() ({
      %run_scoped3A = tpu.sem_alloc : memref<!tpu.dma_semaphore, #tpu.memory_space<semaphore_mem>>
      %dma_start3A = arith.constant 0 : i32
      %dma_start3A_270 = tpu.memref_slice %arg5[%add3A_161, %dma_start3A] : memref<160x10000xf32, #tpu.memory_space<hbm>> -> memref<1x10000xf32, #tpu.memory_space<hbm>>
      %dma_start3A_271 = tpu.memref_squeeze %dma_start3A_270 : memref<1x10000xf32, #tpu.memory_space<hbm>> -> memref<10000xf32, #tpu.memory_space<hbm>>
      %dma_start3A_272 = arith.constant 0 : i32
      %dma_start3A_273 = tpu.memref_slice %arg5[%add3A_161, %dma_start3A_272] : memref<160x10000xf32, #tpu.memory_space<hbm>> -> memref<1x10000xf32, #tpu.memory_space<hbm>>
      %dma_start3A_274 = tpu.memref_squeeze %dma_start3A_273 : memref<1x10000xf32, #tpu.memory_space<hbm>> -> memref<10000xf32, #tpu.memory_space<hbm>>
      tpu.enqueue_dma source(%arg7 : memref<10000xf32, #tpu.memory_space<vmem>>) target(%dma_start3A_274 : memref<10000xf32, #tpu.memory_space<hbm>>) target_semaphore(%run_scoped3A : memref<!tpu.dma_semaphore, #tpu.memory_space<semaphore_mem>>)
      %dma_wait3A = arith.constant 0 : i32
      %dma_wait3A_275 = tpu.memref_slice %arg5[%add3A_161, %dma_wait3A] : memref<160x10000xf32, #tpu.memory_space<hbm>> -> memref<1x10000xf32, #tpu.memory_space<hbm>>
      %dma_wait3A_276 = tpu.memref_squeeze %dma_wait3A_275 : memref<1x10000xf32, #tpu.memory_space<hbm>> -> memref<10000xf32, #tpu.memory_space<hbm>>
      %dma_wait3A_277 = arith.constant 0 : i32
      %dma_wait3A_278 = tpu.memref_slice %arg5[%add3A_161, %dma_wait3A_277] : memref<160x10000xf32, #tpu.memory_space<hbm>> -> memref<1x10000xf32, #tpu.memory_space<hbm>>
      %dma_wait3A_279 = tpu.memref_squeeze %dma_wait3A_278 : memref<1x10000xf32, #tpu.memory_space<hbm>> -> memref<10000xf32, #tpu.memory_space<hbm>>
      tpu.wait_dma2 semaphore(%run_scoped3A : memref<!tpu.dma_semaphore, #tpu.memory_space<semaphore_mem>>) src(%arg7 : memref<10000xf32, #tpu.memory_space<vmem>>) dst(%dma_wait3A_279 : memref<10000xf32, #tpu.memory_space<hbm>>)
      tpu.yield
    }) : () -> ()
    %mul3A_214 = arith.constant 5 : i32
    %mul3A_215 = arith.muli %mul3A_214, %add3A : i32
    %add3A_216 = arith.constant 4 : i32
    %add3A_217 = arith.addi %mul3A_215, %add3A_216 : i32
    %jit3A_218 = arith.constant 8 : i32
    %div3A_219 = arith.divsi %add3A_217, %jit3A_218 : i32
    %sign3A_220 = arith.constant 0 : i32
    %sign3A_221 = arith.cmpi sgt, %add3A_217, %sign3A_220 : i32
    %sign3A_222 = arith.extui %sign3A_221 : i1 to i32
    %sign3A_223 = arith.constant 0 : i32
    %sign3A_224 = arith.cmpi slt, %add3A_217, %sign3A_223 : i32
    %sign3A_225 = arith.extui %sign3A_224 : i1 to i32
    %sign3A_226 = arith.subi %sign3A_222, %sign3A_225 : i32
    %sign3A_227 = arith.constant 0 : i32
    %sign3A_228 = arith.cmpi sgt, %jit3A_218, %sign3A_227 : i32
    %sign3A_229 = arith.extui %sign3A_228 : i1 to i32
    %sign3A_230 = arith.constant 0 : i32
    %sign3A_231 = arith.cmpi slt, %jit3A_218, %sign3A_230 : i32
    %sign3A_232 = arith.extui %sign3A_231 : i1 to i32
    %sign3A_233 = arith.subi %sign3A_229, %sign3A_232 : i32
    %ne3A_234 = arith.cmpi ne, %sign3A_226, %sign3A_233 : i32
    %rem3A_235 = arith.remsi %add3A_217, %jit3A_218 : i32
    %ne3A_236 = arith.constant 0 : i32
    %ne3A_237 = arith.cmpi ne, %rem3A_235, %ne3A_236 : i32
    %and3A_238 = arith.andi %ne3A_234, %ne3A_237 : i1
    %sub3A_239 = arith.constant 1 : i32
    %sub3A_240 = arith.subi %div3A_219, %sub3A_239 : i32
    %select_n3A_241 = arith.select %and3A_238, %sub3A_240, %div3A_219 : i32
    %jit3A_242 = arith.constant 8 : i32
    %eq3A_243 = arith.constant 0 : i32
    %eq3A_244 = arith.cmpi eq, %jit3A_242, %eq3A_243 : i32
    %jit3A_245 = arith.constant 1 : i32
    %select_n3A_246 = arith.select %eq3A_244, %jit3A_245, %jit3A_242 : i32
    %rem3A_247 = arith.remsi %add3A_217, %select_n3A_246 : i32
    %ne3A_248 = arith.constant 0 : i32
    %ne3A_249 = arith.cmpi ne, %rem3A_247, %ne3A_248 : i32
    %lt3A_250 = arith.constant 0 : i32
    %lt3A_251 = arith.cmpi slt, %rem3A_247, %lt3A_250 : i32
    %lt3A_252 = arith.constant 0 : i32
    %lt3A_253 = arith.cmpi slt, %select_n3A_246, %lt3A_252 : i32
    %ne3A_254 = arith.xori %lt3A_251, %lt3A_253 : i1
    %and3A_255 = arith.andi %ne3A_254, %ne3A_249 : i1
    %add3A_256 = arith.addi %rem3A_247, %select_n3A_246 : i32
    %select_n3A_257 = arith.select %and3A_255, %add3A_256, %rem3A_247 : i32
    "tpu.region"() ({
      %run_scoped3A = tpu.sem_alloc : memref<!tpu.dma_semaphore, #tpu.memory_space<semaphore_mem>>
      %dma_start3A = arith.constant 0 : i32
      %dma_start3A_270 = tpu.memref_slice %arg4[%select_n3A_241, %dma_start3A] : memref<20x10000xf32, #tpu.memory_space<hbm>> -> memref<1x10000xf32, #tpu.memory_space<hbm>>
      %dma_start3A_271 = tpu.memref_squeeze %dma_start3A_270 : memref<1x10000xf32, #tpu.memory_space<hbm>> -> memref<10000xf32, #tpu.memory_space<hbm>>
      %dma_start3A_272 = arith.constant 0 : i32
      %dma_start3A_273 = tpu.memref_slice %arg4[%select_n3A_241, %dma_start3A_272] : memref<20x10000xf32, #tpu.memory_space<hbm>> -> memref<1x10000xf32, #tpu.memory_space<hbm>>
      %dma_start3A_274 = tpu.memref_squeeze %dma_start3A_273 : memref<1x10000xf32, #tpu.memory_space<hbm>> -> memref<10000xf32, #tpu.memory_space<hbm>>
      tpu.enqueue_dma source(%dma_start3A_274 : memref<10000xf32, #tpu.memory_space<hbm>>) target(%arg6 : memref<10000xf32, #tpu.memory_space<vmem>>) target_semaphore(%run_scoped3A : memref<!tpu.dma_semaphore, #tpu.memory_space<semaphore_mem>>)
      %dma_wait3A = arith.constant 0 : i32
      %dma_wait3A_275 = tpu.memref_slice %arg4[%select_n3A_241, %dma_wait3A] : memref<20x10000xf32, #tpu.memory_space<hbm>> -> memref<1x10000xf32, #tpu.memory_space<hbm>>
      %dma_wait3A_276 = tpu.memref_squeeze %dma_wait3A_275 : memref<1x10000xf32, #tpu.memory_space<hbm>> -> memref<10000xf32, #tpu.memory_space<hbm>>
      %dma_wait3A_277 = arith.constant 0 : i32
      %dma_wait3A_278 = tpu.memref_slice %arg4[%select_n3A_241, %dma_wait3A_277] : memref<20x10000xf32, #tpu.memory_space<hbm>> -> memref<1x10000xf32, #tpu.memory_space<hbm>>
      %dma_wait3A_279 = tpu.memref_squeeze %dma_wait3A_278 : memref<1x10000xf32, #tpu.memory_space<hbm>> -> memref<10000xf32, #tpu.memory_space<hbm>>
      tpu.wait_dma2 semaphore(%run_scoped3A : memref<!tpu.dma_semaphore, #tpu.memory_space<semaphore_mem>>) src(%dma_wait3A_279 : memref<10000xf32, #tpu.memory_space<hbm>>) dst(%arg6 : memref<10000xf32, #tpu.memory_space<vmem>>)
      tpu.yield
    }) : () -> ()
    %scan3A_258 = arith.constant 0 : i32
    %scan3A_259 = arith.constant 0 : i32
    %scan3A_260 = arith.constant 625 : i32
    %scan3A_261 = arith.addi %scan3A_259, %scan3A_260 : i32
    %scan3A_262 = arith.constant 1 : i32
    scf.for %scan3A_270 = %scan3A_259 to %scan3A_261 step %scan3A_262  : i32 {
      %broadcast_in_dim3A = arith.constant 0.000000e+00 : f32
      %broadcast_in_dim3A_271 = vector.broadcast %broadcast_in_dim3A : f32 to vector<16xf32>
      %mul3A_272 = arith.constant 16 : i32
      %mul3A_273 = arith.muli %scan3A_270, %mul3A_272 : i32
      %swap3A = arith.index_cast %mul3A_273 : i32 to index
      %swap3A_274 = tpu.vector_load %arg7[%swap3A] {strides = array<i32>} : memref<10000xf32, #tpu.memory_space<vmem>>, vector<16xf32>,
      tpu.vector_store %arg7[%swap3A], %broadcast_in_dim3A_271 {strides = array<i32>} : memref<10000xf32, #tpu.memory_space<vmem>>, vector<16xf32>,
    }
    %scan3A_263 = arith.constant 625 : i32
    %scan3A_264 = arith.constant 0 : i32
    %scan3A_265 = arith.constant 0 : i32
    %scan3A_266 = arith.constant 4 : i32
    %scan3A_267 = arith.addi %scan3A_265, %scan3A_266 : i32
    %scan3A_268 = arith.constant 1 : i32
    scf.for %scan3A_270 = %scan3A_265 to %scan3A_267 step %scan3A_268  : i32 {
      %mul3A_271 = arith.constant 40000 : i32
      %mul3A_272 = arith.muli %select_n3A_257, %mul3A_271 : i32
      %mul3A_273 = arith.constant 10000 : i32
      %mul3A_274 = arith.muli %scan3A_270, %mul3A_273 : i32
      %add3A_275 = arith.addi %mul3A_272, %mul3A_274 : i32
      "tpu.region"() ({
        %run_scoped3A = tpu.sem_alloc : memref<!tpu.dma_semaphore, #tpu.memory_space<semaphore_mem>>
        %dma_start3A = tpu.memref_slice %arg2[%add3A_275] : memref<320000xi32, #tpu.memory_space<hbm>> -> memref<10000xi32, #tpu.memory_space<hbm>>
        %dma_start3A_278 = tpu.memref_slice %arg2[%add3A_275] : memref<320000xi32, #tpu.memory_space<hbm>> -> memref<10000xi32, #tpu.memory_space<hbm>>
        tpu.enqueue_dma source(%dma_start3A_278 : memref<10000xi32, #tpu.memory_space<hbm>>) target(%arg8 : memref<10000xi32, #tpu.memory_space<vmem>>) target_semaphore(%run_scoped3A : memref<!tpu.dma_semaphore, #tpu.memory_space<semaphore_mem>>)
        %dma_wait3A = tpu.memref_slice %arg2[%add3A_275] : memref<320000xi32, #tpu.memory_space<hbm>> -> memref<10000xi32, #tpu.memory_space<hbm>>
        %dma_wait3A_279 = tpu.memref_slice %arg2[%add3A_275] : memref<320000xi32, #tpu.memory_space<hbm>> -> memref<10000xi32, #tpu.memory_space<hbm>>
        tpu.wait_dma2 semaphore(%run_scoped3A : memref<!tpu.dma_semaphore, #tpu.memory_space<semaphore_mem>>) src(%dma_wait3A_279 : memref<10000xi32, #tpu.memory_space<hbm>>) dst(%arg8 : memref<10000xi32, #tpu.memory_space<vmem>>)
        tpu.yield
      }) : () -> ()
      "tpu.region"() ({
        %run_scoped3A = tpu.sem_alloc : memref<!tpu.dma_semaphore, #tpu.memory_space<semaphore_mem>>
        %dma_start3A = tpu.memref_slice %arg3[%add3A_275] : memref<320000xi32, #tpu.memory_space<hbm>> -> memref<10000xi32, #tpu.memory_space<hbm>>
        %dma_start3A_278 = tpu.memref_slice %arg3[%add3A_275] : memref<320000xi32, #tpu.memory_space<hbm>> -> memref<10000xi32, #tpu.memory_space<hbm>>
        tpu.enqueue_dma source(%dma_start3A_278 : memref<10000xi32, #tpu.memory_space<hbm>>) target(%arg9 : memref<10000xi32, #tpu.memory_space<vmem>>) target_semaphore(%run_scoped3A : memref<!tpu.dma_semaphore, #tpu.memory_space<semaphore_mem>>)
        %dma_wait3A = tpu.memref_slice %arg3[%add3A_275] : memref<320000xi32, #tpu.memory_space<hbm>> -> memref<10000xi32, #tpu.memory_space<hbm>>
        %dma_wait3A_279 = tpu.memref_slice %arg3[%add3A_275] : memref<320000xi32, #tpu.memory_space<hbm>> -> memref<10000xi32, #tpu.memory_space<hbm>>
        tpu.wait_dma2 semaphore(%run_scoped3A : memref<!tpu.dma_semaphore, #tpu.memory_space<semaphore_mem>>) src(%dma_wait3A_279 : memref<10000xi32, #tpu.memory_space<hbm>>) dst(%arg9 : memref<10000xi32, #tpu.memory_space<vmem>>)
        tpu.yield
      }) : () -> ()
      %parallel_loop3A = arith.constant 0 : i32
      %parallel_loop3A_276 = arith.constant 625 : i32
      %parallel_loop3A_277 = arith.constant 1 : i32
      scf.for %parallel_loop3A_278 = %parallel_loop3A to %parallel_loop3A_276 step %parallel_loop3A_277  : i32 {
        %parallel_loop3A_279 = arith.constant 16 : i32
        %parallel_loop3A_280 = arith.muli %parallel_loop3A_278, %parallel_loop3A_279 : i32
        %parallel_loop3A_281 = arith.index_cast %parallel_loop3A_280 : i32 to index
        %parallel_loop3A_282 = tpu.vector_load %arg8[%parallel_loop3A_281] {strides = array<i32>} : memref<10000xi32, #tpu.memory_space<vmem>>, vector<16xi32>,
        %parallel_loop3A_283 = arith.constant 16 : i32
        %parallel_loop3A_284 = arith.muli %parallel_loop3A_278, %parallel_loop3A_283 : i32
        %parallel_loop3A_285 = arith.index_cast %parallel_loop3A_284 : i32 to index
        %parallel_loop3A_286 = tpu.vector_load %arg9[%parallel_loop3A_285] {strides = array<i32>} : memref<10000xi32, #tpu.memory_space<vmem>>, vector<16xi32>,
        %parallel_loop3A_287 = tpu.vector_load_idx %arg6[%parallel_loop3A_282] : memref<10000xf32, #tpu.memory_space<vmem>>[vector<16xi32>], vector<16xf32>,
        tpu.vector_store_idx %arg7[%parallel_loop3A_286], %parallel_loop3A_287 {add = true} : memref<10000xf32, #tpu.memory_space<vmem>>[vector<16xi32>], vector<16xf32>,
      } {sc.loop_unroll_factor = 8 : i64, sc.parallel_access}
    }
    %scan3A_269 = arith.constant 4 : i32
    "tpu.region"() ({
      %run_scoped3A = tpu.sem_alloc : memref<!tpu.dma_semaphore, #tpu.memory_space<semaphore_mem>>
      %dma_start3A = arith.constant 0 : i32
      %dma_start3A_270 = tpu.memref_slice %arg5[%add3A_217, %dma_start3A] : memref<160x10000xf32, #tpu.memory_space<hbm>> -> memref<1x10000xf32, #tpu.memory_space<hbm>>
      %dma_start3A_271 = tpu.memref_squeeze %dma_start3A_270 : memref<1x10000xf32, #tpu.memory_space<hbm>> -> memref<10000xf32, #tpu.memory_space<hbm>>
      %dma_start3A_272 = arith.constant 0 : i32
      %dma_start3A_273 = tpu.memref_slice %arg5[%add3A_217, %dma_start3A_272] : memref<160x10000xf32, #tpu.memory_space<hbm>> -> memref<1x10000xf32, #tpu.memory_space<hbm>>
      %dma_start3A_274 = tpu.memref_squeeze %dma_start3A_273 : memref<1x10000xf32, #tpu.memory_space<hbm>> -> memref<10000xf32, #tpu.memory_space<hbm>>
      tpu.enqueue_dma source(%arg7 : memref<10000xf32, #tpu.memory_space<vmem>>) target(%dma_start3A_274 : memref<10000xf32, #tpu.memory_space<hbm>>) target_semaphore(%run_scoped3A : memref<!tpu.dma_semaphore, #tpu.memory_space<semaphore_mem>>)
      %dma_wait3A = arith.constant 0 : i32
      %dma_wait3A_275 = tpu.memref_slice %arg5[%add3A_217, %dma_wait3A] : memref<160x10000xf32, #tpu.memory_space<hbm>> -> memref<1x10000xf32, #tpu.memory_space<hbm>>
      %dma_wait3A_276 = tpu.memref_squeeze %dma_wait3A_275 : memref<1x10000xf32, #tpu.memory_space<hbm>> -> memref<10000xf32, #tpu.memory_space<hbm>>
      %dma_wait3A_277 = arith.constant 0 : i32
      %dma_wait3A_278 = tpu.memref_slice %arg5[%add3A_217, %dma_wait3A_277] : memref<160x10000xf32, #tpu.memory_space<hbm>> -> memref<1x10000xf32, #tpu.memory_space<hbm>>
      %dma_wait3A_279 = tpu.memref_squeeze %dma_wait3A_278 : memref<1x10000xf32, #tpu.memory_space<hbm>> -> memref<10000xf32, #tpu.memory_space<hbm>>
      tpu.wait_dma2 semaphore(%run_scoped3A : memref<!tpu.dma_semaphore, #tpu.memory_space<semaphore_mem>>) src(%arg7 : memref<10000xf32, #tpu.memory_space<vmem>>) dst(%dma_wait3A_279 : memref<10000xf32, #tpu.memory_space<hbm>>)
      tpu.yield
    }) : () -> ()
    return
  }
}

#map = affine_map<(d0, d1) -> (0)>
module attributes {stable_mosaic.version = 14 : i64} {
  func.func @body(%arg0: i32, %arg1: i32, %arg2: memref<320000xi32, #tpu.memory_space<hbm>>, %arg3: memref<320000xi32, #tpu.memory_space<hbm>>, %arg4: memref<400000xf32, #tpu.memory_space<hbm>>, %arg5: memref<400000xf32, #tpu.memory_space<hbm>>, %arg6: memref<6553600xf32, #tpu.memory_space<hbm>>, %arg7: memref<6553600xf32, #tpu.memory_space<hbm>>, %arg8: memref<50000xf32, #tpu.memory_space<vmem>>, %arg9: memref<50000xf32, #tpu.memory_space<vmem>>, %arg10: memref<2000xi32, #tpu.memory_space<vmem>>, %arg11: memref<2000xi32, #tpu.memory_space<vmem>>, %arg12: memref<10000xf32, #tpu.memory_space<vmem>>) attributes {dimension_semantics = [#tpu.dimension_semantics<core_parallel>, #tpu.dimension_semantics<subcore_parallel>], iteration_bounds = array<i64: 2, 16>, scalar_prefetch = 0 : i64, scratch_operands = 5 : i64, tpu.core_type = #tpu.core_type<sc_vector_subcore>, window_params = [{transform_indices = #map}, {transform_indices = #map}, {transform_indices = #map}, {transform_indices = #map}, {transform_indices = #map}, {transform_indices = #map}]} {
    %mul3A = arith.constant 16 : i32
    %mul3A_0 = arith.muli %arg0, %mul3A : i32
    %add3A = arith.addi %mul3A_0, %arg1 : i32
    %jit3A = arith.constant 8 : i32
    %eq3A = arith.constant 0 : i32
    %eq3A_1 = arith.cmpi eq, %jit3A, %eq3A : i32
    %jit3A_2 = arith.constant 1 : i32
    %select_n3A = arith.select %eq3A_1, %jit3A_2, %jit3A : i32
    %rem3A = arith.remsi %add3A, %select_n3A : i32
    %ne3A = arith.constant 0 : i32
    %ne3A_3 = arith.cmpi ne, %rem3A, %ne3A : i32
    %lt3A = arith.constant 0 : i32
    %lt3A_4 = arith.cmpi slt, %rem3A, %lt3A : i32
    %lt3A_5 = arith.constant 0 : i32
    %lt3A_6 = arith.cmpi slt, %select_n3A, %lt3A_5 : i32
    %ne3A_7 = arith.xori %lt3A_4, %lt3A_6 : i1
    %and3A = arith.andi %ne3A_7, %ne3A_3 : i1
    %add3A_8 = arith.addi %rem3A, %select_n3A : i32
    %select_n3A_9 = arith.select %and3A, %add3A_8, %rem3A : i32
    %jit3A_10 = arith.constant 8 : i32
    %div3A = arith.divsi %add3A, %jit3A_10 : i32
    %sign3A = arith.constant 0 : i32
    %sign3A_11 = arith.cmpi sgt, %add3A, %sign3A : i32
    %sign3A_12 = arith.extui %sign3A_11 : i1 to i32
    %sign3A_13 = arith.constant 0 : i32
    %sign3A_14 = arith.cmpi slt, %add3A, %sign3A_13 : i32
    %sign3A_15 = arith.extui %sign3A_14 : i1 to i32
    %sign3A_16 = arith.subi %sign3A_12, %sign3A_15 : i32
    %sign3A_17 = arith.constant 0 : i32
    %sign3A_18 = arith.cmpi sgt, %jit3A_10, %sign3A_17 : i32
    %sign3A_19 = arith.extui %sign3A_18 : i1 to i32
    %sign3A_20 = arith.constant 0 : i32
    %sign3A_21 = arith.cmpi slt, %jit3A_10, %sign3A_20 : i32
    %sign3A_22 = arith.extui %sign3A_21 : i1 to i32
    %sign3A_23 = arith.subi %sign3A_19, %sign3A_22 : i32
    %ne3A_24 = arith.cmpi ne, %sign3A_16, %sign3A_23 : i32
    %rem3A_25 = arith.remsi %add3A, %jit3A_10 : i32
    %ne3A_26 = arith.constant 0 : i32
    %ne3A_27 = arith.cmpi ne, %rem3A_25, %ne3A_26 : i32
    %and3A_28 = arith.andi %ne3A_24, %ne3A_27 : i1
    %sub3A = arith.constant 1 : i32
    %sub3A_29 = arith.subi %div3A, %sub3A : i32
    %select_n3A_30 = arith.select %and3A_28, %sub3A_29, %div3A : i32
    %mul3A_31 = arith.constant 5 : i32
    %mul3A_32 = arith.muli %mul3A_31, %select_n3A_9 : i32
    %add3A_33 = arith.constant 0 : i32
    %add3A_34 = arith.addi %mul3A_32, %add3A_33 : i32
    %mul3A_35 = arith.constant 10000 : i32
    %mul3A_36 = arith.muli %add3A_34, %mul3A_35 : i32
    "tpu.region"() ({
      %run_scoped3A = tpu.sem_alloc : memref<!tpu.dma_semaphore, #tpu.memory_space<semaphore_mem>>
      %dma_start3A = arith.constant 0 : i32
      %dma_start3A_106 = tpu.memref_slice %arg8[%dma_start3A] : memref<50000xf32, #tpu.memory_space<vmem>> -> memref<10000xf32, #tpu.memory_space<vmem>>
      %dma_start3A_107 = tpu.memref_slice %arg4[%mul3A_36] : memref<400000xf32, #tpu.memory_space<hbm>> -> memref<10000xf32, #tpu.memory_space<hbm>>
      %dma_start3A_108 = arith.constant 0 : i32
      %dma_start3A_109 = tpu.memref_slice %arg8[%dma_start3A_108] : memref<50000xf32, #tpu.memory_space<vmem>> -> memref<10000xf32, #tpu.memory_space<vmem>>
      %dma_start3A_110 = tpu.memref_slice %arg4[%mul3A_36] : memref<400000xf32, #tpu.memory_space<hbm>> -> memref<10000xf32, #tpu.memory_space<hbm>>
      tpu.enqueue_dma source(%dma_start3A_110 : memref<10000xf32, #tpu.memory_space<hbm>>) target(%dma_start3A_109 : memref<10000xf32, #tpu.memory_space<vmem>>) target_semaphore(%run_scoped3A : memref<!tpu.dma_semaphore, #tpu.memory_space<semaphore_mem>>)
      %dma_wait3A = arith.constant 0 : i32
      %dma_wait3A_111 = tpu.memref_slice %arg8[%dma_wait3A] : memref<50000xf32, #tpu.memory_space<vmem>> -> memref<10000xf32, #tpu.memory_space<vmem>>
      %dma_wait3A_112 = tpu.memref_slice %arg4[%mul3A_36] : memref<400000xf32, #tpu.memory_space<hbm>> -> memref<10000xf32, #tpu.memory_space<hbm>>
      %dma_wait3A_113 = arith.constant 0 : i32
      %dma_wait3A_114 = tpu.memref_slice %arg8[%dma_wait3A_113] : memref<50000xf32, #tpu.memory_space<vmem>> -> memref<10000xf32, #tpu.memory_space<vmem>>
      %dma_wait3A_115 = tpu.memref_slice %arg4[%mul3A_36] : memref<400000xf32, #tpu.memory_space<hbm>> -> memref<10000xf32, #tpu.memory_space<hbm>>
      tpu.wait_dma2 semaphore(%run_scoped3A : memref<!tpu.dma_semaphore, #tpu.memory_space<semaphore_mem>>) src(%dma_wait3A_115 : memref<10000xf32, #tpu.memory_space<hbm>>) dst(%dma_wait3A_114 : memref<10000xf32, #tpu.memory_space<vmem>>)
      tpu.yield
    }) : () -> ()
    %mul3A_37 = arith.constant 5 : i32
    %mul3A_38 = arith.muli %mul3A_37, %select_n3A_9 : i32
    %add3A_39 = arith.constant 0 : i32
    %add3A_40 = arith.addi %mul3A_38, %add3A_39 : i32
    %mul3A_41 = arith.constant 10000 : i32
    %mul3A_42 = arith.muli %add3A_40, %mul3A_41 : i32
    "tpu.region"() ({
      %run_scoped3A = tpu.sem_alloc : memref<!tpu.dma_semaphore, #tpu.memory_space<semaphore_mem>>
      %dma_start3A = arith.constant 0 : i32
      %dma_start3A_106 = tpu.memref_slice %arg9[%dma_start3A] : memref<50000xf32, #tpu.memory_space<vmem>> -> memref<10000xf32, #tpu.memory_space<vmem>>
      %dma_start3A_107 = tpu.memref_slice %arg5[%mul3A_42] : memref<400000xf32, #tpu.memory_space<hbm>> -> memref<10000xf32, #tpu.memory_space<hbm>>
      %dma_start3A_108 = arith.constant 0 : i32
      %dma_start3A_109 = tpu.memref_slice %arg9[%dma_start3A_108] : memref<50000xf32, #tpu.memory_space<vmem>> -> memref<10000xf32, #tpu.memory_space<vmem>>
      %dma_start3A_110 = tpu.memref_slice %arg5[%mul3A_42] : memref<400000xf32, #tpu.memory_space<hbm>> -> memref<10000xf32, #tpu.memory_space<hbm>>
      tpu.enqueue_dma source(%dma_start3A_110 : memref<10000xf32, #tpu.memory_space<hbm>>) target(%dma_start3A_109 : memref<10000xf32, #tpu.memory_space<vmem>>) target_semaphore(%run_scoped3A : memref<!tpu.dma_semaphore, #tpu.memory_space<semaphore_mem>>)
      %dma_wait3A = arith.constant 0 : i32
      %dma_wait3A_111 = tpu.memref_slice %arg9[%dma_wait3A] : memref<50000xf32, #tpu.memory_space<vmem>> -> memref<10000xf32, #tpu.memory_space<vmem>>
      %dma_wait3A_112 = tpu.memref_slice %arg5[%mul3A_42] : memref<400000xf32, #tpu.memory_space<hbm>> -> memref<10000xf32, #tpu.memory_space<hbm>>
      %dma_wait3A_113 = arith.constant 0 : i32
      %dma_wait3A_114 = tpu.memref_slice %arg9[%dma_wait3A_113] : memref<50000xf32, #tpu.memory_space<vmem>> -> memref<10000xf32, #tpu.memory_space<vmem>>
      %dma_wait3A_115 = tpu.memref_slice %arg5[%mul3A_42] : memref<400000xf32, #tpu.memory_space<hbm>> -> memref<10000xf32, #tpu.memory_space<hbm>>
      tpu.wait_dma2 semaphore(%run_scoped3A : memref<!tpu.dma_semaphore, #tpu.memory_space<semaphore_mem>>) src(%dma_wait3A_115 : memref<10000xf32, #tpu.memory_space<hbm>>) dst(%dma_wait3A_114 : memref<10000xf32, #tpu.memory_space<vmem>>)
      tpu.yield
    }) : () -> ()
    %mul3A_43 = arith.constant 5 : i32
    %mul3A_44 = arith.muli %mul3A_43, %select_n3A_9 : i32
    %add3A_45 = arith.constant 1 : i32
    %add3A_46 = arith.addi %mul3A_44, %add3A_45 : i32
    %mul3A_47 = arith.constant 10000 : i32
    %mul3A_48 = arith.muli %add3A_46, %mul3A_47 : i32
    "tpu.region"() ({
      %run_scoped3A = tpu.sem_alloc : memref<!tpu.dma_semaphore, #tpu.memory_space<semaphore_mem>>
      %dma_start3A = arith.constant 10000 : i32
      %dma_start3A_106 = tpu.memref_slice %arg8[%dma_start3A] : memref<50000xf32, #tpu.memory_space<vmem>> -> memref<10000xf32, #tpu.memory_space<vmem>>
      %dma_start3A_107 = tpu.memref_slice %arg4[%mul3A_48] : memref<400000xf32, #tpu.memory_space<hbm>> -> memref<10000xf32, #tpu.memory_space<hbm>>
      %dma_start3A_108 = arith.constant 10000 : i32
      %dma_start3A_109 = tpu.memref_slice %arg8[%dma_start3A_108] : memref<50000xf32, #tpu.memory_space<vmem>> -> memref<10000xf32, #tpu.memory_space<vmem>>
      %dma_start3A_110 = tpu.memref_slice %arg4[%mul3A_48] : memref<400000xf32, #tpu.memory_space<hbm>> -> memref<10000xf32, #tpu.memory_space<hbm>>
      tpu.enqueue_dma source(%dma_start3A_110 : memref<10000xf32, #tpu.memory_space<hbm>>) target(%dma_start3A_109 : memref<10000xf32, #tpu.memory_space<vmem>>) target_semaphore(%run_scoped3A : memref<!tpu.dma_semaphore, #tpu.memory_space<semaphore_mem>>)
      %dma_wait3A = arith.constant 10000 : i32
      %dma_wait3A_111 = tpu.memref_slice %arg8[%dma_wait3A] : memref<50000xf32, #tpu.memory_space<vmem>> -> memref<10000xf32, #tpu.memory_space<vmem>>
      %dma_wait3A_112 = tpu.memref_slice %arg4[%mul3A_48] : memref<400000xf32, #tpu.memory_space<hbm>> -> memref<10000xf32, #tpu.memory_space<hbm>>
      %dma_wait3A_113 = arith.constant 10000 : i32
      %dma_wait3A_114 = tpu.memref_slice %arg8[%dma_wait3A_113] : memref<50000xf32, #tpu.memory_space<vmem>> -> memref<10000xf32, #tpu.memory_space<vmem>>
      %dma_wait3A_115 = tpu.memref_slice %arg4[%mul3A_48] : memref<400000xf32, #tpu.memory_space<hbm>> -> memref<10000xf32, #tpu.memory_space<hbm>>
      tpu.wait_dma2 semaphore(%run_scoped3A : memref<!tpu.dma_semaphore, #tpu.memory_space<semaphore_mem>>) src(%dma_wait3A_115 : memref<10000xf32, #tpu.memory_space<hbm>>) dst(%dma_wait3A_114 : memref<10000xf32, #tpu.memory_space<vmem>>)
      tpu.yield
    }) : () -> ()
    %mul3A_49 = arith.constant 5 : i32
    %mul3A_50 = arith.muli %mul3A_49, %select_n3A_9 : i32
    %add3A_51 = arith.constant 1 : i32
    %add3A_52 = arith.addi %mul3A_50, %add3A_51 : i32
    %mul3A_53 = arith.constant 10000 : i32
    %mul3A_54 = arith.muli %add3A_52, %mul3A_53 : i32
    "tpu.region"() ({
      %run_scoped3A = tpu.sem_alloc : memref<!tpu.dma_semaphore, #tpu.memory_space<semaphore_mem>>
      %dma_start3A = arith.constant 10000 : i32
      %dma_start3A_106 = tpu.memref_slice %arg9[%dma_start3A] : memref<50000xf32, #tpu.memory_space<vmem>> -> memref<10000xf32, #tpu.memory_space<vmem>>
      %dma_start3A_107 = tpu.memref_slice %arg5[%mul3A_54] : memref<400000xf32, #tpu.memory_space<hbm>> -> memref<10000xf32, #tpu.memory_space<hbm>>
      %dma_start3A_108 = arith.constant 10000 : i32
      %dma_start3A_109 = tpu.memref_slice %arg9[%dma_start3A_108] : memref<50000xf32, #tpu.memory_space<vmem>> -> memref<10000xf32, #tpu.memory_space<vmem>>
      %dma_start3A_110 = tpu.memref_slice %arg5[%mul3A_54] : memref<400000xf32, #tpu.memory_space<hbm>> -> memref<10000xf32, #tpu.memory_space<hbm>>
      tpu.enqueue_dma source(%dma_start3A_110 : memref<10000xf32, #tpu.memory_space<hbm>>) target(%dma_start3A_109 : memref<10000xf32, #tpu.memory_space<vmem>>) target_semaphore(%run_scoped3A : memref<!tpu.dma_semaphore, #tpu.memory_space<semaphore_mem>>)
      %dma_wait3A = arith.constant 10000 : i32
      %dma_wait3A_111 = tpu.memref_slice %arg9[%dma_wait3A] : memref<50000xf32, #tpu.memory_space<vmem>> -> memref<10000xf32, #tpu.memory_space<vmem>>
      %dma_wait3A_112 = tpu.memref_slice %arg5[%mul3A_54] : memref<400000xf32, #tpu.memory_space<hbm>> -> memref<10000xf32, #tpu.memory_space<hbm>>
      %dma_wait3A_113 = arith.constant 10000 : i32
      %dma_wait3A_114 = tpu.memref_slice %arg9[%dma_wait3A_113] : memref<50000xf32, #tpu.memory_space<vmem>> -> memref<10000xf32, #tpu.memory_space<vmem>>
      %dma_wait3A_115 = tpu.memref_slice %arg5[%mul3A_54] : memref<400000xf32, #tpu.memory_space<hbm>> -> memref<10000xf32, #tpu.memory_space<hbm>>
      tpu.wait_dma2 semaphore(%run_scoped3A : memref<!tpu.dma_semaphore, #tpu.memory_space<semaphore_mem>>) src(%dma_wait3A_115 : memref<10000xf32, #tpu.memory_space<hbm>>) dst(%dma_wait3A_114 : memref<10000xf32, #tpu.memory_space<vmem>>)
      tpu.yield
    }) : () -> ()
    %mul3A_55 = arith.constant 5 : i32
    %mul3A_56 = arith.muli %mul3A_55, %select_n3A_9 : i32
    %add3A_57 = arith.constant 2 : i32
    %add3A_58 = arith.addi %mul3A_56, %add3A_57 : i32
    %mul3A_59 = arith.constant 10000 : i32
    %mul3A_60 = arith.muli %add3A_58, %mul3A_59 : i32
    "tpu.region"() ({
      %run_scoped3A = tpu.sem_alloc : memref<!tpu.dma_semaphore, #tpu.memory_space<semaphore_mem>>
      %dma_start3A = arith.constant 20000 : i32
      %dma_start3A_106 = tpu.memref_slice %arg8[%dma_start3A] : memref<50000xf32, #tpu.memory_space<vmem>> -> memref<10000xf32, #tpu.memory_space<vmem>>
      %dma_start3A_107 = tpu.memref_slice %arg4[%mul3A_60] : memref<400000xf32, #tpu.memory_space<hbm>> -> memref<10000xf32, #tpu.memory_space<hbm>>
      %dma_start3A_108 = arith.constant 20000 : i32
      %dma_start3A_109 = tpu.memref_slice %arg8[%dma_start3A_108] : memref<50000xf32, #tpu.memory_space<vmem>> -> memref<10000xf32, #tpu.memory_space<vmem>>
      %dma_start3A_110 = tpu.memref_slice %arg4[%mul3A_60] : memref<400000xf32, #tpu.memory_space<hbm>> -> memref<10000xf32, #tpu.memory_space<hbm>>
      tpu.enqueue_dma source(%dma_start3A_110 : memref<10000xf32, #tpu.memory_space<hbm>>) target(%dma_start3A_109 : memref<10000xf32, #tpu.memory_space<vmem>>) target_semaphore(%run_scoped3A : memref<!tpu.dma_semaphore, #tpu.memory_space<semaphore_mem>>)
      %dma_wait3A = arith.constant 20000 : i32
      %dma_wait3A_111 = tpu.memref_slice %arg8[%dma_wait3A] : memref<50000xf32, #tpu.memory_space<vmem>> -> memref<10000xf32, #tpu.memory_space<vmem>>
      %dma_wait3A_112 = tpu.memref_slice %arg4[%mul3A_60] : memref<400000xf32, #tpu.memory_space<hbm>> -> memref<10000xf32, #tpu.memory_space<hbm>>
      %dma_wait3A_113 = arith.constant 20000 : i32
      %dma_wait3A_114 = tpu.memref_slice %arg8[%dma_wait3A_113] : memref<50000xf32, #tpu.memory_space<vmem>> -> memref<10000xf32, #tpu.memory_space<vmem>>
      %dma_wait3A_115 = tpu.memref_slice %arg4[%mul3A_60] : memref<400000xf32, #tpu.memory_space<hbm>> -> memref<10000xf32, #tpu.memory_space<hbm>>
      tpu.wait_dma2 semaphore(%run_scoped3A : memref<!tpu.dma_semaphore, #tpu.memory_space<semaphore_mem>>) src(%dma_wait3A_115 : memref<10000xf32, #tpu.memory_space<hbm>>) dst(%dma_wait3A_114 : memref<10000xf32, #tpu.memory_space<vmem>>)
      tpu.yield
    }) : () -> ()
    %mul3A_61 = arith.constant 5 : i32
    %mul3A_62 = arith.muli %mul3A_61, %select_n3A_9 : i32
    %add3A_63 = arith.constant 2 : i32
    %add3A_64 = arith.addi %mul3A_62, %add3A_63 : i32
    %mul3A_65 = arith.constant 10000 : i32
    %mul3A_66 = arith.muli %add3A_64, %mul3A_65 : i32
    "tpu.region"() ({
      %run_scoped3A = tpu.sem_alloc : memref<!tpu.dma_semaphore, #tpu.memory_space<semaphore_mem>>
      %dma_start3A = arith.constant 20000 : i32
      %dma_start3A_106 = tpu.memref_slice %arg9[%dma_start3A] : memref<50000xf32, #tpu.memory_space<vmem>> -> memref<10000xf32, #tpu.memory_space<vmem>>
      %dma_start3A_107 = tpu.memref_slice %arg5[%mul3A_66] : memref<400000xf32, #tpu.memory_space<hbm>> -> memref<10000xf32, #tpu.memory_space<hbm>>
      %dma_start3A_108 = arith.constant 20000 : i32
      %dma_start3A_109 = tpu.memref_slice %arg9[%dma_start3A_108] : memref<50000xf32, #tpu.memory_space<vmem>> -> memref<10000xf32, #tpu.memory_space<vmem>>
      %dma_start3A_110 = tpu.memref_slice %arg5[%mul3A_66] : memref<400000xf32, #tpu.memory_space<hbm>> -> memref<10000xf32, #tpu.memory_space<hbm>>
      tpu.enqueue_dma source(%dma_start3A_110 : memref<10000xf32, #tpu.memory_space<hbm>>) target(%dma_start3A_109 : memref<10000xf32, #tpu.memory_space<vmem>>) target_semaphore(%run_scoped3A : memref<!tpu.dma_semaphore, #tpu.memory_space<semaphore_mem>>)
      %dma_wait3A = arith.constant 20000 : i32
      %dma_wait3A_111 = tpu.memref_slice %arg9[%dma_wait3A] : memref<50000xf32, #tpu.memory_space<vmem>> -> memref<10000xf32, #tpu.memory_space<vmem>>
      %dma_wait3A_112 = tpu.memref_slice %arg5[%mul3A_66] : memref<400000xf32, #tpu.memory_space<hbm>> -> memref<10000xf32, #tpu.memory_space<hbm>>
      %dma_wait3A_113 = arith.constant 20000 : i32
      %dma_wait3A_114 = tpu.memref_slice %arg9[%dma_wait3A_113] : memref<50000xf32, #tpu.memory_space<vmem>> -> memref<10000xf32, #tpu.memory_space<vmem>>
      %dma_wait3A_115 = tpu.memref_slice %arg5[%mul3A_66] : memref<400000xf32, #tpu.memory_space<hbm>> -> memref<10000xf32, #tpu.memory_space<hbm>>
      tpu.wait_dma2 semaphore(%run_scoped3A : memref<!tpu.dma_semaphore, #tpu.memory_space<semaphore_mem>>) src(%dma_wait3A_115 : memref<10000xf32, #tpu.memory_space<hbm>>) dst(%dma_wait3A_114 : memref<10000xf32, #tpu.memory_space<vmem>>)
      tpu.yield
    }) : () -> ()
    %mul3A_67 = arith.constant 5 : i32
    %mul3A_68 = arith.muli %mul3A_67, %select_n3A_9 : i32
    %add3A_69 = arith.constant 3 : i32
    %add3A_70 = arith.addi %mul3A_68, %add3A_69 : i32
    %mul3A_71 = arith.constant 10000 : i32
    %mul3A_72 = arith.muli %add3A_70, %mul3A_71 : i32
    "tpu.region"() ({
      %run_scoped3A = tpu.sem_alloc : memref<!tpu.dma_semaphore, #tpu.memory_space<semaphore_mem>>
      %dma_start3A = arith.constant 30000 : i32
      %dma_start3A_106 = tpu.memref_slice %arg8[%dma_start3A] : memref<50000xf32, #tpu.memory_space<vmem>> -> memref<10000xf32, #tpu.memory_space<vmem>>
      %dma_start3A_107 = tpu.memref_slice %arg4[%mul3A_72] : memref<400000xf32, #tpu.memory_space<hbm>> -> memref<10000xf32, #tpu.memory_space<hbm>>
      %dma_start3A_108 = arith.constant 30000 : i32
      %dma_start3A_109 = tpu.memref_slice %arg8[%dma_start3A_108] : memref<50000xf32, #tpu.memory_space<vmem>> -> memref<10000xf32, #tpu.memory_space<vmem>>
      %dma_start3A_110 = tpu.memref_slice %arg4[%mul3A_72] : memref<400000xf32, #tpu.memory_space<hbm>> -> memref<10000xf32, #tpu.memory_space<hbm>>
      tpu.enqueue_dma source(%dma_start3A_110 : memref<10000xf32, #tpu.memory_space<hbm>>) target(%dma_start3A_109 : memref<10000xf32, #tpu.memory_space<vmem>>) target_semaphore(%run_scoped3A : memref<!tpu.dma_semaphore, #tpu.memory_space<semaphore_mem>>)
      %dma_wait3A = arith.constant 30000 : i32
      %dma_wait3A_111 = tpu.memref_slice %arg8[%dma_wait3A] : memref<50000xf32, #tpu.memory_space<vmem>> -> memref<10000xf32, #tpu.memory_space<vmem>>
      %dma_wait3A_112 = tpu.memref_slice %arg4[%mul3A_72] : memref<400000xf32, #tpu.memory_space<hbm>> -> memref<10000xf32, #tpu.memory_space<hbm>>
      %dma_wait3A_113 = arith.constant 30000 : i32
      %dma_wait3A_114 = tpu.memref_slice %arg8[%dma_wait3A_113] : memref<50000xf32, #tpu.memory_space<vmem>> -> memref<10000xf32, #tpu.memory_space<vmem>>
      %dma_wait3A_115 = tpu.memref_slice %arg4[%mul3A_72] : memref<400000xf32, #tpu.memory_space<hbm>> -> memref<10000xf32, #tpu.memory_space<hbm>>
      tpu.wait_dma2 semaphore(%run_scoped3A : memref<!tpu.dma_semaphore, #tpu.memory_space<semaphore_mem>>) src(%dma_wait3A_115 : memref<10000xf32, #tpu.memory_space<hbm>>) dst(%dma_wait3A_114 : memref<10000xf32, #tpu.memory_space<vmem>>)
      tpu.yield
    }) : () -> ()
    %mul3A_73 = arith.constant 5 : i32
    %mul3A_74 = arith.muli %mul3A_73, %select_n3A_9 : i32
    %add3A_75 = arith.constant 3 : i32
    %add3A_76 = arith.addi %mul3A_74, %add3A_75 : i32
    %mul3A_77 = arith.constant 10000 : i32
    %mul3A_78 = arith.muli %add3A_76, %mul3A_77 : i32
    "tpu.region"() ({
      %run_scoped3A = tpu.sem_alloc : memref<!tpu.dma_semaphore, #tpu.memory_space<semaphore_mem>>
      %dma_start3A = arith.constant 30000 : i32
      %dma_start3A_106 = tpu.memref_slice %arg9[%dma_start3A] : memref<50000xf32, #tpu.memory_space<vmem>> -> memref<10000xf32, #tpu.memory_space<vmem>>
      %dma_start3A_107 = tpu.memref_slice %arg5[%mul3A_78] : memref<400000xf32, #tpu.memory_space<hbm>> -> memref<10000xf32, #tpu.memory_space<hbm>>
      %dma_start3A_108 = arith.constant 30000 : i32
      %dma_start3A_109 = tpu.memref_slice %arg9[%dma_start3A_108] : memref<50000xf32, #tpu.memory_space<vmem>> -> memref<10000xf32, #tpu.memory_space<vmem>>
      %dma_start3A_110 = tpu.memref_slice %arg5[%mul3A_78] : memref<400000xf32, #tpu.memory_space<hbm>> -> memref<10000xf32, #tpu.memory_space<hbm>>
      tpu.enqueue_dma source(%dma_start3A_110 : memref<10000xf32, #tpu.memory_space<hbm>>) target(%dma_start3A_109 : memref<10000xf32, #tpu.memory_space<vmem>>) target_semaphore(%run_scoped3A : memref<!tpu.dma_semaphore, #tpu.memory_space<semaphore_mem>>)
      %dma_wait3A = arith.constant 30000 : i32
      %dma_wait3A_111 = tpu.memref_slice %arg9[%dma_wait3A] : memref<50000xf32, #tpu.memory_space<vmem>> -> memref<10000xf32, #tpu.memory_space<vmem>>
      %dma_wait3A_112 = tpu.memref_slice %arg5[%mul3A_78] : memref<400000xf32, #tpu.memory_space<hbm>> -> memref<10000xf32, #tpu.memory_space<hbm>>
      %dma_wait3A_113 = arith.constant 30000 : i32
      %dma_wait3A_114 = tpu.memref_slice %arg9[%dma_wait3A_113] : memref<50000xf32, #tpu.memory_space<vmem>> -> memref<10000xf32, #tpu.memory_space<vmem>>
      %dma_wait3A_115 = tpu.memref_slice %arg5[%mul3A_78] : memref<400000xf32, #tpu.memory_space<hbm>> -> memref<10000xf32, #tpu.memory_space<hbm>>
      tpu.wait_dma2 semaphore(%run_scoped3A : memref<!tpu.dma_semaphore, #tpu.memory_space<semaphore_mem>>) src(%dma_wait3A_115 : memref<10000xf32, #tpu.memory_space<hbm>>) dst(%dma_wait3A_114 : memref<10000xf32, #tpu.memory_space<vmem>>)
      tpu.yield
    }) : () -> ()
    %mul3A_79 = arith.constant 5 : i32
    %mul3A_80 = arith.muli %mul3A_79, %select_n3A_9 : i32
    %add3A_81 = arith.constant 4 : i32
    %add3A_82 = arith.addi %mul3A_80, %add3A_81 : i32
    %mul3A_83 = arith.constant 10000 : i32
    %mul3A_84 = arith.muli %add3A_82, %mul3A_83 : i32
    "tpu.region"() ({
      %run_scoped3A = tpu.sem_alloc : memref<!tpu.dma_semaphore, #tpu.memory_space<semaphore_mem>>
      %dma_start3A = arith.constant 40000 : i32
      %dma_start3A_106 = tpu.memref_slice %arg8[%dma_start3A] : memref<50000xf32, #tpu.memory_space<vmem>> -> memref<10000xf32, #tpu.memory_space<vmem>>
      %dma_start3A_107 = tpu.memref_slice %arg4[%mul3A_84] : memref<400000xf32, #tpu.memory_space<hbm>> -> memref<10000xf32, #tpu.memory_space<hbm>>
      %dma_start3A_108 = arith.constant 40000 : i32
      %dma_start3A_109 = tpu.memref_slice %arg8[%dma_start3A_108] : memref<50000xf32, #tpu.memory_space<vmem>> -> memref<10000xf32, #tpu.memory_space<vmem>>
      %dma_start3A_110 = tpu.memref_slice %arg4[%mul3A_84] : memref<400000xf32, #tpu.memory_space<hbm>> -> memref<10000xf32, #tpu.memory_space<hbm>>
      tpu.enqueue_dma source(%dma_start3A_110 : memref<10000xf32, #tpu.memory_space<hbm>>) target(%dma_start3A_109 : memref<10000xf32, #tpu.memory_space<vmem>>) target_semaphore(%run_scoped3A : memref<!tpu.dma_semaphore, #tpu.memory_space<semaphore_mem>>)
      %dma_wait3A = arith.constant 40000 : i32
      %dma_wait3A_111 = tpu.memref_slice %arg8[%dma_wait3A] : memref<50000xf32, #tpu.memory_space<vmem>> -> memref<10000xf32, #tpu.memory_space<vmem>>
      %dma_wait3A_112 = tpu.memref_slice %arg4[%mul3A_84] : memref<400000xf32, #tpu.memory_space<hbm>> -> memref<10000xf32, #tpu.memory_space<hbm>>
      %dma_wait3A_113 = arith.constant 40000 : i32
      %dma_wait3A_114 = tpu.memref_slice %arg8[%dma_wait3A_113] : memref<50000xf32, #tpu.memory_space<vmem>> -> memref<10000xf32, #tpu.memory_space<vmem>>
      %dma_wait3A_115 = tpu.memref_slice %arg4[%mul3A_84] : memref<400000xf32, #tpu.memory_space<hbm>> -> memref<10000xf32, #tpu.memory_space<hbm>>
      tpu.wait_dma2 semaphore(%run_scoped3A : memref<!tpu.dma_semaphore, #tpu.memory_space<semaphore_mem>>) src(%dma_wait3A_115 : memref<10000xf32, #tpu.memory_space<hbm>>) dst(%dma_wait3A_114 : memref<10000xf32, #tpu.memory_space<vmem>>)
      tpu.yield
    }) : () -> ()
    %mul3A_85 = arith.constant 5 : i32
    %mul3A_86 = arith.muli %mul3A_85, %select_n3A_9 : i32
    %add3A_87 = arith.constant 4 : i32
    %add3A_88 = arith.addi %mul3A_86, %add3A_87 : i32
    %mul3A_89 = arith.constant 10000 : i32
    %mul3A_90 = arith.muli %add3A_88, %mul3A_89 : i32
    "tpu.region"() ({
      %run_scoped3A = tpu.sem_alloc : memref<!tpu.dma_semaphore, #tpu.memory_space<semaphore_mem>>
      %dma_start3A = arith.constant 40000 : i32
      %dma_start3A_106 = tpu.memref_slice %arg9[%dma_start3A] : memref<50000xf32, #tpu.memory_space<vmem>> -> memref<10000xf32, #tpu.memory_space<vmem>>
      %dma_start3A_107 = tpu.memref_slice %arg5[%mul3A_90] : memref<400000xf32, #tpu.memory_space<hbm>> -> memref<10000xf32, #tpu.memory_space<hbm>>
      %dma_start3A_108 = arith.constant 40000 : i32
      %dma_start3A_109 = tpu.memref_slice %arg9[%dma_start3A_108] : memref<50000xf32, #tpu.memory_space<vmem>> -> memref<10000xf32, #tpu.memory_space<vmem>>
      %dma_start3A_110 = tpu.memref_slice %arg5[%mul3A_90] : memref<400000xf32, #tpu.memory_space<hbm>> -> memref<10000xf32, #tpu.memory_space<hbm>>
      tpu.enqueue_dma source(%dma_start3A_110 : memref<10000xf32, #tpu.memory_space<hbm>>) target(%dma_start3A_109 : memref<10000xf32, #tpu.memory_space<vmem>>) target_semaphore(%run_scoped3A : memref<!tpu.dma_semaphore, #tpu.memory_space<semaphore_mem>>)
      %dma_wait3A = arith.constant 40000 : i32
      %dma_wait3A_111 = tpu.memref_slice %arg9[%dma_wait3A] : memref<50000xf32, #tpu.memory_space<vmem>> -> memref<10000xf32, #tpu.memory_space<vmem>>
      %dma_wait3A_112 = tpu.memref_slice %arg5[%mul3A_90] : memref<400000xf32, #tpu.memory_space<hbm>> -> memref<10000xf32, #tpu.memory_space<hbm>>
      %dma_wait3A_113 = arith.constant 40000 : i32
      %dma_wait3A_114 = tpu.memref_slice %arg9[%dma_wait3A_113] : memref<50000xf32, #tpu.memory_space<vmem>> -> memref<10000xf32, #tpu.memory_space<vmem>>
      %dma_wait3A_115 = tpu.memref_slice %arg5[%mul3A_90] : memref<400000xf32, #tpu.memory_space<hbm>> -> memref<10000xf32, #tpu.memory_space<hbm>>
      tpu.wait_dma2 semaphore(%run_scoped3A : memref<!tpu.dma_semaphore, #tpu.memory_space<semaphore_mem>>) src(%dma_wait3A_115 : memref<10000xf32, #tpu.memory_space<hbm>>) dst(%dma_wait3A_114 : memref<10000xf32, #tpu.memory_space<vmem>>)
      tpu.yield
    }) : () -> ()
    %add3A_91 = arith.constant 0 : i32
    %add3A_92 = arith.addi %select_n3A_30, %add3A_91 : i32
    %scan3A = arith.constant 0 : i32
    %scan3A_93 = arith.constant 0 : i32
    %scan3A_94 = arith.constant 20 : i32
    %scan3A_95 = arith.addi %scan3A_93, %scan3A_94 : i32
    %scan3A_96 = arith.constant 1 : i32
    scf.for %scan3A_106 = %scan3A_93 to %scan3A_95 step %scan3A_96  : i32 {
      %mul3A_107 = arith.constant 40000 : i32
      %mul3A_108 = arith.muli %add3A_92, %mul3A_107 : i32
      %mul3A_109 = arith.constant 2000 : i32
      %mul3A_110 = arith.muli %scan3A_106, %mul3A_109 : i32
      %add3A_111 = arith.addi %mul3A_108, %mul3A_110 : i32
      "tpu.region"() ({
        %run_scoped3A = tpu.sem_alloc : memref<!tpu.dma_semaphore, #tpu.memory_space<semaphore_mem>>
        %dma_start3A = tpu.memref_slice %arg2[%add3A_111] : memref<320000xi32, #tpu.memory_space<hbm>> -> memref<2000xi32, #tpu.memory_space<hbm>>
        %dma_start3A_121 = tpu.memref_slice %arg2[%add3A_111] : memref<320000xi32, #tpu.memory_space<hbm>> -> memref<2000xi32, #tpu.memory_space<hbm>>
        tpu.enqueue_dma source(%dma_start3A_121 : memref<2000xi32, #tpu.memory_space<hbm>>) target(%arg10 : memref<2000xi32, #tpu.memory_space<vmem>>) target_semaphore(%run_scoped3A : memref<!tpu.dma_semaphore, #tpu.memory_space<semaphore_mem>>)
        %dma_wait3A = tpu.memref_slice %arg2[%add3A_111] : memref<320000xi32, #tpu.memory_space<hbm>> -> memref<2000xi32, #tpu.memory_space<hbm>>
        %dma_wait3A_122 = tpu.memref_slice %arg2[%add3A_111] : memref<320000xi32, #tpu.memory_space<hbm>> -> memref<2000xi32, #tpu.memory_space<hbm>>
        tpu.wait_dma2 semaphore(%run_scoped3A : memref<!tpu.dma_semaphore, #tpu.memory_space<semaphore_mem>>) src(%dma_wait3A_122 : memref<2000xi32, #tpu.memory_space<hbm>>) dst(%arg10 : memref<2000xi32, #tpu.memory_space<vmem>>)
        tpu.yield
      }) : () -> ()
      "tpu.region"() ({
        %run_scoped3A = tpu.sem_alloc : memref<!tpu.dma_semaphore, #tpu.memory_space<semaphore_mem>>
        %dma_start3A = tpu.memref_slice %arg3[%add3A_111] : memref<320000xi32, #tpu.memory_space<hbm>> -> memref<2000xi32, #tpu.memory_space<hbm>>
        %dma_start3A_121 = tpu.memref_slice %arg3[%add3A_111] : memref<320000xi32, #tpu.memory_space<hbm>> -> memref<2000xi32, #tpu.memory_space<hbm>>
        tpu.enqueue_dma source(%dma_start3A_121 : memref<2000xi32, #tpu.memory_space<hbm>>) target(%arg11 : memref<2000xi32, #tpu.memory_space<vmem>>) target_semaphore(%run_scoped3A : memref<!tpu.dma_semaphore, #tpu.memory_space<semaphore_mem>>)
        %dma_wait3A = tpu.memref_slice %arg3[%add3A_111] : memref<320000xi32, #tpu.memory_space<hbm>> -> memref<2000xi32, #tpu.memory_space<hbm>>
        %dma_wait3A_122 = tpu.memref_slice %arg3[%add3A_111] : memref<320000xi32, #tpu.memory_space<hbm>> -> memref<2000xi32, #tpu.memory_space<hbm>>
        tpu.wait_dma2 semaphore(%run_scoped3A : memref<!tpu.dma_semaphore, #tpu.memory_space<semaphore_mem>>) src(%dma_wait3A_122 : memref<2000xi32, #tpu.memory_space<hbm>>) dst(%arg11 : memref<2000xi32, #tpu.memory_space<vmem>>)
        tpu.yield
      }) : () -> ()
      %parallel_loop3A = arith.constant 0 : i32
      %parallel_loop3A_112 = arith.constant 125 : i32
      %parallel_loop3A_113 = arith.constant 1 : i32
      scf.for %parallel_loop3A_121 = %parallel_loop3A to %parallel_loop3A_112 step %parallel_loop3A_113  : i32 {
        %parallel_loop3A_122 = arith.constant 16 : i32
        %parallel_loop3A_123 = arith.muli %parallel_loop3A_121, %parallel_loop3A_122 : i32
        %parallel_loop3A_124 = arith.index_cast %parallel_loop3A_123 : i32 to index
        %parallel_loop3A_125 = tpu.vector_load %arg10[%parallel_loop3A_124] {strides = array<i32>} : memref<2000xi32, #tpu.memory_space<vmem>>, vector<16xi32>,
        %parallel_loop3A_126 = arith.constant 16 : i32
        %parallel_loop3A_127 = arith.muli %parallel_loop3A_121, %parallel_loop3A_126 : i32
        %parallel_loop3A_128 = arith.index_cast %parallel_loop3A_127 : i32 to index
        %parallel_loop3A_129 = tpu.vector_load %arg11[%parallel_loop3A_128] {strides = array<i32>} : memref<2000xi32, #tpu.memory_space<vmem>>, vector<16xi32>,
        %parallel_loop3A_130 = arith.constant 0 : i32
        %parallel_loop3A_131 = vector.broadcast %parallel_loop3A_130 : i32 to vector<16xi32>
        %parallel_loop3A_132 = arith.addi %parallel_loop3A_125, %parallel_loop3A_131 : vector<16xi32>
        %parallel_loop3A_133 = tpu.vector_load_idx %arg8[%parallel_loop3A_132] : memref<50000xf32, #tpu.memory_space<vmem>>[vector<16xi32>], vector<16xf32>,
        %parallel_loop3A_134 = arith.constant 0 : i32
        %parallel_loop3A_135 = vector.broadcast %parallel_loop3A_134 : i32 to vector<16xi32>
        %parallel_loop3A_136 = arith.addi %parallel_loop3A_129, %parallel_loop3A_135 : vector<16xi32>
        %parallel_loop3A_137 = tpu.vector_load_idx %arg9[%parallel_loop3A_136] : memref<50000xf32, #tpu.memory_space<vmem>>[vector<16xi32>], vector<16xf32>,
        %parallel_loop3A_138 = arith.addf %parallel_loop3A_133, %parallel_loop3A_137 : vector<16xf32>
        %parallel_loop3A_139 = arith.constant 16 : i32
        %parallel_loop3A_140 = arith.muli %parallel_loop3A_121, %parallel_loop3A_139 : i32
        %parallel_loop3A_141 = arith.constant 0 : i32
        %parallel_loop3A_142 = arith.addi %parallel_loop3A_141, %parallel_loop3A_140 : i32
        %parallel_loop3A_143 = arith.index_cast %parallel_loop3A_142 : i32 to index
        %parallel_loop3A_144 = tpu.vector_load %arg12[%parallel_loop3A_143] {strides = array<i32>} : memref<10000xf32, #tpu.memory_space<vmem>>, vector<16xf32>,
        tpu.vector_store %arg12[%parallel_loop3A_143], %parallel_loop3A_138 {strides = array<i32>} : memref<10000xf32, #tpu.memory_space<vmem>>, vector<16xf32>,
        %parallel_loop3A_145 = arith.constant 10000 : i32
        %parallel_loop3A_146 = vector.broadcast %parallel_loop3A_145 : i32 to vector<16xi32>
        %parallel_loop3A_147 = arith.addi %parallel_loop3A_125, %parallel_loop3A_146 : vector<16xi32>
        %parallel_loop3A_148 = tpu.vector_load_idx %arg8[%parallel_loop3A_147] : memref<50000xf32, #tpu.memory_space<vmem>>[vector<16xi32>], vector<16xf32>,
        %parallel_loop3A_149 = arith.constant 10000 : i32
        %parallel_loop3A_150 = vector.broadcast %parallel_loop3A_149 : i32 to vector<16xi32>
        %parallel_loop3A_151 = arith.addi %parallel_loop3A_129, %parallel_loop3A_150 : vector<16xi32>
        %parallel_loop3A_152 = tpu.vector_load_idx %arg9[%parallel_loop3A_151] : memref<50000xf32, #tpu.memory_space<vmem>>[vector<16xi32>], vector<16xf32>,
        %parallel_loop3A_153 = arith.addf %parallel_loop3A_148, %parallel_loop3A_152 : vector<16xf32>
        %parallel_loop3A_154 = arith.constant 16 : i32
        %parallel_loop3A_155 = arith.muli %parallel_loop3A_121, %parallel_loop3A_154 : i32
        %parallel_loop3A_156 = arith.constant 2000 : i32
        %parallel_loop3A_157 = arith.addi %parallel_loop3A_156, %parallel_loop3A_155 : i32
        %parallel_loop3A_158 = arith.index_cast %parallel_loop3A_157 : i32 to index
        %parallel_loop3A_159 = tpu.vector_load %arg12[%parallel_loop3A_158] {strides = array<i32>} : memref<10000xf32, #tpu.memory_space<vmem>>, vector<16xf32>,
        tpu.vector_store %arg12[%parallel_loop3A_158], %parallel_loop3A_153 {strides = array<i32>} : memref<10000xf32, #tpu.memory_space<vmem>>, vector<16xf32>,
        %parallel_loop3A_160 = arith.constant 20000 : i32
        %parallel_loop3A_161 = vector.broadcast %parallel_loop3A_160 : i32 to vector<16xi32>
        %parallel_loop3A_162 = arith.addi %parallel_loop3A_125, %parallel_loop3A_161 : vector<16xi32>
        %parallel_loop3A_163 = tpu.vector_load_idx %arg8[%parallel_loop3A_162] : memref<50000xf32, #tpu.memory_space<vmem>>[vector<16xi32>], vector<16xf32>,
        %parallel_loop3A_164 = arith.constant 20000 : i32
        %parallel_loop3A_165 = vector.broadcast %parallel_loop3A_164 : i32 to vector<16xi32>
        %parallel_loop3A_166 = arith.addi %parallel_loop3A_129, %parallel_loop3A_165 : vector<16xi32>
        %parallel_loop3A_167 = tpu.vector_load_idx %arg9[%parallel_loop3A_166] : memref<50000xf32, #tpu.memory_space<vmem>>[vector<16xi32>], vector<16xf32>,
        %parallel_loop3A_168 = arith.addf %parallel_loop3A_163, %parallel_loop3A_167 : vector<16xf32>
        %parallel_loop3A_169 = arith.constant 16 : i32
        %parallel_loop3A_170 = arith.muli %parallel_loop3A_121, %parallel_loop3A_169 : i32
        %parallel_loop3A_171 = arith.constant 4000 : i32
        %parallel_loop3A_172 = arith.addi %parallel_loop3A_171, %parallel_loop3A_170 : i32
        %parallel_loop3A_173 = arith.index_cast %parallel_loop3A_172 : i32 to index
        %parallel_loop3A_174 = tpu.vector_load %arg12[%parallel_loop3A_173] {strides = array<i32>} : memref<10000xf32, #tpu.memory_space<vmem>>, vector<16xf32>,
        tpu.vector_store %arg12[%parallel_loop3A_173], %parallel_loop3A_168 {strides = array<i32>} : memref<10000xf32, #tpu.memory_space<vmem>>, vector<16xf32>,
        %parallel_loop3A_175 = arith.constant 30000 : i32
        %parallel_loop3A_176 = vector.broadcast %parallel_loop3A_175 : i32 to vector<16xi32>
        %parallel_loop3A_177 = arith.addi %parallel_loop3A_125, %parallel_loop3A_176 : vector<16xi32>
        %parallel_loop3A_178 = tpu.vector_load_idx %arg8[%parallel_loop3A_177] : memref<50000xf32, #tpu.memory_space<vmem>>[vector<16xi32>], vector<16xf32>,
        %parallel_loop3A_179 = arith.constant 30000 : i32
        %parallel_loop3A_180 = vector.broadcast %parallel_loop3A_179 : i32 to vector<16xi32>
        %parallel_loop3A_181 = arith.addi %parallel_loop3A_129, %parallel_loop3A_180 : vector<16xi32>
        %parallel_loop3A_182 = tpu.vector_load_idx %arg9[%parallel_loop3A_181] : memref<50000xf32, #tpu.memory_space<vmem>>[vector<16xi32>], vector<16xf32>,
        %parallel_loop3A_183 = arith.addf %parallel_loop3A_178, %parallel_loop3A_182 : vector<16xf32>
        %parallel_loop3A_184 = arith.constant 16 : i32
        %parallel_loop3A_185 = arith.muli %parallel_loop3A_121, %parallel_loop3A_184 : i32
        %parallel_loop3A_186 = arith.constant 6000 : i32
        %parallel_loop3A_187 = arith.addi %parallel_loop3A_186, %parallel_loop3A_185 : i32
        %parallel_loop3A_188 = arith.index_cast %parallel_loop3A_187 : i32 to index
        %parallel_loop3A_189 = tpu.vector_load %arg12[%parallel_loop3A_188] {strides = array<i32>} : memref<10000xf32, #tpu.memory_space<vmem>>, vector<16xf32>,
        tpu.vector_store %arg12[%parallel_loop3A_188], %parallel_loop3A_183 {strides = array<i32>} : memref<10000xf32, #tpu.memory_space<vmem>>, vector<16xf32>,
        %parallel_loop3A_190 = arith.constant 40000 : i32
        %parallel_loop3A_191 = vector.broadcast %parallel_loop3A_190 : i32 to vector<16xi32>
        %parallel_loop3A_192 = arith.addi %parallel_loop3A_125, %parallel_loop3A_191 : vector<16xi32>
        %parallel_loop3A_193 = tpu.vector_load_idx %arg8[%parallel_loop3A_192] : memref<50000xf32, #tpu.memory_space<vmem>>[vector<16xi32>], vector<16xf32>,
        %parallel_loop3A_194 = arith.constant 40000 : i32
        %parallel_loop3A_195 = vector.broadcast %parallel_loop3A_194 : i32 to vector<16xi32>
        %parallel_loop3A_196 = arith.addi %parallel_loop3A_129, %parallel_loop3A_195 : vector<16xi32>
        %parallel_loop3A_197 = tpu.vector_load_idx %arg9[%parallel_loop3A_196] : memref<50000xf32, #tpu.memory_space<vmem>>[vector<16xi32>], vector<16xf32>,
        %parallel_loop3A_198 = arith.addf %parallel_loop3A_193, %parallel_loop3A_197 : vector<16xf32>
        %parallel_loop3A_199 = arith.constant 16 : i32
        %parallel_loop3A_200 = arith.muli %parallel_loop3A_121, %parallel_loop3A_199 : i32
        %parallel_loop3A_201 = arith.constant 8000 : i32
        %parallel_loop3A_202 = arith.addi %parallel_loop3A_201, %parallel_loop3A_200 : i32
        %parallel_loop3A_203 = arith.index_cast %parallel_loop3A_202 : i32 to index
        %parallel_loop3A_204 = tpu.vector_load %arg12[%parallel_loop3A_203] {strides = array<i32>} : memref<10000xf32, #tpu.memory_space<vmem>>, vector<16xf32>,
        tpu.vector_store %arg12[%parallel_loop3A_203], %parallel_loop3A_198 {strides = array<i32>} : memref<10000xf32, #tpu.memory_space<vmem>>, vector<16xf32>,
      } {sc.loop_unroll_factor = 4 : i64, sc.parallel_access}
      %lt3A_114 = arith.constant 4 : i32
      %lt3A_115 = arith.cmpi slt, %select_n3A_9, %lt3A_114 : i32
      %convert_element_type3A = arith.extui %lt3A_115 : i1 to i32
      %cond3A = arith.constant 0 : i32
      %cond3A_116 = arith.cmpi ne, %convert_element_type3A, %cond3A : i32
      scf.if %cond3A_116 {
        %mul3A_121 = arith.constant 5 : i32
        %mul3A_122 = arith.muli %mul3A_121, %select_n3A_9 : i32
        %add3A_123 = arith.constant 0 : i32
        %add3A_124 = arith.addi %mul3A_122, %add3A_123 : i32
        %mul3A_125 = arith.constant 327680 : i32
        %mul3A_126 = arith.muli %add3A_124, %mul3A_125 : i32
        %add3A_127 = arith.addi %mul3A_126, %add3A_111 : i32
        "tpu.region"() ({
          %run_scoped3A = tpu.sem_alloc : memref<!tpu.dma_semaphore, #tpu.memory_space<semaphore_mem>>
          %dma_start3A = arith.constant 0 : i32
          %dma_start3A_156 = tpu.memref_slice %arg12[%dma_start3A] : memref<10000xf32, #tpu.memory_space<vmem>> -> memref<2000xf32, #tpu.memory_space<vmem>>
          %dma_start3A_157 = tpu.memref_slice %arg6[%add3A_127] : memref<6553600xf32, #tpu.memory_space<hbm>> -> memref<2000xf32, #tpu.memory_space<hbm>>
          %dma_start3A_158 = tpu.memref_slice %arg6[%add3A_127] : memref<6553600xf32, #tpu.memory_space<hbm>> -> memref<2000xf32, #tpu.memory_space<hbm>>
          %dma_start3A_159 = arith.constant 0 : i32
          %dma_start3A_160 = tpu.memref_slice %arg12[%dma_start3A_159] : memref<10000xf32, #tpu.memory_space<vmem>> -> memref<2000xf32, #tpu.memory_space<vmem>>
          tpu.enqueue_dma source(%dma_start3A_160 : memref<2000xf32, #tpu.memory_space<vmem>>) target(%dma_start3A_158 : memref<2000xf32, #tpu.memory_space<hbm>>) target_semaphore(%run_scoped3A : memref<!tpu.dma_semaphore, #tpu.memory_space<semaphore_mem>>)
          %dma_wait3A = arith.constant 0 : i32
          %dma_wait3A_161 = tpu.memref_slice %arg12[%dma_wait3A] : memref<10000xf32, #tpu.memory_space<vmem>> -> memref<2000xf32, #tpu.memory_space<vmem>>
          %dma_wait3A_162 = tpu.memref_slice %arg6[%add3A_127] : memref<6553600xf32, #tpu.memory_space<hbm>> -> memref<2000xf32, #tpu.memory_space<hbm>>
          %dma_wait3A_163 = tpu.memref_slice %arg6[%add3A_127] : memref<6553600xf32, #tpu.memory_space<hbm>> -> memref<2000xf32, #tpu.memory_space<hbm>>
          %dma_wait3A_164 = arith.constant 0 : i32
          %dma_wait3A_165 = tpu.memref_slice %arg12[%dma_wait3A_164] : memref<10000xf32, #tpu.memory_space<vmem>> -> memref<2000xf32, #tpu.memory_space<vmem>>
          tpu.wait_dma2 semaphore(%run_scoped3A : memref<!tpu.dma_semaphore, #tpu.memory_space<semaphore_mem>>) src(%dma_wait3A_165 : memref<2000xf32, #tpu.memory_space<vmem>>) dst(%dma_wait3A_163 : memref<2000xf32, #tpu.memory_space<hbm>>)
          tpu.yield
        }) : () -> ()
        %mul3A_128 = arith.constant 5 : i32
        %mul3A_129 = arith.muli %mul3A_128, %select_n3A_9 : i32
        %add3A_130 = arith.constant 1 : i32
        %add3A_131 = arith.addi %mul3A_129, %add3A_130 : i32
        %mul3A_132 = arith.constant 327680 : i32
        %mul3A_133 = arith.muli %add3A_131, %mul3A_132 : i32
        %add3A_134 = arith.addi %mul3A_133, %add3A_111 : i32
        "tpu.region"() ({
          %run_scoped3A = tpu.sem_alloc : memref<!tpu.dma_semaphore, #tpu.memory_space<semaphore_mem>>
          %dma_start3A = arith.constant 2000 : i32
          %dma_start3A_156 = tpu.memref_slice %arg12[%dma_start3A] : memref<10000xf32, #tpu.memory_space<vmem>> -> memref<2000xf32, #tpu.memory_space<vmem>>
          %dma_start3A_157 = tpu.memref_slice %arg6[%add3A_134] : memref<6553600xf32, #tpu.memory_space<hbm>> -> memref<2000xf32, #tpu.memory_space<hbm>>
          %dma_start3A_158 = tpu.memref_slice %arg6[%add3A_134] : memref<6553600xf32, #tpu.memory_space<hbm>> -> memref<2000xf32, #tpu.memory_space<hbm>>
          %dma_start3A_159 = arith.constant 2000 : i32
          %dma_start3A_160 = tpu.memref_slice %arg12[%dma_start3A_159] : memref<10000xf32, #tpu.memory_space<vmem>> -> memref<2000xf32, #tpu.memory_space<vmem>>
          tpu.enqueue_dma source(%dma_start3A_160 : memref<2000xf32, #tpu.memory_space<vmem>>) target(%dma_start3A_158 : memref<2000xf32, #tpu.memory_space<hbm>>) target_semaphore(%run_scoped3A : memref<!tpu.dma_semaphore, #tpu.memory_space<semaphore_mem>>)
          %dma_wait3A = arith.constant 2000 : i32
          %dma_wait3A_161 = tpu.memref_slice %arg12[%dma_wait3A] : memref<10000xf32, #tpu.memory_space<vmem>> -> memref<2000xf32, #tpu.memory_space<vmem>>
          %dma_wait3A_162 = tpu.memref_slice %arg6[%add3A_134] : memref<6553600xf32, #tpu.memory_space<hbm>> -> memref<2000xf32, #tpu.memory_space<hbm>>
          %dma_wait3A_163 = tpu.memref_slice %arg6[%add3A_134] : memref<6553600xf32, #tpu.memory_space<hbm>> -> memref<2000xf32, #tpu.memory_space<hbm>>
          %dma_wait3A_164 = arith.constant 2000 : i32
          %dma_wait3A_165 = tpu.memref_slice %arg12[%dma_wait3A_164] : memref<10000xf32, #tpu.memory_space<vmem>> -> memref<2000xf32, #tpu.memory_space<vmem>>
          tpu.wait_dma2 semaphore(%run_scoped3A : memref<!tpu.dma_semaphore, #tpu.memory_space<semaphore_mem>>) src(%dma_wait3A_165 : memref<2000xf32, #tpu.memory_space<vmem>>) dst(%dma_wait3A_163 : memref<2000xf32, #tpu.memory_space<hbm>>)
          tpu.yield
        }) : () -> ()
        %mul3A_135 = arith.constant 5 : i32
        %mul3A_136 = arith.muli %mul3A_135, %select_n3A_9 : i32
        %add3A_137 = arith.constant 2 : i32
        %add3A_138 = arith.addi %mul3A_136, %add3A_137 : i32
        %mul3A_139 = arith.constant 327680 : i32
        %mul3A_140 = arith.muli %add3A_138, %mul3A_139 : i32
        %add3A_141 = arith.addi %mul3A_140, %add3A_111 : i32
        "tpu.region"() ({
          %run_scoped3A = tpu.sem_alloc : memref<!tpu.dma_semaphore, #tpu.memory_space<semaphore_mem>>
          %dma_start3A = arith.constant 4000 : i32
          %dma_start3A_156 = tpu.memref_slice %arg12[%dma_start3A] : memref<10000xf32, #tpu.memory_space<vmem>> -> memref<2000xf32, #tpu.memory_space<vmem>>
          %dma_start3A_157 = tpu.memref_slice %arg6[%add3A_141] : memref<6553600xf32, #tpu.memory_space<hbm>> -> memref<2000xf32, #tpu.memory_space<hbm>>
          %dma_start3A_158 = tpu.memref_slice %arg6[%add3A_141] : memref<6553600xf32, #tpu.memory_space<hbm>> -> memref<2000xf32, #tpu.memory_space<hbm>>
          %dma_start3A_159 = arith.constant 4000 : i32
          %dma_start3A_160 = tpu.memref_slice %arg12[%dma_start3A_159] : memref<10000xf32, #tpu.memory_space<vmem>> -> memref<2000xf32, #tpu.memory_space<vmem>>
          tpu.enqueue_dma source(%dma_start3A_160 : memref<2000xf32, #tpu.memory_space<vmem>>) target(%dma_start3A_158 : memref<2000xf32, #tpu.memory_space<hbm>>) target_semaphore(%run_scoped3A : memref<!tpu.dma_semaphore, #tpu.memory_space<semaphore_mem>>)
          %dma_wait3A = arith.constant 4000 : i32
          %dma_wait3A_161 = tpu.memref_slice %arg12[%dma_wait3A] : memref<10000xf32, #tpu.memory_space<vmem>> -> memref<2000xf32, #tpu.memory_space<vmem>>
          %dma_wait3A_162 = tpu.memref_slice %arg6[%add3A_141] : memref<6553600xf32, #tpu.memory_space<hbm>> -> memref<2000xf32, #tpu.memory_space<hbm>>
          %dma_wait3A_163 = tpu.memref_slice %arg6[%add3A_141] : memref<6553600xf32, #tpu.memory_space<hbm>> -> memref<2000xf32, #tpu.memory_space<hbm>>
          %dma_wait3A_164 = arith.constant 4000 : i32
          %dma_wait3A_165 = tpu.memref_slice %arg12[%dma_wait3A_164] : memref<10000xf32, #tpu.memory_space<vmem>> -> memref<2000xf32, #tpu.memory_space<vmem>>
          tpu.wait_dma2 semaphore(%run_scoped3A : memref<!tpu.dma_semaphore, #tpu.memory_space<semaphore_mem>>) src(%dma_wait3A_165 : memref<2000xf32, #tpu.memory_space<vmem>>) dst(%dma_wait3A_163 : memref<2000xf32, #tpu.memory_space<hbm>>)
          tpu.yield
        }) : () -> ()
        %mul3A_142 = arith.constant 5 : i32
        %mul3A_143 = arith.muli %mul3A_142, %select_n3A_9 : i32
        %add3A_144 = arith.constant 3 : i32
        %add3A_145 = arith.addi %mul3A_143, %add3A_144 : i32
        %mul3A_146 = arith.constant 327680 : i32
        %mul3A_147 = arith.muli %add3A_145, %mul3A_146 : i32
        %add3A_148 = arith.addi %mul3A_147, %add3A_111 : i32
        "tpu.region"() ({
          %run_scoped3A = tpu.sem_alloc : memref<!tpu.dma_semaphore, #tpu.memory_space<semaphore_mem>>
          %dma_start3A = arith.constant 6000 : i32
          %dma_start3A_156 = tpu.memref_slice %arg12[%dma_start3A] : memref<10000xf32, #tpu.memory_space<vmem>> -> memref<2000xf32, #tpu.memory_space<vmem>>
          %dma_start3A_157 = tpu.memref_slice %arg6[%add3A_148] : memref<6553600xf32, #tpu.memory_space<hbm>> -> memref<2000xf32, #tpu.memory_space<hbm>>
          %dma_start3A_158 = tpu.memref_slice %arg6[%add3A_148] : memref<6553600xf32, #tpu.memory_space<hbm>> -> memref<2000xf32, #tpu.memory_space<hbm>>
          %dma_start3A_159 = arith.constant 6000 : i32
          %dma_start3A_160 = tpu.memref_slice %arg12[%dma_start3A_159] : memref<10000xf32, #tpu.memory_space<vmem>> -> memref<2000xf32, #tpu.memory_space<vmem>>
          tpu.enqueue_dma source(%dma_start3A_160 : memref<2000xf32, #tpu.memory_space<vmem>>) target(%dma_start3A_158 : memref<2000xf32, #tpu.memory_space<hbm>>) target_semaphore(%run_scoped3A : memref<!tpu.dma_semaphore, #tpu.memory_space<semaphore_mem>>)
          %dma_wait3A = arith.constant 6000 : i32
          %dma_wait3A_161 = tpu.memref_slice %arg12[%dma_wait3A] : memref<10000xf32, #tpu.memory_space<vmem>> -> memref<2000xf32, #tpu.memory_space<vmem>>
          %dma_wait3A_162 = tpu.memref_slice %arg6[%add3A_148] : memref<6553600xf32, #tpu.memory_space<hbm>> -> memref<2000xf32, #tpu.memory_space<hbm>>
          %dma_wait3A_163 = tpu.memref_slice %arg6[%add3A_148] : memref<6553600xf32, #tpu.memory_space<hbm>> -> memref<2000xf32, #tpu.memory_space<hbm>>
          %dma_wait3A_164 = arith.constant 6000 : i32
          %dma_wait3A_165 = tpu.memref_slice %arg12[%dma_wait3A_164] : memref<10000xf32, #tpu.memory_space<vmem>> -> memref<2000xf32, #tpu.memory_space<vmem>>
          tpu.wait_dma2 semaphore(%run_scoped3A : memref<!tpu.dma_semaphore, #tpu.memory_space<semaphore_mem>>) src(%dma_wait3A_165 : memref<2000xf32, #tpu.memory_space<vmem>>) dst(%dma_wait3A_163 : memref<2000xf32, #tpu.memory_space<hbm>>)
          tpu.yield
        }) : () -> ()
        %mul3A_149 = arith.constant 5 : i32
        %mul3A_150 = arith.muli %mul3A_149, %select_n3A_9 : i32
        %add3A_151 = arith.constant 4 : i32
        %add3A_152 = arith.addi %mul3A_150, %add3A_151 : i32
        %mul3A_153 = arith.constant 327680 : i32
        %mul3A_154 = arith.muli %add3A_152, %mul3A_153 : i32
        %add3A_155 = arith.addi %mul3A_154, %add3A_111 : i32
        "tpu.region"() ({
          %run_scoped3A = tpu.sem_alloc : memref<!tpu.dma_semaphore, #tpu.memory_space<semaphore_mem>>
          %dma_start3A = arith.constant 8000 : i32
          %dma_start3A_156 = tpu.memref_slice %arg12[%dma_start3A] : memref<10000xf32, #tpu.memory_space<vmem>> -> memref<2000xf32, #tpu.memory_space<vmem>>
          %dma_start3A_157 = tpu.memref_slice %arg6[%add3A_155] : memref<6553600xf32, #tpu.memory_space<hbm>> -> memref<2000xf32, #tpu.memory_space<hbm>>
          %dma_start3A_158 = tpu.memref_slice %arg6[%add3A_155] : memref<6553600xf32, #tpu.memory_space<hbm>> -> memref<2000xf32, #tpu.memory_space<hbm>>
          %dma_start3A_159 = arith.constant 8000 : i32
          %dma_start3A_160 = tpu.memref_slice %arg12[%dma_start3A_159] : memref<10000xf32, #tpu.memory_space<vmem>> -> memref<2000xf32, #tpu.memory_space<vmem>>
          tpu.enqueue_dma source(%dma_start3A_160 : memref<2000xf32, #tpu.memory_space<vmem>>) target(%dma_start3A_158 : memref<2000xf32, #tpu.memory_space<hbm>>) target_semaphore(%run_scoped3A : memref<!tpu.dma_semaphore, #tpu.memory_space<semaphore_mem>>)
          %dma_wait3A = arith.constant 8000 : i32
          %dma_wait3A_161 = tpu.memref_slice %arg12[%dma_wait3A] : memref<10000xf32, #tpu.memory_space<vmem>> -> memref<2000xf32, #tpu.memory_space<vmem>>
          %dma_wait3A_162 = tpu.memref_slice %arg6[%add3A_155] : memref<6553600xf32, #tpu.memory_space<hbm>> -> memref<2000xf32, #tpu.memory_space<hbm>>
          %dma_wait3A_163 = tpu.memref_slice %arg6[%add3A_155] : memref<6553600xf32, #tpu.memory_space<hbm>> -> memref<2000xf32, #tpu.memory_space<hbm>>
          %dma_wait3A_164 = arith.constant 8000 : i32
          %dma_wait3A_165 = tpu.memref_slice %arg12[%dma_wait3A_164] : memref<10000xf32, #tpu.memory_space<vmem>> -> memref<2000xf32, #tpu.memory_space<vmem>>
          tpu.wait_dma2 semaphore(%run_scoped3A : memref<!tpu.dma_semaphore, #tpu.memory_space<semaphore_mem>>) src(%dma_wait3A_165 : memref<2000xf32, #tpu.memory_space<vmem>>) dst(%dma_wait3A_163 : memref<2000xf32, #tpu.memory_space<hbm>>)
          tpu.yield
        }) : () -> ()
      } else {
      }
      %ge3A = arith.constant 4 : i32
      %ge3A_117 = arith.cmpi sge, %select_n3A_9, %ge3A : i32
      %convert_element_type3A_118 = arith.extui %ge3A_117 : i1 to i32
      %cond3A_119 = arith.constant 0 : i32
      %cond3A_120 = arith.cmpi ne, %convert_element_type3A_118, %cond3A_119 : i32
      scf.if %cond3A_120 {
        %mul3A_121 = arith.constant 5 : i32
        %mul3A_122 = arith.muli %mul3A_121, %select_n3A_9 : i32
        %add3A_123 = arith.constant 0 : i32
        %add3A_124 = arith.addi %mul3A_122, %add3A_123 : i32
        %sub3A_125 = arith.constant 20 : i32
        %sub3A_126 = arith.subi %add3A_124, %sub3A_125 : i32
        %mul3A_127 = arith.constant 327680 : i32
        %mul3A_128 = arith.muli %sub3A_126, %mul3A_127 : i32
        %add3A_129 = arith.addi %mul3A_128, %add3A_111 : i32
        "tpu.region"() ({
          %run_scoped3A = tpu.sem_alloc : memref<!tpu.dma_semaphore, #tpu.memory_space<semaphore_mem>>
          %dma_start3A = arith.constant 0 : i32
          %dma_start3A_166 = tpu.memref_slice %arg12[%dma_start3A] : memref<10000xf32, #tpu.memory_space<vmem>> -> memref<2000xf32, #tpu.memory_space<vmem>>
          %dma_start3A_167 = tpu.memref_slice %arg7[%add3A_129] : memref<6553600xf32, #tpu.memory_space<hbm>> -> memref<2000xf32, #tpu.memory_space<hbm>>
          %dma_start3A_168 = tpu.memref_slice %arg7[%add3A_129] : memref<6553600xf32, #tpu.memory_space<hbm>> -> memref<2000xf32, #tpu.memory_space<hbm>>
          %dma_start3A_169 = arith.constant 0 : i32
          %dma_start3A_170 = tpu.memref_slice %arg12[%dma_start3A_169] : memref<10000xf32, #tpu.memory_space<vmem>> -> memref<2000xf32, #tpu.memory_space<vmem>>
          tpu.enqueue_dma source(%dma_start3A_170 : memref<2000xf32, #tpu.memory_space<vmem>>) target(%dma_start3A_168 : memref<2000xf32, #tpu.memory_space<hbm>>) target_semaphore(%run_scoped3A : memref<!tpu.dma_semaphore, #tpu.memory_space<semaphore_mem>>)
          %dma_wait3A = arith.constant 0 : i32
          %dma_wait3A_171 = tpu.memref_slice %arg12[%dma_wait3A] : memref<10000xf32, #tpu.memory_space<vmem>> -> memref<2000xf32, #tpu.memory_space<vmem>>
          %dma_wait3A_172 = tpu.memref_slice %arg7[%add3A_129] : memref<6553600xf32, #tpu.memory_space<hbm>> -> memref<2000xf32, #tpu.memory_space<hbm>>
          %dma_wait3A_173 = tpu.memref_slice %arg7[%add3A_129] : memref<6553600xf32, #tpu.memory_space<hbm>> -> memref<2000xf32, #tpu.memory_space<hbm>>
          %dma_wait3A_174 = arith.constant 0 : i32
          %dma_wait3A_175 = tpu.memref_slice %arg12[%dma_wait3A_174] : memref<10000xf32, #tpu.memory_space<vmem>> -> memref<2000xf32, #tpu.memory_space<vmem>>
          tpu.wait_dma2 semaphore(%run_scoped3A : memref<!tpu.dma_semaphore, #tpu.memory_space<semaphore_mem>>) src(%dma_wait3A_175 : memref<2000xf32, #tpu.memory_space<vmem>>) dst(%dma_wait3A_173 : memref<2000xf32, #tpu.memory_space<hbm>>)
          tpu.yield
        }) : () -> ()
        %mul3A_130 = arith.constant 5 : i32
        %mul3A_131 = arith.muli %mul3A_130, %select_n3A_9 : i32
        %add3A_132 = arith.constant 1 : i32
        %add3A_133 = arith.addi %mul3A_131, %add3A_132 : i32
        %sub3A_134 = arith.constant 20 : i32
        %sub3A_135 = arith.subi %add3A_133, %sub3A_134 : i32
        %mul3A_136 = arith.constant 327680 : i32
        %mul3A_137 = arith.muli %sub3A_135, %mul3A_136 : i32
        %add3A_138 = arith.addi %mul3A_137, %add3A_111 : i32
        "tpu.region"() ({
          %run_scoped3A = tpu.sem_alloc : memref<!tpu.dma_semaphore, #tpu.memory_space<semaphore_mem>>
          %dma_start3A = arith.constant 2000 : i32
          %dma_start3A_166 = tpu.memref_slice %arg12[%dma_start3A] : memref<10000xf32, #tpu.memory_space<vmem>> -> memref<2000xf32, #tpu.memory_space<vmem>>
          %dma_start3A_167 = tpu.memref_slice %arg7[%add3A_138] : memref<6553600xf32, #tpu.memory_space<hbm>> -> memref<2000xf32, #tpu.memory_space<hbm>>
          %dma_start3A_168 = tpu.memref_slice %arg7[%add3A_138] : memref<6553600xf32, #tpu.memory_space<hbm>> -> memref<2000xf32, #tpu.memory_space<hbm>>
          %dma_start3A_169 = arith.constant 2000 : i32
          %dma_start3A_170 = tpu.memref_slice %arg12[%dma_start3A_169] : memref<10000xf32, #tpu.memory_space<vmem>> -> memref<2000xf32, #tpu.memory_space<vmem>>
          tpu.enqueue_dma source(%dma_start3A_170 : memref<2000xf32, #tpu.memory_space<vmem>>) target(%dma_start3A_168 : memref<2000xf32, #tpu.memory_space<hbm>>) target_semaphore(%run_scoped3A : memref<!tpu.dma_semaphore, #tpu.memory_space<semaphore_mem>>)
          %dma_wait3A = arith.constant 2000 : i32
          %dma_wait3A_171 = tpu.memref_slice %arg12[%dma_wait3A] : memref<10000xf32, #tpu.memory_space<vmem>> -> memref<2000xf32, #tpu.memory_space<vmem>>
          %dma_wait3A_172 = tpu.memref_slice %arg7[%add3A_138] : memref<6553600xf32, #tpu.memory_space<hbm>> -> memref<2000xf32, #tpu.memory_space<hbm>>
          %dma_wait3A_173 = tpu.memref_slice %arg7[%add3A_138] : memref<6553600xf32, #tpu.memory_space<hbm>> -> memref<2000xf32, #tpu.memory_space<hbm>>
          %dma_wait3A_174 = arith.constant 2000 : i32
          %dma_wait3A_175 = tpu.memref_slice %arg12[%dma_wait3A_174] : memref<10000xf32, #tpu.memory_space<vmem>> -> memref<2000xf32, #tpu.memory_space<vmem>>
          tpu.wait_dma2 semaphore(%run_scoped3A : memref<!tpu.dma_semaphore, #tpu.memory_space<semaphore_mem>>) src(%dma_wait3A_175 : memref<2000xf32, #tpu.memory_space<vmem>>) dst(%dma_wait3A_173 : memref<2000xf32, #tpu.memory_space<hbm>>)
          tpu.yield
        }) : () -> ()
        %mul3A_139 = arith.constant 5 : i32
        %mul3A_140 = arith.muli %mul3A_139, %select_n3A_9 : i32
        %add3A_141 = arith.constant 2 : i32
        %add3A_142 = arith.addi %mul3A_140, %add3A_141 : i32
        %sub3A_143 = arith.constant 20 : i32
        %sub3A_144 = arith.subi %add3A_142, %sub3A_143 : i32
        %mul3A_145 = arith.constant 327680 : i32
        %mul3A_146 = arith.muli %sub3A_144, %mul3A_145 : i32
        %add3A_147 = arith.addi %mul3A_146, %add3A_111 : i32
        "tpu.region"() ({
          %run_scoped3A = tpu.sem_alloc : memref<!tpu.dma_semaphore, #tpu.memory_space<semaphore_mem>>
          %dma_start3A = arith.constant 4000 : i32
          %dma_start3A_166 = tpu.memref_slice %arg12[%dma_start3A] : memref<10000xf32, #tpu.memory_space<vmem>> -> memref<2000xf32, #tpu.memory_space<vmem>>
          %dma_start3A_167 = tpu.memref_slice %arg7[%add3A_147] : memref<6553600xf32, #tpu.memory_space<hbm>> -> memref<2000xf32, #tpu.memory_space<hbm>>
          %dma_start3A_168 = tpu.memref_slice %arg7[%add3A_147] : memref<6553600xf32, #tpu.memory_space<hbm>> -> memref<2000xf32, #tpu.memory_space<hbm>>
          %dma_start3A_169 = arith.constant 4000 : i32
          %dma_start3A_170 = tpu.memref_slice %arg12[%dma_start3A_169] : memref<10000xf32, #tpu.memory_space<vmem>> -> memref<2000xf32, #tpu.memory_space<vmem>>
          tpu.enqueue_dma source(%dma_start3A_170 : memref<2000xf32, #tpu.memory_space<vmem>>) target(%dma_start3A_168 : memref<2000xf32, #tpu.memory_space<hbm>>) target_semaphore(%run_scoped3A : memref<!tpu.dma_semaphore, #tpu.memory_space<semaphore_mem>>)
          %dma_wait3A = arith.constant 4000 : i32
          %dma_wait3A_171 = tpu.memref_slice %arg12[%dma_wait3A] : memref<10000xf32, #tpu.memory_space<vmem>> -> memref<2000xf32, #tpu.memory_space<vmem>>
          %dma_wait3A_172 = tpu.memref_slice %arg7[%add3A_147] : memref<6553600xf32, #tpu.memory_space<hbm>> -> memref<2000xf32, #tpu.memory_space<hbm>>
          %dma_wait3A_173 = tpu.memref_slice %arg7[%add3A_147] : memref<6553600xf32, #tpu.memory_space<hbm>> -> memref<2000xf32, #tpu.memory_space<hbm>>
          %dma_wait3A_174 = arith.constant 4000 : i32
          %dma_wait3A_175 = tpu.memref_slice %arg12[%dma_wait3A_174] : memref<10000xf32, #tpu.memory_space<vmem>> -> memref<2000xf32, #tpu.memory_space<vmem>>
          tpu.wait_dma2 semaphore(%run_scoped3A : memref<!tpu.dma_semaphore, #tpu.memory_space<semaphore_mem>>) src(%dma_wait3A_175 : memref<2000xf32, #tpu.memory_space<vmem>>) dst(%dma_wait3A_173 : memref<2000xf32, #tpu.memory_space<hbm>>)
          tpu.yield
        }) : () -> ()
        %mul3A_148 = arith.constant 5 : i32
        %mul3A_149 = arith.muli %mul3A_148, %select_n3A_9 : i32
        %add3A_150 = arith.constant 3 : i32
        %add3A_151 = arith.addi %mul3A_149, %add3A_150 : i32
        %sub3A_152 = arith.constant 20 : i32
        %sub3A_153 = arith.subi %add3A_151, %sub3A_152 : i32
        %mul3A_154 = arith.constant 327680 : i32
        %mul3A_155 = arith.muli %sub3A_153, %mul3A_154 : i32
        %add3A_156 = arith.addi %mul3A_155, %add3A_111 : i32
        "tpu.region"() ({
          %run_scoped3A = tpu.sem_alloc : memref<!tpu.dma_semaphore, #tpu.memory_space<semaphore_mem>>
          %dma_start3A = arith.constant 6000 : i32
          %dma_start3A_166 = tpu.memref_slice %arg12[%dma_start3A] : memref<10000xf32, #tpu.memory_space<vmem>> -> memref<2000xf32, #tpu.memory_space<vmem>>
          %dma_start3A_167 = tpu.memref_slice %arg7[%add3A_156] : memref<6553600xf32, #tpu.memory_space<hbm>> -> memref<2000xf32, #tpu.memory_space<hbm>>
          %dma_start3A_168 = tpu.memref_slice %arg7[%add3A_156] : memref<6553600xf32, #tpu.memory_space<hbm>> -> memref<2000xf32, #tpu.memory_space<hbm>>
          %dma_start3A_169 = arith.constant 6000 : i32
          %dma_start3A_170 = tpu.memref_slice %arg12[%dma_start3A_169] : memref<10000xf32, #tpu.memory_space<vmem>> -> memref<2000xf32, #tpu.memory_space<vmem>>
          tpu.enqueue_dma source(%dma_start3A_170 : memref<2000xf32, #tpu.memory_space<vmem>>) target(%dma_start3A_168 : memref<2000xf32, #tpu.memory_space<hbm>>) target_semaphore(%run_scoped3A : memref<!tpu.dma_semaphore, #tpu.memory_space<semaphore_mem>>)
          %dma_wait3A = arith.constant 6000 : i32
          %dma_wait3A_171 = tpu.memref_slice %arg12[%dma_wait3A] : memref<10000xf32, #tpu.memory_space<vmem>> -> memref<2000xf32, #tpu.memory_space<vmem>>
          %dma_wait3A_172 = tpu.memref_slice %arg7[%add3A_156] : memref<6553600xf32, #tpu.memory_space<hbm>> -> memref<2000xf32, #tpu.memory_space<hbm>>
          %dma_wait3A_173 = tpu.memref_slice %arg7[%add3A_156] : memref<6553600xf32, #tpu.memory_space<hbm>> -> memref<2000xf32, #tpu.memory_space<hbm>>
          %dma_wait3A_174 = arith.constant 6000 : i32
          %dma_wait3A_175 = tpu.memref_slice %arg12[%dma_wait3A_174] : memref<10000xf32, #tpu.memory_space<vmem>> -> memref<2000xf32, #tpu.memory_space<vmem>>
          tpu.wait_dma2 semaphore(%run_scoped3A : memref<!tpu.dma_semaphore, #tpu.memory_space<semaphore_mem>>) src(%dma_wait3A_175 : memref<2000xf32, #tpu.memory_space<vmem>>) dst(%dma_wait3A_173 : memref<2000xf32, #tpu.memory_space<hbm>>)
          tpu.yield
        }) : () -> ()
        %mul3A_157 = arith.constant 5 : i32
        %mul3A_158 = arith.muli %mul3A_157, %select_n3A_9 : i32
        %add3A_159 = arith.constant 4 : i32
        %add3A_160 = arith.addi %mul3A_158, %add3A_159 : i32
        %sub3A_161 = arith.constant 20 : i32
        %sub3A_162 = arith.subi %add3A_160, %sub3A_161 : i32
        %mul3A_163 = arith.constant 327680 : i32
        %mul3A_164 = arith.muli %sub3A_162, %mul3A_163 : i32
        %add3A_165 = arith.addi %mul3A_164, %add3A_111 : i32
        "tpu.region"() ({
          %run_scoped3A = tpu.sem_alloc : memref<!tpu.dma_semaphore, #tpu.memory_space<semaphore_mem>>
          %dma_start3A = arith.constant 8000 : i32
          %dma_start3A_166 = tpu.memref_slice %arg12[%dma_start3A] : memref<10000xf32, #tpu.memory_space<vmem>> -> memref<2000xf32, #tpu.memory_space<vmem>>
          %dma_start3A_167 = tpu.memref_slice %arg7[%add3A_165] : memref<6553600xf32, #tpu.memory_space<hbm>> -> memref<2000xf32, #tpu.memory_space<hbm>>
          %dma_start3A_168 = tpu.memref_slice %arg7[%add3A_165] : memref<6553600xf32, #tpu.memory_space<hbm>> -> memref<2000xf32, #tpu.memory_space<hbm>>
          %dma_start3A_169 = arith.constant 8000 : i32
          %dma_start3A_170 = tpu.memref_slice %arg12[%dma_start3A_169] : memref<10000xf32, #tpu.memory_space<vmem>> -> memref<2000xf32, #tpu.memory_space<vmem>>
          tpu.enqueue_dma source(%dma_start3A_170 : memref<2000xf32, #tpu.memory_space<vmem>>) target(%dma_start3A_168 : memref<2000xf32, #tpu.memory_space<hbm>>) target_semaphore(%run_scoped3A : memref<!tpu.dma_semaphore, #tpu.memory_space<semaphore_mem>>)
          %dma_wait3A = arith.constant 8000 : i32
          %dma_wait3A_171 = tpu.memref_slice %arg12[%dma_wait3A] : memref<10000xf32, #tpu.memory_space<vmem>> -> memref<2000xf32, #tpu.memory_space<vmem>>
          %dma_wait3A_172 = tpu.memref_slice %arg7[%add3A_165] : memref<6553600xf32, #tpu.memory_space<hbm>> -> memref<2000xf32, #tpu.memory_space<hbm>>
          %dma_wait3A_173 = tpu.memref_slice %arg7[%add3A_165] : memref<6553600xf32, #tpu.memory_space<hbm>> -> memref<2000xf32, #tpu.memory_space<hbm>>
          %dma_wait3A_174 = arith.constant 8000 : i32
          %dma_wait3A_175 = tpu.memref_slice %arg12[%dma_wait3A_174] : memref<10000xf32, #tpu.memory_space<vmem>> -> memref<2000xf32, #tpu.memory_space<vmem>>
          tpu.wait_dma2 semaphore(%run_scoped3A : memref<!tpu.dma_semaphore, #tpu.memory_space<semaphore_mem>>) src(%dma_wait3A_175 : memref<2000xf32, #tpu.memory_space<vmem>>) dst(%dma_wait3A_173 : memref<2000xf32, #tpu.memory_space<hbm>>)
          tpu.yield
        }) : () -> ()
      } else {
      }
    }
    %scan3A_97 = arith.constant 20 : i32
    %add3A_98 = arith.constant 4 : i32
    %add3A_99 = arith.addi %select_n3A_30, %add3A_98 : i32
    %scan3A_100 = arith.constant 0 : i32
    %scan3A_101 = arith.constant 0 : i32
    %scan3A_102 = arith.constant 20 : i32
    %scan3A_103 = arith.addi %scan3A_101, %scan3A_102 : i32
    %scan3A_104 = arith.constant 1 : i32
    scf.for %scan3A_106 = %scan3A_101 to %scan3A_103 step %scan3A_104  : i32 {
      %mul3A_107 = arith.constant 40000 : i32
      %mul3A_108 = arith.muli %add3A_99, %mul3A_107 : i32
      %mul3A_109 = arith.constant 2000 : i32
      %mul3A_110 = arith.muli %scan3A_106, %mul3A_109 : i32
      %add3A_111 = arith.addi %mul3A_108, %mul3A_110 : i32
      "tpu.region"() ({
        %run_scoped3A = tpu.sem_alloc : memref<!tpu.dma_semaphore, #tpu.memory_space<semaphore_mem>>
        %dma_start3A = tpu.memref_slice %arg2[%add3A_111] : memref<320000xi32, #tpu.memory_space<hbm>> -> memref<2000xi32, #tpu.memory_space<hbm>>
        %dma_start3A_121 = tpu.memref_slice %arg2[%add3A_111] : memref<320000xi32, #tpu.memory_space<hbm>> -> memref<2000xi32, #tpu.memory_space<hbm>>
        tpu.enqueue_dma source(%dma_start3A_121 : memref<2000xi32, #tpu.memory_space<hbm>>) target(%arg10 : memref<2000xi32, #tpu.memory_space<vmem>>) target_semaphore(%run_scoped3A : memref<!tpu.dma_semaphore, #tpu.memory_space<semaphore_mem>>)
        %dma_wait3A = tpu.memref_slice %arg2[%add3A_111] : memref<320000xi32, #tpu.memory_space<hbm>> -> memref<2000xi32, #tpu.memory_space<hbm>>
        %dma_wait3A_122 = tpu.memref_slice %arg2[%add3A_111] : memref<320000xi32, #tpu.memory_space<hbm>> -> memref<2000xi32, #tpu.memory_space<hbm>>
        tpu.wait_dma2 semaphore(%run_scoped3A : memref<!tpu.dma_semaphore, #tpu.memory_space<semaphore_mem>>) src(%dma_wait3A_122 : memref<2000xi32, #tpu.memory_space<hbm>>) dst(%arg10 : memref<2000xi32, #tpu.memory_space<vmem>>)
        tpu.yield
      }) : () -> ()
      "tpu.region"() ({
        %run_scoped3A = tpu.sem_alloc : memref<!tpu.dma_semaphore, #tpu.memory_space<semaphore_mem>>
        %dma_start3A = tpu.memref_slice %arg3[%add3A_111] : memref<320000xi32, #tpu.memory_space<hbm>> -> memref<2000xi32, #tpu.memory_space<hbm>>
        %dma_start3A_121 = tpu.memref_slice %arg3[%add3A_111] : memref<320000xi32, #tpu.memory_space<hbm>> -> memref<2000xi32, #tpu.memory_space<hbm>>
        tpu.enqueue_dma source(%dma_start3A_121 : memref<2000xi32, #tpu.memory_space<hbm>>) target(%arg11 : memref<2000xi32, #tpu.memory_space<vmem>>) target_semaphore(%run_scoped3A : memref<!tpu.dma_semaphore, #tpu.memory_space<semaphore_mem>>)
        %dma_wait3A = tpu.memref_slice %arg3[%add3A_111] : memref<320000xi32, #tpu.memory_space<hbm>> -> memref<2000xi32, #tpu.memory_space<hbm>>
        %dma_wait3A_122 = tpu.memref_slice %arg3[%add3A_111] : memref<320000xi32, #tpu.memory_space<hbm>> -> memref<2000xi32, #tpu.memory_space<hbm>>
        tpu.wait_dma2 semaphore(%run_scoped3A : memref<!tpu.dma_semaphore, #tpu.memory_space<semaphore_mem>>) src(%dma_wait3A_122 : memref<2000xi32, #tpu.memory_space<hbm>>) dst(%arg11 : memref<2000xi32, #tpu.memory_space<vmem>>)
        tpu.yield
      }) : () -> ()
      %parallel_loop3A = arith.constant 0 : i32
      %parallel_loop3A_112 = arith.constant 125 : i32
      %parallel_loop3A_113 = arith.constant 1 : i32
      scf.for %parallel_loop3A_121 = %parallel_loop3A to %parallel_loop3A_112 step %parallel_loop3A_113  : i32 {
        %parallel_loop3A_122 = arith.constant 16 : i32
        %parallel_loop3A_123 = arith.muli %parallel_loop3A_121, %parallel_loop3A_122 : i32
        %parallel_loop3A_124 = arith.index_cast %parallel_loop3A_123 : i32 to index
        %parallel_loop3A_125 = tpu.vector_load %arg10[%parallel_loop3A_124] {strides = array<i32>} : memref<2000xi32, #tpu.memory_space<vmem>>, vector<16xi32>,
        %parallel_loop3A_126 = arith.constant 16 : i32
        %parallel_loop3A_127 = arith.muli %parallel_loop3A_121, %parallel_loop3A_126 : i32
        %parallel_loop3A_128 = arith.index_cast %parallel_loop3A_127 : i32 to index
        %parallel_loop3A_129 = tpu.vector_load %arg11[%parallel_loop3A_128] {strides = array<i32>} : memref<2000xi32, #tpu.memory_space<vmem>>, vector<16xi32>,
        %parallel_loop3A_130 = arith.constant 0 : i32
        %parallel_loop3A_131 = vector.broadcast %parallel_loop3A_130 : i32 to vector<16xi32>
        %parallel_loop3A_132 = arith.addi %parallel_loop3A_125, %parallel_loop3A_131 : vector<16xi32>
        %parallel_loop3A_133 = tpu.vector_load_idx %arg8[%parallel_loop3A_132] : memref<50000xf32, #tpu.memory_space<vmem>>[vector<16xi32>], vector<16xf32>,
        %parallel_loop3A_134 = arith.constant 0 : i32
        %parallel_loop3A_135 = vector.broadcast %parallel_loop3A_134 : i32 to vector<16xi32>
        %parallel_loop3A_136 = arith.addi %parallel_loop3A_129, %parallel_loop3A_135 : vector<16xi32>
        %parallel_loop3A_137 = tpu.vector_load_idx %arg9[%parallel_loop3A_136] : memref<50000xf32, #tpu.memory_space<vmem>>[vector<16xi32>], vector<16xf32>,
        %parallel_loop3A_138 = arith.addf %parallel_loop3A_133, %parallel_loop3A_137 : vector<16xf32>
        %parallel_loop3A_139 = arith.constant 16 : i32
        %parallel_loop3A_140 = arith.muli %parallel_loop3A_121, %parallel_loop3A_139 : i32
        %parallel_loop3A_141 = arith.constant 0 : i32
        %parallel_loop3A_142 = arith.addi %parallel_loop3A_141, %parallel_loop3A_140 : i32
        %parallel_loop3A_143 = arith.index_cast %parallel_loop3A_142 : i32 to index
        %parallel_loop3A_144 = tpu.vector_load %arg12[%parallel_loop3A_143] {strides = array<i32>} : memref<10000xf32, #tpu.memory_space<vmem>>, vector<16xf32>,
        tpu.vector_store %arg12[%parallel_loop3A_143], %parallel_loop3A_138 {strides = array<i32>} : memref<10000xf32, #tpu.memory_space<vmem>>, vector<16xf32>,
        %parallel_loop3A_145 = arith.constant 10000 : i32
        %parallel_loop3A_146 = vector.broadcast %parallel_loop3A_145 : i32 to vector<16xi32>
        %parallel_loop3A_147 = arith.addi %parallel_loop3A_125, %parallel_loop3A_146 : vector<16xi32>
        %parallel_loop3A_148 = tpu.vector_load_idx %arg8[%parallel_loop3A_147] : memref<50000xf32, #tpu.memory_space<vmem>>[vector<16xi32>], vector<16xf32>,
        %parallel_loop3A_149 = arith.constant 10000 : i32
        %parallel_loop3A_150 = vector.broadcast %parallel_loop3A_149 : i32 to vector<16xi32>
        %parallel_loop3A_151 = arith.addi %parallel_loop3A_129, %parallel_loop3A_150 : vector<16xi32>
        %parallel_loop3A_152 = tpu.vector_load_idx %arg9[%parallel_loop3A_151] : memref<50000xf32, #tpu.memory_space<vmem>>[vector<16xi32>], vector<16xf32>,
        %parallel_loop3A_153 = arith.addf %parallel_loop3A_148, %parallel_loop3A_152 : vector<16xf32>
        %parallel_loop3A_154 = arith.constant 16 : i32
        %parallel_loop3A_155 = arith.muli %parallel_loop3A_121, %parallel_loop3A_154 : i32
        %parallel_loop3A_156 = arith.constant 2000 : i32
        %parallel_loop3A_157 = arith.addi %parallel_loop3A_156, %parallel_loop3A_155 : i32
        %parallel_loop3A_158 = arith.index_cast %parallel_loop3A_157 : i32 to index
        %parallel_loop3A_159 = tpu.vector_load %arg12[%parallel_loop3A_158] {strides = array<i32>} : memref<10000xf32, #tpu.memory_space<vmem>>, vector<16xf32>,
        tpu.vector_store %arg12[%parallel_loop3A_158], %parallel_loop3A_153 {strides = array<i32>} : memref<10000xf32, #tpu.memory_space<vmem>>, vector<16xf32>,
        %parallel_loop3A_160 = arith.constant 20000 : i32
        %parallel_loop3A_161 = vector.broadcast %parallel_loop3A_160 : i32 to vector<16xi32>
        %parallel_loop3A_162 = arith.addi %parallel_loop3A_125, %parallel_loop3A_161 : vector<16xi32>
        %parallel_loop3A_163 = tpu.vector_load_idx %arg8[%parallel_loop3A_162] : memref<50000xf32, #tpu.memory_space<vmem>>[vector<16xi32>], vector<16xf32>,
        %parallel_loop3A_164 = arith.constant 20000 : i32
        %parallel_loop3A_165 = vector.broadcast %parallel_loop3A_164 : i32 to vector<16xi32>
        %parallel_loop3A_166 = arith.addi %parallel_loop3A_129, %parallel_loop3A_165 : vector<16xi32>
        %parallel_loop3A_167 = tpu.vector_load_idx %arg9[%parallel_loop3A_166] : memref<50000xf32, #tpu.memory_space<vmem>>[vector<16xi32>], vector<16xf32>,
        %parallel_loop3A_168 = arith.addf %parallel_loop3A_163, %parallel_loop3A_167 : vector<16xf32>
        %parallel_loop3A_169 = arith.constant 16 : i32
        %parallel_loop3A_170 = arith.muli %parallel_loop3A_121, %parallel_loop3A_169 : i32
        %parallel_loop3A_171 = arith.constant 4000 : i32
        %parallel_loop3A_172 = arith.addi %parallel_loop3A_171, %parallel_loop3A_170 : i32
        %parallel_loop3A_173 = arith.index_cast %parallel_loop3A_172 : i32 to index
        %parallel_loop3A_174 = tpu.vector_load %arg12[%parallel_loop3A_173] {strides = array<i32>} : memref<10000xf32, #tpu.memory_space<vmem>>, vector<16xf32>,
        tpu.vector_store %arg12[%parallel_loop3A_173], %parallel_loop3A_168 {strides = array<i32>} : memref<10000xf32, #tpu.memory_space<vmem>>, vector<16xf32>,
        %parallel_loop3A_175 = arith.constant 30000 : i32
        %parallel_loop3A_176 = vector.broadcast %parallel_loop3A_175 : i32 to vector<16xi32>
        %parallel_loop3A_177 = arith.addi %parallel_loop3A_125, %parallel_loop3A_176 : vector<16xi32>
        %parallel_loop3A_178 = tpu.vector_load_idx %arg8[%parallel_loop3A_177] : memref<50000xf32, #tpu.memory_space<vmem>>[vector<16xi32>], vector<16xf32>,
        %parallel_loop3A_179 = arith.constant 30000 : i32
        %parallel_loop3A_180 = vector.broadcast %parallel_loop3A_179 : i32 to vector<16xi32>
        %parallel_loop3A_181 = arith.addi %parallel_loop3A_129, %parallel_loop3A_180 : vector<16xi32>
        %parallel_loop3A_182 = tpu.vector_load_idx %arg9[%parallel_loop3A_181] : memref<50000xf32, #tpu.memory_space<vmem>>[vector<16xi32>], vector<16xf32>,
        %parallel_loop3A_183 = arith.addf %parallel_loop3A_178, %parallel_loop3A_182 : vector<16xf32>
        %parallel_loop3A_184 = arith.constant 16 : i32
        %parallel_loop3A_185 = arith.muli %parallel_loop3A_121, %parallel_loop3A_184 : i32
        %parallel_loop3A_186 = arith.constant 6000 : i32
        %parallel_loop3A_187 = arith.addi %parallel_loop3A_186, %parallel_loop3A_185 : i32
        %parallel_loop3A_188 = arith.index_cast %parallel_loop3A_187 : i32 to index
        %parallel_loop3A_189 = tpu.vector_load %arg12[%parallel_loop3A_188] {strides = array<i32>} : memref<10000xf32, #tpu.memory_space<vmem>>, vector<16xf32>,
        tpu.vector_store %arg12[%parallel_loop3A_188], %parallel_loop3A_183 {strides = array<i32>} : memref<10000xf32, #tpu.memory_space<vmem>>, vector<16xf32>,
        %parallel_loop3A_190 = arith.constant 40000 : i32
        %parallel_loop3A_191 = vector.broadcast %parallel_loop3A_190 : i32 to vector<16xi32>
        %parallel_loop3A_192 = arith.addi %parallel_loop3A_125, %parallel_loop3A_191 : vector<16xi32>
        %parallel_loop3A_193 = tpu.vector_load_idx %arg8[%parallel_loop3A_192] : memref<50000xf32, #tpu.memory_space<vmem>>[vector<16xi32>], vector<16xf32>,
        %parallel_loop3A_194 = arith.constant 40000 : i32
        %parallel_loop3A_195 = vector.broadcast %parallel_loop3A_194 : i32 to vector<16xi32>
        %parallel_loop3A_196 = arith.addi %parallel_loop3A_129, %parallel_loop3A_195 : vector<16xi32>
        %parallel_loop3A_197 = tpu.vector_load_idx %arg9[%parallel_loop3A_196] : memref<50000xf32, #tpu.memory_space<vmem>>[vector<16xi32>], vector<16xf32>,
        %parallel_loop3A_198 = arith.addf %parallel_loop3A_193, %parallel_loop3A_197 : vector<16xf32>
        %parallel_loop3A_199 = arith.constant 16 : i32
        %parallel_loop3A_200 = arith.muli %parallel_loop3A_121, %parallel_loop3A_199 : i32
        %parallel_loop3A_201 = arith.constant 8000 : i32
        %parallel_loop3A_202 = arith.addi %parallel_loop3A_201, %parallel_loop3A_200 : i32
        %parallel_loop3A_203 = arith.index_cast %parallel_loop3A_202 : i32 to index
        %parallel_loop3A_204 = tpu.vector_load %arg12[%parallel_loop3A_203] {strides = array<i32>} : memref<10000xf32, #tpu.memory_space<vmem>>, vector<16xf32>,
        tpu.vector_store %arg12[%parallel_loop3A_203], %parallel_loop3A_198 {strides = array<i32>} : memref<10000xf32, #tpu.memory_space<vmem>>, vector<16xf32>,
      } {sc.loop_unroll_factor = 4 : i64, sc.parallel_access}
      %lt3A_114 = arith.constant 4 : i32
      %lt3A_115 = arith.cmpi slt, %select_n3A_9, %lt3A_114 : i32
      %convert_element_type3A = arith.extui %lt3A_115 : i1 to i32
      %cond3A = arith.constant 0 : i32
      %cond3A_116 = arith.cmpi ne, %convert_element_type3A, %cond3A : i32
      scf.if %cond3A_116 {
        %mul3A_121 = arith.constant 5 : i32
        %mul3A_122 = arith.muli %mul3A_121, %select_n3A_9 : i32
        %add3A_123 = arith.constant 0 : i32
        %add3A_124 = arith.addi %mul3A_122, %add3A_123 : i32
        %mul3A_125 = arith.constant 327680 : i32
        %mul3A_126 = arith.muli %add3A_124, %mul3A_125 : i32
        %add3A_127 = arith.addi %mul3A_126, %add3A_111 : i32
        "tpu.region"() ({
          %run_scoped3A = tpu.sem_alloc : memref<!tpu.dma_semaphore, #tpu.memory_space<semaphore_mem>>
          %dma_start3A = arith.constant 0 : i32
          %dma_start3A_156 = tpu.memref_slice %arg12[%dma_start3A] : memref<10000xf32, #tpu.memory_space<vmem>> -> memref<2000xf32, #tpu.memory_space<vmem>>
          %dma_start3A_157 = tpu.memref_slice %arg6[%add3A_127] : memref<6553600xf32, #tpu.memory_space<hbm>> -> memref<2000xf32, #tpu.memory_space<hbm>>
          %dma_start3A_158 = tpu.memref_slice %arg6[%add3A_127] : memref<6553600xf32, #tpu.memory_space<hbm>> -> memref<2000xf32, #tpu.memory_space<hbm>>
          %dma_start3A_159 = arith.constant 0 : i32
          %dma_start3A_160 = tpu.memref_slice %arg12[%dma_start3A_159] : memref<10000xf32, #tpu.memory_space<vmem>> -> memref<2000xf32, #tpu.memory_space<vmem>>
          tpu.enqueue_dma source(%dma_start3A_160 : memref<2000xf32, #tpu.memory_space<vmem>>) target(%dma_start3A_158 : memref<2000xf32, #tpu.memory_space<hbm>>) target_semaphore(%run_scoped3A : memref<!tpu.dma_semaphore, #tpu.memory_space<semaphore_mem>>)
          %dma_wait3A = arith.constant 0 : i32
          %dma_wait3A_161 = tpu.memref_slice %arg12[%dma_wait3A] : memref<10000xf32, #tpu.memory_space<vmem>> -> memref<2000xf32, #tpu.memory_space<vmem>>
          %dma_wait3A_162 = tpu.memref_slice %arg6[%add3A_127] : memref<6553600xf32, #tpu.memory_space<hbm>> -> memref<2000xf32, #tpu.memory_space<hbm>>
          %dma_wait3A_163 = tpu.memref_slice %arg6[%add3A_127] : memref<6553600xf32, #tpu.memory_space<hbm>> -> memref<2000xf32, #tpu.memory_space<hbm>>
          %dma_wait3A_164 = arith.constant 0 : i32
          %dma_wait3A_165 = tpu.memref_slice %arg12[%dma_wait3A_164] : memref<10000xf32, #tpu.memory_space<vmem>> -> memref<2000xf32, #tpu.memory_space<vmem>>
          tpu.wait_dma2 semaphore(%run_scoped3A : memref<!tpu.dma_semaphore, #tpu.memory_space<semaphore_mem>>) src(%dma_wait3A_165 : memref<2000xf32, #tpu.memory_space<vmem>>) dst(%dma_wait3A_163 : memref<2000xf32, #tpu.memory_space<hbm>>)
          tpu.yield
        }) : () -> ()
        %mul3A_128 = arith.constant 5 : i32
        %mul3A_129 = arith.muli %mul3A_128, %select_n3A_9 : i32
        %add3A_130 = arith.constant 1 : i32
        %add3A_131 = arith.addi %mul3A_129, %add3A_130 : i32
        %mul3A_132 = arith.constant 327680 : i32
        %mul3A_133 = arith.muli %add3A_131, %mul3A_132 : i32
        %add3A_134 = arith.addi %mul3A_133, %add3A_111 : i32
        "tpu.region"() ({
          %run_scoped3A = tpu.sem_alloc : memref<!tpu.dma_semaphore, #tpu.memory_space<semaphore_mem>>
          %dma_start3A = arith.constant 2000 : i32
          %dma_start3A_156 = tpu.memref_slice %arg12[%dma_start3A] : memref<10000xf32, #tpu.memory_space<vmem>> -> memref<2000xf32, #tpu.memory_space<vmem>>
          %dma_start3A_157 = tpu.memref_slice %arg6[%add3A_134] : memref<6553600xf32, #tpu.memory_space<hbm>> -> memref<2000xf32, #tpu.memory_space<hbm>>
          %dma_start3A_158 = tpu.memref_slice %arg6[%add3A_134] : memref<6553600xf32, #tpu.memory_space<hbm>> -> memref<2000xf32, #tpu.memory_space<hbm>>
          %dma_start3A_159 = arith.constant 2000 : i32
          %dma_start3A_160 = tpu.memref_slice %arg12[%dma_start3A_159] : memref<10000xf32, #tpu.memory_space<vmem>> -> memref<2000xf32, #tpu.memory_space<vmem>>
          tpu.enqueue_dma source(%dma_start3A_160 : memref<2000xf32, #tpu.memory_space<vmem>>) target(%dma_start3A_158 : memref<2000xf32, #tpu.memory_space<hbm>>) target_semaphore(%run_scoped3A : memref<!tpu.dma_semaphore, #tpu.memory_space<semaphore_mem>>)
          %dma_wait3A = arith.constant 2000 : i32
          %dma_wait3A_161 = tpu.memref_slice %arg12[%dma_wait3A] : memref<10000xf32, #tpu.memory_space<vmem>> -> memref<2000xf32, #tpu.memory_space<vmem>>
          %dma_wait3A_162 = tpu.memref_slice %arg6[%add3A_134] : memref<6553600xf32, #tpu.memory_space<hbm>> -> memref<2000xf32, #tpu.memory_space<hbm>>
          %dma_wait3A_163 = tpu.memref_slice %arg6[%add3A_134] : memref<6553600xf32, #tpu.memory_space<hbm>> -> memref<2000xf32, #tpu.memory_space<hbm>>
          %dma_wait3A_164 = arith.constant 2000 : i32
          %dma_wait3A_165 = tpu.memref_slice %arg12[%dma_wait3A_164] : memref<10000xf32, #tpu.memory_space<vmem>> -> memref<2000xf32, #tpu.memory_space<vmem>>
          tpu.wait_dma2 semaphore(%run_scoped3A : memref<!tpu.dma_semaphore, #tpu.memory_space<semaphore_mem>>) src(%dma_wait3A_165 : memref<2000xf32, #tpu.memory_space<vmem>>) dst(%dma_wait3A_163 : memref<2000xf32, #tpu.memory_space<hbm>>)
          tpu.yield
        }) : () -> ()
        %mul3A_135 = arith.constant 5 : i32
        %mul3A_136 = arith.muli %mul3A_135, %select_n3A_9 : i32
        %add3A_137 = arith.constant 2 : i32
        %add3A_138 = arith.addi %mul3A_136, %add3A_137 : i32
        %mul3A_139 = arith.constant 327680 : i32
        %mul3A_140 = arith.muli %add3A_138, %mul3A_139 : i32
        %add3A_141 = arith.addi %mul3A_140, %add3A_111 : i32
        "tpu.region"() ({
          %run_scoped3A = tpu.sem_alloc : memref<!tpu.dma_semaphore, #tpu.memory_space<semaphore_mem>>
          %dma_start3A = arith.constant 4000 : i32
          %dma_start3A_156 = tpu.memref_slice %arg12[%dma_start3A] : memref<10000xf32, #tpu.memory_space<vmem>> -> memref<2000xf32, #tpu.memory_space<vmem>>
          %dma_start3A_157 = tpu.memref_slice %arg6[%add3A_141] : memref<6553600xf32, #tpu.memory_space<hbm>> -> memref<2000xf32, #tpu.memory_space<hbm>>
          %dma_start3A_158 = tpu.memref_slice %arg6[%add3A_141] : memref<6553600xf32, #tpu.memory_space<hbm>> -> memref<2000xf32, #tpu.memory_space<hbm>>
          %dma_start3A_159 = arith.constant 4000 : i32
          %dma_start3A_160 = tpu.memref_slice %arg12[%dma_start3A_159] : memref<10000xf32, #tpu.memory_space<vmem>> -> memref<2000xf32, #tpu.memory_space<vmem>>
          tpu.enqueue_dma source(%dma_start3A_160 : memref<2000xf32, #tpu.memory_space<vmem>>) target(%dma_start3A_158 : memref<2000xf32, #tpu.memory_space<hbm>>) target_semaphore(%run_scoped3A : memref<!tpu.dma_semaphore, #tpu.memory_space<semaphore_mem>>)
          %dma_wait3A = arith.constant 4000 : i32
          %dma_wait3A_161 = tpu.memref_slice %arg12[%dma_wait3A] : memref<10000xf32, #tpu.memory_space<vmem>> -> memref<2000xf32, #tpu.memory_space<vmem>>
          %dma_wait3A_162 = tpu.memref_slice %arg6[%add3A_141] : memref<6553600xf32, #tpu.memory_space<hbm>> -> memref<2000xf32, #tpu.memory_space<hbm>>
          %dma_wait3A_163 = tpu.memref_slice %arg6[%add3A_141] : memref<6553600xf32, #tpu.memory_space<hbm>> -> memref<2000xf32, #tpu.memory_space<hbm>>
          %dma_wait3A_164 = arith.constant 4000 : i32
          %dma_wait3A_165 = tpu.memref_slice %arg12[%dma_wait3A_164] : memref<10000xf32, #tpu.memory_space<vmem>> -> memref<2000xf32, #tpu.memory_space<vmem>>
          tpu.wait_dma2 semaphore(%run_scoped3A : memref<!tpu.dma_semaphore, #tpu.memory_space<semaphore_mem>>) src(%dma_wait3A_165 : memref<2000xf32, #tpu.memory_space<vmem>>) dst(%dma_wait3A_163 : memref<2000xf32, #tpu.memory_space<hbm>>)
          tpu.yield
        }) : () -> ()
        %mul3A_142 = arith.constant 5 : i32
        %mul3A_143 = arith.muli %mul3A_142, %select_n3A_9 : i32
        %add3A_144 = arith.constant 3 : i32
        %add3A_145 = arith.addi %mul3A_143, %add3A_144 : i32
        %mul3A_146 = arith.constant 327680 : i32
        %mul3A_147 = arith.muli %add3A_145, %mul3A_146 : i32
        %add3A_148 = arith.addi %mul3A_147, %add3A_111 : i32
        "tpu.region"() ({
          %run_scoped3A = tpu.sem_alloc : memref<!tpu.dma_semaphore, #tpu.memory_space<semaphore_mem>>
          %dma_start3A = arith.constant 6000 : i32
          %dma_start3A_156 = tpu.memref_slice %arg12[%dma_start3A] : memref<10000xf32, #tpu.memory_space<vmem>> -> memref<2000xf32, #tpu.memory_space<vmem>>
          %dma_start3A_157 = tpu.memref_slice %arg6[%add3A_148] : memref<6553600xf32, #tpu.memory_space<hbm>> -> memref<2000xf32, #tpu.memory_space<hbm>>
          %dma_start3A_158 = tpu.memref_slice %arg6[%add3A_148] : memref<6553600xf32, #tpu.memory_space<hbm>> -> memref<2000xf32, #tpu.memory_space<hbm>>
          %dma_start3A_159 = arith.constant 6000 : i32
          %dma_start3A_160 = tpu.memref_slice %arg12[%dma_start3A_159] : memref<10000xf32, #tpu.memory_space<vmem>> -> memref<2000xf32, #tpu.memory_space<vmem>>
          tpu.enqueue_dma source(%dma_start3A_160 : memref<2000xf32, #tpu.memory_space<vmem>>) target(%dma_start3A_158 : memref<2000xf32, #tpu.memory_space<hbm>>) target_semaphore(%run_scoped3A : memref<!tpu.dma_semaphore, #tpu.memory_space<semaphore_mem>>)
          %dma_wait3A = arith.constant 6000 : i32
          %dma_wait3A_161 = tpu.memref_slice %arg12[%dma_wait3A] : memref<10000xf32, #tpu.memory_space<vmem>> -> memref<2000xf32, #tpu.memory_space<vmem>>
          %dma_wait3A_162 = tpu.memref_slice %arg6[%add3A_148] : memref<6553600xf32, #tpu.memory_space<hbm>> -> memref<2000xf32, #tpu.memory_space<hbm>>
          %dma_wait3A_163 = tpu.memref_slice %arg6[%add3A_148] : memref<6553600xf32, #tpu.memory_space<hbm>> -> memref<2000xf32, #tpu.memory_space<hbm>>
          %dma_wait3A_164 = arith.constant 6000 : i32
          %dma_wait3A_165 = tpu.memref_slice %arg12[%dma_wait3A_164] : memref<10000xf32, #tpu.memory_space<vmem>> -> memref<2000xf32, #tpu.memory_space<vmem>>
          tpu.wait_dma2 semaphore(%run_scoped3A : memref<!tpu.dma_semaphore, #tpu.memory_space<semaphore_mem>>) src(%dma_wait3A_165 : memref<2000xf32, #tpu.memory_space<vmem>>) dst(%dma_wait3A_163 : memref<2000xf32, #tpu.memory_space<hbm>>)
          tpu.yield
        }) : () -> ()
        %mul3A_149 = arith.constant 5 : i32
        %mul3A_150 = arith.muli %mul3A_149, %select_n3A_9 : i32
        %add3A_151 = arith.constant 4 : i32
        %add3A_152 = arith.addi %mul3A_150, %add3A_151 : i32
        %mul3A_153 = arith.constant 327680 : i32
        %mul3A_154 = arith.muli %add3A_152, %mul3A_153 : i32
        %add3A_155 = arith.addi %mul3A_154, %add3A_111 : i32
        "tpu.region"() ({
          %run_scoped3A = tpu.sem_alloc : memref<!tpu.dma_semaphore, #tpu.memory_space<semaphore_mem>>
          %dma_start3A = arith.constant 8000 : i32
          %dma_start3A_156 = tpu.memref_slice %arg12[%dma_start3A] : memref<10000xf32, #tpu.memory_space<vmem>> -> memref<2000xf32, #tpu.memory_space<vmem>>
          %dma_start3A_157 = tpu.memref_slice %arg6[%add3A_155] : memref<6553600xf32, #tpu.memory_space<hbm>> -> memref<2000xf32, #tpu.memory_space<hbm>>
          %dma_start3A_158 = tpu.memref_slice %arg6[%add3A_155] : memref<6553600xf32, #tpu.memory_space<hbm>> -> memref<2000xf32, #tpu.memory_space<hbm>>
          %dma_start3A_159 = arith.constant 8000 : i32
          %dma_start3A_160 = tpu.memref_slice %arg12[%dma_start3A_159] : memref<10000xf32, #tpu.memory_space<vmem>> -> memref<2000xf32, #tpu.memory_space<vmem>>
          tpu.enqueue_dma source(%dma_start3A_160 : memref<2000xf32, #tpu.memory_space<vmem>>) target(%dma_start3A_158 : memref<2000xf32, #tpu.memory_space<hbm>>) target_semaphore(%run_scoped3A : memref<!tpu.dma_semaphore, #tpu.memory_space<semaphore_mem>>)
          %dma_wait3A = arith.constant 8000 : i32
          %dma_wait3A_161 = tpu.memref_slice %arg12[%dma_wait3A] : memref<10000xf32, #tpu.memory_space<vmem>> -> memref<2000xf32, #tpu.memory_space<vmem>>
          %dma_wait3A_162 = tpu.memref_slice %arg6[%add3A_155] : memref<6553600xf32, #tpu.memory_space<hbm>> -> memref<2000xf32, #tpu.memory_space<hbm>>
          %dma_wait3A_163 = tpu.memref_slice %arg6[%add3A_155] : memref<6553600xf32, #tpu.memory_space<hbm>> -> memref<2000xf32, #tpu.memory_space<hbm>>
          %dma_wait3A_164 = arith.constant 8000 : i32
          %dma_wait3A_165 = tpu.memref_slice %arg12[%dma_wait3A_164] : memref<10000xf32, #tpu.memory_space<vmem>> -> memref<2000xf32, #tpu.memory_space<vmem>>
          tpu.wait_dma2 semaphore(%run_scoped3A : memref<!tpu.dma_semaphore, #tpu.memory_space<semaphore_mem>>) src(%dma_wait3A_165 : memref<2000xf32, #tpu.memory_space<vmem>>) dst(%dma_wait3A_163 : memref<2000xf32, #tpu.memory_space<hbm>>)
          tpu.yield
        }) : () -> ()
      } else {
      }
      %ge3A = arith.constant 4 : i32
      %ge3A_117 = arith.cmpi sge, %select_n3A_9, %ge3A : i32
      %convert_element_type3A_118 = arith.extui %ge3A_117 : i1 to i32
      %cond3A_119 = arith.constant 0 : i32
      %cond3A_120 = arith.cmpi ne, %convert_element_type3A_118, %cond3A_119 : i32
      scf.if %cond3A_120 {
        %mul3A_121 = arith.constant 5 : i32
        %mul3A_122 = arith.muli %mul3A_121, %select_n3A_9 : i32
        %add3A_123 = arith.constant 0 : i32
        %add3A_124 = arith.addi %mul3A_122, %add3A_123 : i32
        %sub3A_125 = arith.constant 20 : i32
        %sub3A_126 = arith.subi %add3A_124, %sub3A_125 : i32
        %mul3A_127 = arith.constant 327680 : i32
        %mul3A_128 = arith.muli %sub3A_126, %mul3A_127 : i32
        %add3A_129 = arith.addi %mul3A_128, %add3A_111 : i32
        "tpu.region"() ({
          %run_scoped3A = tpu.sem_alloc : memref<!tpu.dma_semaphore, #tpu.memory_space<semaphore_mem>>
          %dma_start3A = arith.constant 0 : i32
          %dma_start3A_166 = tpu.memref_slice %arg12[%dma_start3A] : memref<10000xf32, #tpu.memory_space<vmem>> -> memref<2000xf32, #tpu.memory_space<vmem>>
          %dma_start3A_167 = tpu.memref_slice %arg7[%add3A_129] : memref<6553600xf32, #tpu.memory_space<hbm>> -> memref<2000xf32, #tpu.memory_space<hbm>>
          %dma_start3A_168 = tpu.memref_slice %arg7[%add3A_129] : memref<6553600xf32, #tpu.memory_space<hbm>> -> memref<2000xf32, #tpu.memory_space<hbm>>
          %dma_start3A_169 = arith.constant 0 : i32
          %dma_start3A_170 = tpu.memref_slice %arg12[%dma_start3A_169] : memref<10000xf32, #tpu.memory_space<vmem>> -> memref<2000xf32, #tpu.memory_space<vmem>>
          tpu.enqueue_dma source(%dma_start3A_170 : memref<2000xf32, #tpu.memory_space<vmem>>) target(%dma_start3A_168 : memref<2000xf32, #tpu.memory_space<hbm>>) target_semaphore(%run_scoped3A : memref<!tpu.dma_semaphore, #tpu.memory_space<semaphore_mem>>)
          %dma_wait3A = arith.constant 0 : i32
          %dma_wait3A_171 = tpu.memref_slice %arg12[%dma_wait3A] : memref<10000xf32, #tpu.memory_space<vmem>> -> memref<2000xf32, #tpu.memory_space<vmem>>
          %dma_wait3A_172 = tpu.memref_slice %arg7[%add3A_129] : memref<6553600xf32, #tpu.memory_space<hbm>> -> memref<2000xf32, #tpu.memory_space<hbm>>
          %dma_wait3A_173 = tpu.memref_slice %arg7[%add3A_129] : memref<6553600xf32, #tpu.memory_space<hbm>> -> memref<2000xf32, #tpu.memory_space<hbm>>
          %dma_wait3A_174 = arith.constant 0 : i32
          %dma_wait3A_175 = tpu.memref_slice %arg12[%dma_wait3A_174] : memref<10000xf32, #tpu.memory_space<vmem>> -> memref<2000xf32, #tpu.memory_space<vmem>>
          tpu.wait_dma2 semaphore(%run_scoped3A : memref<!tpu.dma_semaphore, #tpu.memory_space<semaphore_mem>>) src(%dma_wait3A_175 : memref<2000xf32, #tpu.memory_space<vmem>>) dst(%dma_wait3A_173 : memref<2000xf32, #tpu.memory_space<hbm>>)
          tpu.yield
        }) : () -> ()
        %mul3A_130 = arith.constant 5 : i32
        %mul3A_131 = arith.muli %mul3A_130, %select_n3A_9 : i32
        %add3A_132 = arith.constant 1 : i32
        %add3A_133 = arith.addi %mul3A_131, %add3A_132 : i32
        %sub3A_134 = arith.constant 20 : i32
        %sub3A_135 = arith.subi %add3A_133, %sub3A_134 : i32
        %mul3A_136 = arith.constant 327680 : i32
        %mul3A_137 = arith.muli %sub3A_135, %mul3A_136 : i32
        %add3A_138 = arith.addi %mul3A_137, %add3A_111 : i32
        "tpu.region"() ({
          %run_scoped3A = tpu.sem_alloc : memref<!tpu.dma_semaphore, #tpu.memory_space<semaphore_mem>>
          %dma_start3A = arith.constant 2000 : i32
          %dma_start3A_166 = tpu.memref_slice %arg12[%dma_start3A] : memref<10000xf32, #tpu.memory_space<vmem>> -> memref<2000xf32, #tpu.memory_space<vmem>>
          %dma_start3A_167 = tpu.memref_slice %arg7[%add3A_138] : memref<6553600xf32, #tpu.memory_space<hbm>> -> memref<2000xf32, #tpu.memory_space<hbm>>
          %dma_start3A_168 = tpu.memref_slice %arg7[%add3A_138] : memref<6553600xf32, #tpu.memory_space<hbm>> -> memref<2000xf32, #tpu.memory_space<hbm>>
          %dma_start3A_169 = arith.constant 2000 : i32
          %dma_start3A_170 = tpu.memref_slice %arg12[%dma_start3A_169] : memref<10000xf32, #tpu.memory_space<vmem>> -> memref<2000xf32, #tpu.memory_space<vmem>>
          tpu.enqueue_dma source(%dma_start3A_170 : memref<2000xf32, #tpu.memory_space<vmem>>) target(%dma_start3A_168 : memref<2000xf32, #tpu.memory_space<hbm>>) target_semaphore(%run_scoped3A : memref<!tpu.dma_semaphore, #tpu.memory_space<semaphore_mem>>)
          %dma_wait3A = arith.constant 2000 : i32
          %dma_wait3A_171 = tpu.memref_slice %arg12[%dma_wait3A] : memref<10000xf32, #tpu.memory_space<vmem>> -> memref<2000xf32, #tpu.memory_space<vmem>>
          %dma_wait3A_172 = tpu.memref_slice %arg7[%add3A_138] : memref<6553600xf32, #tpu.memory_space<hbm>> -> memref<2000xf32, #tpu.memory_space<hbm>>
          %dma_wait3A_173 = tpu.memref_slice %arg7[%add3A_138] : memref<6553600xf32, #tpu.memory_space<hbm>> -> memref<2000xf32, #tpu.memory_space<hbm>>
          %dma_wait3A_174 = arith.constant 2000 : i32
          %dma_wait3A_175 = tpu.memref_slice %arg12[%dma_wait3A_174] : memref<10000xf32, #tpu.memory_space<vmem>> -> memref<2000xf32, #tpu.memory_space<vmem>>
          tpu.wait_dma2 semaphore(%run_scoped3A : memref<!tpu.dma_semaphore, #tpu.memory_space<semaphore_mem>>) src(%dma_wait3A_175 : memref<2000xf32, #tpu.memory_space<vmem>>) dst(%dma_wait3A_173 : memref<2000xf32, #tpu.memory_space<hbm>>)
          tpu.yield
        }) : () -> ()
        %mul3A_139 = arith.constant 5 : i32
        %mul3A_140 = arith.muli %mul3A_139, %select_n3A_9 : i32
        %add3A_141 = arith.constant 2 : i32
        %add3A_142 = arith.addi %mul3A_140, %add3A_141 : i32
        %sub3A_143 = arith.constant 20 : i32
        %sub3A_144 = arith.subi %add3A_142, %sub3A_143 : i32
        %mul3A_145 = arith.constant 327680 : i32
        %mul3A_146 = arith.muli %sub3A_144, %mul3A_145 : i32
        %add3A_147 = arith.addi %mul3A_146, %add3A_111 : i32
        "tpu.region"() ({
          %run_scoped3A = tpu.sem_alloc : memref<!tpu.dma_semaphore, #tpu.memory_space<semaphore_mem>>
          %dma_start3A = arith.constant 4000 : i32
          %dma_start3A_166 = tpu.memref_slice %arg12[%dma_start3A] : memref<10000xf32, #tpu.memory_space<vmem>> -> memref<2000xf32, #tpu.memory_space<vmem>>
          %dma_start3A_167 = tpu.memref_slice %arg7[%add3A_147] : memref<6553600xf32, #tpu.memory_space<hbm>> -> memref<2000xf32, #tpu.memory_space<hbm>>
          %dma_start3A_168 = tpu.memref_slice %arg7[%add3A_147] : memref<6553600xf32, #tpu.memory_space<hbm>> -> memref<2000xf32, #tpu.memory_space<hbm>>
          %dma_start3A_169 = arith.constant 4000 : i32
          %dma_start3A_170 = tpu.memref_slice %arg12[%dma_start3A_169] : memref<10000xf32, #tpu.memory_space<vmem>> -> memref<2000xf32, #tpu.memory_space<vmem>>
          tpu.enqueue_dma source(%dma_start3A_170 : memref<2000xf32, #tpu.memory_space<vmem>>) target(%dma_start3A_168 : memref<2000xf32, #tpu.memory_space<hbm>>) target_semaphore(%run_scoped3A : memref<!tpu.dma_semaphore, #tpu.memory_space<semaphore_mem>>)
          %dma_wait3A = arith.constant 4000 : i32
          %dma_wait3A_171 = tpu.memref_slice %arg12[%dma_wait3A] : memref<10000xf32, #tpu.memory_space<vmem>> -> memref<2000xf32, #tpu.memory_space<vmem>>
          %dma_wait3A_172 = tpu.memref_slice %arg7[%add3A_147] : memref<6553600xf32, #tpu.memory_space<hbm>> -> memref<2000xf32, #tpu.memory_space<hbm>>
          %dma_wait3A_173 = tpu.memref_slice %arg7[%add3A_147] : memref<6553600xf32, #tpu.memory_space<hbm>> -> memref<2000xf32, #tpu.memory_space<hbm>>
          %dma_wait3A_174 = arith.constant 4000 : i32
          %dma_wait3A_175 = tpu.memref_slice %arg12[%dma_wait3A_174] : memref<10000xf32, #tpu.memory_space<vmem>> -> memref<2000xf32, #tpu.memory_space<vmem>>
          tpu.wait_dma2 semaphore(%run_scoped3A : memref<!tpu.dma_semaphore, #tpu.memory_space<semaphore_mem>>) src(%dma_wait3A_175 : memref<2000xf32, #tpu.memory_space<vmem>>) dst(%dma_wait3A_173 : memref<2000xf32, #tpu.memory_space<hbm>>)
          tpu.yield
        }) : () -> ()
        %mul3A_148 = arith.constant 5 : i32
        %mul3A_149 = arith.muli %mul3A_148, %select_n3A_9 : i32
        %add3A_150 = arith.constant 3 : i32
        %add3A_151 = arith.addi %mul3A_149, %add3A_150 : i32
        %sub3A_152 = arith.constant 20 : i32
        %sub3A_153 = arith.subi %add3A_151, %sub3A_152 : i32
        %mul3A_154 = arith.constant 327680 : i32
        %mul3A_155 = arith.muli %sub3A_153, %mul3A_154 : i32
        %add3A_156 = arith.addi %mul3A_155, %add3A_111 : i32
        "tpu.region"() ({
          %run_scoped3A = tpu.sem_alloc : memref<!tpu.dma_semaphore, #tpu.memory_space<semaphore_mem>>
          %dma_start3A = arith.constant 6000 : i32
          %dma_start3A_166 = tpu.memref_slice %arg12[%dma_start3A] : memref<10000xf32, #tpu.memory_space<vmem>> -> memref<2000xf32, #tpu.memory_space<vmem>>
          %dma_start3A_167 = tpu.memref_slice %arg7[%add3A_156] : memref<6553600xf32, #tpu.memory_space<hbm>> -> memref<2000xf32, #tpu.memory_space<hbm>>
          %dma_start3A_168 = tpu.memref_slice %arg7[%add3A_156] : memref<6553600xf32, #tpu.memory_space<hbm>> -> memref<2000xf32, #tpu.memory_space<hbm>>
          %dma_start3A_169 = arith.constant 6000 : i32
          %dma_start3A_170 = tpu.memref_slice %arg12[%dma_start3A_169] : memref<10000xf32, #tpu.memory_space<vmem>> -> memref<2000xf32, #tpu.memory_space<vmem>>
          tpu.enqueue_dma source(%dma_start3A_170 : memref<2000xf32, #tpu.memory_space<vmem>>) target(%dma_start3A_168 : memref<2000xf32, #tpu.memory_space<hbm>>) target_semaphore(%run_scoped3A : memref<!tpu.dma_semaphore, #tpu.memory_space<semaphore_mem>>)
          %dma_wait3A = arith.constant 6000 : i32
          %dma_wait3A_171 = tpu.memref_slice %arg12[%dma_wait3A] : memref<10000xf32, #tpu.memory_space<vmem>> -> memref<2000xf32, #tpu.memory_space<vmem>>
          %dma_wait3A_172 = tpu.memref_slice %arg7[%add3A_156] : memref<6553600xf32, #tpu.memory_space<hbm>> -> memref<2000xf32, #tpu.memory_space<hbm>>
          %dma_wait3A_173 = tpu.memref_slice %arg7[%add3A_156] : memref<6553600xf32, #tpu.memory_space<hbm>> -> memref<2000xf32, #tpu.memory_space<hbm>>
          %dma_wait3A_174 = arith.constant 6000 : i32
          %dma_wait3A_175 = tpu.memref_slice %arg12[%dma_wait3A_174] : memref<10000xf32, #tpu.memory_space<vmem>> -> memref<2000xf32, #tpu.memory_space<vmem>>
          tpu.wait_dma2 semaphore(%run_scoped3A : memref<!tpu.dma_semaphore, #tpu.memory_space<semaphore_mem>>) src(%dma_wait3A_175 : memref<2000xf32, #tpu.memory_space<vmem>>) dst(%dma_wait3A_173 : memref<2000xf32, #tpu.memory_space<hbm>>)
          tpu.yield
        }) : () -> ()
        %mul3A_157 = arith.constant 5 : i32
        %mul3A_158 = arith.muli %mul3A_157, %select_n3A_9 : i32
        %add3A_159 = arith.constant 4 : i32
        %add3A_160 = arith.addi %mul3A_158, %add3A_159 : i32
        %sub3A_161 = arith.constant 20 : i32
        %sub3A_162 = arith.subi %add3A_160, %sub3A_161 : i32
        %mul3A_163 = arith.constant 327680 : i32
        %mul3A_164 = arith.muli %sub3A_162, %mul3A_163 : i32
        %add3A_165 = arith.addi %mul3A_164, %add3A_111 : i32
        "tpu.region"() ({
          %run_scoped3A = tpu.sem_alloc : memref<!tpu.dma_semaphore, #tpu.memory_space<semaphore_mem>>
          %dma_start3A = arith.constant 8000 : i32
          %dma_start3A_166 = tpu.memref_slice %arg12[%dma_start3A] : memref<10000xf32, #tpu.memory_space<vmem>> -> memref<2000xf32, #tpu.memory_space<vmem>>
          %dma_start3A_167 = tpu.memref_slice %arg7[%add3A_165] : memref<6553600xf32, #tpu.memory_space<hbm>> -> memref<2000xf32, #tpu.memory_space<hbm>>
          %dma_start3A_168 = tpu.memref_slice %arg7[%add3A_165] : memref<6553600xf32, #tpu.memory_space<hbm>> -> memref<2000xf32, #tpu.memory_space<hbm>>
          %dma_start3A_169 = arith.constant 8000 : i32
          %dma_start3A_170 = tpu.memref_slice %arg12[%dma_start3A_169] : memref<10000xf32, #tpu.memory_space<vmem>> -> memref<2000xf32, #tpu.memory_space<vmem>>
          tpu.enqueue_dma source(%dma_start3A_170 : memref<2000xf32, #tpu.memory_space<vmem>>) target(%dma_start3A_168 : memref<2000xf32, #tpu.memory_space<hbm>>) target_semaphore(%run_scoped3A : memref<!tpu.dma_semaphore, #tpu.memory_space<semaphore_mem>>)
          %dma_wait3A = arith.constant 8000 : i32
          %dma_wait3A_171 = tpu.memref_slice %arg12[%dma_wait3A] : memref<10000xf32, #tpu.memory_space<vmem>> -> memref<2000xf32, #tpu.memory_space<vmem>>
          %dma_wait3A_172 = tpu.memref_slice %arg7[%add3A_165] : memref<6553600xf32, #tpu.memory_space<hbm>> -> memref<2000xf32, #tpu.memory_space<hbm>>
          %dma_wait3A_173 = tpu.memref_slice %arg7[%add3A_165] : memref<6553600xf32, #tpu.memory_space<hbm>> -> memref<2000xf32, #tpu.memory_space<hbm>>
          %dma_wait3A_174 = arith.constant 8000 : i32
          %dma_wait3A_175 = tpu.memref_slice %arg12[%dma_wait3A_174] : memref<10000xf32, #tpu.memory_space<vmem>> -> memref<2000xf32, #tpu.memory_space<vmem>>
          tpu.wait_dma2 semaphore(%run_scoped3A : memref<!tpu.dma_semaphore, #tpu.memory_space<semaphore_mem>>) src(%dma_wait3A_175 : memref<2000xf32, #tpu.memory_space<vmem>>) dst(%dma_wait3A_173 : memref<2000xf32, #tpu.memory_space<hbm>>)
          tpu.yield
        }) : () -> ()
      } else {
      }
    }
    %scan3A_105 = arith.constant 20 : i32
    return
  }
}

#map = affine_map<(d0, d1) -> (0)>
#map1 = affine_map<(d0, d1) -> (0, 0)>
module attributes {stable_mosaic.version = 14 : i64} {
  func.func @body(%arg0: i32, %arg1: i32, %arg2: memref<320000xi32, #tpu.memory_space<hbm>>, %arg3: memref<32x10000xf32, #tpu.memory_space<hbm>>, %arg4: memref<10000xi32, #tpu.memory_space<vmem>>, %arg5: memref<10000xf32, #tpu.memory_space<vmem>>) attributes {dimension_semantics = [#tpu.dimension_semantics<core_parallel>, #tpu.dimension_semantics<subcore_parallel>], iteration_bounds = array<i64: 2, 16>, scalar_prefetch = 0 : i64, scratch_operands = 2 : i64, tpu.core_type = #tpu.core_type<sc_vector_subcore>, window_params = [{transform_indices = #map}, {transform_indices = #map1}]} {
    %mul3A = arith.constant 16 : i32
    %mul3A_0 = arith.muli %arg0, %mul3A : i32
    %add3A = arith.addi %mul3A_0, %arg1 : i32
    %scan3A = arith.constant 0 : i32
    %scan3A_1 = arith.constant 0 : i32
    %scan3A_2 = arith.constant 625 : i32
    %scan3A_3 = arith.addi %scan3A_1, %scan3A_2 : i32
    %scan3A_4 = arith.constant 1 : i32
    scf.for %scan3A_11 = %scan3A_1 to %scan3A_3 step %scan3A_4  : i32 {
      %broadcast_in_dim3A_12 = arith.constant 0.000000e+00 : f32
      %broadcast_in_dim3A_13 = vector.broadcast %broadcast_in_dim3A_12 : f32 to vector<16xf32>
      %mul3A_14 = arith.constant 16 : i32
      %mul3A_15 = arith.muli %scan3A_11, %mul3A_14 : i32
      %swap3A = arith.index_cast %mul3A_15 : i32 to index
      %swap3A_16 = tpu.vector_load %arg5[%swap3A] {strides = array<i32>} : memref<10000xf32, #tpu.memory_space<vmem>>, vector<16xf32>,
      tpu.vector_store %arg5[%swap3A], %broadcast_in_dim3A_13 {strides = array<i32>} : memref<10000xf32, #tpu.memory_space<vmem>>, vector<16xf32>,
    }
    %scan3A_5 = arith.constant 625 : i32
    %mul3A_6 = arith.constant 10000 : i32
    %mul3A_7 = arith.muli %add3A, %mul3A_6 : i32
    "tpu.region"() ({
      %run_scoped3A = tpu.sem_alloc : memref<!tpu.dma_semaphore, #tpu.memory_space<semaphore_mem>>
      %dma_start3A = tpu.memref_slice %arg2[%mul3A_7] : memref<320000xi32, #tpu.memory_space<hbm>> -> memref<10000xi32, #tpu.memory_space<hbm>>
      %dma_start3A_11 = tpu.memref_slice %arg2[%mul3A_7] : memref<320000xi32, #tpu.memory_space<hbm>> -> memref<10000xi32, #tpu.memory_space<hbm>>
      tpu.enqueue_dma source(%dma_start3A_11 : memref<10000xi32, #tpu.memory_space<hbm>>) target(%arg4 : memref<10000xi32, #tpu.memory_space<vmem>>) target_semaphore(%run_scoped3A : memref<!tpu.dma_semaphore, #tpu.memory_space<semaphore_mem>>)
      %dma_wait3A = tpu.memref_slice %arg2[%mul3A_7] : memref<320000xi32, #tpu.memory_space<hbm>> -> memref<10000xi32, #tpu.memory_space<hbm>>
      %dma_wait3A_12 = tpu.memref_slice %arg2[%mul3A_7] : memref<320000xi32, #tpu.memory_space<hbm>> -> memref<10000xi32, #tpu.memory_space<hbm>>
      tpu.wait_dma2 semaphore(%run_scoped3A : memref<!tpu.dma_semaphore, #tpu.memory_space<semaphore_mem>>) src(%dma_wait3A_12 : memref<10000xi32, #tpu.memory_space<hbm>>) dst(%arg4 : memref<10000xi32, #tpu.memory_space<vmem>>)
      tpu.yield
    }) : () -> ()
    %broadcast_in_dim3A = arith.constant 1.000000e+00 : f32
    %broadcast_in_dim3A_8 = vector.broadcast %broadcast_in_dim3A : f32 to vector<16xf32>
    %parallel_loop3A = arith.constant 0 : i32
    %parallel_loop3A_9 = arith.constant 625 : i32
    %parallel_loop3A_10 = arith.constant 1 : i32
    scf.for %parallel_loop3A_11 = %parallel_loop3A to %parallel_loop3A_9 step %parallel_loop3A_10  : i32 {
      %parallel_loop3A_12 = arith.constant 16 : i32
      %parallel_loop3A_13 = arith.muli %parallel_loop3A_11, %parallel_loop3A_12 : i32
      %parallel_loop3A_14 = arith.index_cast %parallel_loop3A_13 : i32 to index
      %parallel_loop3A_15 = tpu.vector_load %arg4[%parallel_loop3A_14] {strides = array<i32>} : memref<10000xi32, #tpu.memory_space<vmem>>, vector<16xi32>,
      tpu.vector_store_idx %arg5[%parallel_loop3A_15], %broadcast_in_dim3A_8 {add = true} : memref<10000xf32, #tpu.memory_space<vmem>>[vector<16xi32>], vector<16xf32>,
    } {sc.loop_unroll_factor = 4 : i64, sc.parallel_access}
    "tpu.region"() ({
      %run_scoped3A = tpu.sem_alloc : memref<!tpu.dma_semaphore, #tpu.memory_space<semaphore_mem>>
      %dma_start3A = arith.constant 0 : i32
      %dma_start3A_11 = tpu.memref_slice %arg3[%add3A, %dma_start3A] : memref<32x10000xf32, #tpu.memory_space<hbm>> -> memref<1x10000xf32, #tpu.memory_space<hbm>>
      %dma_start3A_12 = tpu.memref_squeeze %dma_start3A_11 : memref<1x10000xf32, #tpu.memory_space<hbm>> -> memref<10000xf32, #tpu.memory_space<hbm>>
      %dma_start3A_13 = arith.constant 0 : i32
      %dma_start3A_14 = tpu.memref_slice %arg3[%add3A, %dma_start3A_13] : memref<32x10000xf32, #tpu.memory_space<hbm>> -> memref<1x10000xf32, #tpu.memory_space<hbm>>
      %dma_start3A_15 = tpu.memref_squeeze %dma_start3A_14 : memref<1x10000xf32, #tpu.memory_space<hbm>> -> memref<10000xf32, #tpu.memory_space<hbm>>
      tpu.enqueue_dma source(%arg5 : memref<10000xf32, #tpu.memory_space<vmem>>) target(%dma_start3A_15 : memref<10000xf32, #tpu.memory_space<hbm>>) target_semaphore(%run_scoped3A : memref<!tpu.dma_semaphore, #tpu.memory_space<semaphore_mem>>)
      %dma_wait3A = arith.constant 0 : i32
      %dma_wait3A_16 = tpu.memref_slice %arg3[%add3A, %dma_wait3A] : memref<32x10000xf32, #tpu.memory_space<hbm>> -> memref<1x10000xf32, #tpu.memory_space<hbm>>
      %dma_wait3A_17 = tpu.memref_squeeze %dma_wait3A_16 : memref<1x10000xf32, #tpu.memory_space<hbm>> -> memref<10000xf32, #tpu.memory_space<hbm>>
      %dma_wait3A_18 = arith.constant 0 : i32
      %dma_wait3A_19 = tpu.memref_slice %arg3[%add3A, %dma_wait3A_18] : memref<32x10000xf32, #tpu.memory_space<hbm>> -> memref<1x10000xf32, #tpu.memory_space<hbm>>
      %dma_wait3A_20 = tpu.memref_squeeze %dma_wait3A_19 : memref<1x10000xf32, #tpu.memory_space<hbm>> -> memref<10000xf32, #tpu.memory_space<hbm>>
      tpu.wait_dma2 semaphore(%run_scoped3A : memref<!tpu.dma_semaphore, #tpu.memory_space<semaphore_mem>>) src(%arg5 : memref<10000xf32, #tpu.memory_space<vmem>>) dst(%dma_wait3A_20 : memref<10000xf32, #tpu.memory_space<hbm>>)
      tpu.yield
    }) : () -> ()
    return
  }
}

module attributes {stable_mosaic.version = 14 : i64} {
  func.func @body(%arg0: i32, %arg1: memref<2000x32xf32, #tpu.memory_space<vmem>>, %arg2: memref<2000x128xf32, #tpu.memory_space<vmem>>, %arg3: memref<128x20xf32, #tpu.memory_space<vmem>>, %arg4: memref<2000x20xf32, #tpu.memory_space<vmem>>, %arg5: memref<2000x1xf32, #tpu.memory_space<vmem>>) attributes {dimension_semantics = [#tpu.dimension_semantics<arbitrary>], iteration_bounds = array<i64: 5>, scalar_prefetch = 0 : i64, scratch_operands = 0 : i64, tpu.core_type = #tpu.core_type<tc>, window_params = [{transform_indices = @transform_0, window_bounds = array<i64: 2000, 32>}, {transform_indices = @transform_1, window_bounds = array<i64: 2000, 128>}, {pipeline_mode = #tpu.pipeline_mode<synchronous>, transform_indices = @transform_2, window_bounds = array<i64: 128, 20>}, {transform_indices = @transform_3, window_bounds = array<i64: 2000, 20>}, {transform_indices = @transform_4, window_bounds = array<i64: 2000, 1>}]} {
    %get3A = arith.constant 0 : index
    %get3A_0 = arith.constant 0 : index
    %get3A_1 = vector.load %arg1[%get3A, %get3A_0] : memref<2000x32xf32, #tpu.memory_space<vmem>>, vector<2000x32xf32>
    %reduce_sum3A = arith.constant dense<0.000000e+00> : vector<2000xf32>
    %reduce_sum3A_2 = vector.multi_reduction <add>, %get3A_1, %reduce_sum3A [1] : vector<2000x32xf32> to vector<2000xf32>
    %broadcast_in_dim3A = vector.shape_cast %reduce_sum3A_2 : vector<2000xf32> to vector<2000x1xf32>
    %add3A = arith.constant 1.000000e+00 : f32
    %add3A_3 = vector.broadcast %add3A : f32 to vector<2000x1xf32>
    %add3A_4 = arith.addf %add3A_3, %broadcast_in_dim3A : vector<2000x1xf32>
    %rsqrt3A = math.rsqrt %add3A_4 : vector<2000x1xf32>
    %get3A_5 = arith.constant 0 : index
    %get3A_6 = arith.constant 0 : index
    %get3A_7 = vector.load %arg2[%get3A_5, %get3A_6] : memref<2000x128xf32, #tpu.memory_space<vmem>>, vector<2000x128xf32>
    %get3A_8 = arith.constant 0 : index
    %get3A_9 = arith.constant 0 : index
    %get3A_10 = vector.load %arg3[%get3A_8, %get3A_9] : memref<128x20xf32, #tpu.memory_space<vmem>>, vector<128x20xf32>
    %dot_general3A = arith.constant dense<0.000000e+00> : vector<2000x20xf32>
    %dot_general3A_11 = tpu.matmul %get3A_7, %get3A_10, %dot_general3A {dimension_numbers = #tpu.dot_dimension_numbers<[1], [0], [0], [1], [0, 0, 1, 1], [], []>, transpose_lhs_hint = false} : vector<2000x128xf32>, vector<128x20xf32>, vector<2000x20xf32> -> vector<2000x20xf32>
    %mul3A = vector.broadcast %rsqrt3A : vector<2000x1xf32> to vector<2000x20xf32>
    %mul3A_12 = arith.mulf %dot_general3A_11, %mul3A : vector<2000x20xf32>
    %swap3A = arith.constant 0 : index
    %swap3A_13 = arith.constant 0 : index
    %swap3A_14 = vector.load %arg4[%swap3A, %swap3A_13] : memref<2000x20xf32, #tpu.memory_space<vmem>>, vector<2000x20xf32>
    tpu.vector_store %arg4[%swap3A, %swap3A_13], %mul3A_12 {strides = array<i32>} : memref<2000x20xf32, #tpu.memory_space<vmem>>, vector<2000x20xf32>,
    %swap3A_15 = arith.constant 0 : index
    %swap3A_16 = arith.constant 0 : index
    %swap3A_17 = vector.load %arg5[%swap3A_15, %swap3A_16] : memref<2000x1xf32, #tpu.memory_space<vmem>>, vector<2000x1xf32>
    tpu.vector_store %arg5[%swap3A_15, %swap3A_16], %rsqrt3A {strides = array<i32>} : memref<2000x1xf32, #tpu.memory_space<vmem>>, vector<2000x1xf32>,
    return
  }
  func.func @transform_0(%arg0: i32) -> (i32, i32) {
    %c0_i32 = arith.constant 0 : i32
    %c0_i32_0 = arith.constant 0 : i32
    return %arg0, %c0_i32 : i32, i32
  }
  func.func @transform_1(%arg0: i32) -> (i32, i32) {
    %c0_i32 = arith.constant 0 : i32
    %c0_i32_0 = arith.constant 0 : i32
    return %arg0, %c0_i32 : i32, i32
  }
  func.func @transform_2(%arg0: i32) -> (i32, i32) {
    %c0_i32 = arith.constant 0 : i32
    %c0_i32_0 = arith.constant 0 : i32
    %c0_i32_1 = arith.constant 0 : i32
    return %c0_i32, %c0_i32_0 : i32, i32
  }
  func.func @transform_3(%arg0: i32) -> (i32, i32) {
    %c0_i32 = arith.constant 0 : i32
    %c0_i32_0 = arith.constant 0 : i32
    return %arg0, %c0_i32 : i32, i32
  }
  func.func @transform_4(%arg0: i32) -> (i32, i32) {
    %c0_i32 = arith.constant 0 : i32
    %c0_i32_0 = arith.constant 0 : i32
    return %arg0, %c0_i32 : i32, i32
  }
}

module attributes {stable_mosaic.version = 14 : i64} {
  func.func @body(%arg0: i32, %arg1: memref<2000x160xf32, #tpu.memory_space<vmem>>, %arg2: memref<160x20xf32, #tpu.memory_space<vmem>>, %arg3: memref<2000x20xf32, #tpu.memory_space<vmem>>, %arg4: memref<2000x1xf32, #tpu.memory_space<vmem>>, %arg5: memref<1x20xf32, #tpu.memory_space<vmem>>, %arg6: memref<20x20xf32, #tpu.memory_space<vmem>>, %arg7: memref<20x20xf32, #tpu.memory_space<vmem>>, %arg8: memref<20x20xf32, #tpu.memory_space<vmem>>, %arg9: memref<20x20xf32, #tpu.memory_space<vmem>>, %arg10: memref<2000x40xf32, #tpu.memory_space<vmem>>, %arg11: memref<2000x40xf32, #tpu.memory_space<vmem>>, %arg12: memref<2000x20xf32, #tpu.memory_space<vmem>>) attributes {dimension_semantics = [#tpu.dimension_semantics<arbitrary>], iteration_bounds = array<i64: 5>, scalar_prefetch = 0 : i64, scratch_operands = 0 : i64, tpu.core_type = #tpu.core_type<tc>, window_params = [{transform_indices = @transform_0, window_bounds = array<i64: 2000, 160>}, {pipeline_mode = #tpu.pipeline_mode<synchronous>, transform_indices = @transform_1, window_bounds = array<i64: 160, 20>}, {transform_indices = @transform_2, window_bounds = array<i64: 2000, 20>}, {transform_indices = @transform_3, window_bounds = array<i64: 2000, 1>}, {pipeline_mode = #tpu.pipeline_mode<synchronous>, transform_indices = @transform_4, window_bounds = array<i64: 1, 20>}, {pipeline_mode = #tpu.pipeline_mode<synchronous>, transform_indices = @transform_5, window_bounds = array<i64: 20, 20>}, {pipeline_mode = #tpu.pipeline_mode<synchronous>, transform_indices = @transform_6, window_bounds = array<i64: 20, 20>}, {pipeline_mode = #tpu.pipeline_mode<synchronous>, transform_indices = @transform_7, window_bounds = array<i64: 20, 20>}, {pipeline_mode = #tpu.pipeline_mode<synchronous>, transform_indices = @transform_8, window_bounds = array<i64: 20, 20>}, {transform_indices = @transform_9, window_bounds = array<i64: 2000, 40>}, {transform_indices = @transform_10, window_bounds = array<i64: 2000, 40>}, {transform_indices = @transform_11, window_bounds = array<i64: 2000, 20>}]} {
    %get3A = arith.constant 0 : index
    %get3A_0 = arith.constant 0 : index
    %get3A_1 = vector.load %arg1[%get3A, %get3A_0] : memref<2000x160xf32, #tpu.memory_space<vmem>>, vector<2000x160xf32>
    %get3A_2 = arith.constant 0 : index
    %get3A_3 = arith.constant 0 : index
    %get3A_4 = vector.load %arg2[%get3A_2, %get3A_3] : memref<160x20xf32, #tpu.memory_space<vmem>>, vector<160x20xf32>
    %dot_general3A = arith.constant dense<0.000000e+00> : vector<2000x20xf32>
    %dot_general3A_5 = tpu.matmul %get3A_1, %get3A_4, %dot_general3A {dimension_numbers = #tpu.dot_dimension_numbers<[1], [0], [0], [1], [0, 0, 1, 1], [], []>, transpose_lhs_hint = false} : vector<2000x160xf32>, vector<160x20xf32>, vector<2000x20xf32> -> vector<2000x20xf32>
    %get3A_6 = arith.constant 0 : index
    %get3A_7 = arith.constant 0 : index
    %get3A_8 = vector.load %arg4[%get3A_6, %get3A_7] : memref<2000x1xf32, #tpu.memory_space<vmem>>, vector<2000x1xf32>
    %get3A_9 = arith.constant 0 : index
    %get3A_10 = arith.constant 0 : index
    %get3A_11 = vector.load %arg3[%get3A_9, %get3A_10] : memref<2000x20xf32, #tpu.memory_space<vmem>>, vector<2000x20xf32>
    %add3A = arith.addf %dot_general3A_5, %get3A_11 : vector<2000x20xf32>
    %mul3A = vector.broadcast %get3A_8 : vector<2000x1xf32> to vector<2000x20xf32>
    %mul3A_12 = arith.mulf %mul3A, %add3A : vector<2000x20xf32>
    %get3A_13 = arith.constant 0 : index
    %get3A_14 = arith.constant 0 : index
    %get3A_15 = vector.load %arg5[%get3A_13, %get3A_14] : memref<1x20xf32, #tpu.memory_space<vmem>>, vector<1x20xf32>
    %add3A_16 = vector.broadcast %get3A_15 : vector<1x20xf32> to vector<2000x20xf32>
    %add3A_17 = arith.addf %mul3A_12, %add3A_16 : vector<2000x20xf32>
    %max3A = arith.constant 0.000000e+00 : f32
    %max3A_18 = vector.broadcast %max3A : f32 to vector<2000x20xf32>
    %max3A_19 = arith.maximumf %add3A_17, %max3A_18 : vector<2000x20xf32>
    %get3A_20 = arith.constant 0 : index
    %get3A_21 = arith.constant 0 : index
    %get3A_22 = vector.load %arg6[%get3A_20, %get3A_21] : memref<20x20xf32, #tpu.memory_space<vmem>>, vector<20x20xf32>
    %dot_general3A_23 = arith.constant dense<0.000000e+00> : vector<2000x20xf32>
    %dot_general3A_24 = tpu.matmul %max3A_19, %get3A_22, %dot_general3A_23 {dimension_numbers = #tpu.dot_dimension_numbers<[1], [0], [0], [1], [0, 0, 1, 1], [], []>, transpose_lhs_hint = false} : vector<2000x20xf32>, vector<20x20xf32>, vector<2000x20xf32> -> vector<2000x20xf32>
    %get3A_25 = arith.constant 0 : index
    %get3A_26 = arith.constant 0 : index
    %get3A_27 = vector.load %arg7[%get3A_25, %get3A_26] : memref<20x20xf32, #tpu.memory_space<vmem>>, vector<20x20xf32>
    %dot_general3A_28 = arith.constant dense<0.000000e+00> : vector<2000x20xf32>
    %dot_general3A_29 = tpu.matmul %max3A_19, %get3A_27, %dot_general3A_28 {dimension_numbers = #tpu.dot_dimension_numbers<[1], [0], [0], [1], [0, 0, 1, 1], [], []>, transpose_lhs_hint = false} : vector<2000x20xf32>, vector<20x20xf32>, vector<2000x20xf32> -> vector<2000x20xf32>
    %concatenate3A = tpu.concatenate %dot_general3A_24, %dot_general3A_29 in 1 : vector<2000x20xf32>, vector<2000x20xf32> -> vector<2000x40xf32>
    %swap3A = arith.constant 0 : index
    %swap3A_30 = arith.constant 0 : index
    %swap3A_31 = vector.load %arg10[%swap3A, %swap3A_30] : memref<2000x40xf32, #tpu.memory_space<vmem>>, vector<2000x40xf32>
    tpu.vector_store %arg10[%swap3A, %swap3A_30], %concatenate3A {strides = array<i32>} : memref<2000x40xf32, #tpu.memory_space<vmem>>, vector<2000x40xf32>,
    %get3A_32 = arith.constant 0 : index
    %get3A_33 = arith.constant 0 : index
    %get3A_34 = vector.load %arg8[%get3A_32, %get3A_33] : memref<20x20xf32, #tpu.memory_space<vmem>>, vector<20x20xf32>
    %dot_general3A_35 = arith.constant dense<0.000000e+00> : vector<2000x20xf32>
    %dot_general3A_36 = tpu.matmul %max3A_19, %get3A_34, %dot_general3A_35 {dimension_numbers = #tpu.dot_dimension_numbers<[1], [0], [0], [1], [0, 0, 1, 1], [], []>, transpose_lhs_hint = false} : vector<2000x20xf32>, vector<20x20xf32>, vector<2000x20xf32> -> vector<2000x20xf32>
    %get3A_37 = arith.constant 0 : index
    %get3A_38 = arith.constant 0 : index
    %get3A_39 = vector.load %arg9[%get3A_37, %get3A_38] : memref<20x20xf32, #tpu.memory_space<vmem>>, vector<20x20xf32>
    %dot_general3A_40 = arith.constant dense<0.000000e+00> : vector<2000x20xf32>
    %dot_general3A_41 = tpu.matmul %max3A_19, %get3A_39, %dot_general3A_40 {dimension_numbers = #tpu.dot_dimension_numbers<[1], [0], [0], [1], [0, 0, 1, 1], [], []>, transpose_lhs_hint = false} : vector<2000x20xf32>, vector<20x20xf32>, vector<2000x20xf32> -> vector<2000x20xf32>
    %concatenate3A_42 = tpu.concatenate %dot_general3A_36, %dot_general3A_41 in 1 : vector<2000x20xf32>, vector<2000x20xf32> -> vector<2000x40xf32>
    %swap3A_43 = arith.constant 0 : index
    %swap3A_44 = arith.constant 0 : index
    %swap3A_45 = vector.load %arg11[%swap3A_43, %swap3A_44] : memref<2000x40xf32, #tpu.memory_space<vmem>>, vector<2000x40xf32>
    tpu.vector_store %arg11[%swap3A_43, %swap3A_44], %concatenate3A_42 {strides = array<i32>} : memref<2000x40xf32, #tpu.memory_space<vmem>>, vector<2000x40xf32>,
    %swap3A_46 = arith.constant 0 : index
    %swap3A_47 = arith.constant 0 : index
    %swap3A_48 = vector.load %arg12[%swap3A_46, %swap3A_47] : memref<2000x20xf32, #tpu.memory_space<vmem>>, vector<2000x20xf32>
    tpu.vector_store %arg12[%swap3A_46, %swap3A_47], %max3A_19 {strides = array<i32>} : memref<2000x20xf32, #tpu.memory_space<vmem>>, vector<2000x20xf32>,
    return
  }
  func.func @transform_0(%arg0: i32) -> (i32, i32) {
    %c0_i32 = arith.constant 0 : i32
    %c0_i32_0 = arith.constant 0 : i32
    return %arg0, %c0_i32 : i32, i32
  }
  func.func @transform_1(%arg0: i32) -> (i32, i32) {
    %c0_i32 = arith.constant 0 : i32
    %c0_i32_0 = arith.constant 0 : i32
    %c0_i32_1 = arith.constant 0 : i32
    return %c0_i32, %c0_i32_0 : i32, i32
  }
  func.func @transform_2(%arg0: i32) -> (i32, i32) {
    %c0_i32 = arith.constant 0 : i32
    %c0_i32_0 = arith.constant 0 : i32
    return %arg0, %c0_i32 : i32, i32
  }
  func.func @transform_3(%arg0: i32) -> (i32, i32) {
    %c0_i32 = arith.constant 0 : i32
    %c0_i32_0 = arith.constant 0 : i32
    return %arg0, %c0_i32 : i32, i32
  }
  func.func @transform_4(%arg0: i32) -> (i32, i32) {
    %c0_i32 = arith.constant 0 : i32
    %c0_i32_0 = arith.constant 0 : i32
    %c0_i32_1 = arith.constant 0 : i32
    return %c0_i32, %c0_i32_0 : i32, i32
  }
  func.func @transform_5(%arg0: i32) -> (i32, i32) {
    %c0_i32 = arith.constant 0 : i32
    %c0_i32_0 = arith.constant 0 : i32
    %c0_i32_1 = arith.constant 0 : i32
    return %c0_i32, %c0_i32_0 : i32, i32
  }
  func.func @transform_6(%arg0: i32) -> (i32, i32) {
    %c0_i32 = arith.constant 0 : i32
    %c0_i32_0 = arith.constant 0 : i32
    %c0_i32_1 = arith.constant 0 : i32
    return %c0_i32, %c0_i32_0 : i32, i32
  }
  func.func @transform_7(%arg0: i32) -> (i32, i32) {
    %c0_i32 = arith.constant 0 : i32
    %c0_i32_0 = arith.constant 0 : i32
    %c0_i32_1 = arith.constant 0 : i32
    return %c0_i32, %c0_i32_0 : i32, i32
  }
  func.func @transform_8(%arg0: i32) -> (i32, i32) {
    %c0_i32 = arith.constant 0 : i32
    %c0_i32_0 = arith.constant 0 : i32
    %c0_i32_1 = arith.constant 0 : i32
    return %c0_i32, %c0_i32_0 : i32, i32
  }
  func.func @transform_9(%arg0: i32) -> (i32, i32) {
    %c0_i32 = arith.constant 0 : i32
    %c0_i32_0 = arith.constant 0 : i32
    return %arg0, %c0_i32 : i32, i32
  }
  func.func @transform_10(%arg0: i32) -> (i32, i32) {
    %c0_i32 = arith.constant 0 : i32
    %c0_i32_0 = arith.constant 0 : i32
    return %arg0, %c0_i32 : i32, i32
  }
  func.func @transform_11(%arg0: i32) -> (i32, i32) {
    %c0_i32 = arith.constant 0 : i32
    %c0_i32_0 = arith.constant 0 : i32
    return %arg0, %c0_i32 : i32, i32
  }
}

module attributes {stable_mosaic.version = 14 : i64} {
  func.func @body(%arg0: i32, %arg1: memref<128x128xf32, #tpu.memory_space<vmem>>, %arg2: memref<128x128xf32, #tpu.memory_space<vmem>>, %arg3: memref<128x128xf32, #tpu.memory_space<vmem>>, %arg4: memref<128x128xf32, #tpu.memory_space<vmem>>, %arg5: memref<128x128xf32, #tpu.memory_space<vmem>>, %arg6: memref<128x128xf32, #tpu.memory_space<vmem>>, %arg7: memref<128x128xf32, #tpu.memory_space<vmem>>, %arg8: memref<128x128xf32, #tpu.memory_space<vmem>>, %arg9: memref<128x128xf32, #tpu.memory_space<vmem>>, %arg10: memref<128x128xf32, #tpu.memory_space<vmem>>, %arg11: memref<128x128xf32, #tpu.memory_space<vmem>>, %arg12: memref<128x128xf32, #tpu.memory_space<vmem>>, %arg13: memref<128x128xf32, #tpu.memory_space<vmem>>, %arg14: memref<128x128xf32, #tpu.memory_space<vmem>>, %arg15: memref<128x128xf32, #tpu.memory_space<vmem>>, %arg16: memref<128x128xf32, #tpu.memory_space<vmem>>, %arg17: memref<128x128xf32, #tpu.memory_space<vmem>>, %arg18: memref<128x128xf32, #tpu.memory_space<vmem>>, %arg19: memref<128x128xf32, #tpu.memory_space<vmem>>, %arg20: memref<128x128xf32, #tpu.memory_space<vmem>>, %arg21: memref<128x128xf32, #tpu.memory_space<vmem>>, %arg22: memref<128x128xf32, #tpu.memory_space<vmem>>, %arg23: memref<128x128xf32, #tpu.memory_space<vmem>>, %arg24: memref<128x128xf32, #tpu.memory_space<vmem>>, %arg25: memref<128x128xf32, #tpu.memory_space<vmem>>, %arg26: memref<128x128xf32, #tpu.memory_space<vmem>>, %arg27: memref<128x128xf32, #tpu.memory_space<vmem>>, %arg28: memref<128x128xf32, #tpu.memory_space<vmem>>, %arg29: memref<128x128xf32, #tpu.memory_space<vmem>>, %arg30: memref<128x128xf32, #tpu.memory_space<vmem>>, %arg31: memref<128x128xf32, #tpu.memory_space<vmem>>, %arg32: memref<128x128xf32, #tpu.memory_space<vmem>>, %arg33: memref<128x128xf32, #tpu.memory_space<vmem>>, %arg34: memref<128x128xf32, #tpu.memory_space<vmem>>, %arg35: memref<128x128xf32, #tpu.memory_space<vmem>>, %arg36: memref<128x128xf32, #tpu.memory_space<vmem>>, %arg37: memref<128x128xf32, #tpu.memory_space<vmem>>, %arg38: memref<128x128xf32, #tpu.memory_space<vmem>>, %arg39: memref<128x128xf32, #tpu.memory_space<vmem>>, %arg40: memref<128x128xf32, #tpu.memory_space<vmem>>, %arg41: memref<128x128xf32, #tpu.memory_space<vmem>>, %arg42: memref<128x128xf32, #tpu.memory_space<vmem>>, %arg43: memref<128x128xf32, #tpu.memory_space<vmem>>, %arg44: memref<128x128xf32, #tpu.memory_space<vmem>>, %arg45: memref<128x128xf32, #tpu.memory_space<vmem>>, %arg46: memref<128x128xf32, #tpu.memory_space<vmem>>, %arg47: memref<128x128xf32, #tpu.memory_space<vmem>>, %arg48: memref<128x128xf32, #tpu.memory_space<vmem>>, %arg49: memref<128x128xf32, #tpu.memory_space<vmem>>, %arg50: memref<128x128xf32, #tpu.memory_space<vmem>>, %arg51: memref<128x128xf32, #tpu.memory_space<vmem>>, %arg52: memref<128x128xf32, #tpu.memory_space<vmem>>, %arg53: memref<128x128xf32, #tpu.memory_space<vmem>>, %arg54: memref<128x128xf32, #tpu.memory_space<vmem>>, %arg55: memref<128x128xf32, #tpu.memory_space<vmem>>, %arg56: memref<128x128xf32, #tpu.memory_space<vmem>>, %arg57: memref<128x128xf32, #tpu.memory_space<vmem>>, %arg58: memref<128x128xf32, #tpu.memory_space<vmem>>, %arg59: memref<128x128xf32, #tpu.memory_space<vmem>>, %arg60: memref<128x128xf32, #tpu.memory_space<vmem>>, %arg61: memref<1x16384xf32, #tpu.memory_space<vmem>>, %arg62: memref<20x1xf32, #tpu.memory_space<vmem>>, %arg63: memref<20x20xf32, #tpu.memory_space<vmem>>, %arg64: memref<20x20xf32, #tpu.memory_space<vmem>>, %arg65: memref<20x1xf32, #tpu.memory_space<vmem>>, %arg66: memref<20x1xf32, #tpu.memory_space<vmem>>, %arg67: memref<64x20xf32, #tpu.memory_space<vmem>>, %arg68: memref<64x1xf32, #tpu.memory_space<vmem>>, %arg69: memref<1x64xf32, #tpu.memory_space<vmem>>, %arg70: memref<1x1xf32, #tpu.memory_space<vmem>>, %arg71: memref<1x16384xf32, #tpu.memory_space<vmem>>) attributes {dimension_semantics = [#tpu.dimension_semantics<arbitrary>], iteration_bounds = array<i64: 20>, scalar_prefetch = 0 : i64, scratch_operands = 0 : i64, tpu.core_type = #tpu.core_type<tc>, window_params = [{transform_indices = @transform_0, window_bounds = array<i64: 128, 128>}, {transform_indices = @transform_1, window_bounds = array<i64: 128, 128>}, {transform_indices = @transform_2, window_bounds = array<i64: 128, 128>}, {transform_indices = @transform_3, window_bounds = array<i64: 128, 128>}, {transform_indices = @transform_4, window_bounds = array<i64: 128, 128>}, {transform_indices = @transform_5, window_bounds = array<i64: 128, 128>}, {transform_indices = @transform_6, window_bounds = array<i64: 128, 128>}, {transform_indices = @transform_7, window_bounds = array<i64: 128, 128>}, {transform_indices = @transform_8, window_bounds = array<i64: 128, 128>}, {transform_indices = @transform_9, window_bounds = array<i64: 128, 128>}, {transform_indices = @transform_10, window_bounds = array<i64: 128, 128>}, {transform_indices = @transform_11, window_bounds = array<i64: 128, 128>}, {transform_indices = @transform_12, window_bounds = array<i64: 128, 128>}, {transform_indices = @transform_13, window_bounds = array<i64: 128, 128>}, {transform_indices = @transform_14, window_bounds = array<i64: 128, 128>}, {transform_indices = @transform_15, window_bounds = array<i64: 128, 128>}, {transform_indices = @transform_16, window_bounds = array<i64: 128, 128>}, {transform_indices = @transform_17, window_bounds = array<i64: 128, 128>}, {transform_indices = @transform_18, window_bounds = array<i64: 128, 128>}, {transform_indices = @transform_19, window_bounds = array<i64: 128, 128>}, {transform_indices = @transform_20, window_bounds = array<i64: 128, 128>}, {transform_indices = @transform_21, window_bounds = array<i64: 128, 128>}, {transform_indices = @transform_22, window_bounds = array<i64: 128, 128>}, {transform_indices = @transform_23, window_bounds = array<i64: 128, 128>}, {transform_indices = @transform_24, window_bounds = array<i64: 128, 128>}, {transform_indices = @transform_25, window_bounds = array<i64: 128, 128>}, {transform_indices = @transform_26, window_bounds = array<i64: 128, 128>}, {transform_indices = @transform_27, window_bounds = array<i64: 128, 128>}, {transform_indices = @transform_28, window_bounds = array<i64: 128, 128>}, {transform_indices = @transform_29, window_bounds = array<i64: 128, 128>}, {transform_indices = @transform_30, window_bounds = array<i64: 128, 128>}, {transform_indices = @transform_31, window_bounds = array<i64: 128, 128>}, {transform_indices = @transform_32, window_bounds = array<i64: 128, 128>}, {transform_indices = @transform_33, window_bounds = array<i64: 128, 128>}, {transform_indices = @transform_34, window_bounds = array<i64: 128, 128>}, {transform_indices = @transform_35, window_bounds = array<i64: 128, 128>}, {transform_indices = @transform_36, window_bounds = array<i64: 128, 128>}, {transform_indices = @transform_37, window_bounds = array<i64: 128, 128>}, {transform_indices = @transform_38, window_bounds = array<i64: 128, 128>}, {transform_indices = @transform_39, window_bounds = array<i64: 128, 128>}, {transform_indices = @transform_40, window_bounds = array<i64: 128, 128>}, {transform_indices = @transform_41, window_bounds = array<i64: 128, 128>}, {transform_indices = @transform_42, window_bounds = array<i64: 128, 128>}, {transform_indices = @transform_43, window_bounds = array<i64: 128, 128>}, {transform_indices = @transform_44, window_bounds = array<i64: 128, 128>}, {transform_indices = @transform_45, window_bounds = array<i64: 128, 128>}, {transform_indices = @transform_46, window_bounds = array<i64: 128, 128>}, {transform_indices = @transform_47, window_bounds = array<i64: 128, 128>}, {transform_indices = @transform_48, window_bounds = array<i64: 128, 128>}, {transform_indices = @transform_49, window_bounds = array<i64: 128, 128>}, {transform_indices = @transform_50, window_bounds = array<i64: 128, 128>}, {transform_indices = @transform_51, window_bounds = array<i64: 128, 128>}, {transform_indices = @transform_52, window_bounds = array<i64: 128, 128>}, {transform_indices = @transform_53, window_bounds = array<i64: 128, 128>}, {transform_indices = @transform_54, window_bounds = array<i64: 128, 128>}, {transform_indices = @transform_55, window_bounds = array<i64: 128, 128>}, {transform_indices = @transform_56, window_bounds = array<i64: 128, 128>}, {transform_indices = @transform_57, window_bounds = array<i64: 128, 128>}, {transform_indices = @transform_58, window_bounds = array<i64: 128, 128>}, {transform_indices = @transform_59, window_bounds = array<i64: 128, 128>}, {transform_indices = @transform_60, window_bounds = array<i64: 1, 16384>}, {pipeline_mode = #tpu.pipeline_mode<synchronous>, transform_indices = @transform_61, window_bounds = array<i64: 20, 1>}, {pipeline_mode = #tpu.pipeline_mode<synchronous>, transform_indices = @transform_62, window_bounds = array<i64: 20, 20>}, {pipeline_mode = #tpu.pipeline_mode<synchronous>, transform_indices = @transform_63, window_bounds = array<i64: 20, 20>}, {pipeline_mode = #tpu.pipeline_mode<synchronous>, transform_indices = @transform_64, window_bounds = array<i64: 20, 1>}, {pipeline_mode = #tpu.pipeline_mode<synchronous>, transform_indices = @transform_65, window_bounds = array<i64: 20, 1>}, {pipeline_mode = #tpu.pipeline_mode<synchronous>, transform_indices = @transform_66, window_bounds = array<i64: 64, 20>}, {pipeline_mode = #tpu.pipeline_mode<synchronous>, transform_indices = @transform_67, window_bounds = array<i64: 64, 1>}, {pipeline_mode = #tpu.pipeline_mode<synchronous>, transform_indices = @transform_68, window_bounds = array<i64: 1, 64>}, {pipeline_mode = #tpu.pipeline_mode<synchronous>, transform_indices = @transform_69, window_bounds = array<i64: 1, 1>}, {transform_indices = @transform_70, window_bounds = array<i64: 1, 16384>}]} {
    %get3A = arith.constant 0 : index
    %get3A_0 = arith.constant 0 : index
    %get3A_1 = vector.load %arg63[%get3A, %get3A_0] : memref<20x20xf32, #tpu.memory_space<vmem>>, vector<20x20xf32>
    %get3A_2 = arith.constant 0 : index
    %get3A_3 = arith.constant 0 : index
    %get3A_4 = vector.load %arg62[%get3A_2, %get3A_3] : memref<20x1xf32, #tpu.memory_space<vmem>>, vector<20x1xf32>
    %dot_general3A = arith.constant dense<0.000000e+00> : vector<20x1xf32>
    %dot_general3A_5 = tpu.matmul %get3A_1, %get3A_4, %dot_general3A {dimension_numbers = #tpu.dot_dimension_numbers<[1], [0], [0], [1], [0, 0, 1, 1], [], []>, transpose_lhs_hint = false} : vector<20x20xf32>, vector<20x1xf32>, vector<20x1xf32> -> vector<20x1xf32>
    %get3A_6 = arith.constant 0 : index
    %get3A_7 = arith.constant 0 : index
    %get3A_8 = vector.load %arg65[%get3A_6, %get3A_7] : memref<20x1xf32, #tpu.memory_space<vmem>>, vector<20x1xf32>
    %add3A = arith.addf %dot_general3A_5, %get3A_8 : vector<20x1xf32>
    %get3A_9 = arith.constant 0 : index
    %get3A_10 = arith.constant 0 : index
    %get3A_11 = vector.load %arg64[%get3A_9, %get3A_10] : memref<20x20xf32, #tpu.memory_space<vmem>>, vector<20x20xf32>
    %get3A_12 = arith.constant 0 : index
    %get3A_13 = arith.constant 0 : index
    %get3A_14 = vector.load %arg62[%get3A_12, %get3A_13] : memref<20x1xf32, #tpu.memory_space<vmem>>, vector<20x1xf32>
    %dot_general3A_15 = arith.constant dense<0.000000e+00> : vector<20x1xf32>
    %dot_general3A_16 = tpu.matmul %get3A_11, %get3A_14, %dot_general3A_15 {dimension_numbers = #tpu.dot_dimension_numbers<[1], [0], [0], [1], [0, 0, 1, 1], [], []>, transpose_lhs_hint = false} : vector<20x20xf32>, vector<20x1xf32>, vector<20x1xf32> -> vector<20x1xf32>
    %get3A_17 = arith.constant 0 : index
    %get3A_18 = arith.constant 0 : index
    %get3A_19 = vector.load %arg66[%get3A_17, %get3A_18] : memref<20x1xf32, #tpu.memory_space<vmem>>, vector<20x1xf32>
    %add3A_20 = arith.addf %dot_general3A_16, %get3A_19 : vector<20x1xf32>
    %get3A_21 = arith.constant 0 : index
    %get3A_22 = arith.constant 0 : index
    %get3A_23 = vector.load %arg1[%get3A_21, %get3A_22] : memref<128x128xf32, #tpu.memory_space<vmem>>, vector<128x128xf32>
    %slice3A = vector.extract_strided_slice %add3A {offsets = [0, 0], sizes = [1, 1], strides = [1, 1]} : vector<20x1xf32> to vector<1x1xf32>
    %add3A_24 = vector.broadcast %slice3A : vector<1x1xf32> to vector<128x128xf32>
    %add3A_25 = arith.addf %get3A_23, %add3A_24 : vector<128x128xf32>
    %get3A_26 = arith.constant 0 : index
    %get3A_27 = arith.constant 0 : index
    %get3A_28 = vector.load %arg21[%get3A_26, %get3A_27] : memref<128x128xf32, #tpu.memory_space<vmem>>, vector<128x128xf32>
    %slice3A_29 = vector.extract_strided_slice %add3A_20 {offsets = [0, 0], sizes = [1, 1], strides = [1, 1]} : vector<20x1xf32> to vector<1x1xf32>
    %add3A_30 = vector.broadcast %slice3A_29 : vector<1x1xf32> to vector<128x128xf32>
    %add3A_31 = arith.addf %get3A_28, %add3A_30 : vector<128x128xf32>
    %exp3A = math.exp %add3A_31 : vector<128x128xf32>
    %get3A_32 = arith.constant 0 : index
    %get3A_33 = arith.constant 0 : index
    %get3A_34 = vector.load %arg41[%get3A_32, %get3A_33] : memref<128x128xf32, #tpu.memory_space<vmem>>, vector<128x128xf32>
    %mul3A = arith.mulf %exp3A, %get3A_34 : vector<128x128xf32>
    %add3A_35 = arith.addf %add3A_25, %mul3A : vector<128x128xf32>
    %reshape3A = vector.shape_cast %add3A_35 : vector<128x128xf32> to vector<1x16384xf32>
    %get3A_36 = arith.constant 0 : index
    %get3A_37 = arith.constant 0 : index
    %get3A_38 = vector.load %arg2[%get3A_36, %get3A_37] : memref<128x128xf32, #tpu.memory_space<vmem>>, vector<128x128xf32>
    %slice3A_39 = vector.extract_strided_slice %add3A {offsets = [1, 0], sizes = [1, 1], strides = [1, 1]} : vector<20x1xf32> to vector<1x1xf32>
    %add3A_40 = vector.broadcast %slice3A_39 : vector<1x1xf32> to vector<128x128xf32>
    %add3A_41 = arith.addf %get3A_38, %add3A_40 : vector<128x128xf32>
    %get3A_42 = arith.constant 0 : index
    %get3A_43 = arith.constant 0 : index
    %get3A_44 = vector.load %arg22[%get3A_42, %get3A_43] : memref<128x128xf32, #tpu.memory_space<vmem>>, vector<128x128xf32>
    %slice3A_45 = vector.extract_strided_slice %add3A_20 {offsets = [1, 0], sizes = [1, 1], strides = [1, 1]} : vector<20x1xf32> to vector<1x1xf32>
    %add3A_46 = vector.broadcast %slice3A_45 : vector<1x1xf32> to vector<128x128xf32>
    %add3A_47 = arith.addf %get3A_44, %add3A_46 : vector<128x128xf32>
    %exp3A_48 = math.exp %add3A_47 : vector<128x128xf32>
    %get3A_49 = arith.constant 0 : index
    %get3A_50 = arith.constant 0 : index
    %get3A_51 = vector.load %arg42[%get3A_49, %get3A_50] : memref<128x128xf32, #tpu.memory_space<vmem>>, vector<128x128xf32>
    %mul3A_52 = arith.mulf %exp3A_48, %get3A_51 : vector<128x128xf32>
    %add3A_53 = arith.addf %add3A_41, %mul3A_52 : vector<128x128xf32>
    %reshape3A_54 = vector.shape_cast %add3A_53 : vector<128x128xf32> to vector<1x16384xf32>
    %get3A_55 = arith.constant 0 : index
    %get3A_56 = arith.constant 0 : index
    %get3A_57 = vector.load %arg3[%get3A_55, %get3A_56] : memref<128x128xf32, #tpu.memory_space<vmem>>, vector<128x128xf32>
    %slice3A_58 = vector.extract_strided_slice %add3A {offsets = [2, 0], sizes = [1, 1], strides = [1, 1]} : vector<20x1xf32> to vector<1x1xf32>
    %add3A_59 = vector.broadcast %slice3A_58 : vector<1x1xf32> to vector<128x128xf32>
    %add3A_60 = arith.addf %get3A_57, %add3A_59 : vector<128x128xf32>
    %get3A_61 = arith.constant 0 : index
    %get3A_62 = arith.constant 0 : index
    %get3A_63 = vector.load %arg23[%get3A_61, %get3A_62] : memref<128x128xf32, #tpu.memory_space<vmem>>, vector<128x128xf32>
    %slice3A_64 = vector.extract_strided_slice %add3A_20 {offsets = [2, 0], sizes = [1, 1], strides = [1, 1]} : vector<20x1xf32> to vector<1x1xf32>
    %add3A_65 = vector.broadcast %slice3A_64 : vector<1x1xf32> to vector<128x128xf32>
    %add3A_66 = arith.addf %get3A_63, %add3A_65 : vector<128x128xf32>
    %exp3A_67 = math.exp %add3A_66 : vector<128x128xf32>
    %get3A_68 = arith.constant 0 : index
    %get3A_69 = arith.constant 0 : index
    %get3A_70 = vector.load %arg43[%get3A_68, %get3A_69] : memref<128x128xf32, #tpu.memory_space<vmem>>, vector<128x128xf32>
    %mul3A_71 = arith.mulf %exp3A_67, %get3A_70 : vector<128x128xf32>
    %add3A_72 = arith.addf %add3A_60, %mul3A_71 : vector<128x128xf32>
    %reshape3A_73 = vector.shape_cast %add3A_72 : vector<128x128xf32> to vector<1x16384xf32>
    %get3A_74 = arith.constant 0 : index
    %get3A_75 = arith.constant 0 : index
    %get3A_76 = vector.load %arg4[%get3A_74, %get3A_75] : memref<128x128xf32, #tpu.memory_space<vmem>>, vector<128x128xf32>
    %slice3A_77 = vector.extract_strided_slice %add3A {offsets = [3, 0], sizes = [1, 1], strides = [1, 1]} : vector<20x1xf32> to vector<1x1xf32>
    %add3A_78 = vector.broadcast %slice3A_77 : vector<1x1xf32> to vector<128x128xf32>
    %add3A_79 = arith.addf %get3A_76, %add3A_78 : vector<128x128xf32>
    %get3A_80 = arith.constant 0 : index
    %get3A_81 = arith.constant 0 : index
    %get3A_82 = vector.load %arg24[%get3A_80, %get3A_81] : memref<128x128xf32, #tpu.memory_space<vmem>>, vector<128x128xf32>
    %slice3A_83 = vector.extract_strided_slice %add3A_20 {offsets = [3, 0], sizes = [1, 1], strides = [1, 1]} : vector<20x1xf32> to vector<1x1xf32>
    %add3A_84 = vector.broadcast %slice3A_83 : vector<1x1xf32> to vector<128x128xf32>
    %add3A_85 = arith.addf %get3A_82, %add3A_84 : vector<128x128xf32>
    %exp3A_86 = math.exp %add3A_85 : vector<128x128xf32>
    %get3A_87 = arith.constant 0 : index
    %get3A_88 = arith.constant 0 : index
    %get3A_89 = vector.load %arg44[%get3A_87, %get3A_88] : memref<128x128xf32, #tpu.memory_space<vmem>>, vector<128x128xf32>
    %mul3A_90 = arith.mulf %exp3A_86, %get3A_89 : vector<128x128xf32>
    %add3A_91 = arith.addf %add3A_79, %mul3A_90 : vector<128x128xf32>
    %reshape3A_92 = vector.shape_cast %add3A_91 : vector<128x128xf32> to vector<1x16384xf32>
    %get3A_93 = arith.constant 0 : index
    %get3A_94 = arith.constant 0 : index
    %get3A_95 = vector.load %arg5[%get3A_93, %get3A_94] : memref<128x128xf32, #tpu.memory_space<vmem>>, vector<128x128xf32>
    %slice3A_96 = vector.extract_strided_slice %add3A {offsets = [4, 0], sizes = [1, 1], strides = [1, 1]} : vector<20x1xf32> to vector<1x1xf32>
    %add3A_97 = vector.broadcast %slice3A_96 : vector<1x1xf32> to vector<128x128xf32>
    %add3A_98 = arith.addf %get3A_95, %add3A_97 : vector<128x128xf32>
    %get3A_99 = arith.constant 0 : index
    %get3A_100 = arith.constant 0 : index
    %get3A_101 = vector.load %arg25[%get3A_99, %get3A_100] : memref<128x128xf32, #tpu.memory_space<vmem>>, vector<128x128xf32>
    %slice3A_102 = vector.extract_strided_slice %add3A_20 {offsets = [4, 0], sizes = [1, 1], strides = [1, 1]} : vector<20x1xf32> to vector<1x1xf32>
    %add3A_103 = vector.broadcast %slice3A_102 : vector<1x1xf32> to vector<128x128xf32>
    %add3A_104 = arith.addf %get3A_101, %add3A_103 : vector<128x128xf32>
    %exp3A_105 = math.exp %add3A_104 : vector<128x128xf32>
    %get3A_106 = arith.constant 0 : index
    %get3A_107 = arith.constant 0 : index
    %get3A_108 = vector.load %arg45[%get3A_106, %get3A_107] : memref<128x128xf32, #tpu.memory_space<vmem>>, vector<128x128xf32>
    %mul3A_109 = arith.mulf %exp3A_105, %get3A_108 : vector<128x128xf32>
    %add3A_110 = arith.addf %add3A_98, %mul3A_109 : vector<128x128xf32>
    %reshape3A_111 = vector.shape_cast %add3A_110 : vector<128x128xf32> to vector<1x16384xf32>
    %get3A_112 = arith.constant 0 : index
    %get3A_113 = arith.constant 0 : index
    %get3A_114 = vector.load %arg6[%get3A_112, %get3A_113] : memref<128x128xf32, #tpu.memory_space<vmem>>, vector<128x128xf32>
    %slice3A_115 = vector.extract_strided_slice %add3A {offsets = [5, 0], sizes = [1, 1], strides = [1, 1]} : vector<20x1xf32> to vector<1x1xf32>
    %add3A_116 = vector.broadcast %slice3A_115 : vector<1x1xf32> to vector<128x128xf32>
    %add3A_117 = arith.addf %get3A_114, %add3A_116 : vector<128x128xf32>
    %get3A_118 = arith.constant 0 : index
    %get3A_119 = arith.constant 0 : index
    %get3A_120 = vector.load %arg26[%get3A_118, %get3A_119] : memref<128x128xf32, #tpu.memory_space<vmem>>, vector<128x128xf32>
    %slice3A_121 = vector.extract_strided_slice %add3A_20 {offsets = [5, 0], sizes = [1, 1], strides = [1, 1]} : vector<20x1xf32> to vector<1x1xf32>
    %add3A_122 = vector.broadcast %slice3A_121 : vector<1x1xf32> to vector<128x128xf32>
    %add3A_123 = arith.addf %get3A_120, %add3A_122 : vector<128x128xf32>
    %exp3A_124 = math.exp %add3A_123 : vector<128x128xf32>
    %get3A_125 = arith.constant 0 : index
    %get3A_126 = arith.constant 0 : index
    %get3A_127 = vector.load %arg46[%get3A_125, %get3A_126] : memref<128x128xf32, #tpu.memory_space<vmem>>, vector<128x128xf32>
    %mul3A_128 = arith.mulf %exp3A_124, %get3A_127 : vector<128x128xf32>
    %add3A_129 = arith.addf %add3A_117, %mul3A_128 : vector<128x128xf32>
    %reshape3A_130 = vector.shape_cast %add3A_129 : vector<128x128xf32> to vector<1x16384xf32>
    %get3A_131 = arith.constant 0 : index
    %get3A_132 = arith.constant 0 : index
    %get3A_133 = vector.load %arg7[%get3A_131, %get3A_132] : memref<128x128xf32, #tpu.memory_space<vmem>>, vector<128x128xf32>
    %slice3A_134 = vector.extract_strided_slice %add3A {offsets = [6, 0], sizes = [1, 1], strides = [1, 1]} : vector<20x1xf32> to vector<1x1xf32>
    %add3A_135 = vector.broadcast %slice3A_134 : vector<1x1xf32> to vector<128x128xf32>
    %add3A_136 = arith.addf %get3A_133, %add3A_135 : vector<128x128xf32>
    %get3A_137 = arith.constant 0 : index
    %get3A_138 = arith.constant 0 : index
    %get3A_139 = vector.load %arg27[%get3A_137, %get3A_138] : memref<128x128xf32, #tpu.memory_space<vmem>>, vector<128x128xf32>
    %slice3A_140 = vector.extract_strided_slice %add3A_20 {offsets = [6, 0], sizes = [1, 1], strides = [1, 1]} : vector<20x1xf32> to vector<1x1xf32>
    %add3A_141 = vector.broadcast %slice3A_140 : vector<1x1xf32> to vector<128x128xf32>
    %add3A_142 = arith.addf %get3A_139, %add3A_141 : vector<128x128xf32>
    %exp3A_143 = math.exp %add3A_142 : vector<128x128xf32>
    %get3A_144 = arith.constant 0 : index
    %get3A_145 = arith.constant 0 : index
    %get3A_146 = vector.load %arg47[%get3A_144, %get3A_145] : memref<128x128xf32, #tpu.memory_space<vmem>>, vector<128x128xf32>
    %mul3A_147 = arith.mulf %exp3A_143, %get3A_146 : vector<128x128xf32>
    %add3A_148 = arith.addf %add3A_136, %mul3A_147 : vector<128x128xf32>
    %reshape3A_149 = vector.shape_cast %add3A_148 : vector<128x128xf32> to vector<1x16384xf32>
    %get3A_150 = arith.constant 0 : index
    %get3A_151 = arith.constant 0 : index
    %get3A_152 = vector.load %arg8[%get3A_150, %get3A_151] : memref<128x128xf32, #tpu.memory_space<vmem>>, vector<128x128xf32>
    %slice3A_153 = vector.extract_strided_slice %add3A {offsets = [7, 0], sizes = [1, 1], strides = [1, 1]} : vector<20x1xf32> to vector<1x1xf32>
    %add3A_154 = vector.broadcast %slice3A_153 : vector<1x1xf32> to vector<128x128xf32>
    %add3A_155 = arith.addf %get3A_152, %add3A_154 : vector<128x128xf32>
    %get3A_156 = arith.constant 0 : index
    %get3A_157 = arith.constant 0 : index
    %get3A_158 = vector.load %arg28[%get3A_156, %get3A_157] : memref<128x128xf32, #tpu.memory_space<vmem>>, vector<128x128xf32>
    %slice3A_159 = vector.extract_strided_slice %add3A_20 {offsets = [7, 0], sizes = [1, 1], strides = [1, 1]} : vector<20x1xf32> to vector<1x1xf32>
    %add3A_160 = vector.broadcast %slice3A_159 : vector<1x1xf32> to vector<128x128xf32>
    %add3A_161 = arith.addf %get3A_158, %add3A_160 : vector<128x128xf32>
    %exp3A_162 = math.exp %add3A_161 : vector<128x128xf32>
    %get3A_163 = arith.constant 0 : index
    %get3A_164 = arith.constant 0 : index
    %get3A_165 = vector.load %arg48[%get3A_163, %get3A_164] : memref<128x128xf32, #tpu.memory_space<vmem>>, vector<128x128xf32>
    %mul3A_166 = arith.mulf %exp3A_162, %get3A_165 : vector<128x128xf32>
    %add3A_167 = arith.addf %add3A_155, %mul3A_166 : vector<128x128xf32>
    %reshape3A_168 = vector.shape_cast %add3A_167 : vector<128x128xf32> to vector<1x16384xf32>
    %get3A_169 = arith.constant 0 : index
    %get3A_170 = arith.constant 0 : index
    %get3A_171 = vector.load %arg9[%get3A_169, %get3A_170] : memref<128x128xf32, #tpu.memory_space<vmem>>, vector<128x128xf32>
    %slice3A_172 = vector.extract_strided_slice %add3A {offsets = [8, 0], sizes = [1, 1], strides = [1, 1]} : vector<20x1xf32> to vector<1x1xf32>
    %add3A_173 = vector.broadcast %slice3A_172 : vector<1x1xf32> to vector<128x128xf32>
    %add3A_174 = arith.addf %get3A_171, %add3A_173 : vector<128x128xf32>
    %get3A_175 = arith.constant 0 : index
    %get3A_176 = arith.constant 0 : index
    %get3A_177 = vector.load %arg29[%get3A_175, %get3A_176] : memref<128x128xf32, #tpu.memory_space<vmem>>, vector<128x128xf32>
    %slice3A_178 = vector.extract_strided_slice %add3A_20 {offsets = [8, 0], sizes = [1, 1], strides = [1, 1]} : vector<20x1xf32> to vector<1x1xf32>
    %add3A_179 = vector.broadcast %slice3A_178 : vector<1x1xf32> to vector<128x128xf32>
    %add3A_180 = arith.addf %get3A_177, %add3A_179 : vector<128x128xf32>
    %exp3A_181 = math.exp %add3A_180 : vector<128x128xf32>
    %get3A_182 = arith.constant 0 : index
    %get3A_183 = arith.constant 0 : index
    %get3A_184 = vector.load %arg49[%get3A_182, %get3A_183] : memref<128x128xf32, #tpu.memory_space<vmem>>, vector<128x128xf32>
    %mul3A_185 = arith.mulf %exp3A_181, %get3A_184 : vector<128x128xf32>
    %add3A_186 = arith.addf %add3A_174, %mul3A_185 : vector<128x128xf32>
    %reshape3A_187 = vector.shape_cast %add3A_186 : vector<128x128xf32> to vector<1x16384xf32>
    %get3A_188 = arith.constant 0 : index
    %get3A_189 = arith.constant 0 : index
    %get3A_190 = vector.load %arg10[%get3A_188, %get3A_189] : memref<128x128xf32, #tpu.memory_space<vmem>>, vector<128x128xf32>
    %slice3A_191 = vector.extract_strided_slice %add3A {offsets = [9, 0], sizes = [1, 1], strides = [1, 1]} : vector<20x1xf32> to vector<1x1xf32>
    %add3A_192 = vector.broadcast %slice3A_191 : vector<1x1xf32> to vector<128x128xf32>
    %add3A_193 = arith.addf %get3A_190, %add3A_192 : vector<128x128xf32>
    %get3A_194 = arith.constant 0 : index
    %get3A_195 = arith.constant 0 : index
    %get3A_196 = vector.load %arg30[%get3A_194, %get3A_195] : memref<128x128xf32, #tpu.memory_space<vmem>>, vector<128x128xf32>
    %slice3A_197 = vector.extract_strided_slice %add3A_20 {offsets = [9, 0], sizes = [1, 1], strides = [1, 1]} : vector<20x1xf32> to vector<1x1xf32>
    %add3A_198 = vector.broadcast %slice3A_197 : vector<1x1xf32> to vector<128x128xf32>
    %add3A_199 = arith.addf %get3A_196, %add3A_198 : vector<128x128xf32>
    %exp3A_200 = math.exp %add3A_199 : vector<128x128xf32>
    %get3A_201 = arith.constant 0 : index
    %get3A_202 = arith.constant 0 : index
    %get3A_203 = vector.load %arg50[%get3A_201, %get3A_202] : memref<128x128xf32, #tpu.memory_space<vmem>>, vector<128x128xf32>
    %mul3A_204 = arith.mulf %exp3A_200, %get3A_203 : vector<128x128xf32>
    %add3A_205 = arith.addf %add3A_193, %mul3A_204 : vector<128x128xf32>
    %reshape3A_206 = vector.shape_cast %add3A_205 : vector<128x128xf32> to vector<1x16384xf32>
    %get3A_207 = arith.constant 0 : index
    %get3A_208 = arith.constant 0 : index
    %get3A_209 = vector.load %arg11[%get3A_207, %get3A_208] : memref<128x128xf32, #tpu.memory_space<vmem>>, vector<128x128xf32>
    %slice3A_210 = vector.extract_strided_slice %add3A {offsets = [10, 0], sizes = [1, 1], strides = [1, 1]} : vector<20x1xf32> to vector<1x1xf32>
    %add3A_211 = vector.broadcast %slice3A_210 : vector<1x1xf32> to vector<128x128xf32>
    %add3A_212 = arith.addf %get3A_209, %add3A_211 : vector<128x128xf32>
    %get3A_213 = arith.constant 0 : index
    %get3A_214 = arith.constant 0 : index
    %get3A_215 = vector.load %arg31[%get3A_213, %get3A_214] : memref<128x128xf32, #tpu.memory_space<vmem>>, vector<128x128xf32>
    %slice3A_216 = vector.extract_strided_slice %add3A_20 {offsets = [10, 0], sizes = [1, 1], strides = [1, 1]} : vector<20x1xf32> to vector<1x1xf32>
    %add3A_217 = vector.broadcast %slice3A_216 : vector<1x1xf32> to vector<128x128xf32>
    %add3A_218 = arith.addf %get3A_215, %add3A_217 : vector<128x128xf32>
    %exp3A_219 = math.exp %add3A_218 : vector<128x128xf32>
    %get3A_220 = arith.constant 0 : index
    %get3A_221 = arith.constant 0 : index
    %get3A_222 = vector.load %arg51[%get3A_220, %get3A_221] : memref<128x128xf32, #tpu.memory_space<vmem>>, vector<128x128xf32>
    %mul3A_223 = arith.mulf %exp3A_219, %get3A_222 : vector<128x128xf32>
    %add3A_224 = arith.addf %add3A_212, %mul3A_223 : vector<128x128xf32>
    %reshape3A_225 = vector.shape_cast %add3A_224 : vector<128x128xf32> to vector<1x16384xf32>
    %get3A_226 = arith.constant 0 : index
    %get3A_227 = arith.constant 0 : index
    %get3A_228 = vector.load %arg12[%get3A_226, %get3A_227] : memref<128x128xf32, #tpu.memory_space<vmem>>, vector<128x128xf32>
    %slice3A_229 = vector.extract_strided_slice %add3A {offsets = [11, 0], sizes = [1, 1], strides = [1, 1]} : vector<20x1xf32> to vector<1x1xf32>
    %add3A_230 = vector.broadcast %slice3A_229 : vector<1x1xf32> to vector<128x128xf32>
    %add3A_231 = arith.addf %get3A_228, %add3A_230 : vector<128x128xf32>
    %get3A_232 = arith.constant 0 : index
    %get3A_233 = arith.constant 0 : index
    %get3A_234 = vector.load %arg32[%get3A_232, %get3A_233] : memref<128x128xf32, #tpu.memory_space<vmem>>, vector<128x128xf32>
    %slice3A_235 = vector.extract_strided_slice %add3A_20 {offsets = [11, 0], sizes = [1, 1], strides = [1, 1]} : vector<20x1xf32> to vector<1x1xf32>
    %add3A_236 = vector.broadcast %slice3A_235 : vector<1x1xf32> to vector<128x128xf32>
    %add3A_237 = arith.addf %get3A_234, %add3A_236 : vector<128x128xf32>
    %exp3A_238 = math.exp %add3A_237 : vector<128x128xf32>
    %get3A_239 = arith.constant 0 : index
    %get3A_240 = arith.constant 0 : index
    %get3A_241 = vector.load %arg52[%get3A_239, %get3A_240] : memref<128x128xf32, #tpu.memory_space<vmem>>, vector<128x128xf32>
    %mul3A_242 = arith.mulf %exp3A_238, %get3A_241 : vector<128x128xf32>
    %add3A_243 = arith.addf %add3A_231, %mul3A_242 : vector<128x128xf32>
    %reshape3A_244 = vector.shape_cast %add3A_243 : vector<128x128xf32> to vector<1x16384xf32>
    %get3A_245 = arith.constant 0 : index
    %get3A_246 = arith.constant 0 : index
    %get3A_247 = vector.load %arg13[%get3A_245, %get3A_246] : memref<128x128xf32, #tpu.memory_space<vmem>>, vector<128x128xf32>
    %slice3A_248 = vector.extract_strided_slice %add3A {offsets = [12, 0], sizes = [1, 1], strides = [1, 1]} : vector<20x1xf32> to vector<1x1xf32>
    %add3A_249 = vector.broadcast %slice3A_248 : vector<1x1xf32> to vector<128x128xf32>
    %add3A_250 = arith.addf %get3A_247, %add3A_249 : vector<128x128xf32>
    %get3A_251 = arith.constant 0 : index
    %get3A_252 = arith.constant 0 : index
    %get3A_253 = vector.load %arg33[%get3A_251, %get3A_252] : memref<128x128xf32, #tpu.memory_space<vmem>>, vector<128x128xf32>
    %slice3A_254 = vector.extract_strided_slice %add3A_20 {offsets = [12, 0], sizes = [1, 1], strides = [1, 1]} : vector<20x1xf32> to vector<1x1xf32>
    %add3A_255 = vector.broadcast %slice3A_254 : vector<1x1xf32> to vector<128x128xf32>
    %add3A_256 = arith.addf %get3A_253, %add3A_255 : vector<128x128xf32>
    %exp3A_257 = math.exp %add3A_256 : vector<128x128xf32>
    %get3A_258 = arith.constant 0 : index
    %get3A_259 = arith.constant 0 : index
    %get3A_260 = vector.load %arg53[%get3A_258, %get3A_259] : memref<128x128xf32, #tpu.memory_space<vmem>>, vector<128x128xf32>
    %mul3A_261 = arith.mulf %exp3A_257, %get3A_260 : vector<128x128xf32>
    %add3A_262 = arith.addf %add3A_250, %mul3A_261 : vector<128x128xf32>
    %reshape3A_263 = vector.shape_cast %add3A_262 : vector<128x128xf32> to vector<1x16384xf32>
    %get3A_264 = arith.constant 0 : index
    %get3A_265 = arith.constant 0 : index
    %get3A_266 = vector.load %arg14[%get3A_264, %get3A_265] : memref<128x128xf32, #tpu.memory_space<vmem>>, vector<128x128xf32>
    %slice3A_267 = vector.extract_strided_slice %add3A {offsets = [13, 0], sizes = [1, 1], strides = [1, 1]} : vector<20x1xf32> to vector<1x1xf32>
    %add3A_268 = vector.broadcast %slice3A_267 : vector<1x1xf32> to vector<128x128xf32>
    %add3A_269 = arith.addf %get3A_266, %add3A_268 : vector<128x128xf32>
    %get3A_270 = arith.constant 0 : index
    %get3A_271 = arith.constant 0 : index
    %get3A_272 = vector.load %arg34[%get3A_270, %get3A_271] : memref<128x128xf32, #tpu.memory_space<vmem>>, vector<128x128xf32>
    %slice3A_273 = vector.extract_strided_slice %add3A_20 {offsets = [13, 0], sizes = [1, 1], strides = [1, 1]} : vector<20x1xf32> to vector<1x1xf32>
    %add3A_274 = vector.broadcast %slice3A_273 : vector<1x1xf32> to vector<128x128xf32>
    %add3A_275 = arith.addf %get3A_272, %add3A_274 : vector<128x128xf32>
    %exp3A_276 = math.exp %add3A_275 : vector<128x128xf32>
    %get3A_277 = arith.constant 0 : index
    %get3A_278 = arith.constant 0 : index
    %get3A_279 = vector.load %arg54[%get3A_277, %get3A_278] : memref<128x128xf32, #tpu.memory_space<vmem>>, vector<128x128xf32>
    %mul3A_280 = arith.mulf %exp3A_276, %get3A_279 : vector<128x128xf32>
    %add3A_281 = arith.addf %add3A_269, %mul3A_280 : vector<128x128xf32>
    %reshape3A_282 = vector.shape_cast %add3A_281 : vector<128x128xf32> to vector<1x16384xf32>
    %get3A_283 = arith.constant 0 : index
    %get3A_284 = arith.constant 0 : index
    %get3A_285 = vector.load %arg15[%get3A_283, %get3A_284] : memref<128x128xf32, #tpu.memory_space<vmem>>, vector<128x128xf32>
    %slice3A_286 = vector.extract_strided_slice %add3A {offsets = [14, 0], sizes = [1, 1], strides = [1, 1]} : vector<20x1xf32> to vector<1x1xf32>
    %add3A_287 = vector.broadcast %slice3A_286 : vector<1x1xf32> to vector<128x128xf32>
    %add3A_288 = arith.addf %get3A_285, %add3A_287 : vector<128x128xf32>
    %get3A_289 = arith.constant 0 : index
    %get3A_290 = arith.constant 0 : index
    %get3A_291 = vector.load %arg35[%get3A_289, %get3A_290] : memref<128x128xf32, #tpu.memory_space<vmem>>, vector<128x128xf32>
    %slice3A_292 = vector.extract_strided_slice %add3A_20 {offsets = [14, 0], sizes = [1, 1], strides = [1, 1]} : vector<20x1xf32> to vector<1x1xf32>
    %add3A_293 = vector.broadcast %slice3A_292 : vector<1x1xf32> to vector<128x128xf32>
    %add3A_294 = arith.addf %get3A_291, %add3A_293 : vector<128x128xf32>
    %exp3A_295 = math.exp %add3A_294 : vector<128x128xf32>
    %get3A_296 = arith.constant 0 : index
    %get3A_297 = arith.constant 0 : index
    %get3A_298 = vector.load %arg55[%get3A_296, %get3A_297] : memref<128x128xf32, #tpu.memory_space<vmem>>, vector<128x128xf32>
    %mul3A_299 = arith.mulf %exp3A_295, %get3A_298 : vector<128x128xf32>
    %add3A_300 = arith.addf %add3A_288, %mul3A_299 : vector<128x128xf32>
    %reshape3A_301 = vector.shape_cast %add3A_300 : vector<128x128xf32> to vector<1x16384xf32>
    %get3A_302 = arith.constant 0 : index
    %get3A_303 = arith.constant 0 : index
    %get3A_304 = vector.load %arg16[%get3A_302, %get3A_303] : memref<128x128xf32, #tpu.memory_space<vmem>>, vector<128x128xf32>
    %slice3A_305 = vector.extract_strided_slice %add3A {offsets = [15, 0], sizes = [1, 1], strides = [1, 1]} : vector<20x1xf32> to vector<1x1xf32>
    %add3A_306 = vector.broadcast %slice3A_305 : vector<1x1xf32> to vector<128x128xf32>
    %add3A_307 = arith.addf %get3A_304, %add3A_306 : vector<128x128xf32>
    %get3A_308 = arith.constant 0 : index
    %get3A_309 = arith.constant 0 : index
    %get3A_310 = vector.load %arg36[%get3A_308, %get3A_309] : memref<128x128xf32, #tpu.memory_space<vmem>>, vector<128x128xf32>
    %slice3A_311 = vector.extract_strided_slice %add3A_20 {offsets = [15, 0], sizes = [1, 1], strides = [1, 1]} : vector<20x1xf32> to vector<1x1xf32>
    %add3A_312 = vector.broadcast %slice3A_311 : vector<1x1xf32> to vector<128x128xf32>
    %add3A_313 = arith.addf %get3A_310, %add3A_312 : vector<128x128xf32>
    %exp3A_314 = math.exp %add3A_313 : vector<128x128xf32>
    %get3A_315 = arith.constant 0 : index
    %get3A_316 = arith.constant 0 : index
    %get3A_317 = vector.load %arg56[%get3A_315, %get3A_316] : memref<128x128xf32, #tpu.memory_space<vmem>>, vector<128x128xf32>
    %mul3A_318 = arith.mulf %exp3A_314, %get3A_317 : vector<128x128xf32>
    %add3A_319 = arith.addf %add3A_307, %mul3A_318 : vector<128x128xf32>
    %reshape3A_320 = vector.shape_cast %add3A_319 : vector<128x128xf32> to vector<1x16384xf32>
    %get3A_321 = arith.constant 0 : index
    %get3A_322 = arith.constant 0 : index
    %get3A_323 = vector.load %arg17[%get3A_321, %get3A_322] : memref<128x128xf32, #tpu.memory_space<vmem>>, vector<128x128xf32>
    %slice3A_324 = vector.extract_strided_slice %add3A {offsets = [16, 0], sizes = [1, 1], strides = [1, 1]} : vector<20x1xf32> to vector<1x1xf32>
    %add3A_325 = vector.broadcast %slice3A_324 : vector<1x1xf32> to vector<128x128xf32>
    %add3A_326 = arith.addf %get3A_323, %add3A_325 : vector<128x128xf32>
    %get3A_327 = arith.constant 0 : index
    %get3A_328 = arith.constant 0 : index
    %get3A_329 = vector.load %arg37[%get3A_327, %get3A_328] : memref<128x128xf32, #tpu.memory_space<vmem>>, vector<128x128xf32>
    %slice3A_330 = vector.extract_strided_slice %add3A_20 {offsets = [16, 0], sizes = [1, 1], strides = [1, 1]} : vector<20x1xf32> to vector<1x1xf32>
    %add3A_331 = vector.broadcast %slice3A_330 : vector<1x1xf32> to vector<128x128xf32>
    %add3A_332 = arith.addf %get3A_329, %add3A_331 : vector<128x128xf32>
    %exp3A_333 = math.exp %add3A_332 : vector<128x128xf32>
    %get3A_334 = arith.constant 0 : index
    %get3A_335 = arith.constant 0 : index
    %get3A_336 = vector.load %arg57[%get3A_334, %get3A_335] : memref<128x128xf32, #tpu.memory_space<vmem>>, vector<128x128xf32>
    %mul3A_337 = arith.mulf %exp3A_333, %get3A_336 : vector<128x128xf32>
    %add3A_338 = arith.addf %add3A_326, %mul3A_337 : vector<128x128xf32>
    %reshape3A_339 = vector.shape_cast %add3A_338 : vector<128x128xf32> to vector<1x16384xf32>
    %get3A_340 = arith.constant 0 : index
    %get3A_341 = arith.constant 0 : index
    %get3A_342 = vector.load %arg18[%get3A_340, %get3A_341] : memref<128x128xf32, #tpu.memory_space<vmem>>, vector<128x128xf32>
    %slice3A_343 = vector.extract_strided_slice %add3A {offsets = [17, 0], sizes = [1, 1], strides = [1, 1]} : vector<20x1xf32> to vector<1x1xf32>
    %add3A_344 = vector.broadcast %slice3A_343 : vector<1x1xf32> to vector<128x128xf32>
    %add3A_345 = arith.addf %get3A_342, %add3A_344 : vector<128x128xf32>
    %get3A_346 = arith.constant 0 : index
    %get3A_347 = arith.constant 0 : index
    %get3A_348 = vector.load %arg38[%get3A_346, %get3A_347] : memref<128x128xf32, #tpu.memory_space<vmem>>, vector<128x128xf32>
    %slice3A_349 = vector.extract_strided_slice %add3A_20 {offsets = [17, 0], sizes = [1, 1], strides = [1, 1]} : vector<20x1xf32> to vector<1x1xf32>
    %add3A_350 = vector.broadcast %slice3A_349 : vector<1x1xf32> to vector<128x128xf32>
    %add3A_351 = arith.addf %get3A_348, %add3A_350 : vector<128x128xf32>
    %exp3A_352 = math.exp %add3A_351 : vector<128x128xf32>
    %get3A_353 = arith.constant 0 : index
    %get3A_354 = arith.constant 0 : index
    %get3A_355 = vector.load %arg58[%get3A_353, %get3A_354] : memref<128x128xf32, #tpu.memory_space<vmem>>, vector<128x128xf32>
    %mul3A_356 = arith.mulf %exp3A_352, %get3A_355 : vector<128x128xf32>
    %add3A_357 = arith.addf %add3A_345, %mul3A_356 : vector<128x128xf32>
    %reshape3A_358 = vector.shape_cast %add3A_357 : vector<128x128xf32> to vector<1x16384xf32>
    %get3A_359 = arith.constant 0 : index
    %get3A_360 = arith.constant 0 : index
    %get3A_361 = vector.load %arg19[%get3A_359, %get3A_360] : memref<128x128xf32, #tpu.memory_space<vmem>>, vector<128x128xf32>
    %slice3A_362 = vector.extract_strided_slice %add3A {offsets = [18, 0], sizes = [1, 1], strides = [1, 1]} : vector<20x1xf32> to vector<1x1xf32>
    %add3A_363 = vector.broadcast %slice3A_362 : vector<1x1xf32> to vector<128x128xf32>
    %add3A_364 = arith.addf %get3A_361, %add3A_363 : vector<128x128xf32>
    %get3A_365 = arith.constant 0 : index
    %get3A_366 = arith.constant 0 : index
    %get3A_367 = vector.load %arg39[%get3A_365, %get3A_366] : memref<128x128xf32, #tpu.memory_space<vmem>>, vector<128x128xf32>
    %slice3A_368 = vector.extract_strided_slice %add3A_20 {offsets = [18, 0], sizes = [1, 1], strides = [1, 1]} : vector<20x1xf32> to vector<1x1xf32>
    %add3A_369 = vector.broadcast %slice3A_368 : vector<1x1xf32> to vector<128x128xf32>
    %add3A_370 = arith.addf %get3A_367, %add3A_369 : vector<128x128xf32>
    %exp3A_371 = math.exp %add3A_370 : vector<128x128xf32>
    %get3A_372 = arith.constant 0 : index
    %get3A_373 = arith.constant 0 : index
    %get3A_374 = vector.load %arg59[%get3A_372, %get3A_373] : memref<128x128xf32, #tpu.memory_space<vmem>>, vector<128x128xf32>
    %mul3A_375 = arith.mulf %exp3A_371, %get3A_374 : vector<128x128xf32>
    %add3A_376 = arith.addf %add3A_364, %mul3A_375 : vector<128x128xf32>
    %reshape3A_377 = vector.shape_cast %add3A_376 : vector<128x128xf32> to vector<1x16384xf32>
    %get3A_378 = arith.constant 0 : index
    %get3A_379 = arith.constant 0 : index
    %get3A_380 = vector.load %arg20[%get3A_378, %get3A_379] : memref<128x128xf32, #tpu.memory_space<vmem>>, vector<128x128xf32>
    %slice3A_381 = vector.extract_strided_slice %add3A {offsets = [19, 0], sizes = [1, 1], strides = [1, 1]} : vector<20x1xf32> to vector<1x1xf32>
    %add3A_382 = vector.broadcast %slice3A_381 : vector<1x1xf32> to vector<128x128xf32>
    %add3A_383 = arith.addf %get3A_380, %add3A_382 : vector<128x128xf32>
    %get3A_384 = arith.constant 0 : index
    %get3A_385 = arith.constant 0 : index
    %get3A_386 = vector.load %arg40[%get3A_384, %get3A_385] : memref<128x128xf32, #tpu.memory_space<vmem>>, vector<128x128xf32>
    %slice3A_387 = vector.extract_strided_slice %add3A_20 {offsets = [19, 0], sizes = [1, 1], strides = [1, 1]} : vector<20x1xf32> to vector<1x1xf32>
    %add3A_388 = vector.broadcast %slice3A_387 : vector<1x1xf32> to vector<128x128xf32>
    %add3A_389 = arith.addf %get3A_386, %add3A_388 : vector<128x128xf32>
    %exp3A_390 = math.exp %add3A_389 : vector<128x128xf32>
    %get3A_391 = arith.constant 0 : index
    %get3A_392 = arith.constant 0 : index
    %get3A_393 = vector.load %arg60[%get3A_391, %get3A_392] : memref<128x128xf32, #tpu.memory_space<vmem>>, vector<128x128xf32>
    %mul3A_394 = arith.mulf %exp3A_390, %get3A_393 : vector<128x128xf32>
    %add3A_395 = arith.addf %add3A_383, %mul3A_394 : vector<128x128xf32>
    %reshape3A_396 = vector.shape_cast %add3A_395 : vector<128x128xf32> to vector<1x16384xf32>
    %concatenate3A = tpu.concatenate %reshape3A, %reshape3A_54, %reshape3A_73, %reshape3A_92, %reshape3A_111, %reshape3A_130, %reshape3A_149, %reshape3A_168, %reshape3A_187, %reshape3A_206, %reshape3A_225, %reshape3A_244, %reshape3A_263, %reshape3A_282, %reshape3A_301, %reshape3A_320, %reshape3A_339, %reshape3A_358, %reshape3A_377, %reshape3A_396 in 0 : vector<1x16384xf32>, vector<1x16384xf32>, vector<1x16384xf32>, vector<1x16384xf32>, vector<1x16384xf32>, vector<1x16384xf32>, vector<1x16384xf32>, vector<1x16384xf32>, vector<1x16384xf32>, vector<1x16384xf32>, vector<1x16384xf32>, vector<1x16384xf32>, vector<1x16384xf32>, vector<1x16384xf32>, vector<1x16384xf32>, vector<1x16384xf32>, vector<1x16384xf32>, vector<1x16384xf32>, vector<1x16384xf32>, vector<1x16384xf32> -> vector<20x16384xf32>
    %get3A_397 = arith.constant 0 : index
    %get3A_398 = arith.constant 0 : index
    %get3A_399 = vector.load %arg67[%get3A_397, %get3A_398] : memref<64x20xf32, #tpu.memory_space<vmem>>, vector<64x20xf32>
    %dot_general3A_400 = arith.constant dense<0.000000e+00> : vector<64x16384xf32>
    %dot_general3A_401 = tpu.matmul %get3A_399, %concatenate3A, %dot_general3A_400 {dimension_numbers = #tpu.dot_dimension_numbers<[1], [0], [0], [1], [0, 0, 1, 1], [], []>, transpose_lhs_hint = false} : vector<64x20xf32>, vector<20x16384xf32>, vector<64x16384xf32> -> vector<64x16384xf32>
    %get3A_402 = arith.constant 0 : index
    %get3A_403 = arith.constant 0 : index
    %get3A_404 = vector.load %arg68[%get3A_402, %get3A_403] : memref<64x1xf32, #tpu.memory_space<vmem>>, vector<64x1xf32>
    %add3A_405 = vector.broadcast %get3A_404 : vector<64x1xf32> to vector<64x16384xf32>
    %add3A_406 = arith.addf %dot_general3A_401, %add3A_405 : vector<64x16384xf32>
    %max3A = arith.constant 0.000000e+00 : f32
    %max3A_407 = vector.broadcast %max3A : f32 to vector<64x16384xf32>
    %max3A_408 = arith.maximumf %add3A_406, %max3A_407 : vector<64x16384xf32>
    %get3A_409 = arith.constant 0 : index
    %get3A_410 = arith.constant 0 : index
    %get3A_411 = vector.load %arg69[%get3A_409, %get3A_410] : memref<1x64xf32, #tpu.memory_space<vmem>>, vector<1x64xf32>
    %dot_general3A_412 = arith.constant dense<0.000000e+00> : vector<1x16384xf32>
    %dot_general3A_413 = tpu.matmul %get3A_411, %max3A_408, %dot_general3A_412 {dimension_numbers = #tpu.dot_dimension_numbers<[1], [0], [0], [1], [0, 0, 1, 1], [], []>, transpose_lhs_hint = false} : vector<1x64xf32>, vector<64x16384xf32>, vector<1x16384xf32> -> vector<1x16384xf32>
    %get3A_414 = arith.constant 0 : index
    %get3A_415 = arith.constant 0 : index
    %get3A_416 = vector.load %arg70[%get3A_414, %get3A_415] : memref<1x1xf32, #tpu.memory_space<vmem>>, vector<1x1xf32>
    %add3A_417 = vector.broadcast %get3A_416 : vector<1x1xf32> to vector<1x16384xf32>
    %add3A_418 = arith.addf %dot_general3A_413, %add3A_417 : vector<1x16384xf32>
    %max3A_419 = arith.constant 0.000000e+00 : f32
    %max3A_420 = vector.broadcast %max3A_419 : f32 to vector<1x16384xf32>
    %max3A_421 = arith.maximumf %add3A_418, %max3A_420 : vector<1x16384xf32>
    %get3A_422 = arith.constant 0 : index
    %get3A_423 = arith.constant 0 : index
    %get3A_424 = vector.load %arg61[%get3A_422, %get3A_423] : memref<1x16384xf32, #tpu.memory_space<vmem>>, vector<1x16384xf32>
    %add3A_425 = arith.addf %get3A_424, %max3A_421 : vector<1x16384xf32>
    %logistic3A = arith.negf %add3A_425 : vector<1x16384xf32>
    %logistic3A_426 = math.exp %logistic3A : vector<1x16384xf32>
    %logistic3A_427 = arith.constant 1.000000e+00 : f32
    %logistic3A_428 = vector.broadcast %logistic3A_427 : f32 to vector<1x16384xf32>
    %logistic3A_429 = arith.addf %logistic3A_428, %logistic3A_426 : vector<1x16384xf32>
    %logistic3A_430 = arith.divf %logistic3A_428, %logistic3A_429 : vector<1x16384xf32>
    %swap3A = arith.constant 0 : index
    %swap3A_431 = arith.constant 0 : index
    %swap3A_432 = vector.load %arg71[%swap3A, %swap3A_431] : memref<1x16384xf32, #tpu.memory_space<vmem>>, vector<1x16384xf32>
    tpu.vector_store %arg71[%swap3A, %swap3A_431], %logistic3A_430 {strides = array<i32>} : memref<1x16384xf32, #tpu.memory_space<vmem>>, vector<1x16384xf32>,
    return
  }
  func.func @transform_0(%arg0: i32) -> (i32, i32) {
    %add3A = arith.constant 0 : i32
    %add3A_0 = arith.addi %add3A, %arg0 : i32
    %c0_i32 = arith.constant 0 : i32
    %c0_i32_1 = arith.constant 0 : i32
    return %add3A_0, %c0_i32 : i32, i32
  }
  func.func @transform_1(%arg0: i32) -> (i32, i32) {
    %add3A = arith.constant 20 : i32
    %add3A_0 = arith.addi %add3A, %arg0 : i32
    %c0_i32 = arith.constant 0 : i32
    %c0_i32_1 = arith.constant 0 : i32
    return %add3A_0, %c0_i32 : i32, i32
  }
  func.func @transform_2(%arg0: i32) -> (i32, i32) {
    %add3A = arith.constant 40 : i32
    %add3A_0 = arith.addi %add3A, %arg0 : i32
    %c0_i32 = arith.constant 0 : i32
    %c0_i32_1 = arith.constant 0 : i32
    return %add3A_0, %c0_i32 : i32, i32
  }
  func.func @transform_3(%arg0: i32) -> (i32, i32) {
    %add3A = arith.constant 60 : i32
    %add3A_0 = arith.addi %add3A, %arg0 : i32
    %c0_i32 = arith.constant 0 : i32
    %c0_i32_1 = arith.constant 0 : i32
    return %add3A_0, %c0_i32 : i32, i32
  }
  func.func @transform_4(%arg0: i32) -> (i32, i32) {
    %add3A = arith.constant 80 : i32
    %add3A_0 = arith.addi %add3A, %arg0 : i32
    %c0_i32 = arith.constant 0 : i32
    %c0_i32_1 = arith.constant 0 : i32
    return %add3A_0, %c0_i32 : i32, i32
  }
  func.func @transform_5(%arg0: i32) -> (i32, i32) {
    %add3A = arith.constant 100 : i32
    %add3A_0 = arith.addi %add3A, %arg0 : i32
    %c0_i32 = arith.constant 0 : i32
    %c0_i32_1 = arith.constant 0 : i32
    return %add3A_0, %c0_i32 : i32, i32
  }
  func.func @transform_6(%arg0: i32) -> (i32, i32) {
    %add3A = arith.constant 120 : i32
    %add3A_0 = arith.addi %add3A, %arg0 : i32
    %c0_i32 = arith.constant 0 : i32
    %c0_i32_1 = arith.constant 0 : i32
    return %add3A_0, %c0_i32 : i32, i32
  }
  func.func @transform_7(%arg0: i32) -> (i32, i32) {
    %add3A = arith.constant 140 : i32
    %add3A_0 = arith.addi %add3A, %arg0 : i32
    %c0_i32 = arith.constant 0 : i32
    %c0_i32_1 = arith.constant 0 : i32
    return %add3A_0, %c0_i32 : i32, i32
  }
  func.func @transform_8(%arg0: i32) -> (i32, i32) {
    %add3A = arith.constant 160 : i32
    %add3A_0 = arith.addi %add3A, %arg0 : i32
    %c0_i32 = arith.constant 0 : i32
    %c0_i32_1 = arith.constant 0 : i32
    return %add3A_0, %c0_i32 : i32, i32
  }
  func.func @transform_9(%arg0: i32) -> (i32, i32) {
    %add3A = arith.constant 180 : i32
    %add3A_0 = arith.addi %add3A, %arg0 : i32
    %c0_i32 = arith.constant 0 : i32
    %c0_i32_1 = arith.constant 0 : i32
    return %add3A_0, %c0_i32 : i32, i32
  }
  func.func @transform_10(%arg0: i32) -> (i32, i32) {
    %add3A = arith.constant 200 : i32
    %add3A_0 = arith.addi %add3A, %arg0 : i32
    %c0_i32 = arith.constant 0 : i32
    %c0_i32_1 = arith.constant 0 : i32
    return %add3A_0, %c0_i32 : i32, i32
  }
  func.func @transform_11(%arg0: i32) -> (i32, i32) {
    %add3A = arith.constant 220 : i32
    %add3A_0 = arith.addi %add3A, %arg0 : i32
    %c0_i32 = arith.constant 0 : i32
    %c0_i32_1 = arith.constant 0 : i32
    return %add3A_0, %c0_i32 : i32, i32
  }
  func.func @transform_12(%arg0: i32) -> (i32, i32) {
    %add3A = arith.constant 240 : i32
    %add3A_0 = arith.addi %add3A, %arg0 : i32
    %c0_i32 = arith.constant 0 : i32
    %c0_i32_1 = arith.constant 0 : i32
    return %add3A_0, %c0_i32 : i32, i32
  }
  func.func @transform_13(%arg0: i32) -> (i32, i32) {
    %add3A = arith.constant 260 : i32
    %add3A_0 = arith.addi %add3A, %arg0 : i32
    %c0_i32 = arith.constant 0 : i32
    %c0_i32_1 = arith.constant 0 : i32
    return %add3A_0, %c0_i32 : i32, i32
  }
  func.func @transform_14(%arg0: i32) -> (i32, i32) {
    %add3A = arith.constant 280 : i32
    %add3A_0 = arith.addi %add3A, %arg0 : i32
    %c0_i32 = arith.constant 0 : i32
    %c0_i32_1 = arith.constant 0 : i32
    return %add3A_0, %c0_i32 : i32, i32
  }
  func.func @transform_15(%arg0: i32) -> (i32, i32) {
    %add3A = arith.constant 300 : i32
    %add3A_0 = arith.addi %add3A, %arg0 : i32
    %c0_i32 = arith.constant 0 : i32
    %c0_i32_1 = arith.constant 0 : i32
    return %add3A_0, %c0_i32 : i32, i32
  }
  func.func @transform_16(%arg0: i32) -> (i32, i32) {
    %add3A = arith.constant 320 : i32
    %add3A_0 = arith.addi %add3A, %arg0 : i32
    %c0_i32 = arith.constant 0 : i32
    %c0_i32_1 = arith.constant 0 : i32
    return %add3A_0, %c0_i32 : i32, i32
  }
  func.func @transform_17(%arg0: i32) -> (i32, i32) {
    %add3A = arith.constant 340 : i32
    %add3A_0 = arith.addi %add3A, %arg0 : i32
    %c0_i32 = arith.constant 0 : i32
    %c0_i32_1 = arith.constant 0 : i32
    return %add3A_0, %c0_i32 : i32, i32
  }
  func.func @transform_18(%arg0: i32) -> (i32, i32) {
    %add3A = arith.constant 360 : i32
    %add3A_0 = arith.addi %add3A, %arg0 : i32
    %c0_i32 = arith.constant 0 : i32
    %c0_i32_1 = arith.constant 0 : i32
    return %add3A_0, %c0_i32 : i32, i32
  }
  func.func @transform_19(%arg0: i32) -> (i32, i32) {
    %add3A = arith.constant 380 : i32
    %add3A_0 = arith.addi %add3A, %arg0 : i32
    %c0_i32 = arith.constant 0 : i32
    %c0_i32_1 = arith.constant 0 : i32
    return %add3A_0, %c0_i32 : i32, i32
  }
  func.func @transform_20(%arg0: i32) -> (i32, i32) {
    %add3A = arith.constant 0 : i32
    %add3A_0 = arith.addi %add3A, %arg0 : i32
    %c0_i32 = arith.constant 0 : i32
    %c0_i32_1 = arith.constant 0 : i32
    return %add3A_0, %c0_i32 : i32, i32
  }
  func.func @transform_21(%arg0: i32) -> (i32, i32) {
    %add3A = arith.constant 20 : i32
    %add3A_0 = arith.addi %add3A, %arg0 : i32
    %c0_i32 = arith.constant 0 : i32
    %c0_i32_1 = arith.constant 0 : i32
    return %add3A_0, %c0_i32 : i32, i32
  }
  func.func @transform_22(%arg0: i32) -> (i32, i32) {
    %add3A = arith.constant 40 : i32
    %add3A_0 = arith.addi %add3A, %arg0 : i32
    %c0_i32 = arith.constant 0 : i32
    %c0_i32_1 = arith.constant 0 : i32
    return %add3A_0, %c0_i32 : i32, i32
  }
  func.func @transform_23(%arg0: i32) -> (i32, i32) {
    %add3A = arith.constant 60 : i32
    %add3A_0 = arith.addi %add3A, %arg0 : i32
    %c0_i32 = arith.constant 0 : i32
    %c0_i32_1 = arith.constant 0 : i32
    return %add3A_0, %c0_i32 : i32, i32
  }
  func.func @transform_24(%arg0: i32) -> (i32, i32) {
    %add3A = arith.constant 80 : i32
    %add3A_0 = arith.addi %add3A, %arg0 : i32
    %c0_i32 = arith.constant 0 : i32
    %c0_i32_1 = arith.constant 0 : i32
    return %add3A_0, %c0_i32 : i32, i32
  }
  func.func @transform_25(%arg0: i32) -> (i32, i32) {
    %add3A = arith.constant 100 : i32
    %add3A_0 = arith.addi %add3A, %arg0 : i32
    %c0_i32 = arith.constant 0 : i32
    %c0_i32_1 = arith.constant 0 : i32
    return %add3A_0, %c0_i32 : i32, i32
  }
  func.func @transform_26(%arg0: i32) -> (i32, i32) {
    %add3A = arith.constant 120 : i32
    %add3A_0 = arith.addi %add3A, %arg0 : i32
    %c0_i32 = arith.constant 0 : i32
    %c0_i32_1 = arith.constant 0 : i32
    return %add3A_0, %c0_i32 : i32, i32
  }
  func.func @transform_27(%arg0: i32) -> (i32, i32) {
    %add3A = arith.constant 140 : i32
    %add3A_0 = arith.addi %add3A, %arg0 : i32
    %c0_i32 = arith.constant 0 : i32
    %c0_i32_1 = arith.constant 0 : i32
    return %add3A_0, %c0_i32 : i32, i32
  }
  func.func @transform_28(%arg0: i32) -> (i32, i32) {
    %add3A = arith.constant 160 : i32
    %add3A_0 = arith.addi %add3A, %arg0 : i32
    %c0_i32 = arith.constant 0 : i32
    %c0_i32_1 = arith.constant 0 : i32
    return %add3A_0, %c0_i32 : i32, i32
  }
  func.func @transform_29(%arg0: i32) -> (i32, i32) {
    %add3A = arith.constant 180 : i32
    %add3A_0 = arith.addi %add3A, %arg0 : i32
    %c0_i32 = arith.constant 0 : i32
    %c0_i32_1 = arith.constant 0 : i32
    return %add3A_0, %c0_i32 : i32, i32
  }
  func.func @transform_30(%arg0: i32) -> (i32, i32) {
    %add3A = arith.constant 200 : i32
    %add3A_0 = arith.addi %add3A, %arg0 : i32
    %c0_i32 = arith.constant 0 : i32
    %c0_i32_1 = arith.constant 0 : i32
    return %add3A_0, %c0_i32 : i32, i32
  }
  func.func @transform_31(%arg0: i32) -> (i32, i32) {
    %add3A = arith.constant 220 : i32
    %add3A_0 = arith.addi %add3A, %arg0 : i32
    %c0_i32 = arith.constant 0 : i32
    %c0_i32_1 = arith.constant 0 : i32
    return %add3A_0, %c0_i32 : i32, i32
  }
  func.func @transform_32(%arg0: i32) -> (i32, i32) {
    %add3A = arith.constant 240 : i32
    %add3A_0 = arith.addi %add3A, %arg0 : i32
    %c0_i32 = arith.constant 0 : i32
    %c0_i32_1 = arith.constant 0 : i32
    return %add3A_0, %c0_i32 : i32, i32
  }
  func.func @transform_33(%arg0: i32) -> (i32, i32) {
    %add3A = arith.constant 260 : i32
    %add3A_0 = arith.addi %add3A, %arg0 : i32
    %c0_i32 = arith.constant 0 : i32
    %c0_i32_1 = arith.constant 0 : i32
    return %add3A_0, %c0_i32 : i32, i32
  }
  func.func @transform_34(%arg0: i32) -> (i32, i32) {
    %add3A = arith.constant 280 : i32
    %add3A_0 = arith.addi %add3A, %arg0 : i32
    %c0_i32 = arith.constant 0 : i32
    %c0_i32_1 = arith.constant 0 : i32
    return %add3A_0, %c0_i32 : i32, i32
  }
  func.func @transform_35(%arg0: i32) -> (i32, i32) {
    %add3A = arith.constant 300 : i32
    %add3A_0 = arith.addi %add3A, %arg0 : i32
    %c0_i32 = arith.constant 0 : i32
    %c0_i32_1 = arith.constant 0 : i32
    return %add3A_0, %c0_i32 : i32, i32
  }
  func.func @transform_36(%arg0: i32) -> (i32, i32) {
    %add3A = arith.constant 320 : i32
    %add3A_0 = arith.addi %add3A, %arg0 : i32
    %c0_i32 = arith.constant 0 : i32
    %c0_i32_1 = arith.constant 0 : i32
    return %add3A_0, %c0_i32 : i32, i32
  }
  func.func @transform_37(%arg0: i32) -> (i32, i32) {
    %add3A = arith.constant 340 : i32
    %add3A_0 = arith.addi %add3A, %arg0 : i32
    %c0_i32 = arith.constant 0 : i32
    %c0_i32_1 = arith.constant 0 : i32
    return %add3A_0, %c0_i32 : i32, i32
  }
  func.func @transform_38(%arg0: i32) -> (i32, i32) {
    %add3A = arith.constant 360 : i32
    %add3A_0 = arith.addi %add3A, %arg0 : i32
    %c0_i32 = arith.constant 0 : i32
    %c0_i32_1 = arith.constant 0 : i32
    return %add3A_0, %c0_i32 : i32, i32
  }
  func.func @transform_39(%arg0: i32) -> (i32, i32) {
    %add3A = arith.constant 380 : i32
    %add3A_0 = arith.addi %add3A, %arg0 : i32
    %c0_i32 = arith.constant 0 : i32
    %c0_i32_1 = arith.constant 0 : i32
    return %add3A_0, %c0_i32 : i32, i32
  }
  func.func @transform_40(%arg0: i32) -> (i32, i32) {
    %add3A = arith.constant 0 : i32
    %add3A_0 = arith.addi %add3A, %arg0 : i32
    %c0_i32 = arith.constant 0 : i32
    %c0_i32_1 = arith.constant 0 : i32
    return %add3A_0, %c0_i32 : i32, i32
  }
  func.func @transform_41(%arg0: i32) -> (i32, i32) {
    %add3A = arith.constant 20 : i32
    %add3A_0 = arith.addi %add3A, %arg0 : i32
    %c0_i32 = arith.constant 0 : i32
    %c0_i32_1 = arith.constant 0 : i32
    return %add3A_0, %c0_i32 : i32, i32
  }
  func.func @transform_42(%arg0: i32) -> (i32, i32) {
    %add3A = arith.constant 40 : i32
    %add3A_0 = arith.addi %add3A, %arg0 : i32
    %c0_i32 = arith.constant 0 : i32
    %c0_i32_1 = arith.constant 0 : i32
    return %add3A_0, %c0_i32 : i32, i32
  }
  func.func @transform_43(%arg0: i32) -> (i32, i32) {
    %add3A = arith.constant 60 : i32
    %add3A_0 = arith.addi %add3A, %arg0 : i32
    %c0_i32 = arith.constant 0 : i32
    %c0_i32_1 = arith.constant 0 : i32
    return %add3A_0, %c0_i32 : i32, i32
  }
  func.func @transform_44(%arg0: i32) -> (i32, i32) {
    %add3A = arith.constant 80 : i32
    %add3A_0 = arith.addi %add3A, %arg0 : i32
    %c0_i32 = arith.constant 0 : i32
    %c0_i32_1 = arith.constant 0 : i32
    return %add3A_0, %c0_i32 : i32, i32
  }
  func.func @transform_45(%arg0: i32) -> (i32, i32) {
    %add3A = arith.constant 100 : i32
    %add3A_0 = arith.addi %add3A, %arg0 : i32
    %c0_i32 = arith.constant 0 : i32
    %c0_i32_1 = arith.constant 0 : i32
    return %add3A_0, %c0_i32 : i32, i32
  }
  func.func @transform_46(%arg0: i32) -> (i32, i32) {
    %add3A = arith.constant 120 : i32
    %add3A_0 = arith.addi %add3A, %arg0 : i32
    %c0_i32 = arith.constant 0 : i32
    %c0_i32_1 = arith.constant 0 : i32
    return %add3A_0, %c0_i32 : i32, i32
  }
  func.func @transform_47(%arg0: i32) -> (i32, i32) {
    %add3A = arith.constant 140 : i32
    %add3A_0 = arith.addi %add3A, %arg0 : i32
    %c0_i32 = arith.constant 0 : i32
    %c0_i32_1 = arith.constant 0 : i32
    return %add3A_0, %c0_i32 : i32, i32
  }
  func.func @transform_48(%arg0: i32) -> (i32, i32) {
    %add3A = arith.constant 160 : i32
    %add3A_0 = arith.addi %add3A, %arg0 : i32
    %c0_i32 = arith.constant 0 : i32
    %c0_i32_1 = arith.constant 0 : i32
    return %add3A_0, %c0_i32 : i32, i32
  }
  func.func @transform_49(%arg0: i32) -> (i32, i32) {
    %add3A = arith.constant 180 : i32
    %add3A_0 = arith.addi %add3A, %arg0 : i32
    %c0_i32 = arith.constant 0 : i32
    %c0_i32_1 = arith.constant 0 : i32
    return %add3A_0, %c0_i32 : i32, i32
  }
  func.func @transform_50(%arg0: i32) -> (i32, i32) {
    %add3A = arith.constant 200 : i32
    %add3A_0 = arith.addi %add3A, %arg0 : i32
    %c0_i32 = arith.constant 0 : i32
    %c0_i32_1 = arith.constant 0 : i32
    return %add3A_0, %c0_i32 : i32, i32
  }
  func.func @transform_51(%arg0: i32) -> (i32, i32) {
    %add3A = arith.constant 220 : i32
    %add3A_0 = arith.addi %add3A, %arg0 : i32
    %c0_i32 = arith.constant 0 : i32
    %c0_i32_1 = arith.constant 0 : i32
    return %add3A_0, %c0_i32 : i32, i32
  }
  func.func @transform_52(%arg0: i32) -> (i32, i32) {
    %add3A = arith.constant 240 : i32
    %add3A_0 = arith.addi %add3A, %arg0 : i32
    %c0_i32 = arith.constant 0 : i32
    %c0_i32_1 = arith.constant 0 : i32
    return %add3A_0, %c0_i32 : i32, i32
  }
  func.func @transform_53(%arg0: i32) -> (i32, i32) {
    %add3A = arith.constant 260 : i32
    %add3A_0 = arith.addi %add3A, %arg0 : i32
    %c0_i32 = arith.constant 0 : i32
    %c0_i32_1 = arith.constant 0 : i32
    return %add3A_0, %c0_i32 : i32, i32
  }
  func.func @transform_54(%arg0: i32) -> (i32, i32) {
    %add3A = arith.constant 280 : i32
    %add3A_0 = arith.addi %add3A, %arg0 : i32
    %c0_i32 = arith.constant 0 : i32
    %c0_i32_1 = arith.constant 0 : i32
    return %add3A_0, %c0_i32 : i32, i32
  }
  func.func @transform_55(%arg0: i32) -> (i32, i32) {
    %add3A = arith.constant 300 : i32
    %add3A_0 = arith.addi %add3A, %arg0 : i32
    %c0_i32 = arith.constant 0 : i32
    %c0_i32_1 = arith.constant 0 : i32
    return %add3A_0, %c0_i32 : i32, i32
  }
  func.func @transform_56(%arg0: i32) -> (i32, i32) {
    %add3A = arith.constant 320 : i32
    %add3A_0 = arith.addi %add3A, %arg0 : i32
    %c0_i32 = arith.constant 0 : i32
    %c0_i32_1 = arith.constant 0 : i32
    return %add3A_0, %c0_i32 : i32, i32
  }
  func.func @transform_57(%arg0: i32) -> (i32, i32) {
    %add3A = arith.constant 340 : i32
    %add3A_0 = arith.addi %add3A, %arg0 : i32
    %c0_i32 = arith.constant 0 : i32
    %c0_i32_1 = arith.constant 0 : i32
    return %add3A_0, %c0_i32 : i32, i32
  }
  func.func @transform_58(%arg0: i32) -> (i32, i32) {
    %add3A = arith.constant 360 : i32
    %add3A_0 = arith.addi %add3A, %arg0 : i32
    %c0_i32 = arith.constant 0 : i32
    %c0_i32_1 = arith.constant 0 : i32
    return %add3A_0, %c0_i32 : i32, i32
  }
  func.func @transform_59(%arg0: i32) -> (i32, i32) {
    %add3A = arith.constant 380 : i32
    %add3A_0 = arith.addi %add3A, %arg0 : i32
    %c0_i32 = arith.constant 0 : i32
    %c0_i32_1 = arith.constant 0 : i32
    return %add3A_0, %c0_i32 : i32, i32
  }
  func.func @transform_60(%arg0: i32) -> (i32, i32) {
    %c0_i32 = arith.constant 0 : i32
    %c0_i32_0 = arith.constant 0 : i32
    return %c0_i32, %arg0 : i32, i32
  }
  func.func @transform_61(%arg0: i32) -> (i32, i32) {
    %c0_i32 = arith.constant 0 : i32
    %c0_i32_0 = arith.constant 0 : i32
    %c0_i32_1 = arith.constant 0 : i32
    return %c0_i32, %c0_i32_0 : i32, i32
  }
  func.func @transform_62(%arg0: i32) -> (i32, i32) {
    %c0_i32 = arith.constant 0 : i32
    %c0_i32_0 = arith.constant 0 : i32
    %c0_i32_1 = arith.constant 0 : i32
    return %c0_i32, %c0_i32_0 : i32, i32
  }
  func.func @transform_63(%arg0: i32) -> (i32, i32) {
    %c0_i32 = arith.constant 0 : i32
    %c0_i32_0 = arith.constant 0 : i32
    %c0_i32_1 = arith.constant 0 : i32
    return %c0_i32, %c0_i32_0 : i32, i32
  }
  func.func @transform_64(%arg0: i32) -> (i32, i32) {
    %c0_i32 = arith.constant 0 : i32
    %c0_i32_0 = arith.constant 0 : i32
    %c0_i32_1 = arith.constant 0 : i32
    return %c0_i32, %c0_i32_0 : i32, i32
  }
  func.func @transform_65(%arg0: i32) -> (i32, i32) {
    %c0_i32 = arith.constant 0 : i32
    %c0_i32_0 = arith.constant 0 : i32
    %c0_i32_1 = arith.constant 0 : i32
    return %c0_i32, %c0_i32_0 : i32, i32
  }
  func.func @transform_66(%arg0: i32) -> (i32, i32) {
    %c0_i32 = arith.constant 0 : i32
    %c0_i32_0 = arith.constant 0 : i32
    %c0_i32_1 = arith.constant 0 : i32
    return %c0_i32, %c0_i32_0 : i32, i32
  }
  func.func @transform_67(%arg0: i32) -> (i32, i32) {
    %c0_i32 = arith.constant 0 : i32
    %c0_i32_0 = arith.constant 0 : i32
    %c0_i32_1 = arith.constant 0 : i32
    return %c0_i32, %c0_i32_0 : i32, i32
  }
  func.func @transform_68(%arg0: i32) -> (i32, i32) {
    %c0_i32 = arith.constant 0 : i32
    %c0_i32_0 = arith.constant 0 : i32
    %c0_i32_1 = arith.constant 0 : i32
    return %c0_i32, %c0_i32_0 : i32, i32
  }
  func.func @transform_69(%arg0: i32) -> (i32, i32) {
    %c0_i32 = arith.constant 0 : i32
    %c0_i32_0 = arith.constant 0 : i32
    %c0_i32_1 = arith.constant 0 : i32
    return %c0_i32, %c0_i32_0 : i32, i32
  }
  func.func @transform_70(%arg0: i32) -> (i32, i32) {
    %c0_i32 = arith.constant 0 : i32
    %c0_i32_0 = arith.constant 0 : i32
    return %c0_i32, %arg0 : i32, i32
  }
}

</mosaic_0001>

<sc_bundles>
// kernel: kernel.11.cloned.1.call-start
scs
__scs_entry_jumppad:
0x0: {  	(pc) =	sbr.rel $0x88, $3  }
0x1: {  	(tag) =	ssettag $0x0;
	lr =	simm.s32 $0x1  }
0x2: {  	[smem:$0x3F94] =	sst lr;
	_ =	strace $0xD0000000  }
0x3: {  	_ = 	snop  }
0x4: {  	_ = 	snop  }
0x5: {  	_ = 	snop  }
0x6: {  	_ = 	snop  }
0x7: {  	_ = 	snop  }
__scs_overlays_trampoline_lowered:
0x8: {  	[smem:$0x3FA3] =	sst s0  }
0x9: {  	[smem:$0x3FA4] =	sst s1  }
0xa: {  	[smem:$0x3FA5] =	sst s2  }
0xb: {  	[smem:$0x3FA6] =	sst s3  }
0xc: {  	[smem:$0x3FA7] =	sst s4  }
0xd: {  	[smem:$0x3FA8] =	sst s5  }
0xe: {  	[smem:$0x3FA9] =	sst s6  }
0xf: {  	[smem:$0x3FAA] =	sst s7  }
0x10: {  	[smem:$0x3FAB] =	sst s8  }
0x11: {  	[smem:$0x3FAC] =	sst s9;
	s0 =	simm.s32 @!p0 $0x0  }
0x12: {  	s1 =	sld [smem:$0x3F92];
	s0 =	simm.s32 @p0 $0x1  }
0x13: {  	[smem:$0x3FAD] =	sst s0;
	s0 =	simm.s32 @!p1 $0x0  }
0x14: {  	s2 =	sld [smem:$0x3F91];
	s0 =	simm.s32 @p1 $0x1  }
0x15: {  	[smem:$0x3FAE] =	sst s0;
	s0 =	simm.s32 @!p2 $0x0  }
0x16: {  	s3 =	sld [smem:$0x3FDB];
	s0 =	simm.s32 @p2 $0x1  }
0x17: {  	s4 =	simm.s32 $0x1BF5;
	[smem:$0x3FB0] =	sst s0  }
0x18: {  	s0 =	sld [smem:$0x3F93];
	_ =	swait.ge [sflag:s4], $0x0  }
0x19: {  	s7 =	sld [smem:$0x3F94]  }
0x1a: {  	s8 =	sadd.s32 $0xFFFFE003, lr  }
0x1b: {  	s9 =	sadd.s32 $0xFFFFFEF7, lr;
	s5 =	simm.s32 $0xFFFFFFFF;
	p2 =	slt.u32 s8, $0xFFFFF086  }
0x1c: {  	p1 =	slt.u32 s9, $0xF7A;
	s5 =	simm.s32 @!p2 $0x0  }
0x1d: {  	s5 =	simm.s32 @p1 $0x1;
	p0 =	seq.s32 s7, s2  }
0x1e: {  	s7 =	smul.u32 @!p0 $0xF7A, s2;
	p2 =	seq.s32 @!p0 s5, $0x0  }
0x1f: {  	s9 =	smul.u32 $0xF7A, s1;
	s8 =	simm.s32 @!p0 $0x1BF5;
	p2 =	por !p2, p0  }
0x20: {  	[sflag:s8] =	ssyncset.s32 @!p0 $0xFFFFF086;
	s6 =	sadd.s32 @!p0 s3, s7;
	s7 =	simm.s32 @!p0 $0x108  }
0x21: {  	s3 =	sadd.s32 s3, s9;
	s6 =	sadd.s32 @!p0 $0x88, s6;
	s7 =	simm.s32 @p2 $0x1082  }
0x22: {  	[simem:s7], [sflag:s8] =	dma.local @!p0 [hbm:s6], $0xF7A  }
0x23: {  	s9 =	sor.u32 $0xD0000000, s2;
	s6 =	simm.s32 $0x108;
	_ =	swait.ge @!p0 [sflag:s8], $0x0  }
0x24: {  	s3 =	sadd.s32 $0x88, s3;
	s6 =	simm.s32 @!p1 $0x1082;
	[sflag:s4] =	ssyncset.s32 $0xFFFFF086  }
0x25: {  	[simem:s6], [sflag:s4] =	dma.local [hbm:s3], $0xF7A  }
0x26: {  	[smem:$0x3F94] =	sst s1;
	(tag) =	ssettag s2;
	_ =	strace s9  }
0x27: {  	s1 =	sld [smem:$0x3FA4]  }
0x28: {  	s2 =	sld [smem:$0x3FA5]  }
0x29: {  	s4 =	sld [smem:$0x3FA7]  }
0x2a: {  	p0 =	seq.s32 s5, $0x0;
	s5 =	sld [smem:$0x3FA8]  }
0x2b: {  	s6 =	sld [smem:$0x3FA9]  }
0x2c: {  	s7 =	sld [smem:$0x3FAA]  }
0x2d: {  	s3 =	simm.s32 $0x108;
	s8 =	sld [smem:$0x3FAB]  }
0x2e: {  	s3 =	simm.s32 @!p0 $0x1082;
	s9 =	sld [smem:$0x3FAC]  }
0x2f: {  	lr =	sadd.s32 s0, s3;
	s0 =	sld [smem:$0x3FA3]  }
0x30: {  	s3 =	sld [smem:$0x3FA6]  }
0x31: {  	[smem:$0x3FAF] =	sst s10  }
0x32: {  	s10 =	sld [smem:$0x3FAD];
	_ =	sdelay $0x3  }
0x33: {  	p0 =	seq.s32 s10, $0x1;
	s10 =	sld [smem:$0x3FAF];
	_ =	sdelay $0x3  }
0x34: {  	[smem:$0x3FAF] =	sst s10  }
0x35: {  	s10 =	sld [smem:$0x3FAE];
	_ =	sdelay $0x3  }
0x36: {  	p1 =	seq.s32 s10, $0x1;
	s10 =	sld [smem:$0x3FAF];
	_ =	sdelay $0x3  }
0x37: {  	[smem:$0x3FAF] =	sst s10  }
0x38: {  	s10 =	sld [smem:$0x3FB0]  }
0x39: {  	_ = 	snop;
	(pc) =	sbr.ind lr, $3  }
0x3a: {  	_ = 	snop  }
0x3b: {  	_ = 	snop  }
0x3c: {  	p2 =	seq.s32 s10, $0x1;
	s10 =	sld [smem:$0x3FAF]  }
0x3d: {  	_ =	shalt  }
0x3e: {  	_ =	shalt  }
0x3f: {  	_ =	shalt  }
0x40: {  	_ =	shalt  }
0x41: {  	_ =	shalt  }
0x42: {  	_ =	shalt  }
0x43: {  	_ =	shalt  }
0x44: {  	_ =	shalt  }
0x45: {  	_ =	shalt  }
0x46: {  	_ =	shalt  }
0x47: {  	_ =	shalt  }
0x48: {  	_ =	shalt  }
0x49: {  	_ =	shalt  }
0x4a: {  	_ =	shalt  }
0x4b: {  	_ =	shalt  }
0x4c: {  	_ =	shalt  }
0x4d: {  	_ =	shalt  }
0x4e: {  	_ =	shalt  }
0x4f: {  	_ =	shalt  }
0x50: {  	_ =	shalt  }
0x51: {  	_ =	shalt  }
0x52: {  	_ =	shalt  }
0x53: {  	_ =	shalt  }
0x54: {  	_ =	shalt  }
0x55: {  	_ =	shalt  }
0x56: {  	_ =	shalt  }
0x57: {  	_ =	shalt  }
0x58: {  	_ =	shalt  }
0x59: {  	_ =	shalt  }
0x5a: {  	_ =	shalt  }
0x5b: {  	_ =	shalt  }
0x5c: {  	_ =	shalt  }
0x5d: {  	_ =	shalt  }
0x5e: {  	_ =	shalt  }
0x5f: {  	_ =	shalt  }
0x60: {  	_ =	shalt  }
0x61: {  	_ =	shalt  }
0x62: {  	_ =	shalt  }
0x63: {  	_ =	shalt  }
0x64: {  	_ =	shalt  }
0x65: {  	_ =	shalt  }
0x66: {  	_ =	shalt  }
0x67: {  	_ =	shalt  }
0x68: {  	_ =	shalt  }
0x69: {  	_ =	shalt  }
0x6a: {  	_ =	shalt  }
0x6b: {  	_ =	shalt  }
0x6c: {  	_ =	shalt  }
0x6d: {  	_ =	shalt  }
0x6e: {  	_ =	shalt  }
0x6f: {  	_ =	shalt  }
0x70: {  	_ =	shalt  }
0x71: {  	_ =	shalt  }
0x72: {  	_ =	shalt  }
0x73: {  	_ =	shalt  }
0x74: {  	_ =	shalt  }
0x75: {  	_ =	shalt  }
0x76: {  	_ =	shalt  }
0x77: {  	_ =	shalt  }
0x78: {  	_ =	shalt  }
0x79: {  	_ =	shalt  }
0x7a: {  	_ =	shalt  }
0x7b: {  	_ =	shalt  }
0x7c: {  	_ =	shalt  }
0x7d: {  	_ =	shalt  }
0x7e: {  	_ =	shalt  }
0x7f: {  	_ =	shalt  }
0x80: {  	_ =	shalt  }
0x81: {  	_ =	shalt  }
0x82: {  	_ =	shalt  }
0x83: {  	_ =	shalt  }
0x84: {  	_ =	shalt  }
0x85: {  	_ =	shalt  }
0x86: {  	_ =	shalt  }
0x87: {  	_ =	shalt  }
.Lfunc_end0:
.L_simem_size_0:
called_computation.1_lowered:
.L_overlay_start_0:
0x88: {  	s2 =	sld [smem:$0x3FD9]  }
0x89: {  	s3 =	sld [smem:$0x3FFE];
	_ =	sdelay $0x1  }
0x8a: {  	s1 =	srdreg.scid  }
0x8b: {  	s0 =	sand.u32 $0x1, s1  }
0x8c: {  	s17 =	sshll.u32 s0, $0xA;
	s2 =	sadd.s32 s3, s2  }
0x8d: {  	s2 =	sadd.s32 s2, s17  }
0x8e: {  	[smem:$0x3FBB] =	sst s2  }
0x8f: {  	_ = 	snop  }
0x90: {  	s2 =	sld [smem:$0x3FD0];
	(tm) =	ssettm $0x1  }
0x91: {  	s18 =	sld [smem:$0x3FFB];
	_ =	sdelay $0x3  }
0x92: {  	_ =	strace s18  }
0x93: {  	s3 =	sld [smem:$0x3FFC];
	_ =	sdelay $0x3  }
0x94: {  	_ =	strace s3  }
0x95: {  	s3 =	sld [smem:$0x3FFD];
	_ =	sdelay $0x3  }
0x96: {  	_ =	strace s3  }
0x97: {  	_ =	strace $0x8FFFFFFF  }
0x98: {  	s19 =	sld [smem:$0x3FDB];
	_ =	sdelay $0x1  }
0x99: {  	s4 =	simm.s32 $_scs_section_size  }
0x9a: {  	s5 =	simm.s32 $_size__tile_overlayer_lowered;
	s6 =	simm.s32 $_tile_overlayer_lowered  }
0x9b: {  	s22 =	simm.s32 $0x1BFF;
	s21 =	sshll.u32 s6, $0x1;
	s3 =	sadd.s32 s4, s19  }
0x9c: {  	s7 =	simm.s32 $0x0;
	s20 =	sshll.u32 s5, $0x1;
	s5 =	sadd.s32 s21, s3  }
0x9d: {  	[timem:s7], [sflag:s22] =	dma.local [hbm:s5], s20  }
0x9e: {  	_ =	swait.ge [sflag:s22], s20  }
0x9f: {  	s4 =	ssub.s32 $0x0, s20;
	[sflag:s22] =	ssyncset.done $0x0  }
0xa0: {  	[sflag:s22] =	ssyncadd.s32 s4;
	_ =	sdelay $0x1  }
0xa1: {  	s23 =	simm.s32 $0x1B8B  }
0xa2: {  	_ =	swait.ge [sflag:s23], $0x1  }
0xa3: {  	[sflag:s23] =	ssyncset.done $0x0  }
0xa4: {  	s25 =	simm.s32 $0x1B8E;
	s24 =	sld [smem:$0x3FFE];
	[sflag:s23] =	ssyncadd.s32 $0xFFFFFFFF  }
0xa5: {  	s26 =	simm.s32 $execute0_lowered;
	[smem:$0x3FD2] =	sst s25  }
0xa6: {  	s5 =	sshll.u32 s26, $0x1;
	_ =	strace $0x80000049;
	[dreg:$0x1] =	wrdreg $0xFFFFFFFF  }
0xa7: {  	s28 =	simm.s32 $_size_execute0_lowered;
	s3 =	sadd.s32 s3, s5;
	[dreg:$0x0] =	wrdreg $0x0  }
0xa8: {  	s5 =	sshll.u32 s28, $0x1;
	[dreg:$0x2] =	wrdreg s3  }
0xa9: {  	[dreg:$0x3] =	wrdreg s5  }
0xaa: {  	[dreg:$0x4] =	wrdreg $0xC0  }
0xab: {  	_ =	task [dreg:s7], $0x5FFFF  }
0xac: {  	[dreg:$0x1] =	wrdreg $0xFFFFFFFF  }
0xad: {  	[dreg:$0x0] =	wrdreg $0x60  }
0xae: {  	[dreg:$0x2] =	wrdreg s24  }
0xaf: {  	[dreg:$0x3] =	wrdreg s2  }
0xb0: {  	[dreg:$0x4] =	wrdreg $0x9  }
0xb1: {  	_ =	task.clear_ibuf [dreg:s7], $0x5FFFF;
	_ =	strace $0x90000049  }
0xb2: {  	s29 =	simm.s32 $0x9;
	_ =	strace $0x8000004B  }
0xb3: {  	_ =	swait.ge [sflag:s29], $0x1  }
0xb4: {  	[sflag:s29] =	ssyncadd.s32 $0xFFFFFFFF  }
0xb5: {  	_ =	strace $0x9000004B  }
0xb6: {  	_ =	sfence  }
0xb7: {  	s30 =	sld [smem:$0x0];
	_ =	sdelay $0x2  }
0xb8: {  	s31 =	sshll.u32 s1, $0xD;
	s1 =	sshrl.u32 s1, $0x2  }
0xb9: {  	s3 =	sand.u32 $0x4000, s31;
	s1 =	sadd.s32 s1, s30  }
0xba: {  	s0 =	sor.u32 s3, s0;
	s1 =	sshll.u32 s1, $0x11  }
0xbb: {  	s0 =	sor.u32 s1, s0  }
0xbc: {  	s0 =	sadd.s32 $0x8F2B, s0  }
0xbd: {  	[sflag:s0] =	ssyncadd.remote.s32 $0x1  }
0xbe: {  	_ =	sfence.sel $0xFFFF  }
0xbf: {  	[dreg:$0x0] =	wrdreg $0xFFFFFFFF;
	(pc) =	sbr.abs _section_cstart, $3  }
0xc0: {  	[dreg:$0x1] =	wrdreg $0xFFFFFFFF  }
0xc1: {  	_ =	task.clear_ibuf [dreg:s7], $0x2FFFF;
	_ =	strace $0x9FFFFFFF  }
0xc2: {  	(tm) =	ssettm $0x7FFFFFFF  }
0xc3: {  	_ =	shalt  }
tec
execute0_lowered:
.L_overlay_start_1:
0x0: {  	(tag) =	ssettag $0x1  }
0x1: {  	s0 =	srdreg.scid;
	s5 =	rddreg [dreg:$0x0]  }
0x2: {  	s17 =	rddreg [dreg:$0x1];
	s1 =	stileid.u32  }
0x3: {  	s2 =	simm.s32 $0x0;
	s28 =	simm.s32 $0x0;
	s6 =	sand.u32 $0x1, s0  }
0x4: {  	[smem:$0x7FF] =	sst s2;
	s3 =	sadd.s32 $0xC000, s5;
	s0 =	sshll.u32 s6, $0x4  }
0x5: {  	s4 =	sadd.s32 $0x2200, s5;
	s6 =	ssub.s32 $0x2, s6;
	s7 =	sor.u32 s1, s0  }
0x6: {  	s19 =	sadd.s32 $0x3D000, s5;
	s20 =	sshrl.u32 s6, $0x1;
	s0 =	smul.u32 $0x5, s7  }
0x7: {  	_ =	strace $0x8000004A;
	s9 =	smul.u32 $0x50, s7;
	s20 =	ssub.s32 s6, s20  }
0x8: {  	s7 =	smul.u32 $0x280, s7;
	s20 =	smax.u32 s20, $0x1;
	s8 =	sshrl.u32 s0, $0x6  }
0x9: {  	s9 =	sand.u32 $0x380, s9;
	s10 =	sshrl.u32 s0, $0x3;
	s8 =	smul.u32 $0x13C00, s8  }
0xa: {  	s23 =	sand.u32 $0x7, s0;
	s7 =	sand.u32 $0x380, s7;
	s22 =	smul.u32 $0x13C00, s10  }
0xb: {  	s24 =	sadd.s32 $0x1, s0;
	s30 =	sadd.s32 $0x2, s0;
	s6 =	smul.u32 $0x9C40, s23  }
0xc: {  	s25 =	sshrl.u32 s24, $0x6;
	s26 =	sshll.u32 s24, $0x4;
	s11 =	sand.u32 $0x7, s24  }
0xd: {  	s12 =	sshrl.u32 s24, $0x3;
	s31 =	sshrl.u32 s30, $0x6;
	s15 =	sshll.u32 s30, $0x4  }
0xe: {  	s16 =	sshrl.u32 s30, $0x3;
	s10 =	sand.u32 $0x380, s26;
	s29 =	smul.u32 $0x13C00, s12  }
0xf: {  	s14 =	smul.u32 $0x13C00, s31;
	s12 =	sshll.u32 s30, $0x7;
	s21 =	sor.u32 s9, s8  }
0x10: {  	s7 =	sor.u32 s7, s22;
	s8 =	smul.u32 $0x13C00, s25;
	s9 =	sshll.u32 s24, $0x7  }
0x11: {  	s18 =	sand.u32 $0x380, s12;
	s5 =	sshrl.u32 s21, $0x3;
	s7 =	sshrl.u32 s7, $0x3  }
0x12: {  	s9 =	sand.u32 $0x380, s9;
	s5 =	sadd.s32 s17, s5;
	s8 =	sor.u32 s10, s8  }
0x13: {  	s7 =	sadd.s32 s19, s7;
	s9 =	sor.u32 s9, s29;
	s8 =	sshrl.u32 s8, $0x3  }
0x14: {  	s13 =	sshrl.u32 s9, $0x3;
	s9 =	smul.u32 $0x9C40, s11;
	s8 =	sadd.s32 s17, s8  }
0x15: {  	s10 =	sadd.s32 s19, s13;
	s13 =	sand.u32 $0x380, s15;
	s15 =	sand.u32 $0x7, s30  }
0x16: {  	s11 =	sor.u32 s13, s14;
	s14 =	smul.u32 $0x13C00, s16;
	s16 =	sadd.s32 $0x3, s0  }
0x17: {  	s12 =	smul.u32 $0x9C40, s15;
	s0 =	sadd.s32 $0x4, s0;
	s11 =	sshrl.u32 s11, $0x3  }
0x18: {  	s22 =	sshrl.u32 s16, $0x6;
	s23 =	sshll.u32 s16, $0x4;
	s25 =	sshll.u32 s16, $0x7  }
0x19: {  	s29 =	sshrl.u32 s0, $0x6;
	s11 =	sadd.s32 s17, s11;
	s21 =	sor.u32 s18, s14  }
0x1a: {  	s14 =	smul.u32 $0x13C00, s22;
	s15 =	sand.u32 $0x380, s23;
	s18 =	sshrl.u32 s16, $0x3  }
0x1b: {  	s16 =	sand.u32 $0x7, s16;
	s22 =	sshrl.u32 s0, $0x3;
	s23 =	sshll.u32 s0, $0x7  }
0x1c: {  	s13 =	sshrl.u32 s21, $0x3;
	s24 =	smul.u32 $0x13C00, s18;
	s18 =	sand.u32 $0x380, s25  }
0x1d: {  	s21 =	sshll.u32 s0, $0x4;
	s22 =	smul.u32 $0x13C00, s22;
	s30 =	sand.u32 $0x380, s23  }
0x1e: {  	s0 =	sand.u32 $0x7, s0;
	s23 =	simm.s32 $0x1;
	s25 =	simm.s32 $0x7680  }
0x1f: {  	s13 =	sadd.s32 s19, s13;
	s14 =	sor.u32 s15, s14;
	s15 =	smul.u32 $0x9C40, s16  }
0x20: {  	s21 =	sand.u32 $0x380, s21;
	s14 =	sshrl.u32 s14, $0x3;
	s18 =	sor.u32 s18, s24  }
0x21: {  	s24 =	simm.s32 $0x4F00;
	s26 =	sshrl.u32 s18, $0x3;
	s18 =	smul.u32 $0x13C00, s29  }
0x22: {  	s14 =	sadd.s32 s17, s14;
	s16 =	sadd.s32 s19, s26;
	s26 =	simm.s32 $0x2780  }
0x23: {  	s18 =	sor.u32 s21, s18;
	s21 =	sor.u32 s30, s22;
	s22 =	simm.s32 $0x400  }
0x24: {  	s18 =	sshrl.u32 s18, $0x3;
	s31 =	sshrl.u32 s21, $0x3;
	s21 =	simm.s32 $0x80  }
0x25: {  	v0 =	vimm.f32 $0.0e+00;
	s17 =	sadd.s32 s17, s18;
	s18 =	smul.u32 $0x9C40, s0;
	s19 =	sadd.s32 s19, s31  }
.LBB2_1:
0x26: {  	[tilespmem:s2], [sflag:$0x1] =	stream.strided.gather [hbm4b:s5+s21], $0x2780, s22, s21, $0x38;
	[tilespmem:$0x9E00] =	vst v63  }
0x27: {  	_ =	swait.ge [sflag:s23], $0x2780  }
0x28: {  	[sflag:s23] =	ssyncset.done $0x0  }
0x29: {  	s0 =	simm.s32 $0x0;
	[sflag:s23] =	ssyncadd.s32 $0xFFFFD880  }
.LBB2_2:
0x2a: {  	p0 =	sne.s32 s0, $0x9C00  }
.Ltmp0:
0x2b: {  	_ = 	snop;
	(pc) =	sbr.rel @p0 .LBB2_2-.Ltmp0, $3  }
0x2c: {  	_ =	sdelay $0x1  }
0x2d: {  	s29 =	sshra.s32 s0, $0x2  }
0x2e: {  	s0 =	sadd.s32 $0x40, s0;
	[tilespmem:s29+$0x2780] =	vst v0  }
0x2f: {  	s29 =	simm.s32 $0x0  }
.LBB2_4:
0x30: {  	s0 =	smul.u32 $0x2710, s29;
	_ =	sdelay $0x1  }
0x31: {  	s0 =	sadd.s32 s6, s0  }
0x32: {  	s0 =	sshrl.u32 s0, $0x3  }
0x33: {  	s30 =	sadd.s32 s3, s0  }
0x34: {  	[tilespmem:s24], [sflag:$0x1] =	stream.linear.gather [hbm4b:s30+s2], $0x2710, $0x38;
	[tilespmem:$0x9E00] =	vst v63  }
0x35: {  	_ =	swait.ge [sflag:s23], $0x2710  }
0x36: {  	[sflag:s23] =	ssyncset.done $0x0  }
0x37: {  	s0 =	sadd.s32 s4, s0;
	[sflag:s23] =	ssyncadd.s32 $0xFFFFD8F0  }
0x38: {  	[tilespmem:s25], [sflag:$0x1] =	stream.linear.gather [hbm4b:s0+s2], $0x2710, $0x38;
	[tilespmem:$0x9E00] =	vst v63  }
0x39: {  	_ =	swait.ge [sflag:s23], $0x2710  }
0x3a: {  	[sflag:s23] =	ssyncset.done $0x0  }
0x3b: {  	s0 =	simm.s32 $0x4F40;
	[sflag:s23] =	ssyncadd.s32 $0xFFFFD8F0  }
0x3c: {  	v1 =	vld [tilespmem:s0+$0x30]  }
0x3d: {  	v2 =	vld [tilespmem:s0+$0xFFFFFFD0]  }
0x3e: {  	v3 =	vld [tilespmem:s0+$0xFFFFFFE0]  }
0x3f: {  	v4 =	vld [tilespmem:s0+$0xFFFFFFF0]  }
0x40: {  	v5 =	vld [tilespmem:s0+$0x0]  }
0x41: {  	s30 =	simm.s32 $0x76C0;
	v6 =	vld [tilespmem:s0+$0x10]  }
0x42: {  	v7 =	vld [tilespmem:s30+$0x30]  }
0x43: {  	v8 =	vld [tilespmem:s0+$0x20]  }
0x44: {  	v9 =	vld [tilespmem:s0+$0xFFFFFFC0]  }
0x45: {  	v63 =	vld [tilespmem:s30+$0xFFFFFFC0]  }
0x46: {  	v11 =	vld [tilespmem:s30+$0xFFFFFFD0]  }
0x47: {  	v12 =	vld [tilespmem:s30+$0xFFFFFFE0]  }
0x48: {  	v13 =	vld [tilespmem:s30+$0xFFFFFFF0]  }
0x49: {  	v14 =	vld [tilespmem:s30+$0x0]  }
0x4a: {  	v15 =	vld [tilespmem:s30+$0x10]  }
0x4b: {  	v1 =	vld.idx.msk [tilespmem:v1+s2+$0x0], $0xffff  }
0x4c: {  	v10 =	vld.idx.msk [tilespmem:v2+s2+$0x0], $0xffff  }
0x4d: {  	v3 =	vld.idx.msk [tilespmem:v3+s2+$0x0], $0xffff  }
0x4e: {  	v4 =	vld.idx.msk [tilespmem:v4+s2+$0x0], $0xffff  }
0x4f: {  	v5 =	vld.idx.msk [tilespmem:v5+s2+$0x0], $0xffff  }
0x50: {  	v62 =	vld.idx.msk [tilespmem:v9+s2+$0x0], $0xffff  }
0x51: {  	v6 =	vld.idx.msk [tilespmem:v6+s2+$0x0], $0xffff  }
0x52: {  	v2 =	vld [tilespmem:s30+$0x20]  }
0x53: {  	[tilespmem:v7+s26+$0x0] =	vst.idx.add.f32.msk $0xffff, v1  }
0x54: {  	v1 =	vld.idx.msk [tilespmem:v8+s2+$0x0], $0xffff  }
0x55: {  	[tilespmem:v63+s26+$0x0] =	vst.idx.add.f32.msk $0xffff, v62  }
0x56: {  	[tilespmem:v11+s26+$0x0] =	vst.idx.add.f32.msk $0xffff, v10  }
0x57: {  	[tilespmem:v12+s26+$0x0] =	vst.idx.add.f32.msk $0xffff, v3  }
0x58: {  	[tilespmem:v13+s26+$0x0] =	vst.idx.add.f32.msk $0xffff, v4  }
0x59: {  	[tilespmem:v14+s26+$0x0] =	vst.idx.add.f32.msk $0xffff, v5  }
0x5a: {  	s31 =	simm.s32 $0x0;
	s0 =	simm.s32 $0x4FC0;
	[tilespmem:v15+s26+$0x0] =	vst.idx.add.f32.msk $0xffff, v6  }
.LBB2_5:
0x5b: {  	v3 =	vld [tilespmem:s0+$0x30];
	s31 =	sadd.s32 $0x8, s31  }
0x5c: {  	v4 =	vld [tilespmem:s0+$0xFFFFFFD0];
	p0 =	slt.u32 s31, $0x268  }
0x5d: {  	v5 =	vld [tilespmem:s0+$0xFFFFFFE0]  }
0x5e: {  	v6 =	vld [tilespmem:s0+$0xFFFFFFF0]  }
0x5f: {  	v7 =	vld [tilespmem:s0+$0x0]  }
0x60: {  	s30 =	sadd.s32 $0x80, s30;
	v8 =	vld [tilespmem:s0+$0x10]  }
0x61: {  	v9 =	vld [tilespmem:s30+$0x30]  }
0x62: {  	v10 =	vld [tilespmem:s0+$0x20]  }
0x63: {  	v3 =	vld.idx.msk [tilespmem:v3+s2+$0x0], $0xffff  }
0x64: {  	v11 =	vld [tilespmem:s0+$0xFFFFFFC0]  }
0x65: {  	v4 =	vld.idx.msk [tilespmem:v4+s2+$0x0], $0xffff  }
0x66: {  	v5 =	vld.idx.msk [tilespmem:v5+s2+$0x0], $0xffff  }
0x67: {  	v6 =	vld.idx.msk [tilespmem:v6+s2+$0x0], $0xffff  }
0x68: {  	v7 =	vld.idx.msk [tilespmem:v7+s2+$0x0], $0xffff  }
0x69: {  	[tilespmem:v9+s26+$0x0] =	vst.idx.add.f32.msk $0xffff, v3  }
0x6a: {  	v3 =	vld.idx.msk [tilespmem:v8+s2+$0x0], $0xffff  }
0x6b: {  	v8 =	vld.idx.msk [tilespmem:v10+s2+$0x0], $0xffff  }
0x6c: {  	v9 =	vld.idx.msk [tilespmem:v11+s2+$0x0], $0xffff  }
0x6d: {  	v10 =	vld [tilespmem:s30+$0xFFFFFFC0]  }
0x6e: {  	v11 =	vld [tilespmem:s30+$0xFFFFFFD0]  }
0x6f: {  	v12 =	vld [tilespmem:s30+$0xFFFFFFE0]  }
0x70: {  	v13 =	vld [tilespmem:s30+$0xFFFFFFF0]  }
0x71: {  	v14 =	vld [tilespmem:s30+$0x0]  }
0x72: {  	v15 =	vld [tilespmem:s30+$0x10]  }
0x73: {  	v16 =	vld [tilespmem:s30+$0x20]  }
0x74: {  	[tilespmem:v2+s26+$0x0] =	vst.idx.add.f32.msk $0xffff, v1;
	v1 =	vmov v8  }
0x75: {  	[tilespmem:v10+s26+$0x0] =	vst.idx.add.f32.msk $0xffff, v9  }
.Ltmp1:
0x76: {  	[tilespmem:v11+s26+$0x0] =	vst.idx.add.f32.msk $0xffff, v4;
	(pc) =	sbr.rel @p0 .LBB2_5-.Ltmp1, $4  }
0x77: {  	[tilespmem:v12+s26+$0x0] =	vst.idx.add.f32.msk $0xffff, v5  }
0x78: {  	[tilespmem:v13+s26+$0x0] =	vst.idx.add.f32.msk $0xffff, v6;
	v2 =	vmov v16  }
0x79: {  	[tilespmem:v14+s26+$0x0] =	vst.idx.add.f32.msk $0xffff, v7  }
0x7a: {  	s0 =	sadd.s32 $0x80, s0;
	[tilespmem:v15+s26+$0x0] =	vst.idx.add.f32.msk $0xffff, v3  }
0x7b: {  	_ =	sdelay $0x3  }
0x7c: {  	[tilespmem:v2+s26+$0x0] =	vst.idx.add.f32.msk $0xffff, v1  }
0x7d: {  	v1 =	vld [tilespmem:$0x7600];
	_ =	sdelay $0x4  }
0x7e: {  	v2 =	vld [tilespmem:$0x9D80];
	_ =	sdelay $0x1  }
0x7f: {  	s29 =	sadd.s32 $0x1, s29  }
0x80: {  	p0 =	sne.s32 s29, $0x4;
	v1 =	vld.idx.msk [tilespmem:v1+s2+$0x0], $0xffff  }
.Ltmp2:
0x81: {  	_ = 	snop;
	(pc) =	sbr.rel @p0 .LBB2_4-.Ltmp2, $2  }
0x82: {  	_ =	sdelay $0x2  }
0x83: {  	[tilespmem:v2+s26+$0x0] =	vst.idx.add.f32.msk $0xffff, v1  }
0x84: {  	[hbm4b:s7+s21] =	stream.strided.scatter [tilespmem:s26], [sflag:$0x1], $0x2780, s22, s21, $0x38;
	[tilespmem:$0x9E00] =	vst v63  }
0x85: {  	_ =	swait.ge [sflag:s23], $0x2780  }
0x86: {  	[sflag:s23] =	ssyncset.done $0x0  }
0x87: {  	s29 =	simm.s32 $0x0;
	[sflag:s23] =	ssyncadd.s32 $0xFFFFD880  }
0x88: {  	[tilespmem:s29], [sflag:$0x1] =	stream.strided.gather [hbm4b:s8+s21], $0x2780, s22, s21, $0x38;
	[tilespmem:$0x9E00] =	vst v63  }
0x89: {  	_ =	swait.ge [sflag:s23], $0x2780  }
0x8a: {  	[sflag:s23] =	ssyncset.done $0x0  }
0x8b: {  	s0 =	simm.s32 $0x40;
	s30 =	simm.s32 $0x0;
	[sflag:s23] =	ssyncadd.s32 $0xFFFFD880  }
.LBB2_8:
0x8c: {  	p0 =	sne.s32 s0, $0x9C00;
	[tilespmem:s30+$0x2780] =	vst v0;
	s30 =	smov.u32 s0;
	s0 =	sadd.s32 $0x40, s0  }
.Ltmp3:
0x8d: {  	(pc) =	sbr.rel @p0 .LBB2_8-.Ltmp3, $2  }
0x8e: {  	_ =	sdelay $0x2  }
0x8f: {  	s30 =	sshra.s32 s30, $0x2  }
0x90: {  	[tilespmem:s30+$0x2780] =	vst v0  }
.LBB2_10:
0x91: {  	s0 =	smul.u32 $0x2710, s29;
	_ =	sdelay $0x1  }
0x92: {  	s0 =	sadd.s32 s9, s0  }
0x93: {  	s0 =	sshrl.u32 s0, $0x3  }
0x94: {  	s30 =	sadd.s32 s3, s0  }
0x95: {  	[tilespmem:s24], [sflag:$0x1] =	stream.linear.gather [hbm4b:s30+s2], $0x2710, $0x38;
	[tilespmem:$0x9E00] =	vst v63  }
0x96: {  	_ =	swait.ge [sflag:s23], $0x2710  }
0x97: {  	[sflag:s23] =	ssyncset.done $0x0  }
0x98: {  	s0 =	sadd.s32 s4, s0;
	[sflag:s23] =	ssyncadd.s32 $0xFFFFD8F0  }
0x99: {  	[tilespmem:s25], [sflag:$0x1] =	stream.linear.gather [hbm4b:s0+s2], $0x2710, $0x38;
	[tilespmem:$0x9E00] =	vst v63  }
0x9a: {  	_ =	swait.ge [sflag:s23], $0x2710  }
0x9b: {  	[sflag:s23] =	ssyncset.done $0x0  }
0x9c: {  	s0 =	simm.s32 $0x4F40;
	[sflag:s23] =	ssyncadd.s32 $0xFFFFD8F0  }
0x9d: {  	v1 =	vld [tilespmem:s0+$0x30]  }
0x9e: {  	v2 =	vld [tilespmem:s0+$0xFFFFFFD0]  }
0x9f: {  	v3 =	vld [tilespmem:s0+$0xFFFFFFE0]  }
0xa0: {  	v4 =	vld [tilespmem:s0+$0xFFFFFFF0]  }
0xa1: {  	v5 =	vld [tilespmem:s0+$0x0]  }
0xa2: {  	s30 =	simm.s32 $0x76C0;
	v6 =	vld [tilespmem:s0+$0x10]  }
0xa3: {  	v7 =	vld [tilespmem:s30+$0x30]  }
0xa4: {  	v8 =	vld [tilespmem:s0+$0x20]  }
0xa5: {  	v9 =	vld [tilespmem:s0+$0xFFFFFFC0]  }
0xa6: {  	v63 =	vld [tilespmem:s30+$0xFFFFFFC0]  }
0xa7: {  	v11 =	vld [tilespmem:s30+$0xFFFFFFD0]  }
0xa8: {  	v12 =	vld [tilespmem:s30+$0xFFFFFFE0]  }
0xa9: {  	v13 =	vld [tilespmem:s30+$0xFFFFFFF0]  }
0xaa: {  	v14 =	vld [tilespmem:s30+$0x0]  }
0xab: {  	v15 =	vld [tilespmem:s30+$0x10]  }
0xac: {  	v1 =	vld.idx.msk [tilespmem:v1+s2+$0x0], $0xffff  }
0xad: {  	v10 =	vld.idx.msk [tilespmem:v2+s2+$0x0], $0xffff  }
0xae: {  	v3 =	vld.idx.msk [tilespmem:v3+s2+$0x0], $0xffff  }
0xaf: {  	v4 =	vld.idx.msk [tilespmem:v4+s2+$0x0], $0xffff  }
0xb0: {  	v5 =	vld.idx.msk [tilespmem:v5+s2+$0x0], $0xffff  }
0xb1: {  	v62 =	vld.idx.msk [tilespmem:v9+s2+$0x0], $0xffff  }
0xb2: {  	v6 =	vld.idx.msk [tilespmem:v6+s2+$0x0], $0xffff  }
0xb3: {  	v2 =	vld [tilespmem:s30+$0x20]  }
0xb4: {  	[tilespmem:v7+s26+$0x0] =	vst.idx.add.f32.msk $0xffff, v1  }
0xb5: {  	v1 =	vld.idx.msk [tilespmem:v8+s2+$0x0], $0xffff  }
0xb6: {  	[tilespmem:v63+s26+$0x0] =	vst.idx.add.f32.msk $0xffff, v62  }
0xb7: {  	[tilespmem:v11+s26+$0x0] =	vst.idx.add.f32.msk $0xffff, v10  }
0xb8: {  	[tilespmem:v12+s26+$0x0] =	vst.idx.add.f32.msk $0xffff, v3  }
0xb9: {  	[tilespmem:v13+s26+$0x0] =	vst.idx.add.f32.msk $0xffff, v4  }
0xba: {  	[tilespmem:v14+s26+$0x0] =	vst.idx.add.f32.msk $0xffff, v5  }
0xbb: {  	s31 =	simm.s32 $0x0;
	s0 =	simm.s32 $0x4FC0;
	[tilespmem:v15+s26+$0x0] =	vst.idx.add.f32.msk $0xffff, v6  }
.LBB2_11:
0xbc: {  	v3 =	vld [tilespmem:s0+$0x30];
	s31 =	sadd.s32 $0x8, s31  }
0xbd: {  	v4 =	vld [tilespmem:s0+$0xFFFFFFD0];
	p0 =	slt.u32 s31, $0x268  }
0xbe: {  	v5 =	vld [tilespmem:s0+$0xFFFFFFE0]  }
0xbf: {  	v6 =	vld [tilespmem:s0+$0xFFFFFFF0]  }
0xc0: {  	v7 =	vld [tilespmem:s0+$0x0]  }
0xc1: {  	s30 =	sadd.s32 $0x80, s30;
	v8 =	vld [tilespmem:s0+$0x10]  }
0xc2: {  	v9 =	vld [tilespmem:s30+$0x30]  }
0xc3: {  	v10 =	vld [tilespmem:s0+$0x20]  }
0xc4: {  	v3 =	vld.idx.msk [tilespmem:v3+s2+$0x0], $0xffff  }
0xc5: {  	v11 =	vld [tilespmem:s0+$0xFFFFFFC0]  }
0xc6: {  	v4 =	vld.idx.msk [tilespmem:v4+s2+$0x0], $0xffff  }
0xc7: {  	v5 =	vld.idx.msk [tilespmem:v5+s2+$0x0], $0xffff  }
0xc8: {  	v6 =	vld.idx.msk [tilespmem:v6+s2+$0x0], $0xffff  }
0xc9: {  	v7 =	vld.idx.msk [tilespmem:v7+s2+$0x0], $0xffff  }
0xca: {  	[tilespmem:v9+s26+$0x0] =	vst.idx.add.f32.msk $0xffff, v3  }
0xcb: {  	v3 =	vld.idx.msk [tilespmem:v8+s2+$0x0], $0xffff  }
0xcc: {  	v8 =	vld.idx.msk [tilespmem:v10+s2+$0x0], $0xffff  }
0xcd: {  	v9 =	vld.idx.msk [tilespmem:v11+s2+$0x0], $0xffff  }
0xce: {  	v10 =	vld [tilespmem:s30+$0xFFFFFFC0]  }
0xcf: {  	v11 =	vld [tilespmem:s30+$0xFFFFFFD0]  }
0xd0: {  	v12 =	vld [tilespmem:s30+$0xFFFFFFE0]  }
0xd1: {  	v13 =	vld [tilespmem:s30+$0xFFFFFFF0]  }
0xd2: {  	v14 =	vld [tilespmem:s30+$0x0]  }
0xd3: {  	v15 =	vld [tilespmem:s30+$0x10]  }
0xd4: {  	v16 =	vld [tilespmem:s30+$0x20]  }
0xd5: {  	[tilespmem:v2+s26+$0x0] =	vst.idx.add.f32.msk $0xffff, v1;
	v1 =	vmov v8  }
0xd6: {  	[tilespmem:v10+s26+$0x0] =	vst.idx.add.f32.msk $0xffff, v9  }
.Ltmp4:
0xd7: {  	[tilespmem:v11+s26+$0x0] =	vst.idx.add.f32.msk $0xffff, v4;
	(pc) =	sbr.rel @p0 .LBB2_11-.Ltmp4, $4  }
0xd8: {  	[tilespmem:v12+s26+$0x0] =	vst.idx.add.f32.msk $0xffff, v5  }
0xd9: {  	[tilespmem:v13+s26+$0x0] =	vst.idx.add.f32.msk $0xffff, v6;
	v2 =	vmov v16  }
0xda: {  	[tilespmem:v14+s26+$0x0] =	vst.idx.add.f32.msk $0xffff, v7  }
0xdb: {  	s0 =	sadd.s32 $0x80, s0;
	[tilespmem:v15+s26+$0x0] =	vst.idx.add.f32.msk $0xffff, v3  }
0xdc: {  	_ =	sdelay $0x3  }
0xdd: {  	[tilespmem:v2+s26+$0x0] =	vst.idx.add.f32.msk $0xffff, v1  }
0xde: {  	v1 =	vld [tilespmem:$0x7600];
	_ =	sdelay $0x4  }
0xdf: {  	v2 =	vld [tilespmem:$0x9D80];
	_ =	sdelay $0x1  }
0xe0: {  	s29 =	sadd.s32 $0x1, s29  }
0xe1: {  	p0 =	sne.s32 s29, $0x4;
	v1 =	vld.idx.msk [tilespmem:v1+s2+$0x0], $0xffff  }
.Ltmp5:
0xe2: {  	_ = 	snop;
	(pc) =	sbr.rel @p0 .LBB2_10-.Ltmp5, $2  }
0xe3: {  	_ =	sdelay $0x2  }
0xe4: {  	[tilespmem:v2+s26+$0x0] =	vst.idx.add.f32.msk $0xffff, v1  }
0xe5: {  	[hbm4b:s10+s21] =	stream.strided.scatter [tilespmem:s26], [sflag:$0x1], $0x2780, s22, s21, $0x38;
	[tilespmem:$0x9E00] =	vst v63  }
0xe6: {  	_ =	swait.ge [sflag:s23], $0x2780  }
0xe7: {  	[sflag:s23] =	ssyncset.done $0x0  }
0xe8: {  	s29 =	simm.s32 $0x0;
	[sflag:s23] =	ssyncadd.s32 $0xFFFFD880  }
0xe9: {  	[tilespmem:s29], [sflag:$0x1] =	stream.strided.gather [hbm4b:s11+s21], $0x2780, s22, s21, $0x38;
	[tilespmem:$0x9E00] =	vst v63  }
0xea: {  	_ =	swait.ge [sflag:s23], $0x2780  }
0xeb: {  	[sflag:s23] =	ssyncset.done $0x0  }
0xec: {  	s0 =	simm.s32 $0x40;
	s30 =	simm.s32 $0x0;
	[sflag:s23] =	ssyncadd.s32 $0xFFFFD880  }
.LBB2_14:
0xed: {  	p0 =	sne.s32 s0, $0x9C00;
	[tilespmem:s30+$0x2780] =	vst v0;
	s30 =	smov.u32 s0;
	s0 =	sadd.s32 $0x40, s0  }
.Ltmp6:
0xee: {  	(pc) =	sbr.rel @p0 .LBB2_14-.Ltmp6, $2  }
0xef: {  	_ =	sdelay $0x2  }
0xf0: {  	s30 =	sshra.s32 s30, $0x2  }
0xf1: {  	[tilespmem:s30+$0x2780] =	vst v0  }
.LBB2_16:
0xf2: {  	s0 =	smul.u32 $0x2710, s29;
	_ =	sdelay $0x1  }
0xf3: {  	s0 =	sadd.s32 s12, s0  }
0xf4: {  	s0 =	sshrl.u32 s0, $0x3  }
0xf5: {  	s30 =	sadd.s32 s3, s0  }
0xf6: {  	[tilespmem:s24], [sflag:$0x1] =	stream.linear.gather [hbm4b:s30+s2], $0x2710, $0x38;
	[tilespmem:$0x9E00] =	vst v63  }
0xf7: {  	_ =	swait.ge [sflag:s23], $0x2710  }
0xf8: {  	[sflag:s23] =	ssyncset.done $0x0  }
0xf9: {  	s0 =	sadd.s32 s4, s0;
	[sflag:s23] =	ssyncadd.s32 $0xFFFFD8F0  }
0xfa: {  	[tilespmem:s25], [sflag:$0x1] =	stream.linear.gather [hbm4b:s0+s2], $0x2710, $0x38;
	[tilespmem:$0x9E00] =	vst v63  }
0xfb: {  	_ =	swait.ge [sflag:s23], $0x2710  }
0xfc: {  	[sflag:s23] =	ssyncset.done $0x0  }
0xfd: {  	s0 =	simm.s32 $0x4F40;
	[sflag:s23] =	ssyncadd.s32 $0xFFFFD8F0  }
0xfe: {  	v1 =	vld [tilespmem:s0+$0x30]  }
0xff: {  	v2 =	vld [tilespmem:s0+$0xFFFFFFD0]  }
0x100: {  	v3 =	vld [tilespmem:s0+$0xFFFFFFE0]  }
0x101: {  	v4 =	vld [tilespmem:s0+$0xFFFFFFF0]  }
0x102: {  	v5 =	vld [tilespmem:s0+$0x0]  }
0x103: {  	s30 =	simm.s32 $0x76C0;
	v6 =	vld [tilespmem:s0+$0x10]  }
0x104: {  	v7 =	vld [tilespmem:s30+$0x30]  }
0x105: {  	v8 =	vld [tilespmem:s0+$0x20]  }
0x106: {  	v9 =	vld [tilespmem:s0+$0xFFFFFFC0]  }
0x107: {  	v63 =	vld [tilespmem:s30+$0xFFFFFFC0]  }
0x108: {  	v11 =	vld [tilespmem:s30+$0xFFFFFFD0]  }
0x109: {  	v12 =	vld [tilespmem:s30+$0xFFFFFFE0]  }
0x10a: {  	v13 =	vld [tilespmem:s30+$0xFFFFFFF0]  }
0x10b: {  	v14 =	vld [tilespmem:s30+$0x0]  }
0x10c: {  	v15 =	vld [tilespmem:s30+$0x10]  }
0x10d: {  	v1 =	vld.idx.msk [tilespmem:v1+s2+$0x0], $0xffff  }
0x10e: {  	v10 =	vld.idx.msk [tilespmem:v2+s2+$0x0], $0xffff  }
0x10f: {  	v3 =	vld.idx.msk [tilespmem:v3+s2+$0x0], $0xffff  }
0x110: {  	v4 =	vld.idx.msk [tilespmem:v4+s2+$0x0], $0xffff  }
0x111: {  	v5 =	vld.idx.msk [tilespmem:v5+s2+$0x0], $0xffff  }
0x112: {  	v62 =	vld.idx.msk [tilespmem:v9+s2+$0x0], $0xffff  }
0x113: {  	v6 =	vld.idx.msk [tilespmem:v6+s2+$0x0], $0xffff  }
0x114: {  	v2 =	vld [tilespmem:s30+$0x20]  }
0x115: {  	[tilespmem:v7+s26+$0x0] =	vst.idx.add.f32.msk $0xffff, v1  }
0x116: {  	v1 =	vld.idx.msk [tilespmem:v8+s2+$0x0], $0xffff  }
0x117: {  	[tilespmem:v63+s26+$0x0] =	vst.idx.add.f32.msk $0xffff, v62  }
0x118: {  	[tilespmem:v11+s26+$0x0] =	vst.idx.add.f32.msk $0xffff, v10  }
0x119: {  	[tilespmem:v12+s26+$0x0] =	vst.idx.add.f32.msk $0xffff, v3  }
0x11a: {  	[tilespmem:v13+s26+$0x0] =	vst.idx.add.f32.msk $0xffff, v4  }
0x11b: {  	[tilespmem:v14+s26+$0x0] =	vst.idx.add.f32.msk $0xffff, v5  }
0x11c: {  	s31 =	simm.s32 $0x0;
	s0 =	simm.s32 $0x4FC0;
	[tilespmem:v15+s26+$0x0] =	vst.idx.add.f32.msk $0xffff, v6  }
.LBB2_17:
0x11d: {  	v3 =	vld [tilespmem:s0+$0x30];
	s31 =	sadd.s32 $0x8, s31  }
0x11e: {  	v4 =	vld [tilespmem:s0+$0xFFFFFFD0];
	p0 =	slt.u32 s31, $0x268  }
0x11f: {  	v5 =	vld [tilespmem:s0+$0xFFFFFFE0]  }
0x120: {  	v6 =	vld [tilespmem:s0+$0xFFFFFFF0]  }
0x121: {  	v7 =	vld [tilespmem:s0+$0x0]  }
0x122: {  	s30 =	sadd.s32 $0x80, s30;
	v8 =	vld [tilespmem:s0+$0x10]  }
0x123: {  	v9 =	vld [tilespmem:s30+$0x30]  }
0x124: {  	v10 =	vld [tilespmem:s0+$0x20]  }
0x125: {  	v3 =	vld.idx.msk [tilespmem:v3+s2+$0x0], $0xffff  }
0x126: {  	v11 =	vld [tilespmem:s0+$0xFFFFFFC0]  }
0x127: {  	v4 =	vld.idx.msk [tilespmem:v4+s2+$0x0], $0xffff  }
0x128: {  	v5 =	vld.idx.msk [tilespmem:v5+s2+$0x0], $0xffff  }
0x129: {  	v6 =	vld.idx.msk [tilespmem:v6+s2+$0x0], $0xffff  }
0x12a: {  	v7 =	vld.idx.msk [tilespmem:v7+s2+$0x0], $0xffff  }
0x12b: {  	[tilespmem:v9+s26+$0x0] =	vst.idx.add.f32.msk $0xffff, v3  }
0x12c: {  	v3 =	vld.idx.msk [tilespmem:v8+s2+$0x0], $0xffff  }
0x12d: {  	v8 =	vld.idx.msk [tilespmem:v10+s2+$0x0], $0xffff  }
0x12e: {  	v9 =	vld.idx.msk [tilespmem:v11+s2+$0x0], $0xffff  }
0x12f: {  	v10 =	vld [tilespmem:s30+$0xFFFFFFC0]  }
0x130: {  	v11 =	vld [tilespmem:s30+$0xFFFFFFD0]  }
0x131: {  	v12 =	vld [tilespmem:s30+$0xFFFFFFE0]  }
0x132: {  	v13 =	vld [tilespmem:s30+$0xFFFFFFF0]  }
0x133: {  	v14 =	vld [tilespmem:s30+$0x0]  }
0x134: {  	v15 =	vld [tilespmem:s30+$0x10]  }
0x135: {  	v16 =	vld [tilespmem:s30+$0x20]  }
0x136: {  	[tilespmem:v2+s26+$0x0] =	vst.idx.add.f32.msk $0xffff, v1;
	v1 =	vmov v8  }
0x137: {  	[tilespmem:v10+s26+$0x0] =	vst.idx.add.f32.msk $0xffff, v9  }
.Ltmp7:
0x138: {  	[tilespmem:v11+s26+$0x0] =	vst.idx.add.f32.msk $0xffff, v4;
	(pc) =	sbr.rel @p0 .LBB2_17-.Ltmp7, $4  }
0x139: {  	[tilespmem:v12+s26+$0x0] =	vst.idx.add.f32.msk $0xffff, v5  }
0x13a: {  	[tilespmem:v13+s26+$0x0] =	vst.idx.add.f32.msk $0xffff, v6;
	v2 =	vmov v16  }
0x13b: {  	[tilespmem:v14+s26+$0x0] =	vst.idx.add.f32.msk $0xffff, v7  }
0x13c: {  	s0 =	sadd.s32 $0x80, s0;
	[tilespmem:v15+s26+$0x0] =	vst.idx.add.f32.msk $0xffff, v3  }
0x13d: {  	_ =	sdelay $0x3  }
0x13e: {  	[tilespmem:v2+s26+$0x0] =	vst.idx.add.f32.msk $0xffff, v1  }
0x13f: {  	v1 =	vld [tilespmem:$0x7600];
	_ =	sdelay $0x4  }
0x140: {  	v2 =	vld [tilespmem:$0x9D80];
	_ =	sdelay $0x1  }
0x141: {  	s29 =	sadd.s32 $0x1, s29  }
0x142: {  	p0 =	sne.s32 s29, $0x4;
	v1 =	vld.idx.msk [tilespmem:v1+s2+$0x0], $0xffff  }
.Ltmp8:
0x143: {  	_ = 	snop;
	(pc) =	sbr.rel @p0 .LBB2_16-.Ltmp8, $2  }
0x144: {  	_ =	sdelay $0x2  }
0x145: {  	[tilespmem:v2+s26+$0x0] =	vst.idx.add.f32.msk $0xffff, v1  }
0x146: {  	[hbm4b:s13+s21] =	stream.strided.scatter [tilespmem:s26], [sflag:$0x1], $0x2780, s22, s21, $0x38;
	[tilespmem:$0x9E00] =	vst v63  }
0x147: {  	_ =	swait.ge [sflag:s23], $0x2780  }
0x148: {  	[sflag:s23] =	ssyncset.done $0x0  }
0x149: {  	s29 =	simm.s32 $0x0;
	[sflag:s23] =	ssyncadd.s32 $0xFFFFD880  }
0x14a: {  	[tilespmem:s29], [sflag:$0x1] =	stream.strided.gather [hbm4b:s14+s21], $0x2780, s22, s21, $0x38;
	[tilespmem:$0x9E00] =	vst v63  }
0x14b: {  	_ =	swait.ge [sflag:s23], $0x2780  }
0x14c: {  	[sflag:s23] =	ssyncset.done $0x0  }
0x14d: {  	s0 =	simm.s32 $0x40;
	s30 =	simm.s32 $0x0;
	[sflag:s23] =	ssyncadd.s32 $0xFFFFD880  }
.LBB2_20:
0x14e: {  	p0 =	sne.s32 s0, $0x9C00;
	[tilespmem:s30+$0x2780] =	vst v0;
	s30 =	smov.u32 s0;
	s0 =	sadd.s32 $0x40, s0  }
.Ltmp9:
0x14f: {  	(pc) =	sbr.rel @p0 .LBB2_20-.Ltmp9, $2  }
0x150: {  	_ =	sdelay $0x2  }
0x151: {  	s30 =	sshra.s32 s30, $0x2  }
0x152: {  	[tilespmem:s30+$0x2780] =	vst v0  }
.LBB2_22:
0x153: {  	s0 =	smul.u32 $0x2710, s29;
	_ =	sdelay $0x1  }
0x154: {  	s0 =	sadd.s32 s15, s0  }
0x155: {  	s0 =	sshrl.u32 s0, $0x3  }
0x156: {  	s30 =	sadd.s32 s3, s0  }
0x157: {  	[tilespmem:s24], [sflag:$0x1] =	stream.linear.gather [hbm4b:s30+s2], $0x2710, $0x38;
	[tilespmem:$0x9E00] =	vst v63  }
0x158: {  	_ =	swait.ge [sflag:s23], $0x2710  }
0x159: {  	[sflag:s23] =	ssyncset.done $0x0  }
0x15a: {  	s0 =	sadd.s32 s4, s0;
	[sflag:s23] =	ssyncadd.s32 $0xFFFFD8F0  }
0x15b: {  	[tilespmem:s25], [sflag:$0x1] =	stream.linear.gather [hbm4b:s0+s2], $0x2710, $0x38;
	[tilespmem:$0x9E00] =	vst v63  }
0x15c: {  	_ =	swait.ge [sflag:s23], $0x2710  }
0x15d: {  	[sflag:s23] =	ssyncset.done $0x0  }
0x15e: {  	s0 =	simm.s32 $0x4F40;
	[sflag:s23] =	ssyncadd.s32 $0xFFFFD8F0  }
0x15f: {  	v1 =	vld [tilespmem:s0+$0x30]  }
0x160: {  	v2 =	vld [tilespmem:s0+$0xFFFFFFD0]  }
0x161: {  	v3 =	vld [tilespmem:s0+$0xFFFFFFE0]  }
0x162: {  	v4 =	vld [tilespmem:s0+$0xFFFFFFF0]  }
0x163: {  	v5 =	vld [tilespmem:s0+$0x0]  }
0x164: {  	s30 =	simm.s32 $0x76C0;
	v6 =	vld [tilespmem:s0+$0x10]  }
0x165: {  	v7 =	vld [tilespmem:s30+$0x30]  }
0x166: {  	v8 =	vld [tilespmem:s0+$0x20]  }
0x167: {  	v9 =	vld [tilespmem:s0+$0xFFFFFFC0]  }
0x168: {  	v63 =	vld [tilespmem:s30+$0xFFFFFFC0]  }
0x169: {  	v11 =	vld [tilespmem:s30+$0xFFFFFFD0]  }
0x16a: {  	v12 =	vld [tilespmem:s30+$0xFFFFFFE0]  }
0x16b: {  	v13 =	vld [tilespmem:s30+$0xFFFFFFF0]  }
0x16c: {  	v14 =	vld [tilespmem:s30+$0x0]  }
0x16d: {  	v15 =	vld [tilespmem:s30+$0x10]  }
0x16e: {  	v1 =	vld.idx.msk [tilespmem:v1+s2+$0x0], $0xffff  }
0x16f: {  	v10 =	vld.idx.msk [tilespmem:v2+s2+$0x0], $0xffff  }
0x170: {  	v3 =	vld.idx.msk [tilespmem:v3+s2+$0x0], $0xffff  }
0x171: {  	v4 =	vld.idx.msk [tilespmem:v4+s2+$0x0], $0xffff  }
0x172: {  	v5 =	vld.idx.msk [tilespmem:v5+s2+$0x0], $0xffff  }
0x173: {  	v62 =	vld.idx.msk [tilespmem:v9+s2+$0x0], $0xffff  }
0x174: {  	v6 =	vld.idx.msk [tilespmem:v6+s2+$0x0], $0xffff  }
0x175: {  	v2 =	vld [tilespmem:s30+$0x20]  }
0x176: {  	[tilespmem:v7+s26+$0x0] =	vst.idx.add.f32.msk $0xffff, v1  }
0x177: {  	v1 =	vld.idx.msk [tilespmem:v8+s2+$0x0], $0xffff  }
0x178: {  	[tilespmem:v63+s26+$0x0] =	vst.idx.add.f32.msk $0xffff, v62  }
0x179: {  	[tilespmem:v11+s26+$0x0] =	vst.idx.add.f32.msk $0xffff, v10  }
0x17a: {  	[tilespmem:v12+s26+$0x0] =	vst.idx.add.f32.msk $0xffff, v3  }
0x17b: {  	[tilespmem:v13+s26+$0x0] =	vst.idx.add.f32.msk $0xffff, v4  }
0x17c: {  	[tilespmem:v14+s26+$0x0] =	vst.idx.add.f32.msk $0xffff, v5  }
0x17d: {  	s31 =	simm.s32 $0x0;
	s0 =	simm.s32 $0x4FC0;
	[tilespmem:v15+s26+$0x0] =	vst.idx.add.f32.msk $0xffff, v6  }
.LBB2_23:
0x17e: {  	v3 =	vld [tilespmem:s0+$0x30];
	s31 =	sadd.s32 $0x8, s31  }
0x17f: {  	v4 =	vld [tilespmem:s0+$0xFFFFFFD0];
	p0 =	slt.u32 s31, $0x268  }
0x180: {  	v5 =	vld [tilespmem:s0+$0xFFFFFFE0]  }
0x181: {  	v6 =	vld [tilespmem:s0+$0xFFFFFFF0]  }
0x182: {  	v7 =	vld [tilespmem:s0+$0x0]  }
0x183: {  	s30 =	sadd.s32 $0x80, s30;
	v8 =	vld [tilespmem:s0+$0x10]  }
0x184: {  	v9 =	vld [tilespmem:s30+$0x30]  }
0x185: {  	v10 =	vld [tilespmem:s0+$0x20]  }
0x186: {  	v3 =	vld.idx.msk [tilespmem:v3+s2+$0x0], $0xffff  }
0x187: {  	v11 =	vld [tilespmem:s0+$0xFFFFFFC0]  }
0x188: {  	v4 =	vld.idx.msk [tilespmem:v4+s2+$0x0], $0xffff  }
0x189: {  	v5 =	vld.idx.msk [tilespmem:v5+s2+$0x0], $0xffff  }
0x18a: {  	v6 =	vld.idx.msk [tilespmem:v6+s2+$0x0], $0xffff  }
0x18b: {  	v7 =	vld.idx.msk [tilespmem:v7+s2+$0x0], $0xffff  }
0x18c: {  	[tilespmem:v9+s26+$0x0] =	vst.idx.add.f32.msk $0xffff, v3  }
0x18d: {  	v3 =	vld.idx.msk [tilespmem:v8+s2+$0x0], $0xffff  }
0x18e: {  	v8 =	vld.idx.msk [tilespmem:v10+s2+$0x0], $0xffff  }
0x18f: {  	v9 =	vld.idx.msk [tilespmem:v11+s2+$0x0], $0xffff  }
0x190: {  	v10 =	vld [tilespmem:s30+$0xFFFFFFC0]  }
0x191: {  	v11 =	vld [tilespmem:s30+$0xFFFFFFD0]  }
0x192: {  	v12 =	vld [tilespmem:s30+$0xFFFFFFE0]  }
0x193: {  	v13 =	vld [tilespmem:s30+$0xFFFFFFF0]  }
0x194: {  	v14 =	vld [tilespmem:s30+$0x0]  }
0x195: {  	v15 =	vld [tilespmem:s30+$0x10]  }
0x196: {  	v16 =	vld [tilespmem:s30+$0x20]  }
0x197: {  	[tilespmem:v2+s26+$0x0] =	vst.idx.add.f32.msk $0xffff, v1;
	v1 =	vmov v8  }
0x198: {  	[tilespmem:v10+s26+$0x0] =	vst.idx.add.f32.msk $0xffff, v9  }
.Ltmp10:
0x199: {  	[tilespmem:v11+s26+$0x0] =	vst.idx.add.f32.msk $0xffff, v4;
	(pc) =	sbr.rel @p0 .LBB2_23-.Ltmp10, $4  }
0x19a: {  	[tilespmem:v12+s26+$0x0] =	vst.idx.add.f32.msk $0xffff, v5  }
0x19b: {  	[tilespmem:v13+s26+$0x0] =	vst.idx.add.f32.msk $0xffff, v6;
	v2 =	vmov v16  }
0x19c: {  	[tilespmem:v14+s26+$0x0] =	vst.idx.add.f32.msk $0xffff, v7  }
0x19d: {  	s0 =	sadd.s32 $0x80, s0;
	[tilespmem:v15+s26+$0x0] =	vst.idx.add.f32.msk $0xffff, v3  }
0x19e: {  	_ =	sdelay $0x3  }
0x19f: {  	[tilespmem:v2+s26+$0x0] =	vst.idx.add.f32.msk $0xffff, v1  }
0x1a0: {  	v1 =	vld [tilespmem:$0x7600];
	_ =	sdelay $0x4  }
0x1a1: {  	v2 =	vld [tilespmem:$0x9D80];
	_ =	sdelay $0x1  }
0x1a2: {  	s29 =	sadd.s32 $0x1, s29  }
0x1a3: {  	p0 =	sne.s32 s29, $0x4;
	v1 =	vld.idx.msk [tilespmem:v1+s2+$0x0], $0xffff  }
.Ltmp11:
0x1a4: {  	_ = 	snop;
	(pc) =	sbr.rel @p0 .LBB2_22-.Ltmp11, $2  }
0x1a5: {  	_ =	sdelay $0x2  }
0x1a6: {  	[tilespmem:v2+s26+$0x0] =	vst.idx.add.f32.msk $0xffff, v1  }
0x1a7: {  	[hbm4b:s16+s21] =	stream.strided.scatter [tilespmem:s26], [sflag:$0x1], $0x2780, s22, s21, $0x38;
	[tilespmem:$0x9E00] =	vst v63  }
0x1a8: {  	_ =	swait.ge [sflag:s23], $0x2780  }
0x1a9: {  	[sflag:s23] =	ssyncset.done $0x0  }
0x1aa: {  	s29 =	simm.s32 $0x0;
	[sflag:s23] =	ssyncadd.s32 $0xFFFFD880  }
0x1ab: {  	[tilespmem:s29], [sflag:$0x1] =	stream.strided.gather [hbm4b:s17+s21], $0x2780, s22, s21, $0x38;
	[tilespmem:$0x9E00] =	vst v63  }
0x1ac: {  	_ =	swait.ge [sflag:s23], $0x2780  }
0x1ad: {  	[sflag:s23] =	ssyncset.done $0x0  }
0x1ae: {  	s0 =	simm.s32 $0x40;
	s30 =	simm.s32 $0x0;
	[sflag:s23] =	ssyncadd.s32 $0xFFFFD880  }
.LBB2_26:
0x1af: {  	p0 =	sne.s32 s0, $0x9C00;
	[tilespmem:s30+$0x2780] =	vst v0;
	s30 =	smov.u32 s0;
	s0 =	sadd.s32 $0x40, s0  }
.Ltmp12:
0x1b0: {  	(pc) =	sbr.rel @p0 .LBB2_26-.Ltmp12, $2  }
0x1b1: {  	_ =	sdelay $0x2  }
0x1b2: {  	s30 =	sshra.s32 s30, $0x2  }
0x1b3: {  	[tilespmem:s30+$0x2780] =	vst v0  }
.LBB2_28:
0x1b4: {  	s0 =	smul.u32 $0x2710, s29;
	_ =	sdelay $0x1  }
0x1b5: {  	s0 =	sadd.s32 s18, s0  }
0x1b6: {  	s0 =	sshrl.u32 s0, $0x3  }
0x1b7: {  	s30 =	sadd.s32 s3, s0  }
0x1b8: {  	[tilespmem:s24], [sflag:$0x1] =	stream.linear.gather [hbm4b:s30+s2], $0x2710, $0x38;
	[tilespmem:$0x9E00] =	vst v63  }
0x1b9: {  	_ =	swait.ge [sflag:s23], $0x2710  }
0x1ba: {  	[sflag:s23] =	ssyncset.done $0x0  }
0x1bb: {  	s0 =	sadd.s32 s4, s0;
	[sflag:s23] =	ssyncadd.s32 $0xFFFFD8F0  }
0x1bc: {  	[tilespmem:s25], [sflag:$0x1] =	stream.linear.gather [hbm4b:s0+s2], $0x2710, $0x38;
	[tilespmem:$0x9E00] =	vst v63  }
0x1bd: {  	_ =	swait.ge [sflag:s23], $0x2710  }
0x1be: {  	[sflag:s23] =	ssyncset.done $0x0  }
0x1bf: {  	s0 =	simm.s32 $0x4F40;
	[sflag:s23] =	ssyncadd.s32 $0xFFFFD8F0  }
0x1c0: {  	v1 =	vld [tilespmem:s0+$0x30]  }
0x1c1: {  	v2 =	vld [tilespmem:s0+$0xFFFFFFD0]  }
0x1c2: {  	v3 =	vld [tilespmem:s0+$0xFFFFFFE0]  }
0x1c3: {  	v4 =	vld [tilespmem:s0+$0xFFFFFFF0]  }
0x1c4: {  	v5 =	vld [tilespmem:s0+$0x0]  }
0x1c5: {  	s30 =	simm.s32 $0x76C0;
	v6 =	vld [tilespmem:s0+$0x10]  }
0x1c6: {  	v7 =	vld [tilespmem:s30+$0x30]  }
0x1c7: {  	v8 =	vld [tilespmem:s0+$0x20]  }
0x1c8: {  	v9 =	vld [tilespmem:s0+$0xFFFFFFC0]  }
0x1c9: {  	v63 =	vld [tilespmem:s30+$0xFFFFFFC0]  }
0x1ca: {  	v11 =	vld [tilespmem:s30+$0xFFFFFFD0]  }
0x1cb: {  	v12 =	vld [tilespmem:s30+$0xFFFFFFE0]  }
0x1cc: {  	v13 =	vld [tilespmem:s30+$0xFFFFFFF0]  }
0x1cd: {  	v14 =	vld [tilespmem:s30+$0x0]  }
0x1ce: {  	v15 =	vld [tilespmem:s30+$0x10]  }
0x1cf: {  	v1 =	vld.idx.msk [tilespmem:v1+s2+$0x0], $0xffff  }
0x1d0: {  	v10 =	vld.idx.msk [tilespmem:v2+s2+$0x0], $0xffff  }
0x1d1: {  	v3 =	vld.idx.msk [tilespmem:v3+s2+$0x0], $0xffff  }
0x1d2: {  	v4 =	vld.idx.msk [tilespmem:v4+s2+$0x0], $0xffff  }
0x1d3: {  	v5 =	vld.idx.msk [tilespmem:v5+s2+$0x0], $0xffff  }
0x1d4: {  	v62 =	vld.idx.msk [tilespmem:v9+s2+$0x0], $0xffff  }
0x1d5: {  	v6 =	vld.idx.msk [tilespmem:v6+s2+$0x0], $0xffff  }
0x1d6: {  	v2 =	vld [tilespmem:s30+$0x20]  }
0x1d7: {  	[tilespmem:v7+s26+$0x0] =	vst.idx.add.f32.msk $0xffff, v1  }
0x1d8: {  	v1 =	vld.idx.msk [tilespmem:v8+s2+$0x0], $0xffff  }
0x1d9: {  	[tilespmem:v63+s26+$0x0] =	vst.idx.add.f32.msk $0xffff, v62  }
0x1da: {  	[tilespmem:v11+s26+$0x0] =	vst.idx.add.f32.msk $0xffff, v10  }
0x1db: {  	[tilespmem:v12+s26+$0x0] =	vst.idx.add.f32.msk $0xffff, v3  }
0x1dc: {  	[tilespmem:v13+s26+$0x0] =	vst.idx.add.f32.msk $0xffff, v4  }
0x1dd: {  	[tilespmem:v14+s26+$0x0] =	vst.idx.add.f32.msk $0xffff, v5  }
0x1de: {  	s31 =	simm.s32 $0x0;
	s0 =	simm.s32 $0x4FC0;
	[tilespmem:v15+s26+$0x0] =	vst.idx.add.f32.msk $0xffff, v6  }
.LBB2_29:
0x1df: {  	v3 =	vld [tilespmem:s0+$0x30];
	s31 =	sadd.s32 $0x8, s31  }
0x1e0: {  	v4 =	vld [tilespmem:s0+$0xFFFFFFD0];
	p0 =	slt.u32 s31, $0x268  }
0x1e1: {  	v5 =	vld [tilespmem:s0+$0xFFFFFFE0]  }
0x1e2: {  	v6 =	vld [tilespmem:s0+$0xFFFFFFF0]  }
0x1e3: {  	v7 =	vld [tilespmem:s0+$0x0]  }
0x1e4: {  	s30 =	sadd.s32 $0x80, s30;
	v8 =	vld [tilespmem:s0+$0x10]  }
0x1e5: {  	v9 =	vld [tilespmem:s30+$0x30]  }
0x1e6: {  	v10 =	vld [tilespmem:s0+$0x20]  }
0x1e7: {  	v3 =	vld.idx.msk [tilespmem:v3+s2+$0x0], $0xffff  }
0x1e8: {  	v11 =	vld [tilespmem:s0+$0xFFFFFFC0]  }
0x1e9: {  	v4 =	vld.idx.msk [tilespmem:v4+s2+$0x0], $0xffff  }
0x1ea: {  	v5 =	vld.idx.msk [tilespmem:v5+s2+$0x0], $0xffff  }
0x1eb: {  	v6 =	vld.idx.msk [tilespmem:v6+s2+$0x0], $0xffff  }
0x1ec: {  	v7 =	vld.idx.msk [tilespmem:v7+s2+$0x0], $0xffff  }
0x1ed: {  	[tilespmem:v9+s26+$0x0] =	vst.idx.add.f32.msk $0xffff, v3  }
0x1ee: {  	v3 =	vld.idx.msk [tilespmem:v8+s2+$0x0], $0xffff  }
0x1ef: {  	v8 =	vld.idx.msk [tilespmem:v10+s2+$0x0], $0xffff  }
0x1f0: {  	v9 =	vld.idx.msk [tilespmem:v11+s2+$0x0], $0xffff  }
0x1f1: {  	v10 =	vld [tilespmem:s30+$0xFFFFFFC0]  }
0x1f2: {  	v11 =	vld [tilespmem:s30+$0xFFFFFFD0]  }
0x1f3: {  	v12 =	vld [tilespmem:s30+$0xFFFFFFE0]  }
0x1f4: {  	v13 =	vld [tilespmem:s30+$0xFFFFFFF0]  }
0x1f5: {  	v14 =	vld [tilespmem:s30+$0x0]  }
0x1f6: {  	v15 =	vld [tilespmem:s30+$0x10]  }
0x1f7: {  	v16 =	vld [tilespmem:s30+$0x20]  }
0x1f8: {  	[tilespmem:v2+s26+$0x0] =	vst.idx.add.f32.msk $0xffff, v1;
	v1 =	vmov v8  }
0x1f9: {  	[tilespmem:v10+s26+$0x0] =	vst.idx.add.f32.msk $0xffff, v9  }
.Ltmp13:
0x1fa: {  	[tilespmem:v11+s26+$0x0] =	vst.idx.add.f32.msk $0xffff, v4;
	(pc) =	sbr.rel @p0 .LBB2_29-.Ltmp13, $4  }
0x1fb: {  	[tilespmem:v12+s26+$0x0] =	vst.idx.add.f32.msk $0xffff, v5  }
0x1fc: {  	[tilespmem:v13+s26+$0x0] =	vst.idx.add.f32.msk $0xffff, v6;
	v2 =	vmov v16  }
0x1fd: {  	[tilespmem:v14+s26+$0x0] =	vst.idx.add.f32.msk $0xffff, v7  }
0x1fe: {  	s0 =	sadd.s32 $0x80, s0;
	[tilespmem:v15+s26+$0x0] =	vst.idx.add.f32.msk $0xffff, v3  }
0x1ff: {  	_ =	sdelay $0x3  }
0x200: {  	[tilespmem:v2+s26+$0x0] =	vst.idx.add.f32.msk $0xffff, v1  }
0x201: {  	v1 =	vld [tilespmem:$0x7600];
	_ =	sdelay $0x4  }
0x202: {  	v2 =	vld [tilespmem:$0x9D80];
	_ =	sdelay $0x1  }
0x203: {  	s29 =	sadd.s32 $0x1, s29  }
0x204: {  	p0 =	sne.s32 s29, $0x4;
	v1 =	vld.idx.msk [tilespmem:v1+s2+$0x0], $0xffff  }
.Ltmp14:
0x205: {  	_ = 	snop;
	(pc) =	sbr.rel @p0 .LBB2_28-.Ltmp14, $2  }
0x206: {  	_ =	sdelay $0x2  }
0x207: {  	[tilespmem:v2+s26+$0x0] =	vst.idx.add.f32.msk $0xffff, v1  }
0x208: {  	s28 =	sadd.s32 $0x1, s28  }
0x209: {  	p0 =	sne.s32 s28, s20  }
.Ltmp15:
0x20a: {  	_ = 	snop;
	(pc) =	sbr.rel @p0 .LBB2_1-.Ltmp15, $4  }
0x20b: {  	[hbm4b:s19+s21] =	stream.strided.scatter [tilespmem:s26], [sflag:$0x1], $0x2780, s22, s21, $0x38;
	[tilespmem:$0x9E00] =	vst v63  }
0x20c: {  	_ =	swait.ge [sflag:s23], $0x2780  }
0x20d: {  	[sflag:s23] =	ssyncset.done $0x0  }
0x20e: {  	[sflag:s23] =	ssyncadd.s32 $0xFFFFD880  }
0x20f: {  	_ =	sfence.sel $0x180000  }
0x210: {  	[bflag:$0x0] =	sbarrier.arrive $0xFFFF  }
0x211: {  	_ =	strace $0x9000004A  }
0x212: {  	[bflag:$0x2] =	sbarrier.arrive $0xFFFF  }
0x213: {  	p0 =	sne.s32 s1, $0x0;
	s0 =	rddreg [dreg:$0x2]  }
0x214: {  	s0 =	sadd.s32 @!p0 $0x100000, s0  }
0x215: {  	[sflag:s0] =	ssyncadd.tile.s32 @!p0 $0x1;
	_ =	shalt  }
.Lfunc_end2:
_tile_overlayer_lowered:
.L_overlay_start_2:
0x216: {  	(tag) =	ssettag $0x2  }
0x217: {  	s0 =	rddreg [dreg:$0x0];
	s2 =	stileid.u32  }
0x218: {  	s1 =	rddreg [dreg:$0x1];
	p0 =	sne.s32 s2, $0x0  }
0x219: {  	s3 =	rddreg [dreg:$0x2];
	[bflag:$0x3] =	sbarrier.arrive $0xFFFF;
	s2 =	simm.s32 @!p0 $0x1C01  }
0x21a: {  	[timem:s3], [sflag:s2] =	dma.local @!p0 [hbm:s0], s1  }
0x21b: {  	s0 =	simm.s32 @!p0 $0x1  }
0x21c: {  	_ =	swait.ge @!p0 [sflag:s0], s1  }
0x21d: {  	s1 =	ssub.s32 @!p0 $0x0, s1;
	[sflag:s0] =	ssyncset.done @!p0 $0x0  }
0x21e: {  	[sflag:s0] =	ssyncadd.s32 @!p0 s1  }
0x21f: {  	[bflag:$0x3] =	sbarrier.arrive $0xFFFF  }
0x220: {  	_ =	shalt  }

// kernel: kernel.14.cloned.1.call-start
scs
__scs_entry_jumppad:
0x0: {  	(pc) =	sbr.rel $0x88, $3  }
0x1: {  	(tag) =	ssettag $0x0;
	lr =	simm.s32 $0x1  }
0x2: {  	[smem:$0x3F94] =	sst lr;
	_ =	strace $0xD0000000  }
0x3: {  	_ = 	snop  }
0x4: {  	_ = 	snop  }
0x5: {  	_ = 	snop  }
0x6: {  	_ = 	snop  }
0x7: {  	_ = 	snop  }
__scs_overlays_trampoline_lowered:
0x8: {  	[smem:$0x3FA3] =	sst s0  }
0x9: {  	[smem:$0x3FA4] =	sst s1  }
0xa: {  	[smem:$0x3FA5] =	sst s2  }
0xb: {  	[smem:$0x3FA6] =	sst s3  }
0xc: {  	[smem:$0x3FA7] =	sst s4  }
0xd: {  	[smem:$0x3FA8] =	sst s5  }
0xe: {  	[smem:$0x3FA9] =	sst s6  }
0xf: {  	[smem:$0x3FAA] =	sst s7  }
0x10: {  	[smem:$0x3FAB] =	sst s8  }
0x11: {  	[smem:$0x3FAC] =	sst s9;
	s0 =	simm.s32 @!p0 $0x0  }
0x12: {  	s1 =	sld [smem:$0x3F92];
	s0 =	simm.s32 @p0 $0x1  }
0x13: {  	[smem:$0x3FAD] =	sst s0;
	s0 =	simm.s32 @!p1 $0x0  }
0x14: {  	s2 =	sld [smem:$0x3F91];
	s0 =	simm.s32 @p1 $0x1  }
0x15: {  	[smem:$0x3FAE] =	sst s0;
	s0 =	simm.s32 @!p2 $0x0  }
0x16: {  	s3 =	sld [smem:$0x3FDB];
	s0 =	simm.s32 @p2 $0x1  }
0x17: {  	s4 =	simm.s32 $0x1BF5;
	[smem:$0x3FB0] =	sst s0  }
0x18: {  	s0 =	sld [smem:$0x3F93];
	_ =	swait.ge [sflag:s4], $0x0  }
0x19: {  	s7 =	sld [smem:$0x3F94]  }
0x1a: {  	s8 =	sadd.s32 $0xFFFFE003, lr  }
0x1b: {  	s9 =	sadd.s32 $0xFFFFFEF7, lr;
	s5 =	simm.s32 $0xFFFFFFFF;
	p2 =	slt.u32 s8, $0xFFFFF086  }
0x1c: {  	p1 =	slt.u32 s9, $0xF7A;
	s5 =	simm.s32 @!p2 $0x0  }
0x1d: {  	s5 =	simm.s32 @p1 $0x1;
	p0 =	seq.s32 s7, s2  }
0x1e: {  	s7 =	smul.u32 @!p0 $0xF7A, s2;
	p2 =	seq.s32 @!p0 s5, $0x0  }
0x1f: {  	s9 =	smul.u32 $0xF7A, s1;
	s8 =	simm.s32 @!p0 $0x1BF5;
	p2 =	por !p2, p0  }
0x20: {  	[sflag:s8] =	ssyncset.s32 @!p0 $0xFFFFF086;
	s6 =	sadd.s32 @!p0 s3, s7;
	s7 =	simm.s32 @!p0 $0x108  }
0x21: {  	s3 =	sadd.s32 s3, s9;
	s6 =	sadd.s32 @!p0 $0x88, s6;
	s7 =	simm.s32 @p2 $0x1082  }
0x22: {  	[simem:s7], [sflag:s8] =	dma.local @!p0 [hbm:s6], $0xF7A  }
0x23: {  	s9 =	sor.u32 $0xD0000000, s2;
	s6 =	simm.s32 $0x108;
	_ =	swait.ge @!p0 [sflag:s8], $0x0  }
0x24: {  	s3 =	sadd.s32 $0x88, s3;
	s6 =	simm.s32 @!p1 $0x1082;
	[sflag:s4] =	ssyncset.s32 $0xFFFFF086  }
0x25: {  	[simem:s6], [sflag:s4] =	dma.local [hbm:s3], $0xF7A  }
0x26: {  	[smem:$0x3F94] =	sst s1;
	(tag) =	ssettag s2;
	_ =	strace s9  }
0x27: {  	s1 =	sld [smem:$0x3FA4]  }
0x28: {  	s2 =	sld [smem:$0x3FA5]  }
0x29: {  	s4 =	sld [smem:$0x3FA7]  }
0x2a: {  	p0 =	seq.s32 s5, $0x0;
	s5 =	sld [smem:$0x3FA8]  }
0x2b: {  	s6 =	sld [smem:$0x3FA9]  }
0x2c: {  	s7 =	sld [smem:$0x3FAA]  }
0x2d: {  	s3 =	simm.s32 $0x108;
	s8 =	sld [smem:$0x3FAB]  }
0x2e: {  	s3 =	simm.s32 @!p0 $0x1082;
	s9 =	sld [smem:$0x3FAC]  }
0x2f: {  	lr =	sadd.s32 s0, s3;
	s0 =	sld [smem:$0x3FA3]  }
0x30: {  	s3 =	sld [smem:$0x3FA6]  }
0x31: {  	[smem:$0x3FAF] =	sst s10  }
0x32: {  	s10 =	sld [smem:$0x3FAD];
	_ =	sdelay $0x3  }
0x33: {  	p0 =	seq.s32 s10, $0x1;
	s10 =	sld [smem:$0x3FAF];
	_ =	sdelay $0x3  }
0x34: {  	[smem:$0x3FAF] =	sst s10  }
0x35: {  	s10 =	sld [smem:$0x3FAE];
	_ =	sdelay $0x3  }
0x36: {  	p1 =	seq.s32 s10, $0x1;
	s10 =	sld [smem:$0x3FAF];
	_ =	sdelay $0x3  }
0x37: {  	[smem:$0x3FAF] =	sst s10  }
0x38: {  	s10 =	sld [smem:$0x3FB0]  }
0x39: {  	_ = 	snop;
	(pc) =	sbr.ind lr, $3  }
0x3a: {  	_ = 	snop  }
0x3b: {  	_ = 	snop  }
0x3c: {  	p2 =	seq.s32 s10, $0x1;
	s10 =	sld [smem:$0x3FAF]  }
0x3d: {  	_ =	shalt  }
0x3e: {  	_ =	shalt  }
0x3f: {  	_ =	shalt  }
0x40: {  	_ =	shalt  }
0x41: {  	_ =	shalt  }
0x42: {  	_ =	shalt  }
0x43: {  	_ =	shalt  }
0x44: {  	_ =	shalt  }
0x45: {  	_ =	shalt  }
0x46: {  	_ =	shalt  }
0x47: {  	_ =	shalt  }
0x48: {  	_ =	shalt  }
0x49: {  	_ =	shalt  }
0x4a: {  	_ =	shalt  }
0x4b: {  	_ =	shalt  }
0x4c: {  	_ =	shalt  }
0x4d: {  	_ =	shalt  }
0x4e: {  	_ =	shalt  }
0x4f: {  	_ =	shalt  }
0x50: {  	_ =	shalt  }
0x51: {  	_ =	shalt  }
0x52: {  	_ =	shalt  }
0x53: {  	_ =	shalt  }
0x54: {  	_ =	shalt  }
0x55: {  	_ =	shalt  }
0x56: {  	_ =	shalt  }
0x57: {  	_ =	shalt  }
0x58: {  	_ =	shalt  }
0x59: {  	_ =	shalt  }
0x5a: {  	_ =	shalt  }
0x5b: {  	_ =	shalt  }
0x5c: {  	_ =	shalt  }
0x5d: {  	_ =	shalt  }
0x5e: {  	_ =	shalt  }
0x5f: {  	_ =	shalt  }
0x60: {  	_ =	shalt  }
0x61: {  	_ =	shalt  }
0x62: {  	_ =	shalt  }
0x63: {  	_ =	shalt  }
0x64: {  	_ =	shalt  }
0x65: {  	_ =	shalt  }
0x66: {  	_ =	shalt  }
0x67: {  	_ =	shalt  }
0x68: {  	_ =	shalt  }
0x69: {  	_ =	shalt  }
0x6a: {  	_ =	shalt  }
0x6b: {  	_ =	shalt  }
0x6c: {  	_ =	shalt  }
0x6d: {  	_ =	shalt  }
0x6e: {  	_ =	shalt  }
0x6f: {  	_ =	shalt  }
0x70: {  	_ =	shalt  }
0x71: {  	_ =	shalt  }
0x72: {  	_ =	shalt  }
0x73: {  	_ =	shalt  }
0x74: {  	_ =	shalt  }
0x75: {  	_ =	shalt  }
0x76: {  	_ =	shalt  }
0x77: {  	_ =	shalt  }
0x78: {  	_ =	shalt  }
0x79: {  	_ =	shalt  }
0x7a: {  	_ =	shalt  }
0x7b: {  	_ =	shalt  }
0x7c: {  	_ =	shalt  }
0x7d: {  	_ =	shalt  }
0x7e: {  	_ =	shalt  }
0x7f: {  	_ =	shalt  }
0x80: {  	_ =	shalt  }
0x81: {  	_ =	shalt  }
0x82: {  	_ =	shalt  }
0x83: {  	_ =	shalt  }
0x84: {  	_ =	shalt  }
0x85: {  	_ =	shalt  }
0x86: {  	_ =	shalt  }
0x87: {  	_ =	shalt  }
.Lfunc_end0:
.L_simem_size_0:
called_computation.2_lowered:
.L_overlay_start_0:
0x88: {  	s2 =	sld [smem:$0x3FD9]  }
0x89: {  	s3 =	sld [smem:$0x3FFE];
	_ =	sdelay $0x1  }
0x8a: {  	s1 =	srdreg.scid  }
0x8b: {  	s0 =	sand.u32 $0x1, s1  }
0x8c: {  	s16 =	sshll.u32 s0, $0xA;
	s2 =	sadd.s32 s3, s2  }
0x8d: {  	s2 =	sadd.s32 s2, s16  }
0x8e: {  	[smem:$0x3FBB] =	sst s2  }
0x8f: {  	_ = 	snop  }
0x90: {  	(tm) =	ssettm $0x1  }
0x91: {  	s17 =	sld [smem:$0x3FFB];
	_ =	sdelay $0x3  }
0x92: {  	_ =	strace s17  }
0x93: {  	s2 =	sld [smem:$0x3FFC];
	_ =	sdelay $0x3  }
0x94: {  	_ =	strace s2  }
0x95: {  	s2 =	sld [smem:$0x3FFD];
	_ =	sdelay $0x3  }
0x96: {  	_ =	strace s2  }
0x97: {  	_ =	strace $0x8FFFFFFF  }
0x98: {  	s18 =	sld [smem:$0x3FDB];
	_ =	sdelay $0x1  }
0x99: {  	s19 =	simm.s32 $_scs_section_size  }
0x9a: {  	s4 =	simm.s32 $_size__tile_overlayer_lowered;
	s5 =	simm.s32 $_tile_overlayer_lowered  }
0x9b: {  	s22 =	simm.s32 $0x1BFF;
	s21 =	sshll.u32 s5, $0x1;
	s2 =	sadd.s32 s19, s18  }
0x9c: {  	s6 =	simm.s32 $0x0;
	s20 =	sshll.u32 s4, $0x1;
	s4 =	sadd.s32 s21, s2  }
0x9d: {  	[timem:s6], [sflag:s22] =	dma.local [hbm:s4], s20  }
0x9e: {  	_ =	swait.ge [sflag:s22], s20  }
0x9f: {  	s3 =	ssub.s32 $0x0, s20;
	[sflag:s22] =	ssyncset.done $0x0  }
0xa0: {  	[sflag:s22] =	ssyncadd.s32 s3;
	_ =	sdelay $0x1  }
0xa1: {  	s23 =	simm.s32 $0x1B8B  }
0xa2: {  	_ =	swait.ge [sflag:s23], $0x1  }
0xa3: {  	[sflag:s23] =	ssyncset.done $0x0  }
0xa4: {  	s25 =	simm.s32 $0x1B8E;
	s24 =	sld [smem:$0x3FFE];
	[sflag:s23] =	ssyncadd.s32 $0xFFFFFFFF  }
0xa5: {  	s26 =	simm.s32 $execute0_lowered;
	[smem:$0x3FD2] =	sst s25  }
0xa6: {  	s4 =	sshll.u32 s26, $0x1;
	_ =	strace $0x8000004C;
	[dreg:$0x1] =	wrdreg $0xFFFFFFFF  }
0xa7: {  	s28 =	simm.s32 $_size_execute0_lowered;
	s2 =	sadd.s32 s2, s4;
	[dreg:$0x0] =	wrdreg $0x0  }
0xa8: {  	s4 =	sshll.u32 s28, $0x1;
	[dreg:$0x2] =	wrdreg s2  }
0xa9: {  	[dreg:$0x3] =	wrdreg s4  }
0xaa: {  	[dreg:$0x4] =	wrdreg $0xC0  }
0xab: {  	_ =	task [dreg:s6], $0x5FFFF  }
0xac: {  	[dreg:$0x1] =	wrdreg $0xFFFFFFFF  }
0xad: {  	[dreg:$0x0] =	wrdreg $0x60  }
0xae: {  	[dreg:$0x2] =	wrdreg s24  }
0xaf: {  	[dreg:$0x3] =	wrdreg $0x9  }
0xb0: {  	_ =	task.clear_ibuf [dreg:s6], $0x4FFFF;
	_ =	strace $0x9000004C  }
0xb1: {  	s29 =	simm.s32 $0x9;
	_ =	strace $0x8000004E  }
0xb2: {  	_ =	swait.ge [sflag:s29], $0x1  }
0xb3: {  	[sflag:s29] =	ssyncadd.s32 $0xFFFFFFFF  }
0xb4: {  	_ =	strace $0x9000004E  }
0xb5: {  	_ =	sfence  }
0xb6: {  	s30 =	sld [smem:$0x0];
	_ =	sdelay $0x2  }
0xb7: {  	s31 =	sshll.u32 s1, $0xD;
	s1 =	sshrl.u32 s1, $0x2  }
0xb8: {  	s3 =	sand.u32 $0x4000, s31;
	s1 =	sadd.s32 s1, s30  }
0xb9: {  	s0 =	sor.u32 s3, s0;
	s1 =	sshll.u32 s1, $0x11  }
0xba: {  	s0 =	sor.u32 s1, s0  }
0xbb: {  	s0 =	sadd.s32 $0x8F2B, s0  }
0xbc: {  	[sflag:s0] =	ssyncadd.remote.s32 $0x1  }
0xbd: {  	_ =	sfence.sel $0xFFFF  }
0xbe: {  	[dreg:$0x0] =	wrdreg $0xFFFFFFFF;
	(pc) =	sbr.abs _section_cstart, $3  }
0xbf: {  	[dreg:$0x1] =	wrdreg $0xFFFFFFFF  }
0xc0: {  	_ =	task.clear_ibuf [dreg:s6], $0x2FFFF;
	_ =	strace $0x9FFFFFFF  }
0xc1: {  	(tm) =	ssettm $0x7FFFFFFF  }
tec
execute0_lowered:
.L_overlay_start_1:
0x0: {  	(tag) =	ssettag $0x1  }
0x1: {  	s0 =	rddreg [dreg:$0x0];
	s1 =	simm.s32 $0x0;
	s4 =	srdreg.scid  }
0x2: {  	s9 =	stileid.u32;
	[smem:$0x7FF] =	sst s1  }
0x3: {  	s2 =	sadd.s32 $0xC000, s0;
	s3 =	sadd.s32 $0x2200, s0;
	s5 =	sadd.s32 $0x15E00, s0  }
0x4: {  	s7 =	sadd.s32 $0x22200, s0;
	s4 =	sand.u32 $0x1, s4;
	s14 =	sand.u32 $0x7, s9  }
0x5: {  	s12 =	sadd.s32 $0x2E600, s0;
	s6 =	sadd.s32 $0xF6600, s0;
	s10 =	smul.u32 $0x5, s14  }
0x6: {  	_ =	strace $0x8000004D;
	s8 =	sshll.u32 s4, $0x4;
	s11 =	smul.u32 $0x186A, s14  }
0x7: {  	s4 =	ssub.s32 $0x2, s4;
	p0 =	sne.s32 s14, $0x0;
	s15 =	smul.u32 $0x190000, s14  }
0x8: {  	s13 =	sor.u32 s9, s8;
	s16 =	sshrl.u32 s4, $0x1;
	s9 =	simm.s32 $0x1  }
0x9: {  	s8 =	simm.s32 $0x2;
	p1 =	seq.s32 s13, $0x0;
	s4 =	ssub.s32 s4, s16  }
0xa: {  	s0 =	sshrl.u32 s13, $0x3;
	s10 =	sadd.s32 $0x1, s10;
	s17 =	sadd.s32 s5, s11  }
0xb: {  	s18 =	sadd.s32 s7, s11;
	s21 =	sadd.s32 $0x9C4, s11;
	s23 =	sadd.s32 $0xEA6, s11  }
0xc: {  	s11 =	sadd.s32 $0x1388, s11;
	s28 =	sadd.s32 $0xA0000, s15;
	s29 =	sadd.s32 $0xF0000, s15  }
0xd: {  	s30 =	sadd.s32 $0x140000, s15;
	p0 =	por !p0, !p1;
	[dreg:$0x2] =	wrdreg s17  }
0xe: {  	s13 =	smul.u32 $0x4E2, s10;
	[dreg:$0x3] =	wrdreg s18;
	s22 =	sadd.s32 s5, s21  }
0xf: {  	s24 =	sadd.s32 s5, s23;
	s25 =	sadd.s32 s7, s11;
	[dreg:$0x6] =	wrdreg s22  }
0x10: {  	s26 =	smax.u32 s4, $0x1;
	s4 =	simm.s32 $0x18700;
	[dreg:$0x8] =	wrdreg s24  }
0x11: {  	p0 =	por !p0, !p0;
	[dreg:$0xb] =	wrdreg s25;
	s22 =	sadd.s32 $0xFFA60000, s15  }
0x12: {  	s24 =	smul.u32 $0x50000, s10;
	[dreg:$0xd] =	wrdreg s26;
	s26 =	sadd.s32 $0xFFB00000, s15  }
0x13: {  	s10 =	simm.s32 $0x1B640;
	s9 =	simm.s32 @!p0 $0x0;
	s19 =	sadd.s32 s5, s13  }
0x14: {  	s20 =	sadd.s32 s7, s13;
	s5 =	sadd.s32 s5, s11;
	[dreg:$0x4] =	wrdreg s19  }
0x15: {  	p0 =	sgt.u32 s14, $0x3;
	s0 =	ssub.s32 s0, s9;
	[dreg:$0x5] =	wrdreg s20  }
0x16: {  	s9 =	sadd.s32 s7, s21;
	[dreg:$0xa] =	wrdreg s5;
	s20 =	sadd.s32 $0xFF9C0000, s15  }
0x17: {  	[dreg:$0x7] =	wrdreg s9;
	s9 =	sadd.s32 s7, s23;
	s25 =	smul.u32 $0x9C40, s0  }
0x18: {  	s21 =	sadd.s32 $0xFFA10000, s15;
	s23 =	sadd.s32 $0xFFAB0000, s15;
	[dreg:$0x9] =	wrdreg s9  }
0x19: {  	s0 =	simm.s32 $0xC380;
	s31 =	sadd.s32 $0x27100, s25;
	[dreg:$0xc] =	wrdreg s25  }
0x1a: {  	s7 =	simm.s32 $0x0;
	s9 =	simm.s32 $0x18F00;
	[dreg:$0xe] =	wrdreg s31  }
.LBB2_1:
0x1b: {  	s5 =	rddreg [dreg:$0x2]  }
0x1c: {  	[tilespmem:s1], [sflag:$0x1] =	stream.linear.gather [hbm4b:s5+s1], $0x2710, $0x38;
	[tilespmem:$0x1BE80] =	vst v63  }
0x1d: {  	[dreg:$0xf] =	wrdreg s7;
	s5 =	simm.s32 $0x1  }
0x1e: {  	_ =	swait.ge [sflag:s5], $0x2710  }
0x1f: {  	[sflag:s5] =	ssyncset.done $0x0  }
0x20: {  	s11 =	rddreg [dreg:$0x3];
	[sflag:s5] =	ssyncadd.s32 $0xFFFFD8F0  }
0x21: {  	[tilespmem:s0], [sflag:$0x1] =	stream.linear.gather [hbm4b:s11+s1], $0x2710, $0x38;
	[tilespmem:$0x1BE80] =	vst v63  }
0x22: {  	_ =	swait.ge [sflag:s5], $0x2710  }
0x23: {  	[sflag:s5] =	ssyncset.done $0x0  }
0x24: {  	s11 =	simm.s32 $0x2710;
	s13 =	rddreg [dreg:$0x4];
	[sflag:s5] =	ssyncadd.s32 $0xFFFFD8F0  }
0x25: {  	[tilespmem:s11], [sflag:$0x1] =	stream.linear.gather [hbm4b:s13+s1], $0x2710, $0x38;
	[tilespmem:$0x1BE80] =	vst v63  }
0x26: {  	_ =	swait.ge [sflag:s5], $0x2710  }
0x27: {  	[sflag:s5] =	ssyncset.done $0x0  }
0x28: {  	s16 =	simm.s32 $0xEA90;
	s14 =	rddreg [dreg:$0x5];
	[sflag:s5] =	ssyncadd.s32 $0xFFFFD8F0  }
0x29: {  	[tilespmem:s16], [sflag:$0x1] =	stream.linear.gather [hbm4b:s14+s1], $0x2710, $0x38;
	[tilespmem:$0x1BE80] =	vst v63  }
0x2a: {  	_ =	swait.ge [sflag:s5], $0x2710  }
0x2b: {  	[sflag:s5] =	ssyncset.done $0x0  }
0x2c: {  	s18 =	simm.s32 $0x4E20;
	s17 =	rddreg [dreg:$0x6];
	[sflag:s5] =	ssyncadd.s32 $0xFFFFD8F0  }
0x2d: {  	[tilespmem:s18], [sflag:$0x1] =	stream.linear.gather [hbm4b:s17+s1], $0x2710, $0x38;
	[tilespmem:$0x1BE80] =	vst v63  }
0x2e: {  	_ =	swait.ge [sflag:s5], $0x2710  }
0x2f: {  	[sflag:s5] =	ssyncset.done $0x0  }
0x30: {  	s31 =	simm.s32 $0x111A0;
	s19 =	rddreg [dreg:$0x7];
	[sflag:s5] =	ssyncadd.s32 $0xFFFFD8F0  }
0x31: {  	[tilespmem:s31], [sflag:$0x1] =	stream.linear.gather [hbm4b:s19+s1], $0x2710, $0x38;
	[tilespmem:$0x1BE80] =	vst v63  }
0x32: {  	_ =	swait.ge [sflag:s5], $0x2710  }
0x33: {  	[sflag:s5] =	ssyncset.done $0x0  }
0x34: {  	s13 =	simm.s32 $0x7530;
	s11 =	rddreg [dreg:$0x8];
	[sflag:s5] =	ssyncadd.s32 $0xFFFFD8F0  }
0x35: {  	[tilespmem:s13], [sflag:$0x1] =	stream.linear.gather [hbm4b:s11+s1], $0x2710, $0x38;
	[tilespmem:$0x1BE80] =	vst v63  }
0x36: {  	_ =	swait.ge [sflag:s5], $0x2710  }
0x37: {  	[sflag:s5] =	ssyncset.done $0x0  }
0x38: {  	s16 =	simm.s32 $0x138B0;
	s14 =	rddreg [dreg:$0x9];
	[sflag:s5] =	ssyncadd.s32 $0xFFFFD8F0  }
0x39: {  	[tilespmem:s16], [sflag:$0x1] =	stream.linear.gather [hbm4b:s14+s1], $0x2710, $0x38;
	[tilespmem:$0x1BE80] =	vst v63  }
0x3a: {  	_ =	swait.ge [sflag:s5], $0x2710  }
0x3b: {  	[sflag:s5] =	ssyncset.done $0x0  }
0x3c: {  	s18 =	simm.s32 $0x9C40;
	s17 =	rddreg [dreg:$0xa];
	[sflag:s5] =	ssyncadd.s32 $0xFFFFD8F0  }
0x3d: {  	[tilespmem:s18], [sflag:$0x1] =	stream.linear.gather [hbm4b:s17+s1], $0x2710, $0x38;
	[tilespmem:$0x1BE80] =	vst v63  }
0x3e: {  	_ =	swait.ge [sflag:s5], $0x2710  }
0x3f: {  	[sflag:s5] =	ssyncset.done $0x0  }
0x40: {  	s31 =	simm.s32 $0x15FC0;
	s19 =	rddreg [dreg:$0xb];
	[sflag:s5] =	ssyncadd.s32 $0xFFFFD8F0  }
0x41: {  	[tilespmem:s31], [sflag:$0x1] =	stream.linear.gather [hbm4b:s19+s1], $0x2710, $0x38;
	[tilespmem:$0x1BE80] =	vst v63  }
0x42: {  	_ =	swait.ge [sflag:s5], $0x2710  }
0x43: {  	[sflag:s5] =	ssyncset.done $0x0  }
0x44: {  	s14 =	simm.s32 $0x0;
	[sflag:s5] =	ssyncadd.s32 $0xFFFFD8F0  }
.LBB2_2:
0x45: {  	s5 =	smul.u32 $0x7D0, s14;
	_ =	sdelay $0x1  }
0x46: {  	s5 =	sadd.s32 s25, s5  }
0x47: {  	s7 =	sshrl.u32 s5, $0x3  }
0x48: {  	s16 =	simm.s32 $0x0;
	s11 =	sadd.s32 s2, s7  }
0x49: {  	[tilespmem:s4], [sflag:$0x2] =	stream.linear.gather [hbm4b:s11+s16], $0x7D0, $0x38;
	[tilespmem:$0x1BE80] =	vst v63  }
0x4a: {  	_ =	swait.ge [sflag:s8], $0x7D0  }
0x4b: {  	[sflag:s8] =	ssyncset.done $0x0  }
0x4c: {  	s7 =	sadd.s32 s3, s7;
	[sflag:s8] =	ssyncadd.s32 $0xFFFFF830  }
0x4d: {  	[tilespmem:s9], [sflag:$0x2] =	stream.linear.gather [hbm4b:s7+s16], $0x7D0, $0x38;
	[tilespmem:$0x1BE80] =	vst v63  }
0x4e: {  	_ =	swait.ge [sflag:s8], $0x7D0  }
0x4f: {  	[sflag:s8] =	ssyncset.done $0x0  }
0x50: {  	s18 =	simm.s32 $0x18720;
	[sflag:s8] =	ssyncadd.s32 $0xFFFFF830  }
0x51: {  	s19 =	simm.s32 $0x18F20;
	v5 =	vld [tilespmem:s18+$0x10]  }
0x52: {  	v6 =	vld [tilespmem:s19+$0x10]  }
0x53: {  	v3 =	vld [tilespmem:s18+$0xFFFFFFF0]  }
0x54: {  	v2 =	vld [tilespmem:s19+$0xFFFFFFF0]  }
0x55: {  	v4 =	vld [tilespmem:s19+$0xFFFFFFE0]  }
0x56: {  	v7 =	vld [tilespmem:s18+$0xFFFFFFE0]  }
0x57: {  	v1 =	vld [tilespmem:s18+$0x0]  }
0x58: {  	v0 =	vld [tilespmem:s19+$0x0]  }
0x59: {  	v8 =	vld.idx.msk [tilespmem:v5+s1+$0x0], $0xffff  }
0x5a: {  	v9 =	vld.idx.msk [tilespmem:v6+s0+$0x0], $0xffff  }
0x5b: {  	v10 =	vld.idx.msk [tilespmem:v3+s1+$0x0], $0xffff  }
0x5c: {  	v11 =	vld.idx.msk [tilespmem:v2+s0+$0x0], $0xffff  }
0x5d: {  	v13 =	vld.idx.msk [tilespmem:v4+s0+$0x0], $0xffff  }
0x5e: {  	v15 =	vld.idx.msk [tilespmem:v7+s1+$0x0], $0xffff  }
0x5f: {  	v12 =	vadd.s32 $0x2710, v5;
	v16 =	vld.idx.msk [tilespmem:v1+s1+$0x0], $0xffff  }
0x60: {  	v14 =	vadd.s32 $0x2710, v6;
	v18 =	vld.idx.msk [tilespmem:v0+s0+$0x0], $0xffff  }
0x61: {  	s31 =	simm.s32 $0x18760;
	v17 =	vadd.s32 $0x2710, v2;
	v8 =	vadd.f32 v9, v8  }
0x62: {  	s13 =	simm.s32 $0x1A6C0;
	s7 =	sand.u32 $0x7C0, s16;
	s16 =	simm.s32 $0x18F60;
	v20 =	vld [tilespmem:s31+$0x0];
	v9 =	vadd.s32 $0x2710, v3  }
0x63: {  	v21 =	vld [tilespmem:s16+$0x0];
	v19 =	vadd.s32 $0x2710, v1;
	v10 =	vadd.f32 v11, v10;
	[tilespmem:s13+$0xFFFFF070] =	vst v8  }
0x64: {  	v11 =	vld.idx.msk [tilespmem:v12+s1+$0x0], $0xffff  }
0x65: {  	v8 =	vadd.s32 $0x2710, v7;
	[tilespmem:s13+$0xFFFFF050] =	vst v10;
	v10 =	vadd.f32 v13, v15;
	v15 =	vadd.f32 v18, v16;
	v14 =	vld.idx.msk [tilespmem:v14+s0+$0x0], $0xffff  }
0x66: {  	v12 =	vadd.s32 $0x2710, v4;
	v16 =	vld.idx.msk [tilespmem:v17+s0+$0x0], $0xffff  }
0x67: {  	[tilespmem:s13+$0xFFFFF060] =	vst v15;
	v9 =	vld.idx.msk [tilespmem:v9+s1+$0x0], $0xffff  }
0x68: {  	v13 =	vadd.s32 $0x2710, v0;
	v15 =	vld.idx.msk [tilespmem:v19+s1+$0x0], $0xffff  }
0x69: {  	[tilespmem:s13+$0xFFFFF040] =	vst v10;
	v10 =	vadd.s32 $0x4E20, v5;
	v19 =	vld [tilespmem:s16+$0xFFFFFFF0]  }
0x6a: {  	v17 =	vadd.s32 $0x4E20, v6;
	v8 =	vld.idx.msk [tilespmem:v8+s1+$0x0], $0xffff  }
0x6b: {  	v12 =	vld.idx.msk [tilespmem:v12+s0+$0x0], $0xffff;
	v11 =	vadd.f32 v14, v11;
	v14 =	vadd.s32 $0x4E20, v3  }
0x6c: {  	v30 =	vld.idx.msk [tilespmem:v21+s0+$0x0], $0xffff;
	v18 =	vadd.s32 $0x4E20, v2  }
0x6d: {  	v13 =	vld.idx.msk [tilespmem:v13+s0+$0x0], $0xffff;
	[tilespmem:s7+$0x19F00] =	vst v11;
	v9 =	vadd.f32 v16, v9  }
0x6e: {  	v11 =	vadd.s32 $0x4E20, v7;
	v10 =	vld.idx.msk [tilespmem:v10+s1+$0x0], $0xffff  }
0x6f: {  	v16 =	vadd.s32 $0x4E20, v4;
	v17 =	vld.idx.msk [tilespmem:v17+s0+$0x0], $0xffff;
	[tilespmem:s13+$0xFFFFF820] =	vst v9  }
0x70: {  	v9 =	vadd.s32 $0x4E20, v1;
	v8 =	vadd.f32 v12, v8;
	v12 =	vld.idx.msk [tilespmem:v14+s1+$0x0], $0xffff  }
0x71: {  	v14 =	vld.idx.msk [tilespmem:v18+s0+$0x0], $0xffff;
	v18 =	vadd.s32 $0x4E20, v0  }
0x72: {  	v13 =	vadd.f32 v13, v15;
	v15 =	vadd.s32 $0x7530, v6;
	v28 =	vld.idx.msk [tilespmem:v19+s0+$0x0], $0xffff;
	[tilespmem:s13+$0xFFFFF810] =	vst v8  }
0x73: {  	v8 =	vadd.s32 $0x7530, v5;
	v11 =	vld.idx.msk [tilespmem:v11+s1+$0x0], $0xffff  }
0x74: {  	[tilespmem:s13+$0xFFFFF830] =	vst v13;
	v16 =	vld.idx.msk [tilespmem:v16+s0+$0x0], $0xffff;
	v10 =	vadd.f32 v17, v10;
	v17 =	vadd.s32 $0x7530, v3  }
0x75: {  	v13 =	vadd.s32 $0x7530, v2;
	v9 =	vld.idx.msk [tilespmem:v9+s1+$0x0], $0xffff  }
0x76: {  	[tilespmem:s13+$0x10] =	vst v10;
	v12 =	vadd.f32 v14, v12;
	v18 =	vld.idx.msk [tilespmem:v18+s0+$0x0], $0xffff  }
0x77: {  	v15 =	vld.idx.msk [tilespmem:v15+s0+$0x0], $0xffff  }
0x78: {  	v8 =	vld.idx.msk [tilespmem:v8+s1+$0x0], $0xffff;
	[tilespmem:s13+$0xFFFFFFF0] =	vst v12  }
0x79: {  	v10 =	vadd.s32 $0x7530, v7;
	v12 =	vld.idx.msk [tilespmem:v17+s1+$0x0], $0xffff  }
0x7a: {  	v14 =	vadd.s32 $0x7530, v4;
	v13 =	vld.idx.msk [tilespmem:v13+s0+$0x0], $0xffff  }
0x7b: {  	v11 =	vadd.f32 v16, v11;
	v16 =	vld [tilespmem:s31+$0x10]  }
0x7c: {  	v17 =	vld [tilespmem:s16+$0x10]  }
0x7d: {  	v25 =	vadd.s32 $0x7530, v1;
	[tilespmem:s13+$0xFFFFFFE0] =	vst v11;
	v9 =	vadd.f32 v18, v9;
	v18 =	vld.idx.msk [tilespmem:v20+s1+$0x0], $0xffff  }
0x7e: {  	v27 =	vadd.s32 $0x7530, v0;
	v10 =	vld.idx.msk [tilespmem:v10+s1+$0x0], $0xffff  }
0x7f: {  	v11 =	vld.idx.msk [tilespmem:v14+s0+$0x0], $0xffff  }
0x80: {  	v14 =	vld [tilespmem:s31+$0xFFFFFFE0]  }
0x81: {  	v8 =	vadd.f32 v15, v8;
	v15 =	vld [tilespmem:s31+$0xFFFFFFF0];
	[tilespmem:s13+$0x0] =	vst v9  }
0x82: {  	v5 =	vadd.s32 $0x9C40, v5;
	v25 =	vld.idx.msk [tilespmem:v25+s1+$0x0], $0xffff  }
0x83: {  	v6 =	vadd.s32 $0x9C40, v6;
	v44 =	vld.idx.msk [tilespmem:v27+s0+$0x0], $0xffff  }
0x84: {  	[tilespmem:s13+$0x7E0] =	vst v8;
	v8 =	vld [tilespmem:s16+$0xFFFFFFE0]  }
0x85: {  	v3 =	vadd.s32 $0x9C40, v3;
	v22 =	vld.idx.msk [tilespmem:v16+s1+$0x0], $0xffff  }
0x86: {  	v23 =	vld.idx.msk [tilespmem:v17+s0+$0x0], $0xffff  }
0x87: {  	v12 =	vadd.f32 v13, v12;
	v5 =	vld.idx.msk [tilespmem:v5+s1+$0x0], $0xffff  }
0x88: {  	v2 =	vadd.s32 $0x9C40, v2;
	v6 =	vld.idx.msk [tilespmem:v6+s0+$0x0], $0xffff  }
0x89: {  	v29 =	vadd.s32 $0x2710, v16;
	[tilespmem:s7+$0x1AE80] =	vst v12;
	v26 =	vld.idx.msk [tilespmem:v15+s1+$0x0], $0xffff  }
0x8a: {  	v31 =	vadd.s32 $0x2710, v17;
	v3 =	vld.idx.msk [tilespmem:v3+s1+$0x0], $0xffff  }
0x8b: {  	v49 =	vadd.s32 $0x2710, v21;
	v9 =	vld.idx.msk [tilespmem:v14+s1+$0x0], $0xffff;
	v22 =	vadd.f32 v23, v22  }
0x8c: {  	s17 =	simm.s32 $0x1A700;
	v18 =	vadd.f32 v30, v18;
	v43 =	vadd.s32 $0x2710, v15;
	v24 =	vld.idx.msk [tilespmem:v8+s0+$0x0], $0xffff  }
0x8d: {  	v10 =	vadd.f32 v11, v10;
	v11 =	vadd.s32 $0x2710, v19;
	v2 =	vld.idx.msk [tilespmem:v2+s0+$0x0], $0xffff;
	[tilespmem:s17+$0xFFFFF070] =	vst v22  }
0x8e: {  	v45 =	vadd.s32 $0x2710, v20;
	[tilespmem:s17+$0xFFFFF060] =	vst v18;
	v46 =	vld.idx.msk [tilespmem:v29+s1+$0x0], $0xffff;
	v26 =	vadd.f32 v28, v26  }
0x8f: {  	[tilespmem:s13+$0x7B0] =	vst v10;
	v10 =	vadd.s32 $0x2710, v14;
	v47 =	vld.idx.msk [tilespmem:v31+s0+$0x0], $0xffff  }
0x90: {  	v48 =	vadd.s32 $0x2710, v8;
	[tilespmem:s17+$0xFFFFF050] =	vst v26;
	v26 =	vld.idx.msk [tilespmem:v49+s0+$0x0], $0xffff  }
0x91: {  	v7 =	vadd.s32 $0x9C40, v7;
	v9 =	vadd.f32 v24, v9;
	v23 =	vld.idx.msk [tilespmem:v43+s1+$0x0], $0xffff  }
0x92: {  	v18 =	vadd.s32 $0x4E20, v16;
	v11 =	vld.idx.msk [tilespmem:v11+s0+$0x0], $0xffff  }
0x93: {  	v50 =	vadd.s32 $0x4E20, v17;
	[tilespmem:s17+$0xFFFFF040] =	vst v9;
	v9 =	vld.idx.msk [tilespmem:v45+s1+$0x0], $0xffff  }
0x94: {  	s18 =	simm.s32 $0x40;
	v4 =	vadd.s32 $0x9C40, v4;
	v28 =	vadd.f32 v47, v46;
	v10 =	vld.idx.msk [tilespmem:v10+s1+$0x0], $0xffff  }
0x95: {  	s19 =	sand.u32 $0x7C0, s18;
	v52 =	vadd.s32 $0x4E20, v15;
	v51 =	vld.idx.msk [tilespmem:v48+s0+$0x0], $0xffff  }
0x96: {  	v13 =	vadd.s32 $0x4E20, v19;
	v7 =	vld.idx.msk [tilespmem:v7+s1+$0x0], $0xffff;
	[tilespmem:s19+$0x19F00] =	vst v28  }
0x97: {  	v56 =	vadd.s32 $0x4E20, v21;
	v18 =	vld.idx.msk [tilespmem:v18+s1+$0x0], $0xffff;
	v11 =	vadd.f32 v11, v23  }
0x98: {  	v12 =	vadd.s32 $0x4E20, v14;
	v53 =	vld.idx.msk [tilespmem:v50+s0+$0x0], $0xffff  }
0x99: {  	v4 =	vld.idx.msk [tilespmem:v4+s0+$0x0], $0xffff;
	v54 =	vadd.s32 $0x4E20, v8;
	v9 =	vadd.f32 v26, v9;
	[tilespmem:s17+$0xFFFFF820] =	vst v11  }
0x9a: {  	v11 =	vadd.s32 $0x4E20, v20;
	v10 =	vadd.f32 v51, v10;
	v55 =	vld.idx.msk [tilespmem:v52+s1+$0x0], $0xffff  }
0x9b: {  	v57 =	vadd.s32 $0x7530, v17;
	v13 =	vld.idx.msk [tilespmem:v13+s0+$0x0], $0xffff;
	[tilespmem:s17+$0xFFFFF830] =	vst v9  }
0x9c: {  	[tilespmem:s17+$0xFFFFF810] =	vst v10;
	v10 =	vadd.s32 $0x7530, v16;
	v61 =	vld.idx.msk [tilespmem:v56+s0+$0x0], $0xffff  }
0x9d: {  	v1 =	vadd.s32 $0x9C40, v1;
	v18 =	vadd.f32 v53, v18;
	v12 =	vld.idx.msk [tilespmem:v12+s1+$0x0], $0xffff  }
0x9e: {  	v58 =	vadd.s32 $0x7530, v15;
	v9 =	vld.idx.msk [tilespmem:v54+s0+$0x0], $0xffff  }
0x9f: {  	v60 =	vadd.s32 $0x7530, v19;
	[tilespmem:s17+$0x10] =	vst v18;
	v59 =	vld.idx.msk [tilespmem:v11+s1+$0x0], $0xffff;
	v11 =	vadd.f32 v44, v25  }
0xa0: {  	v18 =	vadd.s32 $0x9C40, v0;
	v26 =	vld.idx.msk [tilespmem:v57+s0+$0x0], $0xffff;
	v0 =	vadd.f32 v13, v55  }
0xa1: {  	v5 =	vadd.f32 v6, v5;
	v62 =	vld.idx.msk [tilespmem:v10+s1+$0x0], $0xffff;
	v10 =	vadd.s32 $0x7530, v14;
	[tilespmem:s13+$0x7D0] =	vst v11  }
0xa2: {  	v63 =	vadd.s32 $0x7530, v8;
	v4 =	vadd.f32 v4, v7;
	[tilespmem:s17+$0xFFFFFFF0] =	vst v0;
	v11 =	vld.idx.msk [tilespmem:v1+s1+$0x0], $0xffff  }
0xa3: {  	v17 =	vadd.s32 $0x9C40, v17;
	[tilespmem:s13+$0xFB0] =	vst v5;
	v5 =	vadd.f32 v9, v12;
	v12 =	vld.idx.msk [tilespmem:v58+s1+$0x0], $0xffff  }
0xa4: {  	v6 =	vadd.s32 $0x7530, v20;
	[tilespmem:s13+$0xF80] =	vst v4;
	v0 =	vadd.s32 $0x9C40, v14;
	v9 =	vadd.f32 v2, v3;
	v14 =	vld.idx.msk [tilespmem:v60+s0+$0x0], $0xffff  }
0xa5: {  	v16 =	vadd.s32 $0x9C40, v16;
	v1 =	vadd.s32 $0x9C40, v8;
	v13 =	vld.idx.msk [tilespmem:v18+s0+$0x0], $0xffff;
	[tilespmem:s17+$0xFFFFFFE0] =	vst v5;
	v8 =	vadd.f32 v61, v59  }
0xa6: {  	v7 =	vadd.s32 $0x7530, v21;
	v4 =	vadd.s32 $0x9C40, v20;
	v2 =	vadd.s32 $0x9C40, v15;
	[tilespmem:s13+$0xF90] =	vst v9;
	v15 =	vld.idx.msk [tilespmem:v10+s1+$0x0], $0xffff  }
0xa7: {  	s11 =	simm.s32 $0x4;
	s7 =	simm.s32 $0x187A0;
	v3 =	vadd.s32 $0x9C40, v19;
	v5 =	vadd.s32 $0x9C40, v21;
	v10 =	vld.idx.msk [tilespmem:v63+s0+$0x0], $0xffff;
	[tilespmem:s17+$0x0] =	vst v8;
	v18 =	vadd.f32 v26, v62  }
.LBB2_3:
0xa8: {  	v9 =	vld [tilespmem:s7+$0x10];
	s16 =	sadd.s32 $0x40, s16  }
0xa9: {  	v8 =	vld [tilespmem:s16+$0x10];
	[tilespmem:s17+$0x7E0] =	vst v18  }
0xaa: {  	v12 =	vadd.f32 v14, v12;
	v14 =	vld.idx.msk [tilespmem:v16+s1+$0x0], $0xffff  }
0xab: {  	v11 =	vadd.f32 v13, v11;
	v16 =	vld.idx.msk [tilespmem:v17+s0+$0x0], $0xffff  }
0xac: {  	v13 =	vld [tilespmem:s16+$0xFFFFFFE0];
	[tilespmem:s19+$0x1AE80] =	vst v12  }
0xad: {  	v10 =	vadd.f32 v10, v15;
	v12 =	vld [tilespmem:s7+$0xFFFFFFF0];
	[tilespmem:s13+$0xFA0] =	vst v11;
	s13 =	smov.u32 s17  }
0xae: {  	v11 =	vld [tilespmem:s16+$0xFFFFFFF0]  }
0xaf: {  	s11 =	sadd.s32 $0x4, s11;
	v15 =	vld [tilespmem:s7+$0x0];
	[tilespmem:s17+$0x7B0] =	vst v10  }
0xb0: {  	p1 =	slt.u32 s11, $0x78;
	v17 =	vld [tilespmem:s16+$0x0]  }
0xb1: {  	v14 =	vadd.f32 v16, v14;
	v18 =	vld [tilespmem:s7+$0xFFFFFFE0];
	v19 =	vadd.s32 $0x2710, v13;
	v20 =	vadd.s32 $0x4E20, v13  }
0xb2: {  	v10 =	vadd.s32 $0x7530, v13;
	v16 =	vadd.s32 $0x2710, v12;
	v21 =	vadd.s32 $0x4E20, v12;
	v22 =	vld.idx.msk [tilespmem:v9+s1+$0x0], $0xffff  }
0xb3: {  	v25 =	vadd.s32 $0x7530, v12;
	v23 =	vadd.s32 $0x2710, v11;
	v24 =	vadd.s32 $0x4E20, v11;
	v26 =	vld.idx.msk [tilespmem:v8+s0+$0x0], $0xffff;
	[tilespmem:s17+$0xFB0] =	vst v14  }
0xb4: {  	v27 =	vadd.s32 $0x7530, v11;
	v14 =	vld.idx.msk [tilespmem:v13+s0+$0x0], $0xffff;
	v28 =	vadd.s32 $0x2710, v15;
	v29 =	vadd.s32 $0x4E20, v15  }
0xb5: {  	v33 =	vadd.s32 $0x7530, v15;
	v30 =	vld.idx.msk [tilespmem:v12+s1+$0x0], $0xffff;
	v31 =	vadd.s32 $0x2710, v17;
	v32 =	vadd.s32 $0x4E20, v17  }
0xb6: {  	v34 =	vadd.s32 $0x2710, v18;
	v35 =	vadd.s32 $0x4E20, v18;
	v36 =	vadd.s32 $0x7530, v18;
	v37 =	vld.idx.msk [tilespmem:v11+s0+$0x0], $0xffff  }
0xb7: {  	v41 =	vadd.s32 $0x2710, v9;
	v40 =	vadd.s32 $0x7530, v17;
	v38 =	vadd.s32 $0x9C40, v18;
	v39 =	vld.idx.msk [tilespmem:v15+s1+$0x0], $0xffff  }
0xb8: {  	v43 =	vadd.s32 $0x2710, v8;
	v13 =	vadd.s32 $0x9C40, v13;
	v12 =	vadd.s32 $0x9C40, v12;
	v42 =	vld.idx.msk [tilespmem:v17+s0+$0x0], $0xffff  }
0xb9: {  	v11 =	vadd.s32 $0x9C40, v11;
	v15 =	vadd.s32 $0x9C40, v15;
	v22 =	vadd.f32 v26, v22;
	v18 =	vld.idx.msk [tilespmem:v18+s1+$0x0], $0xffff  }
0xba: {  	s17 =	sadd.s32 $0x40, s17;
	v17 =	vadd.s32 $0x9C40, v17;
	v26 =	vld.idx.msk [tilespmem:v6+s1+$0x0], $0xffff;
	v6 =	vmov v33  }
0xbb: {  	[tilespmem:s17+$0xFFFFF070] =	vst v22;
	v22 =	vld.idx.msk [tilespmem:v7+s0+$0x0], $0xffff;
	v7 =	vmov v40  }
0xbc: {  	v30 =	vadd.f32 v37, v30;
	v33 =	vld.idx.msk [tilespmem:v41+s1+$0x0], $0xffff  }
0xbd: {  	v37 =	vld.idx.msk [tilespmem:v43+s0+$0x0], $0xffff  }
0xbe: {  	[tilespmem:s17+$0xFFFFF050] =	vst v30;
	v30 =	vadd.f32 v42, v39;
	v39 =	vld.idx.msk [tilespmem:v0+s1+$0x0], $0xffff;
	v0 =	vmov v38  }
0xbf: {  	v14 =	vadd.f32 v14, v18;
	v16 =	vld.idx.msk [tilespmem:v16+s1+$0x0], $0xffff  }
0xc0: {  	v18 =	vld.idx.msk [tilespmem:v23+s0+$0x0], $0xffff;
	[tilespmem:s17+$0xFFFFF060] =	vst v30  }
0xc1: {  	v23 =	vadd.s32 $0x4E20, v9;
	v22 =	vadd.f32 v22, v26;
	[tilespmem:s17+$0xFFFFF040] =	vst v14;
	v14 =	vld.idx.msk [tilespmem:v28+s1+$0x0], $0xffff  }
0xc2: {  	v28 =	vadd.s32 $0x4E20, v8;
	v26 =	vld.idx.msk [tilespmem:v34+s1+$0x0], $0xffff  }
0xc3: {  	s18 =	sadd.s32 $0x40, s18;
	v30 =	vadd.f32 v37, v33;
	v19 =	vld.idx.msk [tilespmem:v19+s0+$0x0], $0xffff;
	[tilespmem:s13+$0x7D0] =	vst v22  }
0xc4: {  	s19 =	sand.u32 $0x7C0, s18;
	v22 =	vld.idx.msk [tilespmem:v31+s0+$0x0], $0xffff  }
0xc5: {  	[tilespmem:s19+$0x19F00] =	vst v30;
	v30 =	vld.idx.msk [tilespmem:v1+s0+$0x0], $0xffff;
	v1 =	vmov v13  }
0xc6: {  	v13 =	vadd.f32 v18, v16;
	v16 =	vld.idx.msk [tilespmem:v23+s1+$0x0], $0xffff  }
0xc7: {  	v18 =	vld.idx.msk [tilespmem:v28+s0+$0x0], $0xffff  }
0xc8: {  	[tilespmem:s17+$0xFFFFF820] =	vst v13;
	v13 =	vld.idx.msk [tilespmem:v2+s1+$0x0], $0xffff;
	v2 =	vmov v12  }
0xc9: {  	v12 =	vadd.f32 v19, v26;
	v19 =	vld.idx.msk [tilespmem:v21+s1+$0x0], $0xffff  }
0xca: {  	v14 =	vadd.f32 v22, v14;
	v21 =	vld.idx.msk [tilespmem:v24+s0+$0x0], $0xffff  }
0xcb: {  	v22 =	vadd.f32 v30, v39;
	[tilespmem:s17+$0xFFFFF810] =	vst v12;
	v12 =	vadd.s32 $0x7530, v9;
	v23 =	vld.idx.msk [tilespmem:v3+s0+$0x0], $0xffff;
	v3 =	vmov v11  }
0xcc: {  	v11 =	vadd.s32 $0x7530, v8;
	v24 =	vld.idx.msk [tilespmem:v35+s1+$0x0], $0xffff;
	[tilespmem:s17+$0xFFFFF830] =	vst v14  }
0xcd: {  	v16 =	vadd.f32 v18, v16;
	v14 =	vld.idx.msk [tilespmem:v20+s0+$0x0], $0xffff;
	[tilespmem:s13+$0xF80] =	vst v22  }
0xce: {  	v18 =	vld.idx.msk [tilespmem:v29+s1+$0x0], $0xffff  }
0xcf: {  	v20 =	vld.idx.msk [tilespmem:v32+s0+$0x0], $0xffff;
	[tilespmem:s17+$0x10] =	vst v16  }
0xd0: {  	v16 =	vadd.f32 v21, v19;
	v19 =	vld.idx.msk [tilespmem:v12+s1+$0x0], $0xffff  }
0xd1: {  	v13 =	vadd.f32 v23, v13;
	v21 =	vld.idx.msk [tilespmem:v11+s0+$0x0], $0xffff  }
0xd2: {  	[tilespmem:s17+$0xFFFFFFF0] =	vst v16;
	v11 =	vld.idx.msk [tilespmem:v4+s1+$0x0], $0xffff;
	v4 =	vmov v15  }
.Ltmp0:
0xd3: {  	v15 =	vadd.f32 v14, v24;
	v12 =	vld.idx.msk [tilespmem:v25+s1+$0x0], $0xffff;
	[tilespmem:s13+$0xF90] =	vst v13;
	(pc) =	sbr.rel @p1 .LBB2_3-.Ltmp0, $4  }
0xd4: {  	v14 =	vld.idx.msk [tilespmem:v27+s0+$0x0], $0xffff  }
0xd5: {  	v16 =	vadd.s32 $0x9C40, v9;
	v18 =	vadd.f32 v20, v18;
	[tilespmem:s17+$0xFFFFFFE0] =	vst v15;
	v13 =	vld.idx.msk [tilespmem:v5+s0+$0x0], $0xffff;
	v5 =	vmov v17  }
0xd6: {  	v17 =	vadd.s32 $0x9C40, v8;
	v15 =	vld.idx.msk [tilespmem:v36+s1+$0x0], $0xffff  }
0xd7: {  	s7 =	sadd.s32 $0x40, s7;
	v10 =	vld.idx.msk [tilespmem:v10+s0+$0x0], $0xffff;
	[tilespmem:s17+$0x0] =	vst v18;
	v18 =	vadd.f32 v21, v19  }
0xd8: {  	_ =	sdelay $0x3  }
0xd9: {  	v6 =	vld.idx.msk [tilespmem:v6+s1+$0x0], $0xffff  }
0xda: {  	v7 =	vld.idx.msk [tilespmem:v7+s0+$0x0], $0xffff  }
0xdb: {  	[tilespmem:s17+$0x7E0] =	vst v18;
	v47 =	vadd.f32 v14, v12  }
0xdc: {  	v9 =	vld.idx.msk [tilespmem:v16+s1+$0x0], $0xffff  }
0xdd: {  	v48 =	vld.idx.msk [tilespmem:v17+s0+$0x0], $0xffff;
	[tilespmem:s19+$0x1AE80] =	vst v47;
	v8 =	vadd.f32 v10, v15  }
0xde: {  	v2 =	vld.idx.msk [tilespmem:v2+s1+$0x0], $0xffff  }
0xdf: {  	v3 =	vld.idx.msk [tilespmem:v3+s0+$0x0], $0xffff;
	v6 =	vadd.f32 v7, v6;
	[tilespmem:s17+$0x7B0] =	vst v8  }
0xe0: {  	v0 =	vld.idx.msk [tilespmem:v0+s1+$0x0], $0xffff  }
0xe1: {  	v1 =	vld.idx.msk [tilespmem:v1+s0+$0x0], $0xffff;
	[tilespmem:s17+$0x7D0] =	vst v6  }
0xe2: {  	v4 =	vld.idx.msk [tilespmem:v4+s1+$0x0], $0xffff  }
0xe3: {  	v5 =	vld.idx.msk [tilespmem:v5+s0+$0x0], $0xffff  }
0xe4: {  	v49 =	vadd.f32 v13, v11  }
0xe5: {  	v50 =	vadd.f32 v48, v9  }
0xe6: {  	[tilespmem:s13+$0xFA0] =	vst v49;
	v51 =	vadd.f32 v3, v2  }
0xe7: {  	[tilespmem:s17+$0xFB0] =	vst v50;
	v0 =	vadd.f32 v1, v0  }
0xe8: {  	[tilespmem:s17+$0xF90] =	vst v51;
	v52 =	vadd.f32 v5, v4  }
0xe9: {  	[tilespmem:s17+$0xF80] =	vst v0  }
0xea: {  	[tilespmem:s17+$0xFA0] =	vst v52  }
0xeb: {  	v0 =	vld [tilespmem:$0x18EC0]  }
0xec: {  	v1 =	vld [tilespmem:$0x196C0];
	_ =	sdelay $0x6  }
0xed: {  	v53 =	vld.idx.msk [tilespmem:v0+s1+$0x0], $0xffff  }
0xee: {  	v54 =	vld.idx.msk [tilespmem:v1+s0+$0x0], $0xffff;
	_ =	sdelay $0x2  }
0xef: {  	v55 =	vadd.s32 $0x2710, v0  }
0xf0: {  	v56 =	vadd.s32 $0x2710, v1  }
0xf1: {  	v2 =	vadd.f32 v54, v53;
	_ =	sdelay $0x1  }
0xf2: {  	[tilespmem:$0x19EC0] =	vst v2  }
0xf3: {  	v2 =	vld.idx.msk [tilespmem:v55+s1+$0x0], $0xffff  }
0xf4: {  	v57 =	vld.idx.msk [tilespmem:v56+s0+$0x0], $0xffff;
	_ =	sdelay $0x2  }
0xf5: {  	v58 =	vadd.s32 $0x4E20, v0  }
0xf6: {  	v59 =	vadd.s32 $0x4E20, v1  }
0xf7: {  	v2 =	vadd.f32 v57, v2;
	_ =	sdelay $0x1  }
0xf8: {  	[tilespmem:$0x1A690] =	vst v2  }
0xf9: {  	v2 =	vld.idx.msk [tilespmem:v58+s1+$0x0], $0xffff  }
0xfa: {  	v60 =	vld.idx.msk [tilespmem:v59+s0+$0x0], $0xffff;
	_ =	sdelay $0x2  }
0xfb: {  	v61 =	vadd.s32 $0x7530, v0  }
0xfc: {  	v62 =	vadd.s32 $0x7530, v1  }
0xfd: {  	v2 =	vadd.f32 v60, v2;
	_ =	sdelay $0x1  }
0xfe: {  	[tilespmem:$0x1AE60] =	vst v2  }
0xff: {  	v2 =	vld.idx.msk [tilespmem:v61+s1+$0x0], $0xffff  }
0x100: {  	v63 =	vld.idx.msk [tilespmem:v62+s0+$0x0], $0xffff;
	_ =	sdelay $0x2  }
0x101: {  	v0 =	vadd.s32 $0x9C40, v0  }
0x102: {  	v1 =	vadd.s32 $0x9C40, v1  }
0x103: {  	v2 =	vadd.f32 v63, v2;
	_ =	sdelay $0x1  }
0x104: {  	[tilespmem:$0x1B630] =	vst v2  }
0x105: {  	v0 =	vld.idx.msk [tilespmem:v0+s1+$0x0], $0xffff  }
0x106: {  	v1 =	vld.idx.msk [tilespmem:v1+s0+$0x0], $0xffff;
	_ =	sdelay $0x4  }
0x107: {  	s7 =	sadd.s32 @p0 s5, s20;
	v0 =	vadd.f32 v1, v0  }
0x108: {  	s7 =	sshrl.u32 @p0 s7, $0x3  }
0x109: {  	s11 =	simm.s32 @p0 $0x0;
	s7 =	sadd.s32 @p0 s6, s7;
	s13 =	simm.s32 @p0 $0x19700;
	[tilespmem:$0x1BE00] =	vst v0  }
0x10a: {  	[hbm4b:s7+s11] =	stream.linear.scatter @p0 [tilespmem:s13], [sflag:$0x2], $0x7D0, $0x38;
	[tilespmem:$0x1BE80] =	vst v63  }
0x10b: {  	s7 =	simm.s32 @p0 $0x2  }
0x10c: {  	s13 =	sadd.s32 @p0 s5, s21;
	_ =	swait.ge @p0 [sflag:s7], $0x7D0  }
0x10d: {  	s13 =	sshrl.u32 @p0 s13, $0x3;
	[sflag:s7] =	ssyncset.done @p0 $0x0  }
0x10e: {  	s16 =	simm.s32 @p0 $0x19ED0;
	s13 =	sadd.s32 @p0 s6, s13;
	[sflag:s7] =	ssyncadd.s32 @p0 $0xFFFFF830  }
0x10f: {  	[hbm4b:s13+s11] =	stream.linear.scatter @p0 [tilespmem:s16], [sflag:$0x2], $0x7D0, $0x38;
	[tilespmem:$0x1BE80] =	vst v63  }
0x110: {  	s13 =	sadd.s32 @p0 s5, s22;
	_ =	swait.ge @p0 [sflag:s7], $0x7D0  }
0x111: {  	s13 =	sshrl.u32 @p0 s13, $0x3;
	[sflag:s7] =	ssyncset.done @p0 $0x0  }
0x112: {  	s16 =	simm.s32 @p0 $0x1A6A0;
	s13 =	sadd.s32 @p0 s6, s13;
	[sflag:s7] =	ssyncadd.s32 @p0 $0xFFFFF830  }
0x113: {  	[hbm4b:s13+s11] =	stream.linear.scatter @p0 [tilespmem:s16], [sflag:$0x2], $0x7D0, $0x38;
	[tilespmem:$0x1BE80] =	vst v63  }
0x114: {  	s13 =	sadd.s32 @p0 s5, s23;
	_ =	swait.ge @p0 [sflag:s7], $0x7D0  }
0x115: {  	s13 =	sshrl.u32 @p0 s13, $0x3;
	[sflag:s7] =	ssyncset.done @p0 $0x0  }
0x116: {  	s16 =	simm.s32 @p0 $0x1AE70;
	s13 =	sadd.s32 @p0 s6, s13;
	[sflag:s7] =	ssyncadd.s32 @p0 $0xFFFFF830  }
0x117: {  	[hbm4b:s13+s11] =	stream.linear.scatter @p0 [tilespmem:s16], [sflag:$0x2], $0x7D0, $0x38;
	[tilespmem:$0x1BE80] =	vst v63  }
0x118: {  	_ =	swait.ge @p0 [sflag:s7], $0x7D0  }
0x119: {  	s11 =	sadd.s32 @!p0 s15, s5;
	[sflag:s7] =	ssyncset.done @p0 $0x0  }
0x11a: {  	[sflag:s7] =	ssyncadd.s32 @p0 $0xFFFFF830;
	s7 =	sshrl.u32 @!p0 s11, $0x3  }
0x11b: {  	s13 =	simm.s32 @!p0 $0x19700;
	s11 =	simm.s32 @!p0 $0x0;
	s7 =	sadd.s32 @!p0 s12, s7  }
0x11c: {  	[hbm4b:s7+s11] =	stream.linear.scatter @!p0 [tilespmem:s13], [sflag:$0x2], $0x7D0, $0x38;
	[tilespmem:$0x1BE80] =	vst v63  }
0x11d: {  	s7 =	simm.s32 @!p0 $0x2  }
0x11e: {  	s13 =	sadd.s32 @!p0 s24, s5;
	_ =	swait.ge @!p0 [sflag:s7], $0x7D0  }
0x11f: {  	s13 =	sshrl.u32 @!p0 s13, $0x3;
	[sflag:s7] =	ssyncset.done @!p0 $0x0  }
0x120: {  	s16 =	simm.s32 @!p0 $0x19ED0;
	s13 =	sadd.s32 @!p0 s12, s13;
	[sflag:s7] =	ssyncadd.s32 @!p0 $0xFFFFF830  }
0x121: {  	[hbm4b:s13+s11] =	stream.linear.scatter @!p0 [tilespmem:s16], [sflag:$0x2], $0x7D0, $0x38;
	[tilespmem:$0x1BE80] =	vst v63  }
0x122: {  	s13 =	sadd.s32 @!p0 s28, s5;
	_ =	swait.ge @!p0 [sflag:s7], $0x7D0  }
0x123: {  	s13 =	sshrl.u32 @!p0 s13, $0x3;
	[sflag:s7] =	ssyncset.done @!p0 $0x0  }
0x124: {  	s16 =	simm.s32 @!p0 $0x1A6A0;
	s13 =	sadd.s32 @!p0 s12, s13;
	[sflag:s7] =	ssyncadd.s32 @!p0 $0xFFFFF830  }
0x125: {  	[hbm4b:s13+s11] =	stream.linear.scatter @!p0 [tilespmem:s16], [sflag:$0x2], $0x7D0, $0x38;
	[tilespmem:$0x1BE80] =	vst v63  }
0x126: {  	s13 =	sadd.s32 @!p0 s29, s5;
	_ =	swait.ge @!p0 [sflag:s7], $0x7D0  }
0x127: {  	s14 =	sadd.s32 $0x1, s14;
	s13 =	sshrl.u32 @!p0 s13, $0x3;
	[sflag:s7] =	ssyncset.done @!p0 $0x0  }
0x128: {  	s16 =	simm.s32 @!p0 $0x1AE70;
	s13 =	sadd.s32 @!p0 s12, s13;
	[sflag:s7] =	ssyncadd.s32 @!p0 $0xFFFFF830  }
0x129: {  	[hbm4b:s13+s11] =	stream.linear.scatter @!p0 [tilespmem:s16], [sflag:$0x2], $0x7D0, $0x38;
	[tilespmem:$0x1BE80] =	vst v63  }
0x12a: {  	p1 =	sne.s32 s14, $0x14;
	s11 =	sadd.s32 @p0 s5, s26  }
0x12b: {  	s13 =	sadd.s32 @!p0 s30, s5;
	s5 =	smov.u32 s12;
	_ =	swait.ge @!p0 [sflag:s7], $0x7D0  }
0x12c: {  	s13 =	smov.u32 @p0 s11;
	s5 =	smov.u32 @p0 s6;
	[sflag:s7] =	ssyncset.done @!p0 $0x0  }
0x12d: {  	s11 =	sshrl.u32 s13, $0x3;
	s13 =	simm.s32 $0x0;
	[sflag:s7] =	ssyncadd.s32 @!p0 $0xFFFFF830  }
.Ltmp1:
0x12e: {  	s7 =	simm.s32 @p0 $0x1;
	s11 =	sadd.s32 s5, s11;
	(pc) =	sbr.rel @p1 .LBB2_2-.Ltmp1, $4  }
0x12f: {  	[hbm4b:s11+s13] =	stream.linear.scatter [tilespmem:s10], [sflag:s7], $0x7D0, $0x38;
	[tilespmem:$0x1BE80] =	vst v63  }
0x130: {  	_ =	swait.ge [sflag:s7], $0x7D0  }
0x131: {  	[sflag:s7] =	ssyncset.done $0x0  }
0x132: {  	[sflag:s7] =	ssyncadd.s32 $0xFFFFF830  }
0x133: {  	s14 =	simm.s32 $0x0  }
.LBB2_6:
0x134: {  	s7 =	smul.u32 $0x7D0, s14  }
0x135: {  	s11 =	rddreg [dreg:$0xe]  }
0x136: {  	s16 =	sadd.s32 s7, s11  }
0x137: {  	s7 =	sshrl.u32 s16, $0x3  }
0x138: {  	s25 =	sadd.s32 s2, s7  }
0x139: {  	[tilespmem:s4], [sflag:$0x2] =	stream.linear.gather [hbm4b:s25+s13], $0x7D0, $0x38;
	[tilespmem:$0x1BE80] =	vst v63  }
0x13a: {  	_ =	swait.ge [sflag:s8], $0x7D0  }
0x13b: {  	[sflag:s8] =	ssyncset.done $0x0  }
0x13c: {  	s7 =	sadd.s32 s3, s7;
	[sflag:s8] =	ssyncadd.s32 $0xFFFFF830  }
0x13d: {  	[tilespmem:s9], [sflag:$0x2] =	stream.linear.gather [hbm4b:s7+s13], $0x7D0, $0x38;
	[tilespmem:$0x1BE80] =	vst v63  }
0x13e: {  	_ =	swait.ge [sflag:s8], $0x7D0  }
0x13f: {  	[sflag:s8] =	ssyncset.done $0x0  }
0x140: {  	s17 =	simm.s32 $0x18720;
	[sflag:s8] =	ssyncadd.s32 $0xFFFFF830  }
0x141: {  	s18 =	simm.s32 $0x18F20;
	v5 =	vld [tilespmem:s17+$0x10]  }
0x142: {  	v6 =	vld [tilespmem:s18+$0x10]  }
0x143: {  	v3 =	vld [tilespmem:s17+$0xFFFFFFF0]  }
0x144: {  	v2 =	vld [tilespmem:s18+$0xFFFFFFF0]  }
0x145: {  	v4 =	vld [tilespmem:s18+$0xFFFFFFE0]  }
0x146: {  	v7 =	vld [tilespmem:s17+$0xFFFFFFE0]  }
0x147: {  	v1 =	vld [tilespmem:s17+$0x0]  }
0x148: {  	v0 =	vld [tilespmem:s18+$0x0]  }
0x149: {  	v8 =	vld.idx.msk [tilespmem:v5+s1+$0x0], $0xffff  }
0x14a: {  	v9 =	vld.idx.msk [tilespmem:v6+s0+$0x0], $0xffff  }
0x14b: {  	v10 =	vld.idx.msk [tilespmem:v3+s1+$0x0], $0xffff  }
0x14c: {  	v11 =	vld.idx.msk [tilespmem:v2+s0+$0x0], $0xffff  }
0x14d: {  	v13 =	vld.idx.msk [tilespmem:v4+s0+$0x0], $0xffff  }
0x14e: {  	v15 =	vld.idx.msk [tilespmem:v7+s1+$0x0], $0xffff  }
0x14f: {  	v12 =	vadd.s32 $0x2710, v5;
	v16 =	vld.idx.msk [tilespmem:v1+s1+$0x0], $0xffff  }
0x150: {  	v14 =	vadd.s32 $0x2710, v6;
	v18 =	vld.idx.msk [tilespmem:v0+s0+$0x0], $0xffff  }
0x151: {  	s25 =	simm.s32 $0x18760;
	v17 =	vadd.s32 $0x2710, v2;
	v8 =	vadd.f32 v9, v8  }
0x152: {  	s17 =	simm.s32 $0x1A6C0;
	s18 =	simm.s32 $0x18F60;
	v20 =	vld [tilespmem:s25+$0x0];
	v9 =	vadd.s32 $0x2710, v3  }
0x153: {  	v21 =	vld [tilespmem:s18+$0x0];
	v19 =	vadd.s32 $0x2710, v1;
	v10 =	vadd.f32 v11, v10;
	[tilespmem:s17+$0xFFFFF070] =	vst v8  }
0x154: {  	v11 =	vld.idx.msk [tilespmem:v12+s1+$0x0], $0xffff  }
0x155: {  	v8 =	vadd.s32 $0x2710, v7;
	[tilespmem:s17+$0xFFFFF050] =	vst v10;
	v10 =	vadd.f32 v13, v15;
	v15 =	vadd.f32 v18, v16;
	v14 =	vld.idx.msk [tilespmem:v14+s0+$0x0], $0xffff  }
0x156: {  	v12 =	vadd.s32 $0x2710, v4;
	v16 =	vld.idx.msk [tilespmem:v17+s0+$0x0], $0xffff  }
0x157: {  	[tilespmem:s17+$0xFFFFF060] =	vst v15;
	v9 =	vld.idx.msk [tilespmem:v9+s1+$0x0], $0xffff  }
0x158: {  	v13 =	vadd.s32 $0x2710, v0;
	v15 =	vld.idx.msk [tilespmem:v19+s1+$0x0], $0xffff  }
0x159: {  	[tilespmem:s17+$0xFFFFF040] =	vst v10;
	v10 =	vadd.s32 $0x4E20, v5;
	v19 =	vld [tilespmem:s18+$0xFFFFFFF0]  }
0x15a: {  	v17 =	vadd.s32 $0x4E20, v6;
	v8 =	vld.idx.msk [tilespmem:v8+s1+$0x0], $0xffff  }
0x15b: {  	v12 =	vld.idx.msk [tilespmem:v12+s0+$0x0], $0xffff;
	v11 =	vadd.f32 v14, v11;
	v14 =	vadd.s32 $0x4E20, v3  }
0x15c: {  	s19 =	sand.u32 $0x7C0, s13;
	v30 =	vld.idx.msk [tilespmem:v21+s0+$0x0], $0xffff;
	v18 =	vadd.s32 $0x4E20, v2  }
0x15d: {  	v13 =	vld.idx.msk [tilespmem:v13+s0+$0x0], $0xffff;
	[tilespmem:s19+$0x19F00] =	vst v11;
	v9 =	vadd.f32 v16, v9  }
0x15e: {  	v11 =	vadd.s32 $0x4E20, v7;
	v10 =	vld.idx.msk [tilespmem:v10+s1+$0x0], $0xffff  }
0x15f: {  	v16 =	vadd.s32 $0x4E20, v4;
	v17 =	vld.idx.msk [tilespmem:v17+s0+$0x0], $0xffff;
	[tilespmem:s17+$0xFFFFF820] =	vst v9  }
0x160: {  	v9 =	vadd.s32 $0x4E20, v1;
	v8 =	vadd.f32 v12, v8;
	v12 =	vld.idx.msk [tilespmem:v14+s1+$0x0], $0xffff  }
0x161: {  	v14 =	vld.idx.msk [tilespmem:v18+s0+$0x0], $0xffff;
	v18 =	vadd.s32 $0x4E20, v0  }
0x162: {  	v13 =	vadd.f32 v13, v15;
	v15 =	vadd.s32 $0x7530, v6;
	v28 =	vld.idx.msk [tilespmem:v19+s0+$0x0], $0xffff;
	[tilespmem:s17+$0xFFFFF810] =	vst v8  }
0x163: {  	v8 =	vadd.s32 $0x7530, v5;
	v11 =	vld.idx.msk [tilespmem:v11+s1+$0x0], $0xffff  }
0x164: {  	[tilespmem:s17+$0xFFFFF830] =	vst v13;
	v16 =	vld.idx.msk [tilespmem:v16+s0+$0x0], $0xffff;
	v10 =	vadd.f32 v17, v10;
	v17 =	vadd.s32 $0x7530, v3  }
0x165: {  	v13 =	vadd.s32 $0x7530, v2;
	v9 =	vld.idx.msk [tilespmem:v9+s1+$0x0], $0xffff  }
0x166: {  	[tilespmem:s17+$0x10] =	vst v10;
	v12 =	vadd.f32 v14, v12;
	v18 =	vld.idx.msk [tilespmem:v18+s0+$0x0], $0xffff  }
0x167: {  	v15 =	vld.idx.msk [tilespmem:v15+s0+$0x0], $0xffff  }
0x168: {  	v8 =	vld.idx.msk [tilespmem:v8+s1+$0x0], $0xffff;
	[tilespmem:s17+$0xFFFFFFF0] =	vst v12  }
0x169: {  	v10 =	vadd.s32 $0x7530, v7;
	v12 =	vld.idx.msk [tilespmem:v17+s1+$0x0], $0xffff  }
0x16a: {  	v14 =	vadd.s32 $0x7530, v4;
	v13 =	vld.idx.msk [tilespmem:v13+s0+$0x0], $0xffff  }
0x16b: {  	v11 =	vadd.f32 v16, v11;
	v16 =	vld [tilespmem:s25+$0x10]  }
0x16c: {  	v17 =	vld [tilespmem:s18+$0x10]  }
0x16d: {  	v25 =	vadd.s32 $0x7530, v1;
	[tilespmem:s17+$0xFFFFFFE0] =	vst v11;
	v9 =	vadd.f32 v18, v9;
	v18 =	vld.idx.msk [tilespmem:v20+s1+$0x0], $0xffff  }
0x16e: {  	v27 =	vadd.s32 $0x7530, v0;
	v10 =	vld.idx.msk [tilespmem:v10+s1+$0x0], $0xffff  }
0x16f: {  	v11 =	vld.idx.msk [tilespmem:v14+s0+$0x0], $0xffff  }
0x170: {  	v14 =	vld [tilespmem:s25+$0xFFFFFFE0]  }
0x171: {  	v8 =	vadd.f32 v15, v8;
	v15 =	vld [tilespmem:s25+$0xFFFFFFF0];
	[tilespmem:s17+$0x0] =	vst v9  }
0x172: {  	v5 =	vadd.s32 $0x9C40, v5;
	v25 =	vld.idx.msk [tilespmem:v25+s1+$0x0], $0xffff  }
0x173: {  	v6 =	vadd.s32 $0x9C40, v6;
	v44 =	vld.idx.msk [tilespmem:v27+s0+$0x0], $0xffff  }
0x174: {  	[tilespmem:s17+$0x7E0] =	vst v8;
	v8 =	vld [tilespmem:s18+$0xFFFFFFE0]  }
0x175: {  	v3 =	vadd.s32 $0x9C40, v3;
	v22 =	vld.idx.msk [tilespmem:v16+s1+$0x0], $0xffff  }
0x176: {  	v23 =	vld.idx.msk [tilespmem:v17+s0+$0x0], $0xffff  }
0x177: {  	v12 =	vadd.f32 v13, v12;
	v5 =	vld.idx.msk [tilespmem:v5+s1+$0x0], $0xffff  }
0x178: {  	v2 =	vadd.s32 $0x9C40, v2;
	v6 =	vld.idx.msk [tilespmem:v6+s0+$0x0], $0xffff  }
0x179: {  	v29 =	vadd.s32 $0x2710, v16;
	[tilespmem:s19+$0x1AE80] =	vst v12;
	v26 =	vld.idx.msk [tilespmem:v15+s1+$0x0], $0xffff  }
0x17a: {  	v31 =	vadd.s32 $0x2710, v17;
	v3 =	vld.idx.msk [tilespmem:v3+s1+$0x0], $0xffff  }
0x17b: {  	v49 =	vadd.s32 $0x2710, v21;
	v9 =	vld.idx.msk [tilespmem:v14+s1+$0x0], $0xffff;
	v22 =	vadd.f32 v23, v22  }
0x17c: {  	s25 =	simm.s32 $0x1A700;
	v18 =	vadd.f32 v30, v18;
	v43 =	vadd.s32 $0x2710, v15;
	v24 =	vld.idx.msk [tilespmem:v8+s0+$0x0], $0xffff  }
0x17d: {  	v10 =	vadd.f32 v11, v10;
	v11 =	vadd.s32 $0x2710, v19;
	v2 =	vld.idx.msk [tilespmem:v2+s0+$0x0], $0xffff;
	[tilespmem:s25+$0xFFFFF070] =	vst v22  }
0x17e: {  	v45 =	vadd.s32 $0x2710, v20;
	[tilespmem:s25+$0xFFFFF060] =	vst v18;
	v46 =	vld.idx.msk [tilespmem:v29+s1+$0x0], $0xffff;
	v26 =	vadd.f32 v28, v26  }
0x17f: {  	[tilespmem:s17+$0x7B0] =	vst v10;
	v10 =	vadd.s32 $0x2710, v14;
	v47 =	vld.idx.msk [tilespmem:v31+s0+$0x0], $0xffff  }
0x180: {  	v48 =	vadd.s32 $0x2710, v8;
	[tilespmem:s25+$0xFFFFF050] =	vst v26;
	v26 =	vld.idx.msk [tilespmem:v49+s0+$0x0], $0xffff  }
0x181: {  	v7 =	vadd.s32 $0x9C40, v7;
	v9 =	vadd.f32 v24, v9;
	v23 =	vld.idx.msk [tilespmem:v43+s1+$0x0], $0xffff  }
0x182: {  	v18 =	vadd.s32 $0x4E20, v16;
	v11 =	vld.idx.msk [tilespmem:v11+s0+$0x0], $0xffff  }
0x183: {  	v50 =	vadd.s32 $0x4E20, v17;
	[tilespmem:s25+$0xFFFFF040] =	vst v9;
	v9 =	vld.idx.msk [tilespmem:v45+s1+$0x0], $0xffff  }
0x184: {  	s11 =	simm.s32 $0x40;
	v4 =	vadd.s32 $0x9C40, v4;
	v28 =	vadd.f32 v47, v46;
	v10 =	vld.idx.msk [tilespmem:v10+s1+$0x0], $0xffff  }
0x185: {  	s31 =	sand.u32 $0x7C0, s11;
	v52 =	vadd.s32 $0x4E20, v15;
	v51 =	vld.idx.msk [tilespmem:v48+s0+$0x0], $0xffff  }
0x186: {  	v13 =	vadd.s32 $0x4E20, v19;
	v7 =	vld.idx.msk [tilespmem:v7+s1+$0x0], $0xffff;
	[tilespmem:s31+$0x19F00] =	vst v28  }
0x187: {  	v56 =	vadd.s32 $0x4E20, v21;
	v18 =	vld.idx.msk [tilespmem:v18+s1+$0x0], $0xffff;
	v11 =	vadd.f32 v11, v23  }
0x188: {  	v12 =	vadd.s32 $0x4E20, v14;
	v53 =	vld.idx.msk [tilespmem:v50+s0+$0x0], $0xffff  }
0x189: {  	v4 =	vld.idx.msk [tilespmem:v4+s0+$0x0], $0xffff;
	v54 =	vadd.s32 $0x4E20, v8;
	v9 =	vadd.f32 v26, v9;
	[tilespmem:s25+$0xFFFFF820] =	vst v11  }
0x18a: {  	v11 =	vadd.s32 $0x4E20, v20;
	v10 =	vadd.f32 v51, v10;
	v55 =	vld.idx.msk [tilespmem:v52+s1+$0x0], $0xffff  }
0x18b: {  	v57 =	vadd.s32 $0x7530, v17;
	v13 =	vld.idx.msk [tilespmem:v13+s0+$0x0], $0xffff;
	[tilespmem:s25+$0xFFFFF830] =	vst v9  }
0x18c: {  	[tilespmem:s25+$0xFFFFF810] =	vst v10;
	v10 =	vadd.s32 $0x7530, v16;
	v61 =	vld.idx.msk [tilespmem:v56+s0+$0x0], $0xffff  }
0x18d: {  	v1 =	vadd.s32 $0x9C40, v1;
	v18 =	vadd.f32 v53, v18;
	v12 =	vld.idx.msk [tilespmem:v12+s1+$0x0], $0xffff  }
0x18e: {  	v58 =	vadd.s32 $0x7530, v15;
	v9 =	vld.idx.msk [tilespmem:v54+s0+$0x0], $0xffff  }
0x18f: {  	v60 =	vadd.s32 $0x7530, v19;
	[tilespmem:s25+$0x10] =	vst v18;
	v59 =	vld.idx.msk [tilespmem:v11+s1+$0x0], $0xffff;
	v11 =	vadd.f32 v44, v25  }
0x190: {  	v18 =	vadd.s32 $0x9C40, v0;
	v26 =	vld.idx.msk [tilespmem:v57+s0+$0x0], $0xffff;
	v0 =	vadd.f32 v13, v55  }
0x191: {  	v5 =	vadd.f32 v6, v5;
	v62 =	vld.idx.msk [tilespmem:v10+s1+$0x0], $0xffff;
	v10 =	vadd.s32 $0x7530, v14;
	[tilespmem:s17+$0x7D0] =	vst v11  }
0x192: {  	v63 =	vadd.s32 $0x7530, v8;
	v4 =	vadd.f32 v4, v7;
	[tilespmem:s25+$0xFFFFFFF0] =	vst v0;
	v11 =	vld.idx.msk [tilespmem:v1+s1+$0x0], $0xffff  }
0x193: {  	v17 =	vadd.s32 $0x9C40, v17;
	[tilespmem:s17+$0xFB0] =	vst v5;
	v5 =	vadd.f32 v9, v12;
	v12 =	vld.idx.msk [tilespmem:v58+s1+$0x0], $0xffff  }
0x194: {  	v6 =	vadd.s32 $0x7530, v20;
	[tilespmem:s17+$0xF80] =	vst v4;
	v0 =	vadd.s32 $0x9C40, v14;
	v9 =	vadd.f32 v2, v3;
	v14 =	vld.idx.msk [tilespmem:v60+s0+$0x0], $0xffff  }
0x195: {  	v16 =	vadd.s32 $0x9C40, v16;
	v1 =	vadd.s32 $0x9C40, v8;
	v13 =	vld.idx.msk [tilespmem:v18+s0+$0x0], $0xffff;
	[tilespmem:s25+$0xFFFFFFE0] =	vst v5;
	v8 =	vadd.f32 v61, v59  }
0x196: {  	v7 =	vadd.s32 $0x7530, v21;
	v4 =	vadd.s32 $0x9C40, v20;
	v2 =	vadd.s32 $0x9C40, v15;
	[tilespmem:s17+$0xF90] =	vst v9;
	v15 =	vld.idx.msk [tilespmem:v10+s1+$0x0], $0xffff  }
0x197: {  	s7 =	simm.s32 $0x4;
	s19 =	simm.s32 $0x187A0;
	v3 =	vadd.s32 $0x9C40, v19;
	v5 =	vadd.s32 $0x9C40, v21;
	v10 =	vld.idx.msk [tilespmem:v63+s0+$0x0], $0xffff;
	[tilespmem:s25+$0x0] =	vst v8;
	v18 =	vadd.f32 v26, v62  }
.LBB2_7:
0x198: {  	v9 =	vld [tilespmem:s19+$0x10];
	s18 =	sadd.s32 $0x40, s18  }
0x199: {  	v8 =	vld [tilespmem:s18+$0x10];
	[tilespmem:s25+$0x7E0] =	vst v18  }
0x19a: {  	v12 =	vadd.f32 v14, v12;
	v14 =	vld.idx.msk [tilespmem:v16+s1+$0x0], $0xffff  }
0x19b: {  	v11 =	vadd.f32 v13, v11;
	v16 =	vld.idx.msk [tilespmem:v17+s0+$0x0], $0xffff  }
0x19c: {  	v13 =	vld [tilespmem:s18+$0xFFFFFFE0];
	[tilespmem:s31+$0x1AE80] =	vst v12  }
0x19d: {  	v10 =	vadd.f32 v10, v15;
	v12 =	vld [tilespmem:s19+$0xFFFFFFF0];
	[tilespmem:s17+$0xFA0] =	vst v11;
	s17 =	smov.u32 s25  }
0x19e: {  	v11 =	vld [tilespmem:s18+$0xFFFFFFF0]  }
0x19f: {  	s7 =	sadd.s32 $0x4, s7;
	v15 =	vld [tilespmem:s19+$0x0];
	[tilespmem:s25+$0x7B0] =	vst v10  }
0x1a0: {  	p1 =	slt.u32 s7, $0x78;
	v17 =	vld [tilespmem:s18+$0x0]  }
0x1a1: {  	v14 =	vadd.f32 v16, v14;
	v18 =	vld [tilespmem:s19+$0xFFFFFFE0];
	v19 =	vadd.s32 $0x2710, v13;
	v20 =	vadd.s32 $0x4E20, v13  }
0x1a2: {  	v10 =	vadd.s32 $0x7530, v13;
	v16 =	vadd.s32 $0x2710, v12;
	v21 =	vadd.s32 $0x4E20, v12;
	v22 =	vld.idx.msk [tilespmem:v9+s1+$0x0], $0xffff  }
0x1a3: {  	v25 =	vadd.s32 $0x7530, v12;
	v23 =	vadd.s32 $0x2710, v11;
	v24 =	vadd.s32 $0x4E20, v11;
	v26 =	vld.idx.msk [tilespmem:v8+s0+$0x0], $0xffff;
	[tilespmem:s25+$0xFB0] =	vst v14  }
0x1a4: {  	v27 =	vadd.s32 $0x7530, v11;
	v14 =	vld.idx.msk [tilespmem:v13+s0+$0x0], $0xffff;
	v28 =	vadd.s32 $0x2710, v15;
	v29 =	vadd.s32 $0x4E20, v15  }
0x1a5: {  	v33 =	vadd.s32 $0x7530, v15;
	v30 =	vld.idx.msk [tilespmem:v12+s1+$0x0], $0xffff;
	v31 =	vadd.s32 $0x2710, v17;
	v32 =	vadd.s32 $0x4E20, v17  }
0x1a6: {  	v34 =	vadd.s32 $0x2710, v18;
	v35 =	vadd.s32 $0x4E20, v18;
	v36 =	vadd.s32 $0x7530, v18;
	v37 =	vld.idx.msk [tilespmem:v11+s0+$0x0], $0xffff  }
0x1a7: {  	v41 =	vadd.s32 $0x2710, v9;
	v40 =	vadd.s32 $0x7530, v17;
	v38 =	vadd.s32 $0x9C40, v18;
	v39 =	vld.idx.msk [tilespmem:v15+s1+$0x0], $0xffff  }
0x1a8: {  	v43 =	vadd.s32 $0x2710, v8;
	v13 =	vadd.s32 $0x9C40, v13;
	v12 =	vadd.s32 $0x9C40, v12;
	v42 =	vld.idx.msk [tilespmem:v17+s0+$0x0], $0xffff  }
0x1a9: {  	v11 =	vadd.s32 $0x9C40, v11;
	v15 =	vadd.s32 $0x9C40, v15;
	v22 =	vadd.f32 v26, v22;
	v18 =	vld.idx.msk [tilespmem:v18+s1+$0x0], $0xffff  }
0x1aa: {  	s25 =	sadd.s32 $0x40, s25;
	v17 =	vadd.s32 $0x9C40, v17;
	v26 =	vld.idx.msk [tilespmem:v6+s1+$0x0], $0xffff;
	v6 =	vmov v33  }
0x1ab: {  	[tilespmem:s25+$0xFFFFF070] =	vst v22;
	v22 =	vld.idx.msk [tilespmem:v7+s0+$0x0], $0xffff;
	v7 =	vmov v40  }
0x1ac: {  	v30 =	vadd.f32 v37, v30;
	v33 =	vld.idx.msk [tilespmem:v41+s1+$0x0], $0xffff  }
0x1ad: {  	v37 =	vld.idx.msk [tilespmem:v43+s0+$0x0], $0xffff  }
0x1ae: {  	[tilespmem:s25+$0xFFFFF050] =	vst v30;
	v30 =	vadd.f32 v42, v39;
	v39 =	vld.idx.msk [tilespmem:v0+s1+$0x0], $0xffff;
	v0 =	vmov v38  }
0x1af: {  	v14 =	vadd.f32 v14, v18;
	v16 =	vld.idx.msk [tilespmem:v16+s1+$0x0], $0xffff  }
0x1b0: {  	v18 =	vld.idx.msk [tilespmem:v23+s0+$0x0], $0xffff;
	[tilespmem:s25+$0xFFFFF060] =	vst v30  }
0x1b1: {  	v23 =	vadd.s32 $0x4E20, v9;
	v22 =	vadd.f32 v22, v26;
	[tilespmem:s25+$0xFFFFF040] =	vst v14;
	v14 =	vld.idx.msk [tilespmem:v28+s1+$0x0], $0xffff  }
0x1b2: {  	v28 =	vadd.s32 $0x4E20, v8;
	v26 =	vld.idx.msk [tilespmem:v34+s1+$0x0], $0xffff  }
0x1b3: {  	s11 =	sadd.s32 $0x40, s11;
	v30 =	vadd.f32 v37, v33;
	v19 =	vld.idx.msk [tilespmem:v19+s0+$0x0], $0xffff;
	[tilespmem:s17+$0x7D0] =	vst v22  }
0x1b4: {  	s31 =	sand.u32 $0x7C0, s11;
	v22 =	vld.idx.msk [tilespmem:v31+s0+$0x0], $0xffff  }
0x1b5: {  	[tilespmem:s31+$0x19F00] =	vst v30;
	v30 =	vld.idx.msk [tilespmem:v1+s0+$0x0], $0xffff;
	v1 =	vmov v13  }
0x1b6: {  	v13 =	vadd.f32 v18, v16;
	v16 =	vld.idx.msk [tilespmem:v23+s1+$0x0], $0xffff  }
0x1b7: {  	v18 =	vld.idx.msk [tilespmem:v28+s0+$0x0], $0xffff  }
0x1b8: {  	[tilespmem:s25+$0xFFFFF820] =	vst v13;
	v13 =	vld.idx.msk [tilespmem:v2+s1+$0x0], $0xffff;
	v2 =	vmov v12  }
0x1b9: {  	v12 =	vadd.f32 v19, v26;
	v19 =	vld.idx.msk [tilespmem:v21+s1+$0x0], $0xffff  }
0x1ba: {  	v14 =	vadd.f32 v22, v14;
	v21 =	vld.idx.msk [tilespmem:v24+s0+$0x0], $0xffff  }
0x1bb: {  	v22 =	vadd.f32 v30, v39;
	[tilespmem:s25+$0xFFFFF810] =	vst v12;
	v12 =	vadd.s32 $0x7530, v9;
	v23 =	vld.idx.msk [tilespmem:v3+s0+$0x0], $0xffff;
	v3 =	vmov v11  }
0x1bc: {  	v11 =	vadd.s32 $0x7530, v8;
	v24 =	vld.idx.msk [tilespmem:v35+s1+$0x0], $0xffff;
	[tilespmem:s25+$0xFFFFF830] =	vst v14  }
0x1bd: {  	v16 =	vadd.f32 v18, v16;
	v14 =	vld.idx.msk [tilespmem:v20+s0+$0x0], $0xffff;
	[tilespmem:s17+$0xF80] =	vst v22  }
0x1be: {  	v18 =	vld.idx.msk [tilespmem:v29+s1+$0x0], $0xffff  }
0x1bf: {  	v20 =	vld.idx.msk [tilespmem:v32+s0+$0x0], $0xffff;
	[tilespmem:s25+$0x10] =	vst v16  }
0x1c0: {  	v16 =	vadd.f32 v21, v19;
	v19 =	vld.idx.msk [tilespmem:v12+s1+$0x0], $0xffff  }
0x1c1: {  	v13 =	vadd.f32 v23, v13;
	v21 =	vld.idx.msk [tilespmem:v11+s0+$0x0], $0xffff  }
0x1c2: {  	[tilespmem:s25+$0xFFFFFFF0] =	vst v16;
	v11 =	vld.idx.msk [tilespmem:v4+s1+$0x0], $0xffff;
	v4 =	vmov v15  }
.Ltmp2:
0x1c3: {  	v15 =	vadd.f32 v14, v24;
	v12 =	vld.idx.msk [tilespmem:v25+s1+$0x0], $0xffff;
	[tilespmem:s17+$0xF90] =	vst v13;
	(pc) =	sbr.rel @p1 .LBB2_7-.Ltmp2, $4  }
0x1c4: {  	v14 =	vld.idx.msk [tilespmem:v27+s0+$0x0], $0xffff  }
0x1c5: {  	v16 =	vadd.s32 $0x9C40, v9;
	v18 =	vadd.f32 v20, v18;
	[tilespmem:s25+$0xFFFFFFE0] =	vst v15;
	v13 =	vld.idx.msk [tilespmem:v5+s0+$0x0], $0xffff;
	v5 =	vmov v17  }
0x1c6: {  	v17 =	vadd.s32 $0x9C40, v8;
	v15 =	vld.idx.msk [tilespmem:v36+s1+$0x0], $0xffff  }
0x1c7: {  	s19 =	sadd.s32 $0x40, s19;
	v10 =	vld.idx.msk [tilespmem:v10+s0+$0x0], $0xffff;
	[tilespmem:s25+$0x0] =	vst v18;
	v18 =	vadd.f32 v21, v19  }
0x1c8: {  	_ =	sdelay $0x3  }
0x1c9: {  	v6 =	vld.idx.msk [tilespmem:v6+s1+$0x0], $0xffff  }
0x1ca: {  	v7 =	vld.idx.msk [tilespmem:v7+s0+$0x0], $0xffff  }
0x1cb: {  	[tilespmem:s25+$0x7E0] =	vst v18;
	v47 =	vadd.f32 v14, v12  }
0x1cc: {  	v9 =	vld.idx.msk [tilespmem:v16+s1+$0x0], $0xffff  }
0x1cd: {  	v48 =	vld.idx.msk [tilespmem:v17+s0+$0x0], $0xffff;
	[tilespmem:s31+$0x1AE80] =	vst v47;
	v8 =	vadd.f32 v10, v15  }
0x1ce: {  	v2 =	vld.idx.msk [tilespmem:v2+s1+$0x0], $0xffff  }
0x1cf: {  	v3 =	vld.idx.msk [tilespmem:v3+s0+$0x0], $0xffff;
	v6 =	vadd.f32 v7, v6;
	[tilespmem:s25+$0x7B0] =	vst v8  }
0x1d0: {  	v0 =	vld.idx.msk [tilespmem:v0+s1+$0x0], $0xffff  }
0x1d1: {  	v1 =	vld.idx.msk [tilespmem:v1+s0+$0x0], $0xffff;
	[tilespmem:s25+$0x7D0] =	vst v6  }
0x1d2: {  	v4 =	vld.idx.msk [tilespmem:v4+s1+$0x0], $0xffff  }
0x1d3: {  	v5 =	vld.idx.msk [tilespmem:v5+s0+$0x0], $0xffff  }
0x1d4: {  	v49 =	vadd.f32 v13, v11  }
0x1d5: {  	v50 =	vadd.f32 v48, v9  }
0x1d6: {  	[tilespmem:s17+$0xFA0] =	vst v49;
	v51 =	vadd.f32 v3, v2  }
0x1d7: {  	[tilespmem:s25+$0xFB0] =	vst v50;
	v0 =	vadd.f32 v1, v0  }
0x1d8: {  	[tilespmem:s25+$0xF90] =	vst v51;
	v52 =	vadd.f32 v5, v4  }
0x1d9: {  	[tilespmem:s25+$0xF80] =	vst v0  }
0x1da: {  	[tilespmem:s25+$0xFA0] =	vst v52  }
0x1db: {  	v0 =	vld [tilespmem:$0x18EC0]  }
0x1dc: {  	v1 =	vld [tilespmem:$0x196C0];
	_ =	sdelay $0x6  }
0x1dd: {  	v53 =	vld.idx.msk [tilespmem:v0+s1+$0x0], $0xffff  }
0x1de: {  	v54 =	vld.idx.msk [tilespmem:v1+s0+$0x0], $0xffff;
	_ =	sdelay $0x2  }
0x1df: {  	v55 =	vadd.s32 $0x2710, v0  }
0x1e0: {  	v56 =	vadd.s32 $0x2710, v1  }
0x1e1: {  	v2 =	vadd.f32 v54, v53;
	_ =	sdelay $0x1  }
0x1e2: {  	[tilespmem:$0x19EC0] =	vst v2  }
0x1e3: {  	v2 =	vld.idx.msk [tilespmem:v55+s1+$0x0], $0xffff  }
0x1e4: {  	v57 =	vld.idx.msk [tilespmem:v56+s0+$0x0], $0xffff;
	_ =	sdelay $0x2  }
0x1e5: {  	v58 =	vadd.s32 $0x4E20, v0  }
0x1e6: {  	v59 =	vadd.s32 $0x4E20, v1  }
0x1e7: {  	v2 =	vadd.f32 v57, v2;
	_ =	sdelay $0x1  }
0x1e8: {  	[tilespmem:$0x1A690] =	vst v2  }
0x1e9: {  	v2 =	vld.idx.msk [tilespmem:v58+s1+$0x0], $0xffff  }
0x1ea: {  	v60 =	vld.idx.msk [tilespmem:v59+s0+$0x0], $0xffff;
	_ =	sdelay $0x2  }
0x1eb: {  	v61 =	vadd.s32 $0x7530, v0  }
0x1ec: {  	v62 =	vadd.s32 $0x7530, v1  }
0x1ed: {  	v2 =	vadd.f32 v60, v2;
	_ =	sdelay $0x1  }
0x1ee: {  	[tilespmem:$0x1AE60] =	vst v2  }
0x1ef: {  	v2 =	vld.idx.msk [tilespmem:v61+s1+$0x0], $0xffff  }
0x1f0: {  	v63 =	vld.idx.msk [tilespmem:v62+s0+$0x0], $0xffff;
	_ =	sdelay $0x2  }
0x1f1: {  	v0 =	vadd.s32 $0x9C40, v0  }
0x1f2: {  	v1 =	vadd.s32 $0x9C40, v1  }
0x1f3: {  	v2 =	vadd.f32 v63, v2;
	_ =	sdelay $0x1  }
0x1f4: {  	[tilespmem:$0x1B630] =	vst v2  }
0x1f5: {  	v0 =	vld.idx.msk [tilespmem:v0+s1+$0x0], $0xffff  }
0x1f6: {  	v1 =	vld.idx.msk [tilespmem:v1+s0+$0x0], $0xffff;
	_ =	sdelay $0x4  }
0x1f7: {  	s7 =	sadd.s32 @p0 s16, s20;
	v0 =	vadd.f32 v1, v0  }
0x1f8: {  	s7 =	sshrl.u32 @p0 s7, $0x3  }
0x1f9: {  	s11 =	simm.s32 @p0 $0x0;
	s7 =	sadd.s32 @p0 s6, s7;
	s17 =	simm.s32 @p0 $0x19700;
	[tilespmem:$0x1BE00] =	vst v0  }
0x1fa: {  	[hbm4b:s7+s11] =	stream.linear.scatter @p0 [tilespmem:s17], [sflag:$0x2], $0x7D0, $0x38;
	[tilespmem:$0x1BE80] =	vst v63  }
0x1fb: {  	s7 =	simm.s32 @p0 $0x2  }
0x1fc: {  	s17 =	sadd.s32 @p0 s16, s21;
	_ =	swait.ge @p0 [sflag:s7], $0x7D0  }
0x1fd: {  	s17 =	sshrl.u32 @p0 s17, $0x3;
	[sflag:s7] =	ssyncset.done @p0 $0x0  }
0x1fe: {  	s18 =	simm.s32 @p0 $0x19ED0;
	s17 =	sadd.s32 @p0 s6, s17;
	[sflag:s7] =	ssyncadd.s32 @p0 $0xFFFFF830  }
0x1ff: {  	[hbm4b:s17+s11] =	stream.linear.scatter @p0 [tilespmem:s18], [sflag:$0x2], $0x7D0, $0x38;
	[tilespmem:$0x1BE80] =	vst v63  }
0x200: {  	s17 =	sadd.s32 @p0 s16, s22;
	_ =	swait.ge @p0 [sflag:s7], $0x7D0  }
0x201: {  	s17 =	sshrl.u32 @p0 s17, $0x3;
	[sflag:s7] =	ssyncset.done @p0 $0x0  }
0x202: {  	s18 =	simm.s32 @p0 $0x1A6A0;
	s17 =	sadd.s32 @p0 s6, s17;
	[sflag:s7] =	ssyncadd.s32 @p0 $0xFFFFF830  }
0x203: {  	[hbm4b:s17+s11] =	stream.linear.scatter @p0 [tilespmem:s18], [sflag:$0x2], $0x7D0, $0x38;
	[tilespmem:$0x1BE80] =	vst v63  }
0x204: {  	s17 =	sadd.s32 @p0 s16, s23;
	_ =	swait.ge @p0 [sflag:s7], $0x7D0  }
0x205: {  	s17 =	sshrl.u32 @p0 s17, $0x3;
	[sflag:s7] =	ssyncset.done @p0 $0x0  }
0x206: {  	s18 =	simm.s32 @p0 $0x1AE70;
	s17 =	sadd.s32 @p0 s6, s17;
	[sflag:s7] =	ssyncadd.s32 @p0 $0xFFFFF830  }
0x207: {  	[hbm4b:s17+s11] =	stream.linear.scatter @p0 [tilespmem:s18], [sflag:$0x2], $0x7D0, $0x38;
	[tilespmem:$0x1BE80] =	vst v63  }
0x208: {  	_ =	swait.ge @p0 [sflag:s7], $0x7D0  }
0x209: {  	s11 =	sadd.s32 @!p0 s15, s16;
	[sflag:s7] =	ssyncset.done @p0 $0x0  }
0x20a: {  	[sflag:s7] =	ssyncadd.s32 @p0 $0xFFFFF830;
	s7 =	sshrl.u32 @!p0 s11, $0x3  }
0x20b: {  	s17 =	simm.s32 @!p0 $0x19700;
	s11 =	simm.s32 @!p0 $0x0;
	s7 =	sadd.s32 @!p0 s12, s7  }
0x20c: {  	[hbm4b:s7+s11] =	stream.linear.scatter @!p0 [tilespmem:s17], [sflag:$0x2], $0x7D0, $0x38;
	[tilespmem:$0x1BE80] =	vst v63  }
0x20d: {  	s7 =	simm.s32 @!p0 $0x2  }
0x20e: {  	s17 =	sadd.s32 @!p0 s24, s16;
	_ =	swait.ge @!p0 [sflag:s7], $0x7D0  }
0x20f: {  	s17 =	sshrl.u32 @!p0 s17, $0x3;
	[sflag:s7] =	ssyncset.done @!p0 $0x0  }
0x210: {  	s18 =	simm.s32 @!p0 $0x19ED0;
	s17 =	sadd.s32 @!p0 s12, s17;
	[sflag:s7] =	ssyncadd.s32 @!p0 $0xFFFFF830  }
0x211: {  	[hbm4b:s17+s11] =	stream.linear.scatter @!p0 [tilespmem:s18], [sflag:$0x2], $0x7D0, $0x38;
	[tilespmem:$0x1BE80] =	vst v63  }
0x212: {  	s17 =	sadd.s32 @!p0 s28, s16;
	_ =	swait.ge @!p0 [sflag:s7], $0x7D0  }
0x213: {  	s17 =	sshrl.u32 @!p0 s17, $0x3;
	[sflag:s7] =	ssyncset.done @!p0 $0x0  }
0x214: {  	s18 =	simm.s32 @!p0 $0x1A6A0;
	s17 =	sadd.s32 @!p0 s12, s17;
	[sflag:s7] =	ssyncadd.s32 @!p0 $0xFFFFF830  }
0x215: {  	[hbm4b:s17+s11] =	stream.linear.scatter @!p0 [tilespmem:s18], [sflag:$0x2], $0x7D0, $0x38;
	[tilespmem:$0x1BE80] =	vst v63  }
0x216: {  	s17 =	sadd.s32 @!p0 s29, s16;
	_ =	swait.ge @!p0 [sflag:s7], $0x7D0  }
0x217: {  	s17 =	sshrl.u32 @!p0 s17, $0x3;
	[sflag:s7] =	ssyncset.done @!p0 $0x0  }
0x218: {  	s18 =	simm.s32 @!p0 $0x1AE70;
	s17 =	sadd.s32 @!p0 s12, s17;
	[sflag:s7] =	ssyncadd.s32 @!p0 $0xFFFFF830  }
0x219: {  	[hbm4b:s17+s11] =	stream.linear.scatter @!p0 [tilespmem:s18], [sflag:$0x2], $0x7D0, $0x38;
	[tilespmem:$0x1BE80] =	vst v63  }
0x21a: {  	s11 =	sadd.s32 @p0 s16, s26;
	s16 =	sadd.s32 @!p0 s30, s16;
	_ =	swait.ge @!p0 [sflag:s7], $0x7D0  }
0x21b: {  	s14 =	sadd.s32 $0x1, s14;
	s16 =	smov.u32 @p0 s11;
	[sflag:s7] =	ssyncset.done @!p0 $0x0  }
0x21c: {  	p1 =	sne.s32 s14, $0x14;
	s11 =	sshrl.u32 s16, $0x3;
	[sflag:s7] =	ssyncadd.s32 @!p0 $0xFFFFF830  }
.Ltmp3:
0x21d: {  	s7 =	simm.s32 @p0 $0x1;
	s11 =	sadd.s32 s5, s11;
	(pc) =	sbr.rel @p1 .LBB2_6-.Ltmp3, $4  }
0x21e: {  	[hbm4b:s11+s1] =	stream.linear.scatter [tilespmem:s10], [sflag:s7], $0x7D0, $0x38;
	[tilespmem:$0x1BE80] =	vst v63  }
0x21f: {  	_ =	swait.ge [sflag:s7], $0x7D0  }
0x220: {  	[sflag:s7] =	ssyncset.done $0x0  }
0x221: {  	[sflag:s7] =	ssyncadd.s32 $0xFFFFF830  }
0x222: {  	s7 =	rddreg [dreg:$0xf]  }
0x223: {  	s5 =	rddreg [dreg:$0xd];
	s7 =	sadd.s32 $0x1, s7  }
0x224: {  	p1 =	sne.s32 s7, s5  }
.Ltmp4:
0x225: {  	_ = 	snop;
	(pc) =	sbr.rel @p1 .LBB2_1-.Ltmp4, $2  }
0x226: {  	_ =	sdelay $0x2  }
0x227: {  	s25 =	rddreg [dreg:$0xc]  }
0x228: {  	_ =	sfence.sel $0x180000  }
0x229: {  	[bflag:$0x0] =	sbarrier.arrive $0xFFFF  }
0x22a: {  	_ =	strace $0x9000004D  }
0x22b: {  	s0 =	stileid.u32;
	[bflag:$0x2] =	sbarrier.arrive $0xFFFF  }
0x22c: {  	p0 =	sne.s32 s0, $0x0;
	s0 =	rddreg [dreg:$0x1]  }
0x22d: {  	s0 =	sadd.s32 @!p0 $0x100000, s0  }
0x22e: {  	[sflag:s0] =	ssyncadd.tile.s32 @!p0 $0x1;
	_ =	shalt  }
.Lfunc_end2:
_tile_overlayer_lowered:
.L_overlay_start_2:
0x22f: {  	(tag) =	ssettag $0x2  }
0x230: {  	s0 =	rddreg [dreg:$0x0];
	s2 =	stileid.u32  }
0x231: {  	s1 =	rddreg [dreg:$0x1];
	p0 =	sne.s32 s2, $0x0  }
0x232: {  	s3 =	rddreg [dreg:$0x2];
	[bflag:$0x3] =	sbarrier.arrive $0xFFFF;
	s2 =	simm.s32 @!p0 $0x1C01  }
0x233: {  	[timem:s3], [sflag:s2] =	dma.local @!p0 [hbm:s0], s1  }
0x234: {  	s0 =	simm.s32 @!p0 $0x1  }
0x235: {  	_ =	swait.ge @!p0 [sflag:s0], s1  }
0x236: {  	s1 =	ssub.s32 @!p0 $0x0, s1;
	[sflag:s0] =	ssyncset.done @!p0 $0x0  }
0x237: {  	[sflag:s0] =	ssyncadd.s32 @!p0 s1  }
0x238: {  	[bflag:$0x3] =	sbarrier.arrive $0xFFFF  }
0x239: {  	_ =	shalt  }

// kernel: kernel.8.cloned.1.call-start
scs
__scs_entry_jumppad:
0x0: {  	(pc) =	sbr.rel $0x88, $3  }
0x1: {  	(tag) =	ssettag $0x0;
	lr =	simm.s32 $0x1  }
0x2: {  	[smem:$0x3F94] =	sst lr;
	_ =	strace $0xD0000000  }
0x3: {  	_ = 	snop  }
0x4: {  	_ = 	snop  }
0x5: {  	_ = 	snop  }
0x6: {  	_ = 	snop  }
0x7: {  	_ = 	snop  }
__scs_overlays_trampoline_lowered:
0x8: {  	[smem:$0x3FA3] =	sst s0  }
0x9: {  	[smem:$0x3FA4] =	sst s1  }
0xa: {  	[smem:$0x3FA5] =	sst s2  }
0xb: {  	[smem:$0x3FA6] =	sst s3  }
0xc: {  	[smem:$0x3FA7] =	sst s4  }
0xd: {  	[smem:$0x3FA8] =	sst s5  }
0xe: {  	[smem:$0x3FA9] =	sst s6  }
0xf: {  	[smem:$0x3FAA] =	sst s7  }
0x10: {  	[smem:$0x3FAB] =	sst s8  }
0x11: {  	[smem:$0x3FAC] =	sst s9;
	s0 =	simm.s32 @!p0 $0x0  }
0x12: {  	s1 =	sld [smem:$0x3F92];
	s0 =	simm.s32 @p0 $0x1  }
0x13: {  	[smem:$0x3FAD] =	sst s0;
	s0 =	simm.s32 @!p1 $0x0  }
0x14: {  	s2 =	sld [smem:$0x3F91];
	s0 =	simm.s32 @p1 $0x1  }
0x15: {  	[smem:$0x3FAE] =	sst s0;
	s0 =	simm.s32 @!p2 $0x0  }
0x16: {  	s3 =	sld [smem:$0x3FDB];
	s0 =	simm.s32 @p2 $0x1  }
0x17: {  	s4 =	simm.s32 $0x1BF5;
	[smem:$0x3FB0] =	sst s0  }
0x18: {  	s0 =	sld [smem:$0x3F93];
	_ =	swait.ge [sflag:s4], $0x0  }
0x19: {  	s7 =	sld [smem:$0x3F94]  }
0x1a: {  	s8 =	sadd.s32 $0xFFFFE003, lr  }
0x1b: {  	s9 =	sadd.s32 $0xFFFFFEF7, lr;
	s5 =	simm.s32 $0xFFFFFFFF;
	p2 =	slt.u32 s8, $0xFFFFF086  }
0x1c: {  	p1 =	slt.u32 s9, $0xF7A;
	s5 =	simm.s32 @!p2 $0x0  }
0x1d: {  	s5 =	simm.s32 @p1 $0x1;
	p0 =	seq.s32 s7, s2  }
0x1e: {  	s7 =	smul.u32 @!p0 $0xF7A, s2;
	p2 =	seq.s32 @!p0 s5, $0x0  }
0x1f: {  	s9 =	smul.u32 $0xF7A, s1;
	s8 =	simm.s32 @!p0 $0x1BF5;
	p2 =	por !p2, p0  }
0x20: {  	[sflag:s8] =	ssyncset.s32 @!p0 $0xFFFFF086;
	s6 =	sadd.s32 @!p0 s3, s7;
	s7 =	simm.s32 @!p0 $0x108  }
0x21: {  	s3 =	sadd.s32 s3, s9;
	s6 =	sadd.s32 @!p0 $0x88, s6;
	s7 =	simm.s32 @p2 $0x1082  }
0x22: {  	[simem:s7], [sflag:s8] =	dma.local @!p0 [hbm:s6], $0xF7A  }
0x23: {  	s9 =	sor.u32 $0xD0000000, s2;
	s6 =	simm.s32 $0x108;
	_ =	swait.ge @!p0 [sflag:s8], $0x0  }
0x24: {  	s3 =	sadd.s32 $0x88, s3;
	s6 =	simm.s32 @!p1 $0x1082;
	[sflag:s4] =	ssyncset.s32 $0xFFFFF086  }
0x25: {  	[simem:s6], [sflag:s4] =	dma.local [hbm:s3], $0xF7A  }
0x26: {  	[smem:$0x3F94] =	sst s1;
	(tag) =	ssettag s2;
	_ =	strace s9  }
0x27: {  	s1 =	sld [smem:$0x3FA4]  }
0x28: {  	s2 =	sld [smem:$0x3FA5]  }
0x29: {  	s4 =	sld [smem:$0x3FA7]  }
0x2a: {  	p0 =	seq.s32 s5, $0x0;
	s5 =	sld [smem:$0x3FA8]  }
0x2b: {  	s6 =	sld [smem:$0x3FA9]  }
0x2c: {  	s7 =	sld [smem:$0x3FAA]  }
0x2d: {  	s3 =	simm.s32 $0x108;
	s8 =	sld [smem:$0x3FAB]  }
0x2e: {  	s3 =	simm.s32 @!p0 $0x1082;
	s9 =	sld [smem:$0x3FAC]  }
0x2f: {  	lr =	sadd.s32 s0, s3;
	s0 =	sld [smem:$0x3FA3]  }
0x30: {  	s3 =	sld [smem:$0x3FA6]  }
0x31: {  	[smem:$0x3FAF] =	sst s10  }
0x32: {  	s10 =	sld [smem:$0x3FAD];
	_ =	sdelay $0x3  }
0x33: {  	p0 =	seq.s32 s10, $0x1;
	s10 =	sld [smem:$0x3FAF];
	_ =	sdelay $0x3  }
0x34: {  	[smem:$0x3FAF] =	sst s10  }
0x35: {  	s10 =	sld [smem:$0x3FAE];
	_ =	sdelay $0x3  }
0x36: {  	p1 =	seq.s32 s10, $0x1;
	s10 =	sld [smem:$0x3FAF];
	_ =	sdelay $0x3  }
0x37: {  	[smem:$0x3FAF] =	sst s10  }
0x38: {  	s10 =	sld [smem:$0x3FB0]  }
0x39: {  	_ = 	snop;
	(pc) =	sbr.ind lr, $3  }
0x3a: {  	_ = 	snop  }
0x3b: {  	_ = 	snop  }
0x3c: {  	p2 =	seq.s32 s10, $0x1;
	s10 =	sld [smem:$0x3FAF]  }
0x3d: {  	_ =	shalt  }
0x3e: {  	_ =	shalt  }
0x3f: {  	_ =	shalt  }
0x40: {  	_ =	shalt  }
0x41: {  	_ =	shalt  }
0x42: {  	_ =	shalt  }
0x43: {  	_ =	shalt  }
0x44: {  	_ =	shalt  }
0x45: {  	_ =	shalt  }
0x46: {  	_ =	shalt  }
0x47: {  	_ =	shalt  }
0x48: {  	_ =	shalt  }
0x49: {  	_ =	shalt  }
0x4a: {  	_ =	shalt  }
0x4b: {  	_ =	shalt  }
0x4c: {  	_ =	shalt  }
0x4d: {  	_ =	shalt  }
0x4e: {  	_ =	shalt  }
0x4f: {  	_ =	shalt  }
0x50: {  	_ =	shalt  }
0x51: {  	_ =	shalt  }
0x52: {  	_ =	shalt  }
0x53: {  	_ =	shalt  }
0x54: {  	_ =	shalt  }
0x55: {  	_ =	shalt  }
0x56: {  	_ =	shalt  }
0x57: {  	_ =	shalt  }
0x58: {  	_ =	shalt  }
0x59: {  	_ =	shalt  }
0x5a: {  	_ =	shalt  }
0x5b: {  	_ =	shalt  }
0x5c: {  	_ =	shalt  }
0x5d: {  	_ =	shalt  }
0x5e: {  	_ =	shalt  }
0x5f: {  	_ =	shalt  }
0x60: {  	_ =	shalt  }
0x61: {  	_ =	shalt  }
0x62: {  	_ =	shalt  }
0x63: {  	_ =	shalt  }
0x64: {  	_ =	shalt  }
0x65: {  	_ =	shalt  }
0x66: {  	_ =	shalt  }
0x67: {  	_ =	shalt  }
0x68: {  	_ =	shalt  }
0x69: {  	_ =	shalt  }
0x6a: {  	_ =	shalt  }
0x6b: {  	_ =	shalt  }
0x6c: {  	_ =	shalt  }
0x6d: {  	_ =	shalt  }
0x6e: {  	_ =	shalt  }
0x6f: {  	_ =	shalt  }
0x70: {  	_ =	shalt  }
0x71: {  	_ =	shalt  }
0x72: {  	_ =	shalt  }
0x73: {  	_ =	shalt  }
0x74: {  	_ =	shalt  }
0x75: {  	_ =	shalt  }
0x76: {  	_ =	shalt  }
0x77: {  	_ =	shalt  }
0x78: {  	_ =	shalt  }
0x79: {  	_ =	shalt  }
0x7a: {  	_ =	shalt  }
0x7b: {  	_ =	shalt  }
0x7c: {  	_ =	shalt  }
0x7d: {  	_ =	shalt  }
0x7e: {  	_ =	shalt  }
0x7f: {  	_ =	shalt  }
0x80: {  	_ =	shalt  }
0x81: {  	_ =	shalt  }
0x82: {  	_ =	shalt  }
0x83: {  	_ =	shalt  }
0x84: {  	_ =	shalt  }
0x85: {  	_ =	shalt  }
0x86: {  	_ =	shalt  }
0x87: {  	_ =	shalt  }
.Lfunc_end0:
.L_simem_size_0:
called_computation_lowered:
.L_overlay_start_0:
0x88: {  	s2 =	sld [smem:$0x3FD9]  }
0x89: {  	s3 =	sld [smem:$0x3FFE];
	_ =	sdelay $0x1  }
0x8a: {  	s1 =	srdreg.scid  }
0x8b: {  	s0 =	sand.u32 $0x1, s1  }
0x8c: {  	s16 =	sshll.u32 s0, $0xA;
	s2 =	sadd.s32 s3, s2  }
0x8d: {  	s2 =	sadd.s32 s2, s16  }
0x8e: {  	[smem:$0x3FBB] =	sst s2  }
0x8f: {  	_ = 	snop  }
0x90: {  	(tm) =	ssettm $0x1  }
0x91: {  	s17 =	sld [smem:$0x3FFB];
	_ =	sdelay $0x3  }
0x92: {  	_ =	strace s17  }
0x93: {  	s2 =	sld [smem:$0x3FFC];
	_ =	sdelay $0x3  }
0x94: {  	_ =	strace s2  }
0x95: {  	s2 =	sld [smem:$0x3FFD];
	_ =	sdelay $0x3  }
0x96: {  	_ =	strace s2  }
0x97: {  	_ =	strace $0x8FFFFFFF  }
0x98: {  	s18 =	sld [smem:$0x3FDB];
	_ =	sdelay $0x1  }
0x99: {  	s19 =	simm.s32 $_scs_section_size  }
0x9a: {  	s4 =	simm.s32 $_size__tile_overlayer_lowered;
	s5 =	simm.s32 $_tile_overlayer_lowered  }
0x9b: {  	s22 =	simm.s32 $0x1BFF;
	s21 =	sshll.u32 s5, $0x1;
	s2 =	sadd.s32 s19, s18  }
0x9c: {  	s6 =	simm.s32 $0x0;
	s20 =	sshll.u32 s4, $0x1;
	s4 =	sadd.s32 s21, s2  }
0x9d: {  	[timem:s6], [sflag:s22] =	dma.local [hbm:s4], s20  }
0x9e: {  	_ =	swait.ge [sflag:s22], s20  }
0x9f: {  	s3 =	ssub.s32 $0x0, s20;
	[sflag:s22] =	ssyncset.done $0x0  }
0xa0: {  	[sflag:s22] =	ssyncadd.s32 s3;
	_ =	sdelay $0x1  }
0xa1: {  	s23 =	simm.s32 $0x1B8B  }
0xa2: {  	_ =	swait.ge [sflag:s23], $0x1  }
0xa3: {  	[sflag:s23] =	ssyncset.done $0x0  }
0xa4: {  	s25 =	simm.s32 $0x1B8E;
	s24 =	sld [smem:$0x3FFE];
	[sflag:s23] =	ssyncadd.s32 $0xFFFFFFFF  }
0xa5: {  	s26 =	simm.s32 $execute0_lowered;
	[smem:$0x3FD2] =	sst s25  }
0xa6: {  	s4 =	sshll.u32 s26, $0x1;
	_ =	strace $0x80000046;
	[dreg:$0x1] =	wrdreg $0xFFFFFFFF  }
0xa7: {  	s28 =	simm.s32 $_size_execute0_lowered;
	s2 =	sadd.s32 s2, s4;
	[dreg:$0x0] =	wrdreg $0x0  }
0xa8: {  	s4 =	sshll.u32 s28, $0x1;
	[dreg:$0x2] =	wrdreg s2  }
0xa9: {  	[dreg:$0x3] =	wrdreg s4  }
0xaa: {  	[dreg:$0x4] =	wrdreg $0xC0  }
0xab: {  	_ =	task [dreg:s6], $0x5FFFF  }
0xac: {  	[dreg:$0x1] =	wrdreg $0xFFFFFFFF  }
0xad: {  	[dreg:$0x0] =	wrdreg $0x60  }
0xae: {  	[dreg:$0x2] =	wrdreg s24  }
0xaf: {  	[dreg:$0x3] =	wrdreg $0x9  }
0xb0: {  	_ =	task.clear_ibuf [dreg:s6], $0x4FFFF;
	_ =	strace $0x90000046  }
0xb1: {  	s29 =	simm.s32 $0x9;
	_ =	strace $0x80000048  }
0xb2: {  	_ =	swait.ge [sflag:s29], $0x1  }
0xb3: {  	[sflag:s29] =	ssyncadd.s32 $0xFFFFFFFF  }
0xb4: {  	_ =	strace $0x90000048  }
0xb5: {  	_ =	sfence  }
0xb6: {  	s30 =	sld [smem:$0x0];
	_ =	sdelay $0x2  }
0xb7: {  	s31 =	sshll.u32 s1, $0xD;
	s1 =	sshrl.u32 s1, $0x2  }
0xb8: {  	s3 =	sand.u32 $0x4000, s31;
	s1 =	sadd.s32 s1, s30  }
0xb9: {  	s0 =	sor.u32 s3, s0;
	s1 =	sshll.u32 s1, $0x11  }
0xba: {  	s0 =	sor.u32 s1, s0  }
0xbb: {  	s0 =	sadd.s32 $0x8F2B, s0  }
0xbc: {  	[sflag:s0] =	ssyncadd.remote.s32 $0x1  }
0xbd: {  	_ =	sfence.sel $0xFFFF  }
0xbe: {  	[dreg:$0x0] =	wrdreg $0xFFFFFFFF;
	(pc) =	sbr.abs _section_cstart, $3  }
0xbf: {  	[dreg:$0x1] =	wrdreg $0xFFFFFFFF  }
0xc0: {  	_ =	task.clear_ibuf [dreg:s6], $0x2FFFF;
	_ =	strace $0x9FFFFFFF  }
0xc1: {  	(tm) =	ssettm $0x7FFFFFFF  }
tec
execute0_lowered:
.L_overlay_start_1:
0x0: {  	(tag) =	ssettag $0x1  }
0x1: {  	s0 =	srdreg.scid  }
0x2: {  	s5 =	rddreg [dreg:$0x0];
	s3 =	sand.u32 $0x1, s0  }
0x3: {  	s2 =	simm.s32 $0x0;
	s0 =	stileid.u32;
	s1 =	sshll.u32 s3, $0x4  }
0x4: {  	s8 =	simm.s32 $0x80;
	s9 =	simm.s32 $0x400;
	s4 =	sor.u32 s0, s1  }
0x5: {  	s10 =	simm.s32 $0x0;
	[smem:$0x7FF] =	sst s2;
	s1 =	sshrl.u32 s4, $0x3  }
0x6: {  	s7 =	sshll.u32 s0, $0x7;
	s3 =	ssub.s32 $0x2, s3;
	s6 =	smul.u32 $0x13C00, s1  }
0x7: {  	s7 =	sand.u32 $0x380, s7;
	s31 =	sshrl.u32 s3, $0x1;
	s4 =	smul.u32 $0x4E2, s4  }
0x8: {  	s1 =	rddreg [dreg:$0x1];
	_ =	strace $0x80000047;
	s6 =	sor.u32 s7, s6  }
0x9: {  	s4 =	sadd.s32 s4, s5;
	s7 =	simm.s32 $0x2780;
	s6 =	sshrl.u32 s6, $0x3  }
0xa: {  	s5 =	sadd.s32 s6, s5;
	s6 =	ssub.s32 s3, s31;
	s3 =	sadd.s32 $0x2200, s4  }
0xb: {  	v0 =	vimm.f32 $0.0e+00;
	v1 =	vimm.f32 $1.000000000e+00;
	s4 =	sadd.s32 $0x15E00, s5;
	s5 =	smax.u32 s6, $0x1;
	s6 =	simm.s32 $0x1  }
.LBB2_1:
0xc: {  	s11 =	simm.s32 $0x40;
	s12 =	simm.s32 $0x0  }
.LBB2_2:
0xd: {  	p0 =	sne.s32 s11, $0x9C00;
	[tilespmem:s12+$0x2780] =	vst v0;
	s12 =	smov.u32 s11;
	s11 =	sadd.s32 $0x40, s11  }
.Ltmp0:
0xe: {  	(pc) =	sbr.rel @p0 .LBB2_2-.Ltmp0, $2  }
0xf: {  	_ =	sdelay $0x2  }
0x10: {  	s12 =	sshra.s32 s12, $0x2  }
0x11: {  	[tilespmem:s12+$0x2780] =	vst v0  }
0x12: {  	[tilespmem:s2], [sflag:$0x1] =	stream.linear.gather [hbm4b:s3+s2], $0x2710, $0x38;
	[tilespmem:$0x4F00] =	vst v63  }
0x13: {  	_ =	swait.ge [sflag:s6], $0x2710  }
0x14: {  	[sflag:s6] =	ssyncset.done $0x0  }
0x15: {  	s11 =	simm.s32 $0x20;
	[sflag:s6] =	ssyncadd.s32 $0xFFFFD8F0  }
0x16: {  	v5 =	vld [tilespmem:s11+$0x10];
	_ =	sdelay $0x4  }
0x17: {  	v4 =	vld [tilespmem:s11+$0xFFFFFFE0]  }
0x18: {  	v2 =	vld [tilespmem:s11+$0xFFFFFFF0]  }
0x19: {  	v3 =	vld [tilespmem:s11+$0x0]  }
0x1a: {  	s12 =	simm.s32 $0x60;
	s11 =	simm.s32 $0x0;
	[tilespmem:v5+s7+$0x0] =	vst.idx.add.f32.msk $0xffff, v1  }
.LBB2_4:
0x1b: {  	v5 =	vld [tilespmem:s12+$0x10];
	s11 =	sadd.s32 $0x4, s11  }
0x1c: {  	v6 =	vld [tilespmem:s12+$0xFFFFFFF0];
	p0 =	slt.u32 s11, $0x26C  }
0x1d: {  	v7 =	vld [tilespmem:s12+$0x0]  }
0x1e: {  	v8 =	vld [tilespmem:s12+$0xFFFFFFE0]  }
.Ltmp1:
0x1f: {  	[tilespmem:v4+s7+$0x0] =	vst.idx.add.f32.msk $0xffff, v1;
	(pc) =	sbr.rel @p0 .LBB2_4-.Ltmp1, $4  }
0x20: {  	[tilespmem:v2+s7+$0x0] =	vst.idx.add.f32.msk $0xffff, v1  }
0x21: {  	[tilespmem:v3+s7+$0x0] =	vst.idx.add.f32.msk $0xffff, v1;
	v2 =	vmov v6  }
0x22: {  	v3 =	vmov v7  }
0x23: {  	s12 =	sadd.s32 $0x40, s12;
	[tilespmem:v5+s7+$0x0] =	vst.idx.add.f32.msk $0xffff, v1;
	v4 =	vmov v8  }
0x24: {  	_ =	sdelay $0x3  }
0x25: {  	[tilespmem:v4+s7+$0x0] =	vst.idx.add.f32.msk $0xffff, v1  }
0x26: {  	[tilespmem:v2+s7+$0x0] =	vst.idx.add.f32.msk $0xffff, v1  }
0x27: {  	[tilespmem:v3+s7+$0x0] =	vst.idx.add.f32.msk $0xffff, v1  }
0x28: {  	v2 =	vld [tilespmem:$0x2700];
	_ =	sdelay $0x5  }
0x29: {  	s10 =	sadd.s32 $0x1, s10  }
0x2a: {  	p0 =	sne.s32 s10, s5  }
.Ltmp2:
0x2b: {  	[tilespmem:v2+s7+$0x0] =	vst.idx.add.f32.msk $0xffff, v1;
	(pc) =	sbr.rel @p0 .LBB2_1-.Ltmp2, $4  }
0x2c: {  	[hbm4b:s4+s8] =	stream.strided.scatter [tilespmem:s7], [sflag:$0x1], $0x2780, s9, s8, $0x38;
	[tilespmem:$0x4F00] =	vst v63  }
0x2d: {  	_ =	swait.ge [sflag:s6], $0x2780  }
0x2e: {  	[sflag:s6] =	ssyncset.done $0x0  }
0x2f: {  	[sflag:s6] =	ssyncadd.s32 $0xFFFFD880  }
0x30: {  	_ =	sfence.sel $0x180000  }
0x31: {  	[bflag:$0x0] =	sbarrier.arrive $0xFFFF  }
0x32: {  	p0 =	sne.s32 s0, $0x0;
	_ =	strace $0x90000047  }
0x33: {  	s0 =	sadd.s32 @!p0 $0x100000, s1;
	[bflag:$0x2] =	sbarrier.arrive $0xFFFF  }
0x34: {  	[sflag:s0] =	ssyncadd.tile.s32 @!p0 $0x1;
	_ =	shalt  }
.Lfunc_end2:
_tile_overlayer_lowered:
.L_overlay_start_2:
0x35: {  	(tag) =	ssettag $0x2  }
0x36: {  	s0 =	rddreg [dreg:$0x0];
	s2 =	stileid.u32  }
0x37: {  	s1 =	rddreg [dreg:$0x1];
	p0 =	sne.s32 s2, $0x0  }
0x38: {  	s3 =	rddreg [dreg:$0x2];
	[bflag:$0x3] =	sbarrier.arrive $0xFFFF;
	s2 =	simm.s32 @!p0 $0x1C01  }
0x39: {  	[timem:s3], [sflag:s2] =	dma.local @!p0 [hbm:s0], s1  }
0x3a: {  	s0 =	simm.s32 @!p0 $0x1  }
0x3b: {  	_ =	swait.ge @!p0 [sflag:s0], s1  }
0x3c: {  	s1 =	ssub.s32 @!p0 $0x0, s1;
	[sflag:s0] =	ssyncset.done @!p0 $0x0  }
0x3d: {  	[sflag:s0] =	ssyncadd.s32 @!p0 s1  }
0x3e: {  	[bflag:$0x3] =	sbarrier.arrive $0xFFFF  }
0x3f: {  	_ =	shalt  }

</sc_bundles>
